<compile_context>
chip_gen: v7x
topology: tpu7x:2x2x1
jax: 0.10.2.dev20260603
libtpu: 0.0.44.dev20260713+nightly
codegen_flags: <defaults>
</compile_context>

<pallas_src>
import jax
import jax.numpy as jnp
from jax import lax
from jax.experimental import pallas as pl
from jax.experimental.pallas import tpu as pltpu
from jax.experimental.pallas import tpu_sc as plsc

_NV = 100000
_ED = 64
_N_CONT = 4
_NSLOT = 13
_B, _L, _C = 4096, 50, 17
_OUT_D = _N_CONT + _NSLOT * _ED

_NC, _NS = 2, 16
_NW = _NC * _NS
_B_PER_W = _B // _NW
_GB = 4
_XG = _GB * _L * _C
_NGRP = _B_PER_W // _GB
_WPB = 3
_WG = _WPB * _GB
_NWAVE = _B_PER_W * _WPB
_W2 = 18
_G16 = _NSLOT * 16
_G18 = 240
_IHALF = 320
_DEPTH = 3


def _emb_body(x_hbm, emb_hbm, out_hbm, x_v, idx_v, rows_v, buf_v,
              xsem0, xsem1, gsem0, gsem1, gsem2, osem):
    wid = lax.axis_index("s") * _NC + lax.axis_index("c")
    lane = lax.iota(jnp.int32, 16)
    lane17 = lane * 17
    head = lane < _N_CONT
    zeros16 = jnp.zeros((16,), jnp.int32)
    gsems = (gsem0, gsem1, gsem2)

    def extract(m):
        bb = (m // _WPB) % _GB
        w = m % _WPB
        xbase = ((m // _WG) % 2) * _XG
        base0 = xbase + 850 * bb + 4
        ibase = (m % _DEPTH) * _IHALF

        def ext16(_):
            for j in range(_NSLOT):
                pos = lane17 + (base0 + 17 * (16 * w) + j)
                g = plsc.load_gather(x_v, [pos])
                ids = jnp.maximum(g.astype(jnp.int32), 0)
                idx_v[pl.ds(ibase + 16 * j, 16)] = ids
            return 0

        def ext18(_):
            for j in range(_NSLOT):
                pos = lane17 + (base0 + 17 * 32 + j)
                g = plsc.load_gather(x_v, [pos])
                ids = jnp.maximum(g.astype(jnp.int32), 0)
                plsc.store_scatter(idx_v, [ibase + 18 * j + lane], ids)
                post = jnp.minimum(lane17 + (base0 + 17 * 48 + j),
                                   xbase + _XG - 1)
                g2 = plsc.load_gather(x_v, [post])
                ids2 = jnp.maximum(g2.astype(jnp.int32), 0)
                plsc.store_scatter(idx_v, [ibase + 18 * j + 16 + lane], ids2,
                                   mask=lane < 2)
            plsc.store_scatter(idx_v, [ibase + 234 + lane], zeros16,
                               mask=lane < 6)
            return 0

        lax.cond(w == 2, ext18, ext16, 0)

    def gather_copy(m, fire):
        ibase = (m % _DEPTH) * _IHALF
        rbase = pl.multiple_of((m % _DEPTH) * 240, 8)
        for par in range(_DEPTH):
            gs = gsems[par]

            @pl.when(jnp.logical_and(m % _DEPTH == par, m % _WPB != 2))
            def _():
                src = emb_hbm.at[idx_v.at[pl.ds(ibase, _G16)]]
                dst = rows_v.at[pl.ds(rbase, _G16)]
                if fire:
                    pltpu.async_copy(src, dst, gs)
                else:
                    pltpu.make_async_copy(src, dst, gs).wait()

            @pl.when(jnp.logical_and(m % _DEPTH == par, m % _WPB == 2))
            def _():
                src = emb_hbm.at[idx_v.at[pl.ds(ibase, _G18)]]
                dst = rows_v.at[pl.ds(rbase, _G18)]
                if fire:
                    pltpu.async_copy(src, dst, gs)
                else:
                    pltpu.make_async_copy(src, dst, gs).wait()

    def out_copy(kk, drain):
        b2 = wid * _B_PER_W + kk // _WPB

        @pl.when(kk % _WPB != 2)
        def _():
            src = buf_v.at[pl.ds(0, 16)]
            dst = out_hbm.at[b2, pl.ds(16 * (kk % _WPB), 16)]
            if drain:
                pltpu.make_async_copy(src, dst, osem).wait()
            else:
                pltpu.async_copy(src, dst, osem)

        @pl.when(kk % _WPB == 2)
        def _():
            dst = out_hbm.at[b2, pl.ds(32, _W2)]
            if drain:
                pltpu.make_async_copy(buf_v, dst, osem).wait()
            else:
                pltpu.async_copy(buf_v, dst, osem)

    def wave_body(k, carry):
        @pl.when(jnp.logical_and(k % _WG == 0, k // _WG + 1 < _NGRP))
        def _():
            g = k // _WG + 1
            src = x_hbm.at[pl.ds(pl.multiple_of((wid * _NGRP + g) * _XG, 8),
                                 _XG)]
            dst = x_v.at[pl.ds(pl.multiple_of((g % 2) * _XG, 8), _XG)]

            @pl.when(g % 2 == 0)
            def _():
                pltpu.async_copy(src, dst, xsem0)

            @pl.when(g % 2 == 1)
            def _():
                pltpu.async_copy(src, dst, xsem1)

        m2 = k + 2

        @pl.when(m2 < _NWAVE)
        def _():
            @pl.when(m2 % _WG == 0)
            def _():
                g = m2 // _WG
                src = x_hbm.at[pl.ds(pl.multiple_of((wid * _NGRP + g) * _XG,
                                                    8), _XG)]
                dst = x_v.at[pl.ds(pl.multiple_of((g % 2) * _XG, 8), _XG)]

                @pl.when(g % 2 == 0)
                def _():
                    pltpu.make_async_copy(src, dst, xsem0).wait()

                @pl.when(g % 2 == 1)
                def _():
                    pltpu.make_async_copy(src, dst, xsem1).wait()

            extract(m2)
            gather_copy(m2, True)

        gather_copy(k, False)

        @pl.when(k >= 1)
        def _():
            out_copy(k - 1, True)

        w = k % _WPB
        r0 = 16 * w
        bb = (k // _WPB) % _GB
        xbase = ((k // _WG) % 2) * _XG
        cbase = xbase + 850 * bb
        krbase = pl.multiple_of((k % _DEPTH) * 240, 8)
        tail_col = lane + (16 * 52)

        def make_asm(stride_c, sz_c):
            def asm(_):
                def row_body(rl, c2):
                    r = r0 + rl
                    cont = plsc.load_gather(x_v, [lane + (cbase + 17 * r)])
                    prev = cont
                    rowrow = jnp.full((16,), rl, jnp.int32)
                    for t in range(52):
                        j, kk4 = t // 4, t % 4
                        srow = krbase + rl + stride_c * j
                        ps = rows_v[srow, pl.ds(16 * kk4, 16)]
                        buf_v[rl, pl.ds(16 * t, 16)] = jnp.where(
                            head, prev, ps)
                        prev = ps
                    plsc.store_scatter(buf_v, [rowrow, tail_col],
                                       prev, mask=head)
                    return c2

                lax.fori_loop(0, sz_c, row_body, 0)
                return 0
            return asm

        lax.cond(w == 2, make_asm(18, _W2), make_asm(16, 16), 0)

        out_copy(k, False)
        return carry

    src0 = x_hbm.at[pl.ds(pl.multiple_of(wid * _NGRP * _XG, 8), _XG)]
    pltpu.sync_copy(src0, x_v.at[pl.ds(0, _XG)])
    extract(0)
    pltpu.async_copy(emb_hbm.at[idx_v.at[pl.ds(0, _G16)]],
                     rows_v.at[pl.ds(0, _G16)], gsem0)
    extract(1)
    pltpu.async_copy(emb_hbm.at[idx_v.at[pl.ds(_IHALF, _G16)]],
                     rows_v.at[pl.ds(240, _G16)], gsem1)

    lax.fori_loop(0, _NWAVE, wave_body, 0)

    b_last = wid * _B_PER_W + (_NWAVE - 1) // _WPB
    pltpu.make_async_copy(buf_v, out_hbm.at[b_last, pl.ds(32, _W2)],
                          osem).wait()


@jax.jit
def kernel(x, emb):
    x1 = x.reshape(-1)
    cols = jnp.arange(_ED)
    src_col = (cols // 16) * 16 + ((cols % 16) + 12) % 16
    emb128 = jnp.pad(emb[:, src_col], ((0, 0), (0, 128 - _ED)))

    mesh = plsc.VectorSubcoreMesh(core_axis_name="c", subcore_axis_name="s")
    out = pl.kernel(
        _emb_body,
        mesh=mesh,
        compiler_params=pltpu.CompilerParams(needs_layout_passes=False),
        out_type=jax.ShapeDtypeStruct((_B, _L, _OUT_D), jnp.float32),
        scratch_types=[
            pltpu.VMEM((2 * _XG,), jnp.float32),
            pltpu.VMEM((_DEPTH * _IHALF,), jnp.int32),
            pltpu.VMEM((_DEPTH * 240, 128), jnp.float32),
            pltpu.VMEM((_W2, _OUT_D), jnp.float32),
            pltpu.SemaphoreType.DMA,
            pltpu.SemaphoreType.DMA,
            pltpu.SemaphoreType.DMA,
            pltpu.SemaphoreType.DMA,
            pltpu.SemaphoreType.DMA,
            pltpu.SemaphoreType.DMA,
        ],
    )(x1, emb128)
    return out

# --- scband reference (transcript-rebuilt; emitter-appended) ---
"""Pipeline reference for scband-card-embedding-32573031973561 (READ-ONLY COPY).

The authoritative reference and input builder live on the scoring server;
editing this copy changes nothing except your own understanding.
"""

import jax, jax.numpy as jnp
import numpy as np

NV = 100000
ED = 64
N_CONT = 4
CARD_START = 4
CARD_END = 17

def setup_inputs(seed: int = 0) -> dict:
    key = jax.random.key(seed)
    kx, ke = jax.random.split(key)
    # x is float32 but carries integer card ids in columns CARD_START:CARD_END
    x = jax.random.randint(kx, (4096, 50, 17), 0, NV).astype(jnp.float32)
    emb = jax.random.normal(ke, (NV, ED), dtype=jnp.float32) * 0.02
    # padding_idx=0: row 0 of the embedding table is zero
    emb = emb.at[0].set(0.0)
    return {"x": x, "emb": emb}

def reference(x, emb):
    cont = x[..., :N_CONT]
    ids = jnp.clip(x[..., CARD_START:CARD_END].astype(jnp.int32), 0, None)
    e = jnp.take(emb, ids, axis=0)  # [B, L, 13, ED]
    e = e.reshape(ids.shape[:-1] + (-1,))  # [B, L, 13*ED]
    return jnp.concatenate([cont, e], axis=-1)

if __name__ == "__main__":
    import jax
    _d = setup_inputs()
    print(jax.jit(kernel)(*tuple(_d.values())))

</pallas_src>

<mosaic_0001>
#map = affine_map<(d0, d1) -> (0)>
#map1 = affine_map<(d0, d1) -> (0, 0)>
#map2 = affine_map<(d0, d1) -> (0, 0, 0)>
module attributes {stable_mosaic.version = 14 : i64} {
  func.func @_emb_body(%arg0: i32, %arg1: i32, %arg2: memref<3481600xf32, #tpu.memory_space<hbm>>, %arg3: memref<100000x128xf32, #tpu.memory_space<hbm>>, %arg4: memref<4096x50x836xf32, #tpu.memory_space<hbm>>, %arg5: memref<6800xf32, #tpu.memory_space<vmem>>, %arg6: memref<960xi32, #tpu.memory_space<vmem>>, %arg7: memref<720x128xf32, #tpu.memory_space<vmem>>, %arg8: memref<18x836xf32, #tpu.memory_space<vmem>>, %arg9: memref<!tpu.dma_semaphore, #tpu.memory_space<semaphore_mem>>, %arg10: memref<!tpu.dma_semaphore, #tpu.memory_space<semaphore_mem>>, %arg11: memref<!tpu.dma_semaphore, #tpu.memory_space<semaphore_mem>>, %arg12: memref<!tpu.dma_semaphore, #tpu.memory_space<semaphore_mem>>, %arg13: memref<!tpu.dma_semaphore, #tpu.memory_space<semaphore_mem>>, %arg14: memref<!tpu.dma_semaphore, #tpu.memory_space<semaphore_mem>>) attributes {dimension_semantics = [#tpu.dimension_semantics<core_parallel>, #tpu.dimension_semantics<subcore_parallel>], iteration_bounds = array<i64: 2, 16>, scalar_prefetch = 0 : i64, scratch_operands = 10 : i64, tpu.core_type = #tpu.core_type<sc_vector_subcore>, window_params = [{transform_indices = #map}, {transform_indices = #map1}, {transform_indices = #map2}]} {
    %mul3A = arith.constant 2 : i32
    %mul3A_0 = arith.muli %arg1, %mul3A : i32
    %add3A = arith.addi %mul3A_0, %arg0 : i32
    %iota3A = tpu.iota {dimensions = array<i32: 0>} : vector<16xi32>
    %mul3A_1 = arith.constant 17 : i32
    %mul3A_2 = vector.broadcast %mul3A_1 : i32 to vector<16xi32>
    %mul3A_3 = arith.muli %iota3A, %mul3A_2 : vector<16xi32>
    %lt3A = arith.constant 4 : i32
    %lt3A_4 = vector.broadcast %lt3A : i32 to vector<16xi32>
    %lt3A_5 = arith.cmpi slt, %iota3A, %lt3A_4 : vector<16xi32>
    %broadcast_in_dim3A = arith.constant 0 : i32
    %broadcast_in_dim3A_6 = vector.broadcast %broadcast_in_dim3A : i32 to vector<16xi32>
    %mul3A_7 = arith.constant 32 : i32
    %mul3A_8 = arith.muli %add3A, %mul3A_7 : i32
    %mul3A_9 = arith.constant 3400 : i32
    %mul3A_10 = arith.muli %mul3A_8, %mul3A_9 : i32
    %multiple_of3A = tpu.assume_multiple %mul3A_10, 8 : i32
    "tpu.region"() ({
      %run_scoped3A = tpu.sem_alloc : memref<!tpu.dma_semaphore, #tpu.memory_space<semaphore_mem>>
      %dma_start3A_303 = arith.constant 0 : i32
      %dma_start3A_304 = tpu.memref_slice %arg5[%dma_start3A_303] : memref<6800xf32, #tpu.memory_space<vmem>> -> memref<3400xf32, #tpu.memory_space<vmem>>
      %dma_start3A_305 = tpu.memref_slice %arg2[%multiple_of3A] : memref<3481600xf32, #tpu.memory_space<hbm>> -> memref<3400xf32, #tpu.memory_space<hbm>>
      %dma_start3A_306 = arith.constant 0 : i32
      %dma_start3A_307 = tpu.memref_slice %arg5[%dma_start3A_306] : memref<6800xf32, #tpu.memory_space<vmem>> -> memref<3400xf32, #tpu.memory_space<vmem>>
      %dma_start3A_308 = tpu.memref_slice %arg2[%multiple_of3A] : memref<3481600xf32, #tpu.memory_space<hbm>> -> memref<3400xf32, #tpu.memory_space<hbm>>
      tpu.enqueue_dma source(%dma_start3A_308 : memref<3400xf32, #tpu.memory_space<hbm>>) target(%dma_start3A_307 : memref<3400xf32, #tpu.memory_space<vmem>>) target_semaphore(%run_scoped3A : memref<!tpu.dma_semaphore, #tpu.memory_space<semaphore_mem>>)
      %dma_wait3A_309 = arith.constant 0 : i32
      %dma_wait3A_310 = tpu.memref_slice %arg5[%dma_wait3A_309] : memref<6800xf32, #tpu.memory_space<vmem>> -> memref<3400xf32, #tpu.memory_space<vmem>>
      %dma_wait3A_311 = tpu.memref_slice %arg2[%multiple_of3A] : memref<3481600xf32, #tpu.memory_space<hbm>> -> memref<3400xf32, #tpu.memory_space<hbm>>
      %dma_wait3A_312 = arith.constant 0 : i32
      %dma_wait3A_313 = tpu.memref_slice %arg5[%dma_wait3A_312] : memref<6800xf32, #tpu.memory_space<vmem>> -> memref<3400xf32, #tpu.memory_space<vmem>>
      %dma_wait3A_314 = tpu.memref_slice %arg2[%multiple_of3A] : memref<3481600xf32, #tpu.memory_space<hbm>> -> memref<3400xf32, #tpu.memory_space<hbm>>
      tpu.wait_dma2 semaphore(%run_scoped3A : memref<!tpu.dma_semaphore, #tpu.memory_space<semaphore_mem>>) src(%dma_wait3A_314 : memref<3400xf32, #tpu.memory_space<hbm>>) dst(%dma_wait3A_313 : memref<3400xf32, #tpu.memory_space<vmem>>)
      tpu.yield
    }) : () -> ()
    %cond3A = arith.constant 0 : i32
    %cond3A_11 = arith.constant 0 : i32
    %add3A_12 = arith.constant 4 : i32
    %add3A_13 = vector.broadcast %add3A_12 : i32 to vector<16xi32>
    %add3A_14 = arith.addi %mul3A_3, %add3A_13 : vector<16xi32>
    %gather3A = tpu.vector_load_idx %arg5[%add3A_14] : memref<6800xf32, #tpu.memory_space<vmem>>[vector<16xi32>], vector<16xf32>,
    %convert_element_type3A = arith.fptosi %gather3A : vector<16xf32> to vector<16xi32>
    %max3A = arith.constant 0 : i32
    %max3A_15 = vector.broadcast %max3A : i32 to vector<16xi32>
    %max3A_16 = arith.maxsi %convert_element_type3A, %max3A_15 : vector<16xi32>
    %swap3A = arith.constant 0 : index
    %swap3A_17 = tpu.vector_load %arg6[%swap3A] {strides = array<i32>} : memref<960xi32, #tpu.memory_space<vmem>>, vector<16xi32>,
    tpu.vector_store %arg6[%swap3A], %max3A_16 {strides = array<i32>} : memref<960xi32, #tpu.memory_space<vmem>>, vector<16xi32>,
    %add3A_18 = arith.constant 5 : i32
    %add3A_19 = vector.broadcast %add3A_18 : i32 to vector<16xi32>
    %add3A_20 = arith.addi %mul3A_3, %add3A_19 : vector<16xi32>
    %gather3A_21 = tpu.vector_load_idx %arg5[%add3A_20] : memref<6800xf32, #tpu.memory_space<vmem>>[vector<16xi32>], vector<16xf32>,
    %convert_element_type3A_22 = arith.fptosi %gather3A_21 : vector<16xf32> to vector<16xi32>
    %max3A_23 = arith.constant 0 : i32
    %max3A_24 = vector.broadcast %max3A_23 : i32 to vector<16xi32>
    %max3A_25 = arith.maxsi %convert_element_type3A_22, %max3A_24 : vector<16xi32>
    %swap3A_26 = arith.constant 16 : index
    %swap3A_27 = tpu.vector_load %arg6[%swap3A_26] {strides = array<i32>} : memref<960xi32, #tpu.memory_space<vmem>>, vector<16xi32>,
    tpu.vector_store %arg6[%swap3A_26], %max3A_25 {strides = array<i32>} : memref<960xi32, #tpu.memory_space<vmem>>, vector<16xi32>,
    %add3A_28 = arith.constant 6 : i32
    %add3A_29 = vector.broadcast %add3A_28 : i32 to vector<16xi32>
    %add3A_30 = arith.addi %mul3A_3, %add3A_29 : vector<16xi32>
    %gather3A_31 = tpu.vector_load_idx %arg5[%add3A_30] : memref<6800xf32, #tpu.memory_space<vmem>>[vector<16xi32>], vector<16xf32>,
    %convert_element_type3A_32 = arith.fptosi %gather3A_31 : vector<16xf32> to vector<16xi32>
    %max3A_33 = arith.constant 0 : i32
    %max3A_34 = vector.broadcast %max3A_33 : i32 to vector<16xi32>
    %max3A_35 = arith.maxsi %convert_element_type3A_32, %max3A_34 : vector<16xi32>
    %swap3A_36 = arith.constant 32 : index
    %swap3A_37 = tpu.vector_load %arg6[%swap3A_36] {strides = array<i32>} : memref<960xi32, #tpu.memory_space<vmem>>, vector<16xi32>,
    tpu.vector_store %arg6[%swap3A_36], %max3A_35 {strides = array<i32>} : memref<960xi32, #tpu.memory_space<vmem>>, vector<16xi32>,
    %add3A_38 = arith.constant 7 : i32
    %add3A_39 = vector.broadcast %add3A_38 : i32 to vector<16xi32>
    %add3A_40 = arith.addi %mul3A_3, %add3A_39 : vector<16xi32>
    %gather3A_41 = tpu.vector_load_idx %arg5[%add3A_40] : memref<6800xf32, #tpu.memory_space<vmem>>[vector<16xi32>], vector<16xf32>,
    %convert_element_type3A_42 = arith.fptosi %gather3A_41 : vector<16xf32> to vector<16xi32>
    %max3A_43 = arith.constant 0 : i32
    %max3A_44 = vector.broadcast %max3A_43 : i32 to vector<16xi32>
    %max3A_45 = arith.maxsi %convert_element_type3A_42, %max3A_44 : vector<16xi32>
    %swap3A_46 = arith.constant 48 : index
    %swap3A_47 = tpu.vector_load %arg6[%swap3A_46] {strides = array<i32>} : memref<960xi32, #tpu.memory_space<vmem>>, vector<16xi32>,
    tpu.vector_store %arg6[%swap3A_46], %max3A_45 {strides = array<i32>} : memref<960xi32, #tpu.memory_space<vmem>>, vector<16xi32>,
    %add3A_48 = arith.constant 8 : i32
    %add3A_49 = vector.broadcast %add3A_48 : i32 to vector<16xi32>
    %add3A_50 = arith.addi %mul3A_3, %add3A_49 : vector<16xi32>
    %gather3A_51 = tpu.vector_load_idx %arg5[%add3A_50] : memref<6800xf32, #tpu.memory_space<vmem>>[vector<16xi32>], vector<16xf32>,
    %convert_element_type3A_52 = arith.fptosi %gather3A_51 : vector<16xf32> to vector<16xi32>
    %max3A_53 = arith.constant 0 : i32
    %max3A_54 = vector.broadcast %max3A_53 : i32 to vector<16xi32>
    %max3A_55 = arith.maxsi %convert_element_type3A_52, %max3A_54 : vector<16xi32>
    %swap3A_56 = arith.constant 64 : index
    %swap3A_57 = tpu.vector_load %arg6[%swap3A_56] {strides = array<i32>} : memref<960xi32, #tpu.memory_space<vmem>>, vector<16xi32>,
    tpu.vector_store %arg6[%swap3A_56], %max3A_55 {strides = array<i32>} : memref<960xi32, #tpu.memory_space<vmem>>, vector<16xi32>,
    %add3A_58 = arith.constant 9 : i32
    %add3A_59 = vector.broadcast %add3A_58 : i32 to vector<16xi32>
    %add3A_60 = arith.addi %mul3A_3, %add3A_59 : vector<16xi32>
    %gather3A_61 = tpu.vector_load_idx %arg5[%add3A_60] : memref<6800xf32, #tpu.memory_space<vmem>>[vector<16xi32>], vector<16xf32>,
    %convert_element_type3A_62 = arith.fptosi %gather3A_61 : vector<16xf32> to vector<16xi32>
    %max3A_63 = arith.constant 0 : i32
    %max3A_64 = vector.broadcast %max3A_63 : i32 to vector<16xi32>
    %max3A_65 = arith.maxsi %convert_element_type3A_62, %max3A_64 : vector<16xi32>
    %swap3A_66 = arith.constant 80 : index
    %swap3A_67 = tpu.vector_load %arg6[%swap3A_66] {strides = array<i32>} : memref<960xi32, #tpu.memory_space<vmem>>, vector<16xi32>,
    tpu.vector_store %arg6[%swap3A_66], %max3A_65 {strides = array<i32>} : memref<960xi32, #tpu.memory_space<vmem>>, vector<16xi32>,
    %add3A_68 = arith.constant 10 : i32
    %add3A_69 = vector.broadcast %add3A_68 : i32 to vector<16xi32>
    %add3A_70 = arith.addi %mul3A_3, %add3A_69 : vector<16xi32>
    %gather3A_71 = tpu.vector_load_idx %arg5[%add3A_70] : memref<6800xf32, #tpu.memory_space<vmem>>[vector<16xi32>], vector<16xf32>,
    %convert_element_type3A_72 = arith.fptosi %gather3A_71 : vector<16xf32> to vector<16xi32>
    %max3A_73 = arith.constant 0 : i32
    %max3A_74 = vector.broadcast %max3A_73 : i32 to vector<16xi32>
    %max3A_75 = arith.maxsi %convert_element_type3A_72, %max3A_74 : vector<16xi32>
    %swap3A_76 = arith.constant 96 : index
    %swap3A_77 = tpu.vector_load %arg6[%swap3A_76] {strides = array<i32>} : memref<960xi32, #tpu.memory_space<vmem>>, vector<16xi32>,
    tpu.vector_store %arg6[%swap3A_76], %max3A_75 {strides = array<i32>} : memref<960xi32, #tpu.memory_space<vmem>>, vector<16xi32>,
    %add3A_78 = arith.constant 11 : i32
    %add3A_79 = vector.broadcast %add3A_78 : i32 to vector<16xi32>
    %add3A_80 = arith.addi %mul3A_3, %add3A_79 : vector<16xi32>
    %gather3A_81 = tpu.vector_load_idx %arg5[%add3A_80] : memref<6800xf32, #tpu.memory_space<vmem>>[vector<16xi32>], vector<16xf32>,
    %convert_element_type3A_82 = arith.fptosi %gather3A_81 : vector<16xf32> to vector<16xi32>
    %max3A_83 = arith.constant 0 : i32
    %max3A_84 = vector.broadcast %max3A_83 : i32 to vector<16xi32>
    %max3A_85 = arith.maxsi %convert_element_type3A_82, %max3A_84 : vector<16xi32>
    %swap3A_86 = arith.constant 112 : index
    %swap3A_87 = tpu.vector_load %arg6[%swap3A_86] {strides = array<i32>} : memref<960xi32, #tpu.memory_space<vmem>>, vector<16xi32>,
    tpu.vector_store %arg6[%swap3A_86], %max3A_85 {strides = array<i32>} : memref<960xi32, #tpu.memory_space<vmem>>, vector<16xi32>,
    %add3A_88 = arith.constant 12 : i32
    %add3A_89 = vector.broadcast %add3A_88 : i32 to vector<16xi32>
    %add3A_90 = arith.addi %mul3A_3, %add3A_89 : vector<16xi32>
    %gather3A_91 = tpu.vector_load_idx %arg5[%add3A_90] : memref<6800xf32, #tpu.memory_space<vmem>>[vector<16xi32>], vector<16xf32>,
    %convert_element_type3A_92 = arith.fptosi %gather3A_91 : vector<16xf32> to vector<16xi32>
    %max3A_93 = arith.constant 0 : i32
    %max3A_94 = vector.broadcast %max3A_93 : i32 to vector<16xi32>
    %max3A_95 = arith.maxsi %convert_element_type3A_92, %max3A_94 : vector<16xi32>
    %swap3A_96 = arith.constant 128 : index
    %swap3A_97 = tpu.vector_load %arg6[%swap3A_96] {strides = array<i32>} : memref<960xi32, #tpu.memory_space<vmem>>, vector<16xi32>,
    tpu.vector_store %arg6[%swap3A_96], %max3A_95 {strides = array<i32>} : memref<960xi32, #tpu.memory_space<vmem>>, vector<16xi32>,
    %add3A_98 = arith.constant 13 : i32
    %add3A_99 = vector.broadcast %add3A_98 : i32 to vector<16xi32>
    %add3A_100 = arith.addi %mul3A_3, %add3A_99 : vector<16xi32>
    %gather3A_101 = tpu.vector_load_idx %arg5[%add3A_100] : memref<6800xf32, #tpu.memory_space<vmem>>[vector<16xi32>], vector<16xf32>,
    %convert_element_type3A_102 = arith.fptosi %gather3A_101 : vector<16xf32> to vector<16xi32>
    %max3A_103 = arith.constant 0 : i32
    %max3A_104 = vector.broadcast %max3A_103 : i32 to vector<16xi32>
    %max3A_105 = arith.maxsi %convert_element_type3A_102, %max3A_104 : vector<16xi32>
    %swap3A_106 = arith.constant 144 : index
    %swap3A_107 = tpu.vector_load %arg6[%swap3A_106] {strides = array<i32>} : memref<960xi32, #tpu.memory_space<vmem>>, vector<16xi32>,
    tpu.vector_store %arg6[%swap3A_106], %max3A_105 {strides = array<i32>} : memref<960xi32, #tpu.memory_space<vmem>>, vector<16xi32>,
    %add3A_108 = arith.constant 14 : i32
    %add3A_109 = vector.broadcast %add3A_108 : i32 to vector<16xi32>
    %add3A_110 = arith.addi %mul3A_3, %add3A_109 : vector<16xi32>
    %gather3A_111 = tpu.vector_load_idx %arg5[%add3A_110] : memref<6800xf32, #tpu.memory_space<vmem>>[vector<16xi32>], vector<16xf32>,
    %convert_element_type3A_112 = arith.fptosi %gather3A_111 : vector<16xf32> to vector<16xi32>
    %max3A_113 = arith.constant 0 : i32
    %max3A_114 = vector.broadcast %max3A_113 : i32 to vector<16xi32>
    %max3A_115 = arith.maxsi %convert_element_type3A_112, %max3A_114 : vector<16xi32>
    %swap3A_116 = arith.constant 160 : index
    %swap3A_117 = tpu.vector_load %arg6[%swap3A_116] {strides = array<i32>} : memref<960xi32, #tpu.memory_space<vmem>>, vector<16xi32>,
    tpu.vector_store %arg6[%swap3A_116], %max3A_115 {strides = array<i32>} : memref<960xi32, #tpu.memory_space<vmem>>, vector<16xi32>,
    %add3A_118 = arith.constant 15 : i32
    %add3A_119 = vector.broadcast %add3A_118 : i32 to vector<16xi32>
    %add3A_120 = arith.addi %mul3A_3, %add3A_119 : vector<16xi32>
    %gather3A_121 = tpu.vector_load_idx %arg5[%add3A_120] : memref<6800xf32, #tpu.memory_space<vmem>>[vector<16xi32>], vector<16xf32>,
    %convert_element_type3A_122 = arith.fptosi %gather3A_121 : vector<16xf32> to vector<16xi32>
    %max3A_123 = arith.constant 0 : i32
    %max3A_124 = vector.broadcast %max3A_123 : i32 to vector<16xi32>
    %max3A_125 = arith.maxsi %convert_element_type3A_122, %max3A_124 : vector<16xi32>
    %swap3A_126 = arith.constant 176 : index
    %swap3A_127 = tpu.vector_load %arg6[%swap3A_126] {strides = array<i32>} : memref<960xi32, #tpu.memory_space<vmem>>, vector<16xi32>,
    tpu.vector_store %arg6[%swap3A_126], %max3A_125 {strides = array<i32>} : memref<960xi32, #tpu.memory_space<vmem>>, vector<16xi32>,
    %add3A_128 = arith.constant 16 : i32
    %add3A_129 = vector.broadcast %add3A_128 : i32 to vector<16xi32>
    %add3A_130 = arith.addi %mul3A_3, %add3A_129 : vector<16xi32>
    %gather3A_131 = tpu.vector_load_idx %arg5[%add3A_130] : memref<6800xf32, #tpu.memory_space<vmem>>[vector<16xi32>], vector<16xf32>,
    %convert_element_type3A_132 = arith.fptosi %gather3A_131 : vector<16xf32> to vector<16xi32>
    %max3A_133 = arith.constant 0 : i32
    %max3A_134 = vector.broadcast %max3A_133 : i32 to vector<16xi32>
    %max3A_135 = arith.maxsi %convert_element_type3A_132, %max3A_134 : vector<16xi32>
    %swap3A_136 = arith.constant 192 : index
    %swap3A_137 = tpu.vector_load %arg6[%swap3A_136] {strides = array<i32>} : memref<960xi32, #tpu.memory_space<vmem>>, vector<16xi32>,
    tpu.vector_store %arg6[%swap3A_136], %max3A_135 {strides = array<i32>} : memref<960xi32, #tpu.memory_space<vmem>>, vector<16xi32>,
    %cond3A_138 = arith.constant 0 : i32
    %dma_start3A = arith.constant 0 : i32
    %dma_start3A_139 = arith.constant 0 : i32
    %dma_start3A_140 = tpu.memref_slice %arg7[%dma_start3A, %dma_start3A_139] : memref<720x128xf32, #tpu.memory_space<vmem>> -> memref<208x128xf32, #tpu.memory_space<vmem>>
    %dma_start3A_141 = arith.constant 0 : i32
    %dma_start3A_142 = tpu.memref_slice %arg6[%dma_start3A_141] : memref<960xi32, #tpu.memory_space<vmem>> -> memref<208xi32, #tpu.memory_space<vmem>>
    %dma_start3A_143 = arith.constant 0 : i32
    %dma_start3A_144 = arith.constant 0 : i32
    %dma_start3A_145 = tpu.memref_slice %arg3[%dma_start3A_143, %dma_start3A_144] : memref<100000x128xf32, #tpu.memory_space<hbm>> -> memref<100000x128xf32, #tpu.memory_space<hbm>>
    tpu.enqueue_indirect_dma source(%dma_start3A_145 : memref<100000x128xf32, #tpu.memory_space<hbm>>) target(%dma_start3A_140 : memref<208x128xf32, #tpu.memory_space<vmem>>) offsets(%dma_start3A_142 : memref<208xi32, #tpu.memory_space<vmem>>) semaphore(%arg11 : memref<!tpu.dma_semaphore, #tpu.memory_space<semaphore_mem>>)
    %cond3A_146 = arith.constant 0 : i32
    %cond3A_147 = arith.constant 0 : i32
    %add3A_148 = arith.constant 276 : i32
    %add3A_149 = vector.broadcast %add3A_148 : i32 to vector<16xi32>
    %add3A_150 = arith.addi %mul3A_3, %add3A_149 : vector<16xi32>
    %gather3A_151 = tpu.vector_load_idx %arg5[%add3A_150] : memref<6800xf32, #tpu.memory_space<vmem>>[vector<16xi32>], vector<16xf32>,
    %convert_element_type3A_152 = arith.fptosi %gather3A_151 : vector<16xf32> to vector<16xi32>
    %max3A_153 = arith.constant 0 : i32
    %max3A_154 = vector.broadcast %max3A_153 : i32 to vector<16xi32>
    %max3A_155 = arith.maxsi %convert_element_type3A_152, %max3A_154 : vector<16xi32>
    %swap3A_156 = arith.constant 320 : index
    %swap3A_157 = tpu.vector_load %arg6[%swap3A_156] {strides = array<i32>} : memref<960xi32, #tpu.memory_space<vmem>>, vector<16xi32>,
    tpu.vector_store %arg6[%swap3A_156], %max3A_155 {strides = array<i32>} : memref<960xi32, #tpu.memory_space<vmem>>, vector<16xi32>,
    %add3A_158 = arith.constant 277 : i32
    %add3A_159 = vector.broadcast %add3A_158 : i32 to vector<16xi32>
    %add3A_160 = arith.addi %mul3A_3, %add3A_159 : vector<16xi32>
    %gather3A_161 = tpu.vector_load_idx %arg5[%add3A_160] : memref<6800xf32, #tpu.memory_space<vmem>>[vector<16xi32>], vector<16xf32>,
    %convert_element_type3A_162 = arith.fptosi %gather3A_161 : vector<16xf32> to vector<16xi32>
    %max3A_163 = arith.constant 0 : i32
    %max3A_164 = vector.broadcast %max3A_163 : i32 to vector<16xi32>
    %max3A_165 = arith.maxsi %convert_element_type3A_162, %max3A_164 : vector<16xi32>
    %swap3A_166 = arith.constant 336 : index
    %swap3A_167 = tpu.vector_load %arg6[%swap3A_166] {strides = array<i32>} : memref<960xi32, #tpu.memory_space<vmem>>, vector<16xi32>,
    tpu.vector_store %arg6[%swap3A_166], %max3A_165 {strides = array<i32>} : memref<960xi32, #tpu.memory_space<vmem>>, vector<16xi32>,
    %add3A_168 = arith.constant 278 : i32
    %add3A_169 = vector.broadcast %add3A_168 : i32 to vector<16xi32>
    %add3A_170 = arith.addi %mul3A_3, %add3A_169 : vector<16xi32>
    %gather3A_171 = tpu.vector_load_idx %arg5[%add3A_170] : memref<6800xf32, #tpu.memory_space<vmem>>[vector<16xi32>], vector<16xf32>,
    %convert_element_type3A_172 = arith.fptosi %gather3A_171 : vector<16xf32> to vector<16xi32>
    %max3A_173 = arith.constant 0 : i32
    %max3A_174 = vector.broadcast %max3A_173 : i32 to vector<16xi32>
    %max3A_175 = arith.maxsi %convert_element_type3A_172, %max3A_174 : vector<16xi32>
    %swap3A_176 = arith.constant 352 : index
    %swap3A_177 = tpu.vector_load %arg6[%swap3A_176] {strides = array<i32>} : memref<960xi32, #tpu.memory_space<vmem>>, vector<16xi32>,
    tpu.vector_store %arg6[%swap3A_176], %max3A_175 {strides = array<i32>} : memref<960xi32, #tpu.memory_space<vmem>>, vector<16xi32>,
    %add3A_178 = arith.constant 279 : i32
    %add3A_179 = vector.broadcast %add3A_178 : i32 to vector<16xi32>
    %add3A_180 = arith.addi %mul3A_3, %add3A_179 : vector<16xi32>
    %gather3A_181 = tpu.vector_load_idx %arg5[%add3A_180] : memref<6800xf32, #tpu.memory_space<vmem>>[vector<16xi32>], vector<16xf32>,
    %convert_element_type3A_182 = arith.fptosi %gather3A_181 : vector<16xf32> to vector<16xi32>
    %max3A_183 = arith.constant 0 : i32
    %max3A_184 = vector.broadcast %max3A_183 : i32 to vector<16xi32>
    %max3A_185 = arith.maxsi %convert_element_type3A_182, %max3A_184 : vector<16xi32>
    %swap3A_186 = arith.constant 368 : index
    %swap3A_187 = tpu.vector_load %arg6[%swap3A_186] {strides = array<i32>} : memref<960xi32, #tpu.memory_space<vmem>>, vector<16xi32>,
    tpu.vector_store %arg6[%swap3A_186], %max3A_185 {strides = array<i32>} : memref<960xi32, #tpu.memory_space<vmem>>, vector<16xi32>,
    %add3A_188 = arith.constant 280 : i32
    %add3A_189 = vector.broadcast %add3A_188 : i32 to vector<16xi32>
    %add3A_190 = arith.addi %mul3A_3, %add3A_189 : vector<16xi32>
    %gather3A_191 = tpu.vector_load_idx %arg5[%add3A_190] : memref<6800xf32, #tpu.memory_space<vmem>>[vector<16xi32>], vector<16xf32>,
    %convert_element_type3A_192 = arith.fptosi %gather3A_191 : vector<16xf32> to vector<16xi32>
    %max3A_193 = arith.constant 0 : i32
    %max3A_194 = vector.broadcast %max3A_193 : i32 to vector<16xi32>
    %max3A_195 = arith.maxsi %convert_element_type3A_192, %max3A_194 : vector<16xi32>
    %swap3A_196 = arith.constant 384 : index
    %swap3A_197 = tpu.vector_load %arg6[%swap3A_196] {strides = array<i32>} : memref<960xi32, #tpu.memory_space<vmem>>, vector<16xi32>,
    tpu.vector_store %arg6[%swap3A_196], %max3A_195 {strides = array<i32>} : memref<960xi32, #tpu.memory_space<vmem>>, vector<16xi32>,
    %add3A_198 = arith.constant 281 : i32
    %add3A_199 = vector.broadcast %add3A_198 : i32 to vector<16xi32>
    %add3A_200 = arith.addi %mul3A_3, %add3A_199 : vector<16xi32>
    %gather3A_201 = tpu.vector_load_idx %arg5[%add3A_200] : memref<6800xf32, #tpu.memory_space<vmem>>[vector<16xi32>], vector<16xf32>,
    %convert_element_type3A_202 = arith.fptosi %gather3A_201 : vector<16xf32> to vector<16xi32>
    %max3A_203 = arith.constant 0 : i32
    %max3A_204 = vector.broadcast %max3A_203 : i32 to vector<16xi32>
    %max3A_205 = arith.maxsi %convert_element_type3A_202, %max3A_204 : vector<16xi32>
    %swap3A_206 = arith.constant 400 : index
    %swap3A_207 = tpu.vector_load %arg6[%swap3A_206] {strides = array<i32>} : memref<960xi32, #tpu.memory_space<vmem>>, vector<16xi32>,
    tpu.vector_store %arg6[%swap3A_206], %max3A_205 {strides = array<i32>} : memref<960xi32, #tpu.memory_space<vmem>>, vector<16xi32>,
    %add3A_208 = arith.constant 282 : i32
    %add3A_209 = vector.broadcast %add3A_208 : i32 to vector<16xi32>
    %add3A_210 = arith.addi %mul3A_3, %add3A_209 : vector<16xi32>
    %gather3A_211 = tpu.vector_load_idx %arg5[%add3A_210] : memref<6800xf32, #tpu.memory_space<vmem>>[vector<16xi32>], vector<16xf32>,
    %convert_element_type3A_212 = arith.fptosi %gather3A_211 : vector<16xf32> to vector<16xi32>
    %max3A_213 = arith.constant 0 : i32
    %max3A_214 = vector.broadcast %max3A_213 : i32 to vector<16xi32>
    %max3A_215 = arith.maxsi %convert_element_type3A_212, %max3A_214 : vector<16xi32>
    %swap3A_216 = arith.constant 416 : index
    %swap3A_217 = tpu.vector_load %arg6[%swap3A_216] {strides = array<i32>} : memref<960xi32, #tpu.memory_space<vmem>>, vector<16xi32>,
    tpu.vector_store %arg6[%swap3A_216], %max3A_215 {strides = array<i32>} : memref<960xi32, #tpu.memory_space<vmem>>, vector<16xi32>,
    %add3A_218 = arith.constant 283 : i32
    %add3A_219 = vector.broadcast %add3A_218 : i32 to vector<16xi32>
    %add3A_220 = arith.addi %mul3A_3, %add3A_219 : vector<16xi32>
    %gather3A_221 = tpu.vector_load_idx %arg5[%add3A_220] : memref<6800xf32, #tpu.memory_space<vmem>>[vector<16xi32>], vector<16xf32>,
    %convert_element_type3A_222 = arith.fptosi %gather3A_221 : vector<16xf32> to vector<16xi32>
    %max3A_223 = arith.constant 0 : i32
    %max3A_224 = vector.broadcast %max3A_223 : i32 to vector<16xi32>
    %max3A_225 = arith.maxsi %convert_element_type3A_222, %max3A_224 : vector<16xi32>
    %swap3A_226 = arith.constant 432 : index
    %swap3A_227 = tpu.vector_load %arg6[%swap3A_226] {strides = array<i32>} : memref<960xi32, #tpu.memory_space<vmem>>, vector<16xi32>,
    tpu.vector_store %arg6[%swap3A_226], %max3A_225 {strides = array<i32>} : memref<960xi32, #tpu.memory_space<vmem>>, vector<16xi32>,
    %add3A_228 = arith.constant 284 : i32
    %add3A_229 = vector.broadcast %add3A_228 : i32 to vector<16xi32>
    %add3A_230 = arith.addi %mul3A_3, %add3A_229 : vector<16xi32>
    %gather3A_231 = tpu.vector_load_idx %arg5[%add3A_230] : memref<6800xf32, #tpu.memory_space<vmem>>[vector<16xi32>], vector<16xf32>,
    %convert_element_type3A_232 = arith.fptosi %gather3A_231 : vector<16xf32> to vector<16xi32>
    %max3A_233 = arith.constant 0 : i32
    %max3A_234 = vector.broadcast %max3A_233 : i32 to vector<16xi32>
    %max3A_235 = arith.maxsi %convert_element_type3A_232, %max3A_234 : vector<16xi32>
    %swap3A_236 = arith.constant 448 : index
    %swap3A_237 = tpu.vector_load %arg6[%swap3A_236] {strides = array<i32>} : memref<960xi32, #tpu.memory_space<vmem>>, vector<16xi32>,
    tpu.vector_store %arg6[%swap3A_236], %max3A_235 {strides = array<i32>} : memref<960xi32, #tpu.memory_space<vmem>>, vector<16xi32>,
    %add3A_238 = arith.constant 285 : i32
    %add3A_239 = vector.broadcast %add3A_238 : i32 to vector<16xi32>
    %add3A_240 = arith.addi %mul3A_3, %add3A_239 : vector<16xi32>
    %gather3A_241 = tpu.vector_load_idx %arg5[%add3A_240] : memref<6800xf32, #tpu.memory_space<vmem>>[vector<16xi32>], vector<16xf32>,
    %convert_element_type3A_242 = arith.fptosi %gather3A_241 : vector<16xf32> to vector<16xi32>
    %max3A_243 = arith.constant 0 : i32
    %max3A_244 = vector.broadcast %max3A_243 : i32 to vector<16xi32>
    %max3A_245 = arith.maxsi %convert_element_type3A_242, %max3A_244 : vector<16xi32>
    %swap3A_246 = arith.constant 464 : index
    %swap3A_247 = tpu.vector_load %arg6[%swap3A_246] {strides = array<i32>} : memref<960xi32, #tpu.memory_space<vmem>>, vector<16xi32>,
    tpu.vector_store %arg6[%swap3A_246], %max3A_245 {strides = array<i32>} : memref<960xi32, #tpu.memory_space<vmem>>, vector<16xi32>,
    %add3A_248 = arith.constant 286 : i32
    %add3A_249 = vector.broadcast %add3A_248 : i32 to vector<16xi32>
    %add3A_250 = arith.addi %mul3A_3, %add3A_249 : vector<16xi32>
    %gather3A_251 = tpu.vector_load_idx %arg5[%add3A_250] : memref<6800xf32, #tpu.memory_space<vmem>>[vector<16xi32>], vector<16xf32>,
    %convert_element_type3A_252 = arith.fptosi %gather3A_251 : vector<16xf32> to vector<16xi32>
    %max3A_253 = arith.constant 0 : i32
    %max3A_254 = vector.broadcast %max3A_253 : i32 to vector<16xi32>
    %max3A_255 = arith.maxsi %convert_element_type3A_252, %max3A_254 : vector<16xi32>
    %swap3A_256 = arith.constant 480 : index
    %swap3A_257 = tpu.vector_load %arg6[%swap3A_256] {strides = array<i32>} : memref<960xi32, #tpu.memory_space<vmem>>, vector<16xi32>,
    tpu.vector_store %arg6[%swap3A_256], %max3A_255 {strides = array<i32>} : memref<960xi32, #tpu.memory_space<vmem>>, vector<16xi32>,
    %add3A_258 = arith.constant 287 : i32
    %add3A_259 = vector.broadcast %add3A_258 : i32 to vector<16xi32>
    %add3A_260 = arith.addi %mul3A_3, %add3A_259 : vector<16xi32>
    %gather3A_261 = tpu.vector_load_idx %arg5[%add3A_260] : memref<6800xf32, #tpu.memory_space<vmem>>[vector<16xi32>], vector<16xf32>,
    %convert_element_type3A_262 = arith.fptosi %gather3A_261 : vector<16xf32> to vector<16xi32>
    %max3A_263 = arith.constant 0 : i32
    %max3A_264 = vector.broadcast %max3A_263 : i32 to vector<16xi32>
    %max3A_265 = arith.maxsi %convert_element_type3A_262, %max3A_264 : vector<16xi32>
    %swap3A_266 = arith.constant 496 : index
    %swap3A_267 = tpu.vector_load %arg6[%swap3A_266] {strides = array<i32>} : memref<960xi32, #tpu.memory_space<vmem>>, vector<16xi32>,
    tpu.vector_store %arg6[%swap3A_266], %max3A_265 {strides = array<i32>} : memref<960xi32, #tpu.memory_space<vmem>>, vector<16xi32>,
    %add3A_268 = arith.constant 288 : i32
    %add3A_269 = vector.broadcast %add3A_268 : i32 to vector<16xi32>
    %add3A_270 = arith.addi %mul3A_3, %add3A_269 : vector<16xi32>
    %gather3A_271 = tpu.vector_load_idx %arg5[%add3A_270] : memref<6800xf32, #tpu.memory_space<vmem>>[vector<16xi32>], vector<16xf32>,
    %convert_element_type3A_272 = arith.fptosi %gather3A_271 : vector<16xf32> to vector<16xi32>
    %max3A_273 = arith.constant 0 : i32
    %max3A_274 = vector.broadcast %max3A_273 : i32 to vector<16xi32>
    %max3A_275 = arith.maxsi %convert_element_type3A_272, %max3A_274 : vector<16xi32>
    %swap3A_276 = arith.constant 512 : index
    %swap3A_277 = tpu.vector_load %arg6[%swap3A_276] {strides = array<i32>} : memref<960xi32, #tpu.memory_space<vmem>>, vector<16xi32>,
    tpu.vector_store %arg6[%swap3A_276], %max3A_275 {strides = array<i32>} : memref<960xi32, #tpu.memory_space<vmem>>, vector<16xi32>,
    %cond3A_278 = arith.constant 0 : i32
    %dma_start3A_279 = arith.constant 240 : i32
    %dma_start3A_280 = arith.constant 0 : i32
    %dma_start3A_281 = tpu.memref_slice %arg7[%dma_start3A_279, %dma_start3A_280] : memref<720x128xf32, #tpu.memory_space<vmem>> -> memref<208x128xf32, #tpu.memory_space<vmem>>
    %dma_start3A_282 = arith.constant 320 : i32
    %dma_start3A_283 = tpu.memref_slice %arg6[%dma_start3A_282] : memref<960xi32, #tpu.memory_space<vmem>> -> memref<208xi32, #tpu.memory_space<vmem>>
    %dma_start3A_284 = arith.constant 0 : i32
    %dma_start3A_285 = arith.constant 0 : i32
    %dma_start3A_286 = tpu.memref_slice %arg3[%dma_start3A_284, %dma_start3A_285] : memref<100000x128xf32, #tpu.memory_space<hbm>> -> memref<100000x128xf32, #tpu.memory_space<hbm>>
    tpu.enqueue_indirect_dma source(%dma_start3A_286 : memref<100000x128xf32, #tpu.memory_space<hbm>>) target(%dma_start3A_281 : memref<208x128xf32, #tpu.memory_space<vmem>>) offsets(%dma_start3A_283 : memref<208xi32, #tpu.memory_space<vmem>>) semaphore(%arg12 : memref<!tpu.dma_semaphore, #tpu.memory_space<semaphore_mem>>)
    %scan3A = arith.constant 0 : i32
    %scan3A_287 = arith.constant 0 : i32
    %scan3A_288 = arith.constant 384 : i32
    %scan3A_289 = arith.addi %scan3A_287, %scan3A_288 : i32
    %scan3A_290 = arith.constant 1 : i32
    scf.for %scan3A_303 = %scan3A_287 to %scan3A_289 step %scan3A_290  : i32 {
      %jit3A = arith.constant 12 : i32
      %eq3A = arith.constant 0 : i32
      %eq3A_304 = arith.cmpi eq, %jit3A, %eq3A : i32
      %jit3A_305 = arith.constant 1 : i32
      %select_n3A = arith.select %eq3A_304, %jit3A_305, %jit3A : i32
      %rem3A = arith.remsi %scan3A_303, %select_n3A : i32
      %ne3A = arith.constant 0 : i32
      %ne3A_306 = arith.cmpi ne, %rem3A, %ne3A : i32
      %lt3A_307 = arith.constant 0 : i32
      %lt3A_308 = arith.cmpi slt, %rem3A, %lt3A_307 : i32
      %lt3A_309 = arith.constant 0 : i32
      %lt3A_310 = arith.cmpi slt, %select_n3A, %lt3A_309 : i32
      %ne3A_311 = arith.xori %lt3A_308, %lt3A_310 : i1
      %and3A = arith.andi %ne3A_311, %ne3A_306 : i1
      %add3A_312 = arith.addi %rem3A, %select_n3A : i32
      %select_n3A_313 = arith.select %and3A, %add3A_312, %rem3A : i32
      %eq3A_314 = arith.constant 0 : i32
      %eq3A_315 = arith.cmpi eq, %select_n3A_313, %eq3A_314 : i32
      %jit3A_316 = arith.constant 12 : i32
      %div3A = arith.divsi %scan3A_303, %jit3A_316 : i32
      %sign3A = arith.constant 0 : i32
      %sign3A_317 = arith.cmpi sgt, %scan3A_303, %sign3A : i32
      %sign3A_318 = arith.extui %sign3A_317 : i1 to i32
      %sign3A_319 = arith.constant 0 : i32
      %sign3A_320 = arith.cmpi slt, %scan3A_303, %sign3A_319 : i32
      %sign3A_321 = arith.extui %sign3A_320 : i1 to i32
      %sign3A_322 = arith.subi %sign3A_318, %sign3A_321 : i32
      %sign3A_323 = arith.constant 0 : i32
      %sign3A_324 = arith.cmpi sgt, %jit3A_316, %sign3A_323 : i32
      %sign3A_325 = arith.extui %sign3A_324 : i1 to i32
      %sign3A_326 = arith.constant 0 : i32
      %sign3A_327 = arith.cmpi slt, %jit3A_316, %sign3A_326 : i32
      %sign3A_328 = arith.extui %sign3A_327 : i1 to i32
      %sign3A_329 = arith.subi %sign3A_325, %sign3A_328 : i32
      %ne3A_330 = arith.cmpi ne, %sign3A_322, %sign3A_329 : i32
      %rem3A_331 = arith.remsi %scan3A_303, %jit3A_316 : i32
      %ne3A_332 = arith.constant 0 : i32
      %ne3A_333 = arith.cmpi ne, %rem3A_331, %ne3A_332 : i32
      %and3A_334 = arith.andi %ne3A_330, %ne3A_333 : i1
      %sub3A = arith.constant 1 : i32
      %sub3A_335 = arith.subi %div3A, %sub3A : i32
      %select_n3A_336 = arith.select %and3A_334, %sub3A_335, %div3A : i32
      %add3A_337 = arith.constant 1 : i32
      %add3A_338 = arith.addi %select_n3A_336, %add3A_337 : i32
      %lt3A_339 = arith.constant 32 : i32
      %lt3A_340 = arith.cmpi slt, %add3A_338, %lt3A_339 : i32
      %and3A_341 = arith.andi %eq3A_315, %lt3A_340 : i1
      %convert_element_type3A_342 = arith.extui %and3A_341 : i1 to i32
      %cond3A_343 = arith.constant 0 : i32
      %cond3A_344 = arith.cmpi ne, %convert_element_type3A_342, %cond3A_343 : i32
      scf.if %cond3A_344 {
        %jit3A_834 = arith.constant 12 : i32
        %div3A_835 = arith.divsi %scan3A_303, %jit3A_834 : i32
        %sign3A_836 = arith.constant 0 : i32
        %sign3A_837 = arith.cmpi sgt, %scan3A_303, %sign3A_836 : i32
        %sign3A_838 = arith.extui %sign3A_837 : i1 to i32
        %sign3A_839 = arith.constant 0 : i32
        %sign3A_840 = arith.cmpi slt, %scan3A_303, %sign3A_839 : i32
        %sign3A_841 = arith.extui %sign3A_840 : i1 to i32
        %sign3A_842 = arith.subi %sign3A_838, %sign3A_841 : i32
        %sign3A_843 = arith.constant 0 : i32
        %sign3A_844 = arith.cmpi sgt, %jit3A_834, %sign3A_843 : i32
        %sign3A_845 = arith.extui %sign3A_844 : i1 to i32
        %sign3A_846 = arith.constant 0 : i32
        %sign3A_847 = arith.cmpi slt, %jit3A_834, %sign3A_846 : i32
        %sign3A_848 = arith.extui %sign3A_847 : i1 to i32
        %sign3A_849 = arith.subi %sign3A_845, %sign3A_848 : i32
        %ne3A_850 = arith.cmpi ne, %sign3A_842, %sign3A_849 : i32
        %rem3A_851 = arith.remsi %scan3A_303, %jit3A_834 : i32
        %ne3A_852 = arith.constant 0 : i32
        %ne3A_853 = arith.cmpi ne, %rem3A_851, %ne3A_852 : i32
        %and3A_854 = arith.andi %ne3A_850, %ne3A_853 : i1
        %sub3A_855 = arith.constant 1 : i32
        %sub3A_856 = arith.subi %div3A_835, %sub3A_855 : i32
        %select_n3A_857 = arith.select %and3A_854, %sub3A_856, %div3A_835 : i32
        %add3A_858 = arith.constant 1 : i32
        %add3A_859 = arith.addi %select_n3A_857, %add3A_858 : i32
        %mul3A_860 = arith.constant 32 : i32
        %mul3A_861 = arith.muli %add3A, %mul3A_860 : i32
        %add3A_862 = arith.addi %mul3A_861, %add3A_859 : i32
        %mul3A_863 = arith.constant 3400 : i32
        %mul3A_864 = arith.muli %add3A_862, %mul3A_863 : i32
        %multiple_of3A_865 = tpu.assume_multiple %mul3A_864, 8 : i32
        %jit3A_866 = arith.constant 2 : i32
        %eq3A_867 = arith.constant 0 : i32
        %eq3A_868 = arith.cmpi eq, %jit3A_866, %eq3A_867 : i32
        %jit3A_869 = arith.constant 1 : i32
        %select_n3A_870 = arith.select %eq3A_868, %jit3A_869, %jit3A_866 : i32
        %rem3A_871 = arith.remsi %add3A_859, %select_n3A_870 : i32
        %ne3A_872 = arith.constant 0 : i32
        %ne3A_873 = arith.cmpi ne, %rem3A_871, %ne3A_872 : i32
        %lt3A_874 = arith.constant 0 : i32
        %lt3A_875 = arith.cmpi slt, %rem3A_871, %lt3A_874 : i32
        %lt3A_876 = arith.constant 0 : i32
        %lt3A_877 = arith.cmpi slt, %select_n3A_870, %lt3A_876 : i32
        %ne3A_878 = arith.xori %lt3A_875, %lt3A_877 : i1
        %and3A_879 = arith.andi %ne3A_878, %ne3A_873 : i1
        %add3A_880 = arith.addi %rem3A_871, %select_n3A_870 : i32
        %select_n3A_881 = arith.select %and3A_879, %add3A_880, %rem3A_871 : i32
        %mul3A_882 = arith.constant 3400 : i32
        %mul3A_883 = arith.muli %select_n3A_881, %mul3A_882 : i32
        %multiple_of3A_884 = tpu.assume_multiple %mul3A_883, 8 : i32
        %jit3A_885 = arith.constant 2 : i32
        %eq3A_886 = arith.constant 0 : i32
        %eq3A_887 = arith.cmpi eq, %jit3A_885, %eq3A_886 : i32
        %jit3A_888 = arith.constant 1 : i32
        %select_n3A_889 = arith.select %eq3A_887, %jit3A_888, %jit3A_885 : i32
        %rem3A_890 = arith.remsi %add3A_859, %select_n3A_889 : i32
        %ne3A_891 = arith.constant 0 : i32
        %ne3A_892 = arith.cmpi ne, %rem3A_890, %ne3A_891 : i32
        %lt3A_893 = arith.constant 0 : i32
        %lt3A_894 = arith.cmpi slt, %rem3A_890, %lt3A_893 : i32
        %lt3A_895 = arith.constant 0 : i32
        %lt3A_896 = arith.cmpi slt, %select_n3A_889, %lt3A_895 : i32
        %ne3A_897 = arith.xori %lt3A_894, %lt3A_896 : i1
        %and3A_898 = arith.andi %ne3A_897, %ne3A_892 : i1
        %add3A_899 = arith.addi %rem3A_890, %select_n3A_889 : i32
        %select_n3A_900 = arith.select %and3A_898, %add3A_899, %rem3A_890 : i32
        %eq3A_901 = arith.constant 0 : i32
        %eq3A_902 = arith.cmpi eq, %select_n3A_900, %eq3A_901 : i32
        %convert_element_type3A_903 = arith.extui %eq3A_902 : i1 to i32
        %cond3A_904 = arith.constant 0 : i32
        %cond3A_905 = arith.cmpi ne, %convert_element_type3A_903, %cond3A_904 : i32
        scf.if %cond3A_905 {
          %dma_start3A_927 = tpu.memref_slice %arg5[%multiple_of3A_884] : memref<6800xf32, #tpu.memory_space<vmem>> -> memref<3400xf32, #tpu.memory_space<vmem>>
          %dma_start3A_928 = tpu.memref_slice %arg2[%multiple_of3A_865] : memref<3481600xf32, #tpu.memory_space<hbm>> -> memref<3400xf32, #tpu.memory_space<hbm>>
          %dma_start3A_929 = tpu.memref_slice %arg5[%multiple_of3A_884] : memref<6800xf32, #tpu.memory_space<vmem>> -> memref<3400xf32, #tpu.memory_space<vmem>>
          %dma_start3A_930 = tpu.memref_slice %arg2[%multiple_of3A_865] : memref<3481600xf32, #tpu.memory_space<hbm>> -> memref<3400xf32, #tpu.memory_space<hbm>>
          tpu.enqueue_dma source(%dma_start3A_930 : memref<3400xf32, #tpu.memory_space<hbm>>) target(%dma_start3A_929 : memref<3400xf32, #tpu.memory_space<vmem>>) target_semaphore(%arg9 : memref<!tpu.dma_semaphore, #tpu.memory_space<semaphore_mem>>)
        } else {
        }
        %jit3A_906 = arith.constant 2 : i32
        %eq3A_907 = arith.constant 0 : i32
        %eq3A_908 = arith.cmpi eq, %jit3A_906, %eq3A_907 : i32
        %jit3A_909 = arith.constant 1 : i32
        %select_n3A_910 = arith.select %eq3A_908, %jit3A_909, %jit3A_906 : i32
        %rem3A_911 = arith.remsi %add3A_859, %select_n3A_910 : i32
        %ne3A_912 = arith.constant 0 : i32
        %ne3A_913 = arith.cmpi ne, %rem3A_911, %ne3A_912 : i32
        %lt3A_914 = arith.constant 0 : i32
        %lt3A_915 = arith.cmpi slt, %rem3A_911, %lt3A_914 : i32
        %lt3A_916 = arith.constant 0 : i32
        %lt3A_917 = arith.cmpi slt, %select_n3A_910, %lt3A_916 : i32
        %ne3A_918 = arith.xori %lt3A_915, %lt3A_917 : i1
        %and3A_919 = arith.andi %ne3A_918, %ne3A_913 : i1
        %add3A_920 = arith.addi %rem3A_911, %select_n3A_910 : i32
        %select_n3A_921 = arith.select %and3A_919, %add3A_920, %rem3A_911 : i32
        %eq3A_922 = arith.constant 1 : i32
        %eq3A_923 = arith.cmpi eq, %select_n3A_921, %eq3A_922 : i32
        %convert_element_type3A_924 = arith.extui %eq3A_923 : i1 to i32
        %cond3A_925 = arith.constant 0 : i32
        %cond3A_926 = arith.cmpi ne, %convert_element_type3A_924, %cond3A_925 : i32
        scf.if %cond3A_926 {
          %dma_start3A_927 = tpu.memref_slice %arg5[%multiple_of3A_884] : memref<6800xf32, #tpu.memory_space<vmem>> -> memref<3400xf32, #tpu.memory_space<vmem>>
          %dma_start3A_928 = tpu.memref_slice %arg2[%multiple_of3A_865] : memref<3481600xf32, #tpu.memory_space<hbm>> -> memref<3400xf32, #tpu.memory_space<hbm>>
          %dma_start3A_929 = tpu.memref_slice %arg5[%multiple_of3A_884] : memref<6800xf32, #tpu.memory_space<vmem>> -> memref<3400xf32, #tpu.memory_space<vmem>>
          %dma_start3A_930 = tpu.memref_slice %arg2[%multiple_of3A_865] : memref<3481600xf32, #tpu.memory_space<hbm>> -> memref<3400xf32, #tpu.memory_space<hbm>>
          tpu.enqueue_dma source(%dma_start3A_930 : memref<3400xf32, #tpu.memory_space<hbm>>) target(%dma_start3A_929 : memref<3400xf32, #tpu.memory_space<vmem>>) target_semaphore(%arg10 : memref<!tpu.dma_semaphore, #tpu.memory_space<semaphore_mem>>)
        } else {
        }
      } else {
      }
      %add3A_345 = arith.constant 2 : i32
      %add3A_346 = arith.addi %scan3A_303, %add3A_345 : i32
      %lt3A_347 = arith.constant 384 : i32
      %lt3A_348 = arith.cmpi slt, %add3A_346, %lt3A_347 : i32
      %convert_element_type3A_349 = arith.extui %lt3A_348 : i1 to i32
      %cond3A_350 = arith.constant 0 : i32
      %cond3A_351 = arith.cmpi ne, %convert_element_type3A_349, %cond3A_350 : i32
      scf.if %cond3A_351 {
        %jit3A_834 = arith.constant 12 : i32
        %eq3A_835 = arith.constant 0 : i32
        %eq3A_836 = arith.cmpi eq, %jit3A_834, %eq3A_835 : i32
        %jit3A_837 = arith.constant 1 : i32
        %select_n3A_838 = arith.select %eq3A_836, %jit3A_837, %jit3A_834 : i32
        %rem3A_839 = arith.remsi %add3A_346, %select_n3A_838 : i32
        %ne3A_840 = arith.constant 0 : i32
        %ne3A_841 = arith.cmpi ne, %rem3A_839, %ne3A_840 : i32
        %lt3A_842 = arith.constant 0 : i32
        %lt3A_843 = arith.cmpi slt, %rem3A_839, %lt3A_842 : i32
        %lt3A_844 = arith.constant 0 : i32
        %lt3A_845 = arith.cmpi slt, %select_n3A_838, %lt3A_844 : i32
        %ne3A_846 = arith.xori %lt3A_843, %lt3A_845 : i1
        %and3A_847 = arith.andi %ne3A_846, %ne3A_841 : i1
        %add3A_848 = arith.addi %rem3A_839, %select_n3A_838 : i32
        %select_n3A_849 = arith.select %and3A_847, %add3A_848, %rem3A_839 : i32
        %eq3A_850 = arith.constant 0 : i32
        %eq3A_851 = arith.cmpi eq, %select_n3A_849, %eq3A_850 : i32
        %convert_element_type3A_852 = arith.extui %eq3A_851 : i1 to i32
        %cond3A_853 = arith.constant 0 : i32
        %cond3A_854 = arith.cmpi ne, %convert_element_type3A_852, %cond3A_853 : i32
        scf.if %cond3A_854 {
          %jit3A_1260 = arith.constant 12 : i32
          %div3A_1261 = arith.divsi %add3A_346, %jit3A_1260 : i32
          %sign3A_1262 = arith.constant 0 : i32
          %sign3A_1263 = arith.cmpi sgt, %add3A_346, %sign3A_1262 : i32
          %sign3A_1264 = arith.extui %sign3A_1263 : i1 to i32
          %sign3A_1265 = arith.constant 0 : i32
          %sign3A_1266 = arith.cmpi slt, %add3A_346, %sign3A_1265 : i32
          %sign3A_1267 = arith.extui %sign3A_1266 : i1 to i32
          %sign3A_1268 = arith.subi %sign3A_1264, %sign3A_1267 : i32
          %sign3A_1269 = arith.constant 0 : i32
          %sign3A_1270 = arith.cmpi sgt, %jit3A_1260, %sign3A_1269 : i32
          %sign3A_1271 = arith.extui %sign3A_1270 : i1 to i32
          %sign3A_1272 = arith.constant 0 : i32
          %sign3A_1273 = arith.cmpi slt, %jit3A_1260, %sign3A_1272 : i32
          %sign3A_1274 = arith.extui %sign3A_1273 : i1 to i32
          %sign3A_1275 = arith.subi %sign3A_1271, %sign3A_1274 : i32
          %ne3A_1276 = arith.cmpi ne, %sign3A_1268, %sign3A_1275 : i32
          %rem3A_1277 = arith.remsi %add3A_346, %jit3A_1260 : i32
          %ne3A_1278 = arith.constant 0 : i32
          %ne3A_1279 = arith.cmpi ne, %rem3A_1277, %ne3A_1278 : i32
          %and3A_1280 = arith.andi %ne3A_1276, %ne3A_1279 : i1
          %sub3A_1281 = arith.constant 1 : i32
          %sub3A_1282 = arith.subi %div3A_1261, %sub3A_1281 : i32
          %select_n3A_1283 = arith.select %and3A_1280, %sub3A_1282, %div3A_1261 : i32
          %mul3A_1284 = arith.constant 32 : i32
          %mul3A_1285 = arith.muli %add3A, %mul3A_1284 : i32
          %add3A_1286 = arith.addi %mul3A_1285, %select_n3A_1283 : i32
          %mul3A_1287 = arith.constant 3400 : i32
          %mul3A_1288 = arith.muli %add3A_1286, %mul3A_1287 : i32
          %multiple_of3A_1289 = tpu.assume_multiple %mul3A_1288, 8 : i32
          %jit3A_1290 = arith.constant 2 : i32
          %eq3A_1291 = arith.constant 0 : i32
          %eq3A_1292 = arith.cmpi eq, %jit3A_1290, %eq3A_1291 : i32
          %jit3A_1293 = arith.constant 1 : i32
          %select_n3A_1294 = arith.select %eq3A_1292, %jit3A_1293, %jit3A_1290 : i32
          %rem3A_1295 = arith.remsi %select_n3A_1283, %select_n3A_1294 : i32
          %ne3A_1296 = arith.constant 0 : i32
          %ne3A_1297 = arith.cmpi ne, %rem3A_1295, %ne3A_1296 : i32
          %lt3A_1298 = arith.constant 0 : i32
          %lt3A_1299 = arith.cmpi slt, %rem3A_1295, %lt3A_1298 : i32
          %lt3A_1300 = arith.constant 0 : i32
          %lt3A_1301 = arith.cmpi slt, %select_n3A_1294, %lt3A_1300 : i32
          %ne3A_1302 = arith.xori %lt3A_1299, %lt3A_1301 : i1
          %and3A_1303 = arith.andi %ne3A_1302, %ne3A_1297 : i1
          %add3A_1304 = arith.addi %rem3A_1295, %select_n3A_1294 : i32
          %select_n3A_1305 = arith.select %and3A_1303, %add3A_1304, %rem3A_1295 : i32
          %mul3A_1306 = arith.constant 3400 : i32
          %mul3A_1307 = arith.muli %select_n3A_1305, %mul3A_1306 : i32
          %multiple_of3A_1308 = tpu.assume_multiple %mul3A_1307, 8 : i32
          %jit3A_1309 = arith.constant 2 : i32
          %eq3A_1310 = arith.constant 0 : i32
          %eq3A_1311 = arith.cmpi eq, %jit3A_1309, %eq3A_1310 : i32
          %jit3A_1312 = arith.constant 1 : i32
          %select_n3A_1313 = arith.select %eq3A_1311, %jit3A_1312, %jit3A_1309 : i32
          %rem3A_1314 = arith.remsi %select_n3A_1283, %select_n3A_1313 : i32
          %ne3A_1315 = arith.constant 0 : i32
          %ne3A_1316 = arith.cmpi ne, %rem3A_1314, %ne3A_1315 : i32
          %lt3A_1317 = arith.constant 0 : i32
          %lt3A_1318 = arith.cmpi slt, %rem3A_1314, %lt3A_1317 : i32
          %lt3A_1319 = arith.constant 0 : i32
          %lt3A_1320 = arith.cmpi slt, %select_n3A_1313, %lt3A_1319 : i32
          %ne3A_1321 = arith.xori %lt3A_1318, %lt3A_1320 : i1
          %and3A_1322 = arith.andi %ne3A_1321, %ne3A_1316 : i1
          %add3A_1323 = arith.addi %rem3A_1314, %select_n3A_1313 : i32
          %select_n3A_1324 = arith.select %and3A_1322, %add3A_1323, %rem3A_1314 : i32
          %eq3A_1325 = arith.constant 0 : i32
          %eq3A_1326 = arith.cmpi eq, %select_n3A_1324, %eq3A_1325 : i32
          %convert_element_type3A_1327 = arith.extui %eq3A_1326 : i1 to i32
          %cond3A_1328 = arith.constant 0 : i32
          %cond3A_1329 = arith.cmpi ne, %convert_element_type3A_1327, %cond3A_1328 : i32
          scf.if %cond3A_1329 {
            %dma_wait3A_1351 = tpu.memref_slice %arg5[%multiple_of3A_1308] : memref<6800xf32, #tpu.memory_space<vmem>> -> memref<3400xf32, #tpu.memory_space<vmem>>
            %dma_wait3A_1352 = tpu.memref_slice %arg2[%multiple_of3A_1289] : memref<3481600xf32, #tpu.memory_space<hbm>> -> memref<3400xf32, #tpu.memory_space<hbm>>
            %dma_wait3A_1353 = tpu.memref_slice %arg5[%multiple_of3A_1308] : memref<6800xf32, #tpu.memory_space<vmem>> -> memref<3400xf32, #tpu.memory_space<vmem>>
            %dma_wait3A_1354 = tpu.memref_slice %arg2[%multiple_of3A_1289] : memref<3481600xf32, #tpu.memory_space<hbm>> -> memref<3400xf32, #tpu.memory_space<hbm>>
            tpu.wait_dma2 semaphore(%arg9 : memref<!tpu.dma_semaphore, #tpu.memory_space<semaphore_mem>>) src(%dma_wait3A_1354 : memref<3400xf32, #tpu.memory_space<hbm>>) dst(%dma_wait3A_1353 : memref<3400xf32, #tpu.memory_space<vmem>>)
          } else {
          }
          %jit3A_1330 = arith.constant 2 : i32
          %eq3A_1331 = arith.constant 0 : i32
          %eq3A_1332 = arith.cmpi eq, %jit3A_1330, %eq3A_1331 : i32
          %jit3A_1333 = arith.constant 1 : i32
          %select_n3A_1334 = arith.select %eq3A_1332, %jit3A_1333, %jit3A_1330 : i32
          %rem3A_1335 = arith.remsi %select_n3A_1283, %select_n3A_1334 : i32
          %ne3A_1336 = arith.constant 0 : i32
          %ne3A_1337 = arith.cmpi ne, %rem3A_1335, %ne3A_1336 : i32
          %lt3A_1338 = arith.constant 0 : i32
          %lt3A_1339 = arith.cmpi slt, %rem3A_1335, %lt3A_1338 : i32
          %lt3A_1340 = arith.constant 0 : i32
          %lt3A_1341 = arith.cmpi slt, %select_n3A_1334, %lt3A_1340 : i32
          %ne3A_1342 = arith.xori %lt3A_1339, %lt3A_1341 : i1
          %and3A_1343 = arith.andi %ne3A_1342, %ne3A_1337 : i1
          %add3A_1344 = arith.addi %rem3A_1335, %select_n3A_1334 : i32
          %select_n3A_1345 = arith.select %and3A_1343, %add3A_1344, %rem3A_1335 : i32
          %eq3A_1346 = arith.constant 1 : i32
          %eq3A_1347 = arith.cmpi eq, %select_n3A_1345, %eq3A_1346 : i32
          %convert_element_type3A_1348 = arith.extui %eq3A_1347 : i1 to i32
          %cond3A_1349 = arith.constant 0 : i32
          %cond3A_1350 = arith.cmpi ne, %convert_element_type3A_1348, %cond3A_1349 : i32
          scf.if %cond3A_1350 {
            %dma_wait3A_1351 = tpu.memref_slice %arg5[%multiple_of3A_1308] : memref<6800xf32, #tpu.memory_space<vmem>> -> memref<3400xf32, #tpu.memory_space<vmem>>
            %dma_wait3A_1352 = tpu.memref_slice %arg2[%multiple_of3A_1289] : memref<3481600xf32, #tpu.memory_space<hbm>> -> memref<3400xf32, #tpu.memory_space<hbm>>
            %dma_wait3A_1353 = tpu.memref_slice %arg5[%multiple_of3A_1308] : memref<6800xf32, #tpu.memory_space<vmem>> -> memref<3400xf32, #tpu.memory_space<vmem>>
            %dma_wait3A_1354 = tpu.memref_slice %arg2[%multiple_of3A_1289] : memref<3481600xf32, #tpu.memory_space<hbm>> -> memref<3400xf32, #tpu.memory_space<hbm>>
            tpu.wait_dma2 semaphore(%arg10 : memref<!tpu.dma_semaphore, #tpu.memory_space<semaphore_mem>>) src(%dma_wait3A_1354 : memref<3400xf32, #tpu.memory_space<hbm>>) dst(%dma_wait3A_1353 : memref<3400xf32, #tpu.memory_space<vmem>>)
          } else {
          }
        } else {
        }
        %jit3A_855 = arith.constant 3 : i32
        %div3A_856 = arith.divsi %add3A_346, %jit3A_855 : i32
        %sign3A_857 = arith.constant 0 : i32
        %sign3A_858 = arith.cmpi sgt, %add3A_346, %sign3A_857 : i32
        %sign3A_859 = arith.extui %sign3A_858 : i1 to i32
        %sign3A_860 = arith.constant 0 : i32
        %sign3A_861 = arith.cmpi slt, %add3A_346, %sign3A_860 : i32
        %sign3A_862 = arith.extui %sign3A_861 : i1 to i32
        %sign3A_863 = arith.subi %sign3A_859, %sign3A_862 : i32
        %sign3A_864 = arith.constant 0 : i32
        %sign3A_865 = arith.cmpi sgt, %jit3A_855, %sign3A_864 : i32
        %sign3A_866 = arith.extui %sign3A_865 : i1 to i32
        %sign3A_867 = arith.constant 0 : i32
        %sign3A_868 = arith.cmpi slt, %jit3A_855, %sign3A_867 : i32
        %sign3A_869 = arith.extui %sign3A_868 : i1 to i32
        %sign3A_870 = arith.subi %sign3A_866, %sign3A_869 : i32
        %ne3A_871 = arith.cmpi ne, %sign3A_863, %sign3A_870 : i32
        %rem3A_872 = arith.remsi %add3A_346, %jit3A_855 : i32
        %ne3A_873 = arith.constant 0 : i32
        %ne3A_874 = arith.cmpi ne, %rem3A_872, %ne3A_873 : i32
        %and3A_875 = arith.andi %ne3A_871, %ne3A_874 : i1
        %sub3A_876 = arith.constant 1 : i32
        %sub3A_877 = arith.subi %div3A_856, %sub3A_876 : i32
        %select_n3A_878 = arith.select %and3A_875, %sub3A_877, %div3A_856 : i32
        %jit3A_879 = arith.constant 4 : i32
        %eq3A_880 = arith.constant 0 : i32
        %eq3A_881 = arith.cmpi eq, %jit3A_879, %eq3A_880 : i32
        %jit3A_882 = arith.constant 1 : i32
        %select_n3A_883 = arith.select %eq3A_881, %jit3A_882, %jit3A_879 : i32
        %rem3A_884 = arith.remsi %select_n3A_878, %select_n3A_883 : i32
        %ne3A_885 = arith.constant 0 : i32
        %ne3A_886 = arith.cmpi ne, %rem3A_884, %ne3A_885 : i32
        %lt3A_887 = arith.constant 0 : i32
        %lt3A_888 = arith.cmpi slt, %rem3A_884, %lt3A_887 : i32
        %lt3A_889 = arith.constant 0 : i32
        %lt3A_890 = arith.cmpi slt, %select_n3A_883, %lt3A_889 : i32
        %ne3A_891 = arith.xori %lt3A_888, %lt3A_890 : i1
        %and3A_892 = arith.andi %ne3A_891, %ne3A_886 : i1
        %add3A_893 = arith.addi %rem3A_884, %select_n3A_883 : i32
        %select_n3A_894 = arith.select %and3A_892, %add3A_893, %rem3A_884 : i32
        %jit3A_895 = arith.constant 3 : i32
        %eq3A_896 = arith.constant 0 : i32
        %eq3A_897 = arith.cmpi eq, %jit3A_895, %eq3A_896 : i32
        %jit3A_898 = arith.constant 1 : i32
        %select_n3A_899 = arith.select %eq3A_897, %jit3A_898, %jit3A_895 : i32
        %rem3A_900 = arith.remsi %add3A_346, %select_n3A_899 : i32
        %ne3A_901 = arith.constant 0 : i32
        %ne3A_902 = arith.cmpi ne, %rem3A_900, %ne3A_901 : i32
        %lt3A_903 = arith.constant 0 : i32
        %lt3A_904 = arith.cmpi slt, %rem3A_900, %lt3A_903 : i32
        %lt3A_905 = arith.constant 0 : i32
        %lt3A_906 = arith.cmpi slt, %select_n3A_899, %lt3A_905 : i32
        %ne3A_907 = arith.xori %lt3A_904, %lt3A_906 : i1
        %and3A_908 = arith.andi %ne3A_907, %ne3A_902 : i1
        %add3A_909 = arith.addi %rem3A_900, %select_n3A_899 : i32
        %select_n3A_910 = arith.select %and3A_908, %add3A_909, %rem3A_900 : i32
        %jit3A_911 = arith.constant 12 : i32
        %div3A_912 = arith.divsi %add3A_346, %jit3A_911 : i32
        %sign3A_913 = arith.constant 0 : i32
        %sign3A_914 = arith.cmpi sgt, %add3A_346, %sign3A_913 : i32
        %sign3A_915 = arith.extui %sign3A_914 : i1 to i32
        %sign3A_916 = arith.constant 0 : i32
        %sign3A_917 = arith.cmpi slt, %add3A_346, %sign3A_916 : i32
        %sign3A_918 = arith.extui %sign3A_917 : i1 to i32
        %sign3A_919 = arith.subi %sign3A_915, %sign3A_918 : i32
        %sign3A_920 = arith.constant 0 : i32
        %sign3A_921 = arith.cmpi sgt, %jit3A_911, %sign3A_920 : i32
        %sign3A_922 = arith.extui %sign3A_921 : i1 to i32
        %sign3A_923 = arith.constant 0 : i32
        %sign3A_924 = arith.cmpi slt, %jit3A_911, %sign3A_923 : i32
        %sign3A_925 = arith.extui %sign3A_924 : i1 to i32
        %sign3A_926 = arith.subi %sign3A_922, %sign3A_925 : i32
        %ne3A_927 = arith.cmpi ne, %sign3A_919, %sign3A_926 : i32
        %rem3A_928 = arith.remsi %add3A_346, %jit3A_911 : i32
        %ne3A_929 = arith.constant 0 : i32
        %ne3A_930 = arith.cmpi ne, %rem3A_928, %ne3A_929 : i32
        %and3A_931 = arith.andi %ne3A_927, %ne3A_930 : i1
        %sub3A_932 = arith.constant 1 : i32
        %sub3A_933 = arith.subi %div3A_912, %sub3A_932 : i32
        %select_n3A_934 = arith.select %and3A_931, %sub3A_933, %div3A_912 : i32
        %jit3A_935 = arith.constant 2 : i32
        %eq3A_936 = arith.constant 0 : i32
        %eq3A_937 = arith.cmpi eq, %jit3A_935, %eq3A_936 : i32
        %jit3A_938 = arith.constant 1 : i32
        %select_n3A_939 = arith.select %eq3A_937, %jit3A_938, %jit3A_935 : i32
        %rem3A_940 = arith.remsi %select_n3A_934, %select_n3A_939 : i32
        %ne3A_941 = arith.constant 0 : i32
        %ne3A_942 = arith.cmpi ne, %rem3A_940, %ne3A_941 : i32
        %lt3A_943 = arith.constant 0 : i32
        %lt3A_944 = arith.cmpi slt, %rem3A_940, %lt3A_943 : i32
        %lt3A_945 = arith.constant 0 : i32
        %lt3A_946 = arith.cmpi slt, %select_n3A_939, %lt3A_945 : i32
        %ne3A_947 = arith.xori %lt3A_944, %lt3A_946 : i1
        %and3A_948 = arith.andi %ne3A_947, %ne3A_942 : i1
        %add3A_949 = arith.addi %rem3A_940, %select_n3A_939 : i32
        %select_n3A_950 = arith.select %and3A_948, %add3A_949, %rem3A_940 : i32
        %mul3A_951 = arith.constant 3400 : i32
        %mul3A_952 = arith.muli %select_n3A_950, %mul3A_951 : i32
        %mul3A_953 = arith.constant 850 : i32
        %mul3A_954 = arith.muli %mul3A_953, %select_n3A_894 : i32
        %add3A_955 = arith.addi %mul3A_952, %mul3A_954 : i32
        %add3A_956 = arith.constant 4 : i32
        %add3A_957 = arith.addi %add3A_955, %add3A_956 : i32
        %jit3A_958 = arith.constant 3 : i32
        %eq3A_959 = arith.constant 0 : i32
        %eq3A_960 = arith.cmpi eq, %jit3A_958, %eq3A_959 : i32
        %jit3A_961 = arith.constant 1 : i32
        %select_n3A_962 = arith.select %eq3A_960, %jit3A_961, %jit3A_958 : i32
        %rem3A_963 = arith.remsi %add3A_346, %select_n3A_962 : i32
        %ne3A_964 = arith.constant 0 : i32
        %ne3A_965 = arith.cmpi ne, %rem3A_963, %ne3A_964 : i32
        %lt3A_966 = arith.constant 0 : i32
        %lt3A_967 = arith.cmpi slt, %rem3A_963, %lt3A_966 : i32
        %lt3A_968 = arith.constant 0 : i32
        %lt3A_969 = arith.cmpi slt, %select_n3A_962, %lt3A_968 : i32
        %ne3A_970 = arith.xori %lt3A_967, %lt3A_969 : i1
        %and3A_971 = arith.andi %ne3A_970, %ne3A_965 : i1
        %add3A_972 = arith.addi %rem3A_963, %select_n3A_962 : i32
        %select_n3A_973 = arith.select %and3A_971, %add3A_972, %rem3A_963 : i32
        %mul3A_974 = arith.constant 320 : i32
        %mul3A_975 = arith.muli %select_n3A_973, %mul3A_974 : i32
        %eq3A_976 = arith.constant 2 : i32
        %eq3A_977 = arith.cmpi eq, %select_n3A_910, %eq3A_976 : i32
        %convert_element_type3A_978 = arith.extui %eq3A_977 : i1 to i32
        %cond3A_979 = arith.constant 0 : i32
        %cond3A_980 = arith.constant 0 : i32
        %cond3A_981 = arith.cmpi ne, %convert_element_type3A_978, %cond3A_980 : i32
        %cond3A_982 = scf.if %cond3A_981 -> (i32) {
          %add3A_1260 = arith.constant 544 : i32
          %add3A_1261 = arith.addi %add3A_957, %add3A_1260 : i32
          %add3A_1262 = arith.constant 0 : i32
          %add3A_1263 = arith.addi %add3A_1261, %add3A_1262 : i32
          %add3A_1264 = vector.broadcast %add3A_1263 : i32 to vector<16xi32>
          %add3A_1265 = arith.addi %mul3A_3, %add3A_1264 : vector<16xi32>
          %gather3A_1266 = tpu.vector_load_idx %arg5[%add3A_1265] : memref<6800xf32, #tpu.memory_space<vmem>>[vector<16xi32>], vector<16xf32>,
          %convert_element_type3A_1267 = arith.fptosi %gather3A_1266 : vector<16xf32> to vector<16xi32>
          %max3A_1268 = arith.constant 0 : i32
          %max3A_1269 = vector.broadcast %max3A_1268 : i32 to vector<16xi32>
          %max3A_1270 = arith.maxsi %convert_element_type3A_1267, %max3A_1269 : vector<16xi32>
          %add3A_1271 = arith.constant 0 : i32
          %add3A_1272 = arith.addi %mul3A_975, %add3A_1271 : i32
          %add3A_1273 = vector.broadcast %add3A_1272 : i32 to vector<16xi32>
          %add3A_1274 = arith.addi %add3A_1273, %iota3A : vector<16xi32>
          tpu.vector_store_idx %arg6[%add3A_1274], %max3A_1270 : memref<960xi32, #tpu.memory_space<vmem>>[vector<16xi32>], vector<16xi32>,
          %add3A_1275 = arith.constant 816 : i32
          %add3A_1276 = arith.addi %add3A_957, %add3A_1275 : i32
          %add3A_1277 = arith.constant 0 : i32
          %add3A_1278 = arith.addi %add3A_1276, %add3A_1277 : i32
          %add3A_1279 = vector.broadcast %add3A_1278 : i32 to vector<16xi32>
          %add3A_1280 = arith.addi %mul3A_3, %add3A_1279 : vector<16xi32>
          %add3A_1281 = arith.constant 3400 : i32
          %add3A_1282 = arith.addi %mul3A_952, %add3A_1281 : i32
          %sub3A_1283 = arith.constant 1 : i32
          %sub3A_1284 = arith.subi %add3A_1282, %sub3A_1283 : i32
          %min3A = vector.broadcast %sub3A_1284 : i32 to vector<16xi32>
          %min3A_1285 = arith.minsi %add3A_1280, %min3A : vector<16xi32>
          %gather3A_1286 = tpu.vector_load_idx %arg5[%min3A_1285] : memref<6800xf32, #tpu.memory_space<vmem>>[vector<16xi32>], vector<16xf32>,
          %convert_element_type3A_1287 = arith.fptosi %gather3A_1286 : vector<16xf32> to vector<16xi32>
          %max3A_1288 = arith.constant 0 : i32
          %max3A_1289 = vector.broadcast %max3A_1288 : i32 to vector<16xi32>
          %max3A_1290 = arith.maxsi %convert_element_type3A_1287, %max3A_1289 : vector<16xi32>
          %add3A_1291 = arith.constant 0 : i32
          %add3A_1292 = arith.addi %mul3A_975, %add3A_1291 : i32
          %add3A_1293 = arith.constant 16 : i32
          %add3A_1294 = arith.addi %add3A_1292, %add3A_1293 : i32
          %add3A_1295 = vector.broadcast %add3A_1294 : i32 to vector<16xi32>
          %add3A_1296 = arith.addi %add3A_1295, %iota3A : vector<16xi32>
          %lt3A_1297 = arith.constant 2 : i32
          %lt3A_1298 = vector.broadcast %lt3A_1297 : i32 to vector<16xi32>
          %lt3A_1299 = arith.cmpi slt, %iota3A, %lt3A_1298 : vector<16xi32>
          tpu.vector_store_idx %arg6[%add3A_1296], %max3A_1290 masked %lt3A_1299 : memref<960xi32, #tpu.memory_space<vmem>>[vector<16xi32>], vector<16xi32>, vector<16xi1>
          %add3A_1300 = arith.constant 544 : i32
          %add3A_1301 = arith.addi %add3A_957, %add3A_1300 : i32
          %add3A_1302 = arith.constant 1 : i32
          %add3A_1303 = arith.addi %add3A_1301, %add3A_1302 : i32
          %add3A_1304 = vector.broadcast %add3A_1303 : i32 to vector<16xi32>
          %add3A_1305 = arith.addi %mul3A_3, %add3A_1304 : vector<16xi32>
          %gather3A_1306 = tpu.vector_load_idx %arg5[%add3A_1305] : memref<6800xf32, #tpu.memory_space<vmem>>[vector<16xi32>], vector<16xf32>,
          %convert_element_type3A_1307 = arith.fptosi %gather3A_1306 : vector<16xf32> to vector<16xi32>
          %max3A_1308 = arith.constant 0 : i32
          %max3A_1309 = vector.broadcast %max3A_1308 : i32 to vector<16xi32>
          %max3A_1310 = arith.maxsi %convert_element_type3A_1307, %max3A_1309 : vector<16xi32>
          %add3A_1311 = arith.constant 18 : i32
          %add3A_1312 = arith.addi %mul3A_975, %add3A_1311 : i32
          %add3A_1313 = vector.broadcast %add3A_1312 : i32 to vector<16xi32>
          %add3A_1314 = arith.addi %add3A_1313, %iota3A : vector<16xi32>
          tpu.vector_store_idx %arg6[%add3A_1314], %max3A_1310 : memref<960xi32, #tpu.memory_space<vmem>>[vector<16xi32>], vector<16xi32>,
          %add3A_1315 = arith.constant 816 : i32
          %add3A_1316 = arith.addi %add3A_957, %add3A_1315 : i32
          %add3A_1317 = arith.constant 1 : i32
          %add3A_1318 = arith.addi %add3A_1316, %add3A_1317 : i32
          %add3A_1319 = vector.broadcast %add3A_1318 : i32 to vector<16xi32>
          %add3A_1320 = arith.addi %mul3A_3, %add3A_1319 : vector<16xi32>
          %add3A_1321 = arith.constant 3400 : i32
          %add3A_1322 = arith.addi %mul3A_952, %add3A_1321 : i32
          %sub3A_1323 = arith.constant 1 : i32
          %sub3A_1324 = arith.subi %add3A_1322, %sub3A_1323 : i32
          %min3A_1325 = vector.broadcast %sub3A_1324 : i32 to vector<16xi32>
          %min3A_1326 = arith.minsi %add3A_1320, %min3A_1325 : vector<16xi32>
          %gather3A_1327 = tpu.vector_load_idx %arg5[%min3A_1326] : memref<6800xf32, #tpu.memory_space<vmem>>[vector<16xi32>], vector<16xf32>,
          %convert_element_type3A_1328 = arith.fptosi %gather3A_1327 : vector<16xf32> to vector<16xi32>
          %max3A_1329 = arith.constant 0 : i32
          %max3A_1330 = vector.broadcast %max3A_1329 : i32 to vector<16xi32>
          %max3A_1331 = arith.maxsi %convert_element_type3A_1328, %max3A_1330 : vector<16xi32>
          %add3A_1332 = arith.constant 18 : i32
          %add3A_1333 = arith.addi %mul3A_975, %add3A_1332 : i32
          %add3A_1334 = arith.constant 16 : i32
          %add3A_1335 = arith.addi %add3A_1333, %add3A_1334 : i32
          %add3A_1336 = vector.broadcast %add3A_1335 : i32 to vector<16xi32>
          %add3A_1337 = arith.addi %add3A_1336, %iota3A : vector<16xi32>
          %lt3A_1338 = arith.constant 2 : i32
          %lt3A_1339 = vector.broadcast %lt3A_1338 : i32 to vector<16xi32>
          %lt3A_1340 = arith.cmpi slt, %iota3A, %lt3A_1339 : vector<16xi32>
          tpu.vector_store_idx %arg6[%add3A_1337], %max3A_1331 masked %lt3A_1340 : memref<960xi32, #tpu.memory_space<vmem>>[vector<16xi32>], vector<16xi32>, vector<16xi1>
          %add3A_1341 = arith.constant 544 : i32
          %add3A_1342 = arith.addi %add3A_957, %add3A_1341 : i32
          %add3A_1343 = arith.constant 2 : i32
          %add3A_1344 = arith.addi %add3A_1342, %add3A_1343 : i32
          %add3A_1345 = vector.broadcast %add3A_1344 : i32 to vector<16xi32>
          %add3A_1346 = arith.addi %mul3A_3, %add3A_1345 : vector<16xi32>
          %gather3A_1347 = tpu.vector_load_idx %arg5[%add3A_1346] : memref<6800xf32, #tpu.memory_space<vmem>>[vector<16xi32>], vector<16xf32>,
          %convert_element_type3A_1348 = arith.fptosi %gather3A_1347 : vector<16xf32> to vector<16xi32>
          %max3A_1349 = arith.constant 0 : i32
          %max3A_1350 = vector.broadcast %max3A_1349 : i32 to vector<16xi32>
          %max3A_1351 = arith.maxsi %convert_element_type3A_1348, %max3A_1350 : vector<16xi32>
          %add3A_1352 = arith.constant 36 : i32
          %add3A_1353 = arith.addi %mul3A_975, %add3A_1352 : i32
          %add3A_1354 = vector.broadcast %add3A_1353 : i32 to vector<16xi32>
          %add3A_1355 = arith.addi %add3A_1354, %iota3A : vector<16xi32>
          tpu.vector_store_idx %arg6[%add3A_1355], %max3A_1351 : memref<960xi32, #tpu.memory_space<vmem>>[vector<16xi32>], vector<16xi32>,
          %add3A_1356 = arith.constant 816 : i32
          %add3A_1357 = arith.addi %add3A_957, %add3A_1356 : i32
          %add3A_1358 = arith.constant 2 : i32
          %add3A_1359 = arith.addi %add3A_1357, %add3A_1358 : i32
          %add3A_1360 = vector.broadcast %add3A_1359 : i32 to vector<16xi32>
          %add3A_1361 = arith.addi %mul3A_3, %add3A_1360 : vector<16xi32>
          %add3A_1362 = arith.constant 3400 : i32
          %add3A_1363 = arith.addi %mul3A_952, %add3A_1362 : i32
          %sub3A_1364 = arith.constant 1 : i32
          %sub3A_1365 = arith.subi %add3A_1363, %sub3A_1364 : i32
          %min3A_1366 = vector.broadcast %sub3A_1365 : i32 to vector<16xi32>
          %min3A_1367 = arith.minsi %add3A_1361, %min3A_1366 : vector<16xi32>
          %gather3A_1368 = tpu.vector_load_idx %arg5[%min3A_1367] : memref<6800xf32, #tpu.memory_space<vmem>>[vector<16xi32>], vector<16xf32>,
          %convert_element_type3A_1369 = arith.fptosi %gather3A_1368 : vector<16xf32> to vector<16xi32>
          %max3A_1370 = arith.constant 0 : i32
          %max3A_1371 = vector.broadcast %max3A_1370 : i32 to vector<16xi32>
          %max3A_1372 = arith.maxsi %convert_element_type3A_1369, %max3A_1371 : vector<16xi32>
          %add3A_1373 = arith.constant 36 : i32
          %add3A_1374 = arith.addi %mul3A_975, %add3A_1373 : i32
          %add3A_1375 = arith.constant 16 : i32
          %add3A_1376 = arith.addi %add3A_1374, %add3A_1375 : i32
          %add3A_1377 = vector.broadcast %add3A_1376 : i32 to vector<16xi32>
          %add3A_1378 = arith.addi %add3A_1377, %iota3A : vector<16xi32>
          %lt3A_1379 = arith.constant 2 : i32
          %lt3A_1380 = vector.broadcast %lt3A_1379 : i32 to vector<16xi32>
          %lt3A_1381 = arith.cmpi slt, %iota3A, %lt3A_1380 : vector<16xi32>
          tpu.vector_store_idx %arg6[%add3A_1378], %max3A_1372 masked %lt3A_1381 : memref<960xi32, #tpu.memory_space<vmem>>[vector<16xi32>], vector<16xi32>, vector<16xi1>
          %add3A_1382 = arith.constant 544 : i32
          %add3A_1383 = arith.addi %add3A_957, %add3A_1382 : i32
          %add3A_1384 = arith.constant 3 : i32
          %add3A_1385 = arith.addi %add3A_1383, %add3A_1384 : i32
          %add3A_1386 = vector.broadcast %add3A_1385 : i32 to vector<16xi32>
          %add3A_1387 = arith.addi %mul3A_3, %add3A_1386 : vector<16xi32>
          %gather3A_1388 = tpu.vector_load_idx %arg5[%add3A_1387] : memref<6800xf32, #tpu.memory_space<vmem>>[vector<16xi32>], vector<16xf32>,
          %convert_element_type3A_1389 = arith.fptosi %gather3A_1388 : vector<16xf32> to vector<16xi32>
          %max3A_1390 = arith.constant 0 : i32
          %max3A_1391 = vector.broadcast %max3A_1390 : i32 to vector<16xi32>
          %max3A_1392 = arith.maxsi %convert_element_type3A_1389, %max3A_1391 : vector<16xi32>
          %add3A_1393 = arith.constant 54 : i32
          %add3A_1394 = arith.addi %mul3A_975, %add3A_1393 : i32
          %add3A_1395 = vector.broadcast %add3A_1394 : i32 to vector<16xi32>
          %add3A_1396 = arith.addi %add3A_1395, %iota3A : vector<16xi32>
          tpu.vector_store_idx %arg6[%add3A_1396], %max3A_1392 : memref<960xi32, #tpu.memory_space<vmem>>[vector<16xi32>], vector<16xi32>,
          %add3A_1397 = arith.constant 816 : i32
          %add3A_1398 = arith.addi %add3A_957, %add3A_1397 : i32
          %add3A_1399 = arith.constant 3 : i32
          %add3A_1400 = arith.addi %add3A_1398, %add3A_1399 : i32
          %add3A_1401 = vector.broadcast %add3A_1400 : i32 to vector<16xi32>
          %add3A_1402 = arith.addi %mul3A_3, %add3A_1401 : vector<16xi32>
          %add3A_1403 = arith.constant 3400 : i32
          %add3A_1404 = arith.addi %mul3A_952, %add3A_1403 : i32
          %sub3A_1405 = arith.constant 1 : i32
          %sub3A_1406 = arith.subi %add3A_1404, %sub3A_1405 : i32
          %min3A_1407 = vector.broadcast %sub3A_1406 : i32 to vector<16xi32>
          %min3A_1408 = arith.minsi %add3A_1402, %min3A_1407 : vector<16xi32>
          %gather3A_1409 = tpu.vector_load_idx %arg5[%min3A_1408] : memref<6800xf32, #tpu.memory_space<vmem>>[vector<16xi32>], vector<16xf32>,
          %convert_element_type3A_1410 = arith.fptosi %gather3A_1409 : vector<16xf32> to vector<16xi32>
          %max3A_1411 = arith.constant 0 : i32
          %max3A_1412 = vector.broadcast %max3A_1411 : i32 to vector<16xi32>
          %max3A_1413 = arith.maxsi %convert_element_type3A_1410, %max3A_1412 : vector<16xi32>
          %add3A_1414 = arith.constant 54 : i32
          %add3A_1415 = arith.addi %mul3A_975, %add3A_1414 : i32
          %add3A_1416 = arith.constant 16 : i32
          %add3A_1417 = arith.addi %add3A_1415, %add3A_1416 : i32
          %add3A_1418 = vector.broadcast %add3A_1417 : i32 to vector<16xi32>
          %add3A_1419 = arith.addi %add3A_1418, %iota3A : vector<16xi32>
          %lt3A_1420 = arith.constant 2 : i32
          %lt3A_1421 = vector.broadcast %lt3A_1420 : i32 to vector<16xi32>
          %lt3A_1422 = arith.cmpi slt, %iota3A, %lt3A_1421 : vector<16xi32>
          tpu.vector_store_idx %arg6[%add3A_1419], %max3A_1413 masked %lt3A_1422 : memref<960xi32, #tpu.memory_space<vmem>>[vector<16xi32>], vector<16xi32>, vector<16xi1>
          %add3A_1423 = arith.constant 544 : i32
          %add3A_1424 = arith.addi %add3A_957, %add3A_1423 : i32
          %add3A_1425 = arith.constant 4 : i32
          %add3A_1426 = arith.addi %add3A_1424, %add3A_1425 : i32
          %add3A_1427 = vector.broadcast %add3A_1426 : i32 to vector<16xi32>
          %add3A_1428 = arith.addi %mul3A_3, %add3A_1427 : vector<16xi32>
          %gather3A_1429 = tpu.vector_load_idx %arg5[%add3A_1428] : memref<6800xf32, #tpu.memory_space<vmem>>[vector<16xi32>], vector<16xf32>,
          %convert_element_type3A_1430 = arith.fptosi %gather3A_1429 : vector<16xf32> to vector<16xi32>
          %max3A_1431 = arith.constant 0 : i32
          %max3A_1432 = vector.broadcast %max3A_1431 : i32 to vector<16xi32>
          %max3A_1433 = arith.maxsi %convert_element_type3A_1430, %max3A_1432 : vector<16xi32>
          %add3A_1434 = arith.constant 72 : i32
          %add3A_1435 = arith.addi %mul3A_975, %add3A_1434 : i32
          %add3A_1436 = vector.broadcast %add3A_1435 : i32 to vector<16xi32>
          %add3A_1437 = arith.addi %add3A_1436, %iota3A : vector<16xi32>
          tpu.vector_store_idx %arg6[%add3A_1437], %max3A_1433 : memref<960xi32, #tpu.memory_space<vmem>>[vector<16xi32>], vector<16xi32>,
          %add3A_1438 = arith.constant 816 : i32
          %add3A_1439 = arith.addi %add3A_957, %add3A_1438 : i32
          %add3A_1440 = arith.constant 4 : i32
          %add3A_1441 = arith.addi %add3A_1439, %add3A_1440 : i32
          %add3A_1442 = vector.broadcast %add3A_1441 : i32 to vector<16xi32>
          %add3A_1443 = arith.addi %mul3A_3, %add3A_1442 : vector<16xi32>
          %add3A_1444 = arith.constant 3400 : i32
          %add3A_1445 = arith.addi %mul3A_952, %add3A_1444 : i32
          %sub3A_1446 = arith.constant 1 : i32
          %sub3A_1447 = arith.subi %add3A_1445, %sub3A_1446 : i32
          %min3A_1448 = vector.broadcast %sub3A_1447 : i32 to vector<16xi32>
          %min3A_1449 = arith.minsi %add3A_1443, %min3A_1448 : vector<16xi32>
          %gather3A_1450 = tpu.vector_load_idx %arg5[%min3A_1449] : memref<6800xf32, #tpu.memory_space<vmem>>[vector<16xi32>], vector<16xf32>,
          %convert_element_type3A_1451 = arith.fptosi %gather3A_1450 : vector<16xf32> to vector<16xi32>
          %max3A_1452 = arith.constant 0 : i32
          %max3A_1453 = vector.broadcast %max3A_1452 : i32 to vector<16xi32>
          %max3A_1454 = arith.maxsi %convert_element_type3A_1451, %max3A_1453 : vector<16xi32>
          %add3A_1455 = arith.constant 72 : i32
          %add3A_1456 = arith.addi %mul3A_975, %add3A_1455 : i32
          %add3A_1457 = arith.constant 16 : i32
          %add3A_1458 = arith.addi %add3A_1456, %add3A_1457 : i32
          %add3A_1459 = vector.broadcast %add3A_1458 : i32 to vector<16xi32>
          %add3A_1460 = arith.addi %add3A_1459, %iota3A : vector<16xi32>
          %lt3A_1461 = arith.constant 2 : i32
          %lt3A_1462 = vector.broadcast %lt3A_1461 : i32 to vector<16xi32>
          %lt3A_1463 = arith.cmpi slt, %iota3A, %lt3A_1462 : vector<16xi32>
          tpu.vector_store_idx %arg6[%add3A_1460], %max3A_1454 masked %lt3A_1463 : memref<960xi32, #tpu.memory_space<vmem>>[vector<16xi32>], vector<16xi32>, vector<16xi1>
          %add3A_1464 = arith.constant 544 : i32
          %add3A_1465 = arith.addi %add3A_957, %add3A_1464 : i32
          %add3A_1466 = arith.constant 5 : i32
          %add3A_1467 = arith.addi %add3A_1465, %add3A_1466 : i32
          %add3A_1468 = vector.broadcast %add3A_1467 : i32 to vector<16xi32>
          %add3A_1469 = arith.addi %mul3A_3, %add3A_1468 : vector<16xi32>
          %gather3A_1470 = tpu.vector_load_idx %arg5[%add3A_1469] : memref<6800xf32, #tpu.memory_space<vmem>>[vector<16xi32>], vector<16xf32>,
          %convert_element_type3A_1471 = arith.fptosi %gather3A_1470 : vector<16xf32> to vector<16xi32>
          %max3A_1472 = arith.constant 0 : i32
          %max3A_1473 = vector.broadcast %max3A_1472 : i32 to vector<16xi32>
          %max3A_1474 = arith.maxsi %convert_element_type3A_1471, %max3A_1473 : vector<16xi32>
          %add3A_1475 = arith.constant 90 : i32
          %add3A_1476 = arith.addi %mul3A_975, %add3A_1475 : i32
          %add3A_1477 = vector.broadcast %add3A_1476 : i32 to vector<16xi32>
          %add3A_1478 = arith.addi %add3A_1477, %iota3A : vector<16xi32>
          tpu.vector_store_idx %arg6[%add3A_1478], %max3A_1474 : memref<960xi32, #tpu.memory_space<vmem>>[vector<16xi32>], vector<16xi32>,
          %add3A_1479 = arith.constant 816 : i32
          %add3A_1480 = arith.addi %add3A_957, %add3A_1479 : i32
          %add3A_1481 = arith.constant 5 : i32
          %add3A_1482 = arith.addi %add3A_1480, %add3A_1481 : i32
          %add3A_1483 = vector.broadcast %add3A_1482 : i32 to vector<16xi32>
          %add3A_1484 = arith.addi %mul3A_3, %add3A_1483 : vector<16xi32>
          %add3A_1485 = arith.constant 3400 : i32
          %add3A_1486 = arith.addi %mul3A_952, %add3A_1485 : i32
          %sub3A_1487 = arith.constant 1 : i32
          %sub3A_1488 = arith.subi %add3A_1486, %sub3A_1487 : i32
          %min3A_1489 = vector.broadcast %sub3A_1488 : i32 to vector<16xi32>
          %min3A_1490 = arith.minsi %add3A_1484, %min3A_1489 : vector<16xi32>
          %gather3A_1491 = tpu.vector_load_idx %arg5[%min3A_1490] : memref<6800xf32, #tpu.memory_space<vmem>>[vector<16xi32>], vector<16xf32>,
          %convert_element_type3A_1492 = arith.fptosi %gather3A_1491 : vector<16xf32> to vector<16xi32>
          %max3A_1493 = arith.constant 0 : i32
          %max3A_1494 = vector.broadcast %max3A_1493 : i32 to vector<16xi32>
          %max3A_1495 = arith.maxsi %convert_element_type3A_1492, %max3A_1494 : vector<16xi32>
          %add3A_1496 = arith.constant 90 : i32
          %add3A_1497 = arith.addi %mul3A_975, %add3A_1496 : i32
          %add3A_1498 = arith.constant 16 : i32
          %add3A_1499 = arith.addi %add3A_1497, %add3A_1498 : i32
          %add3A_1500 = vector.broadcast %add3A_1499 : i32 to vector<16xi32>
          %add3A_1501 = arith.addi %add3A_1500, %iota3A : vector<16xi32>
          %lt3A_1502 = arith.constant 2 : i32
          %lt3A_1503 = vector.broadcast %lt3A_1502 : i32 to vector<16xi32>
          %lt3A_1504 = arith.cmpi slt, %iota3A, %lt3A_1503 : vector<16xi32>
          tpu.vector_store_idx %arg6[%add3A_1501], %max3A_1495 masked %lt3A_1504 : memref<960xi32, #tpu.memory_space<vmem>>[vector<16xi32>], vector<16xi32>, vector<16xi1>
          %add3A_1505 = arith.constant 544 : i32
          %add3A_1506 = arith.addi %add3A_957, %add3A_1505 : i32
          %add3A_1507 = arith.constant 6 : i32
          %add3A_1508 = arith.addi %add3A_1506, %add3A_1507 : i32
          %add3A_1509 = vector.broadcast %add3A_1508 : i32 to vector<16xi32>
          %add3A_1510 = arith.addi %mul3A_3, %add3A_1509 : vector<16xi32>
          %gather3A_1511 = tpu.vector_load_idx %arg5[%add3A_1510] : memref<6800xf32, #tpu.memory_space<vmem>>[vector<16xi32>], vector<16xf32>,
          %convert_element_type3A_1512 = arith.fptosi %gather3A_1511 : vector<16xf32> to vector<16xi32>
          %max3A_1513 = arith.constant 0 : i32
          %max3A_1514 = vector.broadcast %max3A_1513 : i32 to vector<16xi32>
          %max3A_1515 = arith.maxsi %convert_element_type3A_1512, %max3A_1514 : vector<16xi32>
          %add3A_1516 = arith.constant 108 : i32
          %add3A_1517 = arith.addi %mul3A_975, %add3A_1516 : i32
          %add3A_1518 = vector.broadcast %add3A_1517 : i32 to vector<16xi32>
          %add3A_1519 = arith.addi %add3A_1518, %iota3A : vector<16xi32>
          tpu.vector_store_idx %arg6[%add3A_1519], %max3A_1515 : memref<960xi32, #tpu.memory_space<vmem>>[vector<16xi32>], vector<16xi32>,
          %add3A_1520 = arith.constant 816 : i32
          %add3A_1521 = arith.addi %add3A_957, %add3A_1520 : i32
          %add3A_1522 = arith.constant 6 : i32
          %add3A_1523 = arith.addi %add3A_1521, %add3A_1522 : i32
          %add3A_1524 = vector.broadcast %add3A_1523 : i32 to vector<16xi32>
          %add3A_1525 = arith.addi %mul3A_3, %add3A_1524 : vector<16xi32>
          %add3A_1526 = arith.constant 3400 : i32
          %add3A_1527 = arith.addi %mul3A_952, %add3A_1526 : i32
          %sub3A_1528 = arith.constant 1 : i32
          %sub3A_1529 = arith.subi %add3A_1527, %sub3A_1528 : i32
          %min3A_1530 = vector.broadcast %sub3A_1529 : i32 to vector<16xi32>
          %min3A_1531 = arith.minsi %add3A_1525, %min3A_1530 : vector<16xi32>
          %gather3A_1532 = tpu.vector_load_idx %arg5[%min3A_1531] : memref<6800xf32, #tpu.memory_space<vmem>>[vector<16xi32>], vector<16xf32>,
          %convert_element_type3A_1533 = arith.fptosi %gather3A_1532 : vector<16xf32> to vector<16xi32>
          %max3A_1534 = arith.constant 0 : i32
          %max3A_1535 = vector.broadcast %max3A_1534 : i32 to vector<16xi32>
          %max3A_1536 = arith.maxsi %convert_element_type3A_1533, %max3A_1535 : vector<16xi32>
          %add3A_1537 = arith.constant 108 : i32
          %add3A_1538 = arith.addi %mul3A_975, %add3A_1537 : i32
          %add3A_1539 = arith.constant 16 : i32
          %add3A_1540 = arith.addi %add3A_1538, %add3A_1539 : i32
          %add3A_1541 = vector.broadcast %add3A_1540 : i32 to vector<16xi32>
          %add3A_1542 = arith.addi %add3A_1541, %iota3A : vector<16xi32>
          %lt3A_1543 = arith.constant 2 : i32
          %lt3A_1544 = vector.broadcast %lt3A_1543 : i32 to vector<16xi32>
          %lt3A_1545 = arith.cmpi slt, %iota3A, %lt3A_1544 : vector<16xi32>
          tpu.vector_store_idx %arg6[%add3A_1542], %max3A_1536 masked %lt3A_1545 : memref<960xi32, #tpu.memory_space<vmem>>[vector<16xi32>], vector<16xi32>, vector<16xi1>
          %add3A_1546 = arith.constant 544 : i32
          %add3A_1547 = arith.addi %add3A_957, %add3A_1546 : i32
          %add3A_1548 = arith.constant 7 : i32
          %add3A_1549 = arith.addi %add3A_1547, %add3A_1548 : i32
          %add3A_1550 = vector.broadcast %add3A_1549 : i32 to vector<16xi32>
          %add3A_1551 = arith.addi %mul3A_3, %add3A_1550 : vector<16xi32>
          %gather3A_1552 = tpu.vector_load_idx %arg5[%add3A_1551] : memref<6800xf32, #tpu.memory_space<vmem>>[vector<16xi32>], vector<16xf32>,
          %convert_element_type3A_1553 = arith.fptosi %gather3A_1552 : vector<16xf32> to vector<16xi32>
          %max3A_1554 = arith.constant 0 : i32
          %max3A_1555 = vector.broadcast %max3A_1554 : i32 to vector<16xi32>
          %max3A_1556 = arith.maxsi %convert_element_type3A_1553, %max3A_1555 : vector<16xi32>
          %add3A_1557 = arith.constant 126 : i32
          %add3A_1558 = arith.addi %mul3A_975, %add3A_1557 : i32
          %add3A_1559 = vector.broadcast %add3A_1558 : i32 to vector<16xi32>
          %add3A_1560 = arith.addi %add3A_1559, %iota3A : vector<16xi32>
          tpu.vector_store_idx %arg6[%add3A_1560], %max3A_1556 : memref<960xi32, #tpu.memory_space<vmem>>[vector<16xi32>], vector<16xi32>,
          %add3A_1561 = arith.constant 816 : i32
          %add3A_1562 = arith.addi %add3A_957, %add3A_1561 : i32
          %add3A_1563 = arith.constant 7 : i32
          %add3A_1564 = arith.addi %add3A_1562, %add3A_1563 : i32
          %add3A_1565 = vector.broadcast %add3A_1564 : i32 to vector<16xi32>
          %add3A_1566 = arith.addi %mul3A_3, %add3A_1565 : vector<16xi32>
          %add3A_1567 = arith.constant 3400 : i32
          %add3A_1568 = arith.addi %mul3A_952, %add3A_1567 : i32
          %sub3A_1569 = arith.constant 1 : i32
          %sub3A_1570 = arith.subi %add3A_1568, %sub3A_1569 : i32
          %min3A_1571 = vector.broadcast %sub3A_1570 : i32 to vector<16xi32>
          %min3A_1572 = arith.minsi %add3A_1566, %min3A_1571 : vector<16xi32>
          %gather3A_1573 = tpu.vector_load_idx %arg5[%min3A_1572] : memref<6800xf32, #tpu.memory_space<vmem>>[vector<16xi32>], vector<16xf32>,
          %convert_element_type3A_1574 = arith.fptosi %gather3A_1573 : vector<16xf32> to vector<16xi32>
          %max3A_1575 = arith.constant 0 : i32
          %max3A_1576 = vector.broadcast %max3A_1575 : i32 to vector<16xi32>
          %max3A_1577 = arith.maxsi %convert_element_type3A_1574, %max3A_1576 : vector<16xi32>
          %add3A_1578 = arith.constant 126 : i32
          %add3A_1579 = arith.addi %mul3A_975, %add3A_1578 : i32
          %add3A_1580 = arith.constant 16 : i32
          %add3A_1581 = arith.addi %add3A_1579, %add3A_1580 : i32
          %add3A_1582 = vector.broadcast %add3A_1581 : i32 to vector<16xi32>
          %add3A_1583 = arith.addi %add3A_1582, %iota3A : vector<16xi32>
          %lt3A_1584 = arith.constant 2 : i32
          %lt3A_1585 = vector.broadcast %lt3A_1584 : i32 to vector<16xi32>
          %lt3A_1586 = arith.cmpi slt, %iota3A, %lt3A_1585 : vector<16xi32>
          tpu.vector_store_idx %arg6[%add3A_1583], %max3A_1577 masked %lt3A_1586 : memref<960xi32, #tpu.memory_space<vmem>>[vector<16xi32>], vector<16xi32>, vector<16xi1>
          %add3A_1587 = arith.constant 544 : i32
          %add3A_1588 = arith.addi %add3A_957, %add3A_1587 : i32
          %add3A_1589 = arith.constant 8 : i32
          %add3A_1590 = arith.addi %add3A_1588, %add3A_1589 : i32
          %add3A_1591 = vector.broadcast %add3A_1590 : i32 to vector<16xi32>
          %add3A_1592 = arith.addi %mul3A_3, %add3A_1591 : vector<16xi32>
          %gather3A_1593 = tpu.vector_load_idx %arg5[%add3A_1592] : memref<6800xf32, #tpu.memory_space<vmem>>[vector<16xi32>], vector<16xf32>,
          %convert_element_type3A_1594 = arith.fptosi %gather3A_1593 : vector<16xf32> to vector<16xi32>
          %max3A_1595 = arith.constant 0 : i32
          %max3A_1596 = vector.broadcast %max3A_1595 : i32 to vector<16xi32>
          %max3A_1597 = arith.maxsi %convert_element_type3A_1594, %max3A_1596 : vector<16xi32>
          %add3A_1598 = arith.constant 144 : i32
          %add3A_1599 = arith.addi %mul3A_975, %add3A_1598 : i32
          %add3A_1600 = vector.broadcast %add3A_1599 : i32 to vector<16xi32>
          %add3A_1601 = arith.addi %add3A_1600, %iota3A : vector<16xi32>
          tpu.vector_store_idx %arg6[%add3A_1601], %max3A_1597 : memref<960xi32, #tpu.memory_space<vmem>>[vector<16xi32>], vector<16xi32>,
          %add3A_1602 = arith.constant 816 : i32
          %add3A_1603 = arith.addi %add3A_957, %add3A_1602 : i32
          %add3A_1604 = arith.constant 8 : i32
          %add3A_1605 = arith.addi %add3A_1603, %add3A_1604 : i32
          %add3A_1606 = vector.broadcast %add3A_1605 : i32 to vector<16xi32>
          %add3A_1607 = arith.addi %mul3A_3, %add3A_1606 : vector<16xi32>
          %add3A_1608 = arith.constant 3400 : i32
          %add3A_1609 = arith.addi %mul3A_952, %add3A_1608 : i32
          %sub3A_1610 = arith.constant 1 : i32
          %sub3A_1611 = arith.subi %add3A_1609, %sub3A_1610 : i32
          %min3A_1612 = vector.broadcast %sub3A_1611 : i32 to vector<16xi32>
          %min3A_1613 = arith.minsi %add3A_1607, %min3A_1612 : vector<16xi32>
          %gather3A_1614 = tpu.vector_load_idx %arg5[%min3A_1613] : memref<6800xf32, #tpu.memory_space<vmem>>[vector<16xi32>], vector<16xf32>,
          %convert_element_type3A_1615 = arith.fptosi %gather3A_1614 : vector<16xf32> to vector<16xi32>
          %max3A_1616 = arith.constant 0 : i32
          %max3A_1617 = vector.broadcast %max3A_1616 : i32 to vector<16xi32>
          %max3A_1618 = arith.maxsi %convert_element_type3A_1615, %max3A_1617 : vector<16xi32>
          %add3A_1619 = arith.constant 144 : i32
          %add3A_1620 = arith.addi %mul3A_975, %add3A_1619 : i32
          %add3A_1621 = arith.constant 16 : i32
          %add3A_1622 = arith.addi %add3A_1620, %add3A_1621 : i32
          %add3A_1623 = vector.broadcast %add3A_1622 : i32 to vector<16xi32>
          %add3A_1624 = arith.addi %add3A_1623, %iota3A : vector<16xi32>
          %lt3A_1625 = arith.constant 2 : i32
          %lt3A_1626 = vector.broadcast %lt3A_1625 : i32 to vector<16xi32>
          %lt3A_1627 = arith.cmpi slt, %iota3A, %lt3A_1626 : vector<16xi32>
          tpu.vector_store_idx %arg6[%add3A_1624], %max3A_1618 masked %lt3A_1627 : memref<960xi32, #tpu.memory_space<vmem>>[vector<16xi32>], vector<16xi32>, vector<16xi1>
          %add3A_1628 = arith.constant 544 : i32
          %add3A_1629 = arith.addi %add3A_957, %add3A_1628 : i32
          %add3A_1630 = arith.constant 9 : i32
          %add3A_1631 = arith.addi %add3A_1629, %add3A_1630 : i32
          %add3A_1632 = vector.broadcast %add3A_1631 : i32 to vector<16xi32>
          %add3A_1633 = arith.addi %mul3A_3, %add3A_1632 : vector<16xi32>
          %gather3A_1634 = tpu.vector_load_idx %arg5[%add3A_1633] : memref<6800xf32, #tpu.memory_space<vmem>>[vector<16xi32>], vector<16xf32>,
          %convert_element_type3A_1635 = arith.fptosi %gather3A_1634 : vector<16xf32> to vector<16xi32>
          %max3A_1636 = arith.constant 0 : i32
          %max3A_1637 = vector.broadcast %max3A_1636 : i32 to vector<16xi32>
          %max3A_1638 = arith.maxsi %convert_element_type3A_1635, %max3A_1637 : vector<16xi32>
          %add3A_1639 = arith.constant 162 : i32
          %add3A_1640 = arith.addi %mul3A_975, %add3A_1639 : i32
          %add3A_1641 = vector.broadcast %add3A_1640 : i32 to vector<16xi32>
          %add3A_1642 = arith.addi %add3A_1641, %iota3A : vector<16xi32>
          tpu.vector_store_idx %arg6[%add3A_1642], %max3A_1638 : memref<960xi32, #tpu.memory_space<vmem>>[vector<16xi32>], vector<16xi32>,
          %add3A_1643 = arith.constant 816 : i32
          %add3A_1644 = arith.addi %add3A_957, %add3A_1643 : i32
          %add3A_1645 = arith.constant 9 : i32
          %add3A_1646 = arith.addi %add3A_1644, %add3A_1645 : i32
          %add3A_1647 = vector.broadcast %add3A_1646 : i32 to vector<16xi32>
          %add3A_1648 = arith.addi %mul3A_3, %add3A_1647 : vector<16xi32>
          %add3A_1649 = arith.constant 3400 : i32
          %add3A_1650 = arith.addi %mul3A_952, %add3A_1649 : i32
          %sub3A_1651 = arith.constant 1 : i32
          %sub3A_1652 = arith.subi %add3A_1650, %sub3A_1651 : i32
          %min3A_1653 = vector.broadcast %sub3A_1652 : i32 to vector<16xi32>
          %min3A_1654 = arith.minsi %add3A_1648, %min3A_1653 : vector<16xi32>
          %gather3A_1655 = tpu.vector_load_idx %arg5[%min3A_1654] : memref<6800xf32, #tpu.memory_space<vmem>>[vector<16xi32>], vector<16xf32>,
          %convert_element_type3A_1656 = arith.fptosi %gather3A_1655 : vector<16xf32> to vector<16xi32>
          %max3A_1657 = arith.constant 0 : i32
          %max3A_1658 = vector.broadcast %max3A_1657 : i32 to vector<16xi32>
          %max3A_1659 = arith.maxsi %convert_element_type3A_1656, %max3A_1658 : vector<16xi32>
          %add3A_1660 = arith.constant 162 : i32
          %add3A_1661 = arith.addi %mul3A_975, %add3A_1660 : i32
          %add3A_1662 = arith.constant 16 : i32
          %add3A_1663 = arith.addi %add3A_1661, %add3A_1662 : i32
          %add3A_1664 = vector.broadcast %add3A_1663 : i32 to vector<16xi32>
          %add3A_1665 = arith.addi %add3A_1664, %iota3A : vector<16xi32>
          %lt3A_1666 = arith.constant 2 : i32
          %lt3A_1667 = vector.broadcast %lt3A_1666 : i32 to vector<16xi32>
          %lt3A_1668 = arith.cmpi slt, %iota3A, %lt3A_1667 : vector<16xi32>
          tpu.vector_store_idx %arg6[%add3A_1665], %max3A_1659 masked %lt3A_1668 : memref<960xi32, #tpu.memory_space<vmem>>[vector<16xi32>], vector<16xi32>, vector<16xi1>
          %add3A_1669 = arith.constant 544 : i32
          %add3A_1670 = arith.addi %add3A_957, %add3A_1669 : i32
          %add3A_1671 = arith.constant 10 : i32
          %add3A_1672 = arith.addi %add3A_1670, %add3A_1671 : i32
          %add3A_1673 = vector.broadcast %add3A_1672 : i32 to vector<16xi32>
          %add3A_1674 = arith.addi %mul3A_3, %add3A_1673 : vector<16xi32>
          %gather3A_1675 = tpu.vector_load_idx %arg5[%add3A_1674] : memref<6800xf32, #tpu.memory_space<vmem>>[vector<16xi32>], vector<16xf32>,
          %convert_element_type3A_1676 = arith.fptosi %gather3A_1675 : vector<16xf32> to vector<16xi32>
          %max3A_1677 = arith.constant 0 : i32
          %max3A_1678 = vector.broadcast %max3A_1677 : i32 to vector<16xi32>
          %max3A_1679 = arith.maxsi %convert_element_type3A_1676, %max3A_1678 : vector<16xi32>
          %add3A_1680 = arith.constant 180 : i32
          %add3A_1681 = arith.addi %mul3A_975, %add3A_1680 : i32
          %add3A_1682 = vector.broadcast %add3A_1681 : i32 to vector<16xi32>
          %add3A_1683 = arith.addi %add3A_1682, %iota3A : vector<16xi32>
          tpu.vector_store_idx %arg6[%add3A_1683], %max3A_1679 : memref<960xi32, #tpu.memory_space<vmem>>[vector<16xi32>], vector<16xi32>,
          %add3A_1684 = arith.constant 816 : i32
          %add3A_1685 = arith.addi %add3A_957, %add3A_1684 : i32
          %add3A_1686 = arith.constant 10 : i32
          %add3A_1687 = arith.addi %add3A_1685, %add3A_1686 : i32
          %add3A_1688 = vector.broadcast %add3A_1687 : i32 to vector<16xi32>
          %add3A_1689 = arith.addi %mul3A_3, %add3A_1688 : vector<16xi32>
          %add3A_1690 = arith.constant 3400 : i32
          %add3A_1691 = arith.addi %mul3A_952, %add3A_1690 : i32
          %sub3A_1692 = arith.constant 1 : i32
          %sub3A_1693 = arith.subi %add3A_1691, %sub3A_1692 : i32
          %min3A_1694 = vector.broadcast %sub3A_1693 : i32 to vector<16xi32>
          %min3A_1695 = arith.minsi %add3A_1689, %min3A_1694 : vector<16xi32>
          %gather3A_1696 = tpu.vector_load_idx %arg5[%min3A_1695] : memref<6800xf32, #tpu.memory_space<vmem>>[vector<16xi32>], vector<16xf32>,
          %convert_element_type3A_1697 = arith.fptosi %gather3A_1696 : vector<16xf32> to vector<16xi32>
          %max3A_1698 = arith.constant 0 : i32
          %max3A_1699 = vector.broadcast %max3A_1698 : i32 to vector<16xi32>
          %max3A_1700 = arith.maxsi %convert_element_type3A_1697, %max3A_1699 : vector<16xi32>
          %add3A_1701 = arith.constant 180 : i32
          %add3A_1702 = arith.addi %mul3A_975, %add3A_1701 : i32
          %add3A_1703 = arith.constant 16 : i32
          %add3A_1704 = arith.addi %add3A_1702, %add3A_1703 : i32
          %add3A_1705 = vector.broadcast %add3A_1704 : i32 to vector<16xi32>
          %add3A_1706 = arith.addi %add3A_1705, %iota3A : vector<16xi32>
          %lt3A_1707 = arith.constant 2 : i32
          %lt3A_1708 = vector.broadcast %lt3A_1707 : i32 to vector<16xi32>
          %lt3A_1709 = arith.cmpi slt, %iota3A, %lt3A_1708 : vector<16xi32>
          tpu.vector_store_idx %arg6[%add3A_1706], %max3A_1700 masked %lt3A_1709 : memref<960xi32, #tpu.memory_space<vmem>>[vector<16xi32>], vector<16xi32>, vector<16xi1>
          %add3A_1710 = arith.constant 544 : i32
          %add3A_1711 = arith.addi %add3A_957, %add3A_1710 : i32
          %add3A_1712 = arith.constant 11 : i32
          %add3A_1713 = arith.addi %add3A_1711, %add3A_1712 : i32
          %add3A_1714 = vector.broadcast %add3A_1713 : i32 to vector<16xi32>
          %add3A_1715 = arith.addi %mul3A_3, %add3A_1714 : vector<16xi32>
          %gather3A_1716 = tpu.vector_load_idx %arg5[%add3A_1715] : memref<6800xf32, #tpu.memory_space<vmem>>[vector<16xi32>], vector<16xf32>,
          %convert_element_type3A_1717 = arith.fptosi %gather3A_1716 : vector<16xf32> to vector<16xi32>
          %max3A_1718 = arith.constant 0 : i32
          %max3A_1719 = vector.broadcast %max3A_1718 : i32 to vector<16xi32>
          %max3A_1720 = arith.maxsi %convert_element_type3A_1717, %max3A_1719 : vector<16xi32>
          %add3A_1721 = arith.constant 198 : i32
          %add3A_1722 = arith.addi %mul3A_975, %add3A_1721 : i32
          %add3A_1723 = vector.broadcast %add3A_1722 : i32 to vector<16xi32>
          %add3A_1724 = arith.addi %add3A_1723, %iota3A : vector<16xi32>
          tpu.vector_store_idx %arg6[%add3A_1724], %max3A_1720 : memref<960xi32, #tpu.memory_space<vmem>>[vector<16xi32>], vector<16xi32>,
          %add3A_1725 = arith.constant 816 : i32
          %add3A_1726 = arith.addi %add3A_957, %add3A_1725 : i32
          %add3A_1727 = arith.constant 11 : i32
          %add3A_1728 = arith.addi %add3A_1726, %add3A_1727 : i32
          %add3A_1729 = vector.broadcast %add3A_1728 : i32 to vector<16xi32>
          %add3A_1730 = arith.addi %mul3A_3, %add3A_1729 : vector<16xi32>
          %add3A_1731 = arith.constant 3400 : i32
          %add3A_1732 = arith.addi %mul3A_952, %add3A_1731 : i32
          %sub3A_1733 = arith.constant 1 : i32
          %sub3A_1734 = arith.subi %add3A_1732, %sub3A_1733 : i32
          %min3A_1735 = vector.broadcast %sub3A_1734 : i32 to vector<16xi32>
          %min3A_1736 = arith.minsi %add3A_1730, %min3A_1735 : vector<16xi32>
          %gather3A_1737 = tpu.vector_load_idx %arg5[%min3A_1736] : memref<6800xf32, #tpu.memory_space<vmem>>[vector<16xi32>], vector<16xf32>,
          %convert_element_type3A_1738 = arith.fptosi %gather3A_1737 : vector<16xf32> to vector<16xi32>
          %max3A_1739 = arith.constant 0 : i32
          %max3A_1740 = vector.broadcast %max3A_1739 : i32 to vector<16xi32>
          %max3A_1741 = arith.maxsi %convert_element_type3A_1738, %max3A_1740 : vector<16xi32>
          %add3A_1742 = arith.constant 198 : i32
          %add3A_1743 = arith.addi %mul3A_975, %add3A_1742 : i32
          %add3A_1744 = arith.constant 16 : i32
          %add3A_1745 = arith.addi %add3A_1743, %add3A_1744 : i32
          %add3A_1746 = vector.broadcast %add3A_1745 : i32 to vector<16xi32>
          %add3A_1747 = arith.addi %add3A_1746, %iota3A : vector<16xi32>
          %lt3A_1748 = arith.constant 2 : i32
          %lt3A_1749 = vector.broadcast %lt3A_1748 : i32 to vector<16xi32>
          %lt3A_1750 = arith.cmpi slt, %iota3A, %lt3A_1749 : vector<16xi32>
          tpu.vector_store_idx %arg6[%add3A_1747], %max3A_1741 masked %lt3A_1750 : memref<960xi32, #tpu.memory_space<vmem>>[vector<16xi32>], vector<16xi32>, vector<16xi1>
          %add3A_1751 = arith.constant 544 : i32
          %add3A_1752 = arith.addi %add3A_957, %add3A_1751 : i32
          %add3A_1753 = arith.constant 12 : i32
          %add3A_1754 = arith.addi %add3A_1752, %add3A_1753 : i32
          %add3A_1755 = vector.broadcast %add3A_1754 : i32 to vector<16xi32>
          %add3A_1756 = arith.addi %mul3A_3, %add3A_1755 : vector<16xi32>
          %gather3A_1757 = tpu.vector_load_idx %arg5[%add3A_1756] : memref<6800xf32, #tpu.memory_space<vmem>>[vector<16xi32>], vector<16xf32>,
          %convert_element_type3A_1758 = arith.fptosi %gather3A_1757 : vector<16xf32> to vector<16xi32>
          %max3A_1759 = arith.constant 0 : i32
          %max3A_1760 = vector.broadcast %max3A_1759 : i32 to vector<16xi32>
          %max3A_1761 = arith.maxsi %convert_element_type3A_1758, %max3A_1760 : vector<16xi32>
          %add3A_1762 = arith.constant 216 : i32
          %add3A_1763 = arith.addi %mul3A_975, %add3A_1762 : i32
          %add3A_1764 = vector.broadcast %add3A_1763 : i32 to vector<16xi32>
          %add3A_1765 = arith.addi %add3A_1764, %iota3A : vector<16xi32>
          tpu.vector_store_idx %arg6[%add3A_1765], %max3A_1761 : memref<960xi32, #tpu.memory_space<vmem>>[vector<16xi32>], vector<16xi32>,
          %add3A_1766 = arith.constant 816 : i32
          %add3A_1767 = arith.addi %add3A_957, %add3A_1766 : i32
          %add3A_1768 = arith.constant 12 : i32
          %add3A_1769 = arith.addi %add3A_1767, %add3A_1768 : i32
          %add3A_1770 = vector.broadcast %add3A_1769 : i32 to vector<16xi32>
          %add3A_1771 = arith.addi %mul3A_3, %add3A_1770 : vector<16xi32>
          %add3A_1772 = arith.constant 3400 : i32
          %add3A_1773 = arith.addi %mul3A_952, %add3A_1772 : i32
          %sub3A_1774 = arith.constant 1 : i32
          %sub3A_1775 = arith.subi %add3A_1773, %sub3A_1774 : i32
          %min3A_1776 = vector.broadcast %sub3A_1775 : i32 to vector<16xi32>
          %min3A_1777 = arith.minsi %add3A_1771, %min3A_1776 : vector<16xi32>
          %gather3A_1778 = tpu.vector_load_idx %arg5[%min3A_1777] : memref<6800xf32, #tpu.memory_space<vmem>>[vector<16xi32>], vector<16xf32>,
          %convert_element_type3A_1779 = arith.fptosi %gather3A_1778 : vector<16xf32> to vector<16xi32>
          %max3A_1780 = arith.constant 0 : i32
          %max3A_1781 = vector.broadcast %max3A_1780 : i32 to vector<16xi32>
          %max3A_1782 = arith.maxsi %convert_element_type3A_1779, %max3A_1781 : vector<16xi32>
          %add3A_1783 = arith.constant 216 : i32
          %add3A_1784 = arith.addi %mul3A_975, %add3A_1783 : i32
          %add3A_1785 = arith.constant 16 : i32
          %add3A_1786 = arith.addi %add3A_1784, %add3A_1785 : i32
          %add3A_1787 = vector.broadcast %add3A_1786 : i32 to vector<16xi32>
          %add3A_1788 = arith.addi %add3A_1787, %iota3A : vector<16xi32>
          %lt3A_1789 = arith.constant 2 : i32
          %lt3A_1790 = vector.broadcast %lt3A_1789 : i32 to vector<16xi32>
          %lt3A_1791 = arith.cmpi slt, %iota3A, %lt3A_1790 : vector<16xi32>
          tpu.vector_store_idx %arg6[%add3A_1788], %max3A_1782 masked %lt3A_1791 : memref<960xi32, #tpu.memory_space<vmem>>[vector<16xi32>], vector<16xi32>, vector<16xi1>
          %add3A_1792 = arith.constant 234 : i32
          %add3A_1793 = arith.addi %mul3A_975, %add3A_1792 : i32
          %add3A_1794 = vector.broadcast %add3A_1793 : i32 to vector<16xi32>
          %add3A_1795 = arith.addi %add3A_1794, %iota3A : vector<16xi32>
          %lt3A_1796 = arith.constant 6 : i32
          %lt3A_1797 = vector.broadcast %lt3A_1796 : i32 to vector<16xi32>
          %lt3A_1798 = arith.cmpi slt, %iota3A, %lt3A_1797 : vector<16xi32>
          tpu.vector_store_idx %arg6[%add3A_1795], %broadcast_in_dim3A_6 masked %lt3A_1798 : memref<960xi32, #tpu.memory_space<vmem>>[vector<16xi32>], vector<16xi32>, vector<16xi1>
          %cond3A_1799 = arith.constant 0 : i32
          scf.yield %cond3A_1799 : i32
        } else {
          %mul3A_1260 = arith.constant 16 : i32
          %mul3A_1261 = arith.muli %mul3A_1260, %select_n3A_910 : i32
          %mul3A_1262 = arith.constant 17 : i32
          %mul3A_1263 = arith.muli %mul3A_1262, %mul3A_1261 : i32
          %add3A_1264 = arith.addi %add3A_957, %mul3A_1263 : i32
          %add3A_1265 = arith.constant 0 : i32
          %add3A_1266 = arith.addi %add3A_1264, %add3A_1265 : i32
          %add3A_1267 = vector.broadcast %add3A_1266 : i32 to vector<16xi32>
          %add3A_1268 = arith.addi %mul3A_3, %add3A_1267 : vector<16xi32>
          %gather3A_1269 = tpu.vector_load_idx %arg5[%add3A_1268] : memref<6800xf32, #tpu.memory_space<vmem>>[vector<16xi32>], vector<16xf32>,
          %convert_element_type3A_1270 = arith.fptosi %gather3A_1269 : vector<16xf32> to vector<16xi32>
          %max3A_1271 = arith.constant 0 : i32
          %max3A_1272 = vector.broadcast %max3A_1271 : i32 to vector<16xi32>
          %max3A_1273 = arith.maxsi %convert_element_type3A_1270, %max3A_1272 : vector<16xi32>
          %add3A_1274 = arith.constant 0 : i32
          %add3A_1275 = arith.addi %mul3A_975, %add3A_1274 : i32
          %swap3A_1276 = arith.index_cast %add3A_1275 : i32 to index
          %swap3A_1277 = tpu.vector_load %arg6[%swap3A_1276] {strides = array<i32>} : memref<960xi32, #tpu.memory_space<vmem>>, vector<16xi32>,
          tpu.vector_store %arg6[%swap3A_1276], %max3A_1273 {strides = array<i32>} : memref<960xi32, #tpu.memory_space<vmem>>, vector<16xi32>,
          %mul3A_1278 = arith.constant 16 : i32
          %mul3A_1279 = arith.muli %mul3A_1278, %select_n3A_910 : i32
          %mul3A_1280 = arith.constant 17 : i32
          %mul3A_1281 = arith.muli %mul3A_1280, %mul3A_1279 : i32
          %add3A_1282 = arith.addi %add3A_957, %mul3A_1281 : i32
          %add3A_1283 = arith.constant 1 : i32
          %add3A_1284 = arith.addi %add3A_1282, %add3A_1283 : i32
          %add3A_1285 = vector.broadcast %add3A_1284 : i32 to vector<16xi32>
          %add3A_1286 = arith.addi %mul3A_3, %add3A_1285 : vector<16xi32>
          %gather3A_1287 = tpu.vector_load_idx %arg5[%add3A_1286] : memref<6800xf32, #tpu.memory_space<vmem>>[vector<16xi32>], vector<16xf32>,
          %convert_element_type3A_1288 = arith.fptosi %gather3A_1287 : vector<16xf32> to vector<16xi32>
          %max3A_1289 = arith.constant 0 : i32
          %max3A_1290 = vector.broadcast %max3A_1289 : i32 to vector<16xi32>
          %max3A_1291 = arith.maxsi %convert_element_type3A_1288, %max3A_1290 : vector<16xi32>
          %add3A_1292 = arith.constant 16 : i32
          %add3A_1293 = arith.addi %mul3A_975, %add3A_1292 : i32
          %swap3A_1294 = arith.index_cast %add3A_1293 : i32 to index
          %swap3A_1295 = tpu.vector_load %arg6[%swap3A_1294] {strides = array<i32>} : memref<960xi32, #tpu.memory_space<vmem>>, vector<16xi32>,
          tpu.vector_store %arg6[%swap3A_1294], %max3A_1291 {strides = array<i32>} : memref<960xi32, #tpu.memory_space<vmem>>, vector<16xi32>,
          %mul3A_1296 = arith.constant 16 : i32
          %mul3A_1297 = arith.muli %mul3A_1296, %select_n3A_910 : i32
          %mul3A_1298 = arith.constant 17 : i32
          %mul3A_1299 = arith.muli %mul3A_1298, %mul3A_1297 : i32
          %add3A_1300 = arith.addi %add3A_957, %mul3A_1299 : i32
          %add3A_1301 = arith.constant 2 : i32
          %add3A_1302 = arith.addi %add3A_1300, %add3A_1301 : i32
          %add3A_1303 = vector.broadcast %add3A_1302 : i32 to vector<16xi32>
          %add3A_1304 = arith.addi %mul3A_3, %add3A_1303 : vector<16xi32>
          %gather3A_1305 = tpu.vector_load_idx %arg5[%add3A_1304] : memref<6800xf32, #tpu.memory_space<vmem>>[vector<16xi32>], vector<16xf32>,
          %convert_element_type3A_1306 = arith.fptosi %gather3A_1305 : vector<16xf32> to vector<16xi32>
          %max3A_1307 = arith.constant 0 : i32
          %max3A_1308 = vector.broadcast %max3A_1307 : i32 to vector<16xi32>
          %max3A_1309 = arith.maxsi %convert_element_type3A_1306, %max3A_1308 : vector<16xi32>
          %add3A_1310 = arith.constant 32 : i32
          %add3A_1311 = arith.addi %mul3A_975, %add3A_1310 : i32
          %swap3A_1312 = arith.index_cast %add3A_1311 : i32 to index
          %swap3A_1313 = tpu.vector_load %arg6[%swap3A_1312] {strides = array<i32>} : memref<960xi32, #tpu.memory_space<vmem>>, vector<16xi32>,
          tpu.vector_store %arg6[%swap3A_1312], %max3A_1309 {strides = array<i32>} : memref<960xi32, #tpu.memory_space<vmem>>, vector<16xi32>,
          %mul3A_1314 = arith.constant 16 : i32
          %mul3A_1315 = arith.muli %mul3A_1314, %select_n3A_910 : i32
          %mul3A_1316 = arith.constant 17 : i32
          %mul3A_1317 = arith.muli %mul3A_1316, %mul3A_1315 : i32
          %add3A_1318 = arith.addi %add3A_957, %mul3A_1317 : i32
          %add3A_1319 = arith.constant 3 : i32
          %add3A_1320 = arith.addi %add3A_1318, %add3A_1319 : i32
          %add3A_1321 = vector.broadcast %add3A_1320 : i32 to vector<16xi32>
          %add3A_1322 = arith.addi %mul3A_3, %add3A_1321 : vector<16xi32>
          %gather3A_1323 = tpu.vector_load_idx %arg5[%add3A_1322] : memref<6800xf32, #tpu.memory_space<vmem>>[vector<16xi32>], vector<16xf32>,
          %convert_element_type3A_1324 = arith.fptosi %gather3A_1323 : vector<16xf32> to vector<16xi32>
          %max3A_1325 = arith.constant 0 : i32
          %max3A_1326 = vector.broadcast %max3A_1325 : i32 to vector<16xi32>
          %max3A_1327 = arith.maxsi %convert_element_type3A_1324, %max3A_1326 : vector<16xi32>
          %add3A_1328 = arith.constant 48 : i32
          %add3A_1329 = arith.addi %mul3A_975, %add3A_1328 : i32
          %swap3A_1330 = arith.index_cast %add3A_1329 : i32 to index
          %swap3A_1331 = tpu.vector_load %arg6[%swap3A_1330] {strides = array<i32>} : memref<960xi32, #tpu.memory_space<vmem>>, vector<16xi32>,
          tpu.vector_store %arg6[%swap3A_1330], %max3A_1327 {strides = array<i32>} : memref<960xi32, #tpu.memory_space<vmem>>, vector<16xi32>,
          %mul3A_1332 = arith.constant 16 : i32
          %mul3A_1333 = arith.muli %mul3A_1332, %select_n3A_910 : i32
          %mul3A_1334 = arith.constant 17 : i32
          %mul3A_1335 = arith.muli %mul3A_1334, %mul3A_1333 : i32
          %add3A_1336 = arith.addi %add3A_957, %mul3A_1335 : i32
          %add3A_1337 = arith.constant 4 : i32
          %add3A_1338 = arith.addi %add3A_1336, %add3A_1337 : i32
          %add3A_1339 = vector.broadcast %add3A_1338 : i32 to vector<16xi32>
          %add3A_1340 = arith.addi %mul3A_3, %add3A_1339 : vector<16xi32>
          %gather3A_1341 = tpu.vector_load_idx %arg5[%add3A_1340] : memref<6800xf32, #tpu.memory_space<vmem>>[vector<16xi32>], vector<16xf32>,
          %convert_element_type3A_1342 = arith.fptosi %gather3A_1341 : vector<16xf32> to vector<16xi32>
          %max3A_1343 = arith.constant 0 : i32
          %max3A_1344 = vector.broadcast %max3A_1343 : i32 to vector<16xi32>
          %max3A_1345 = arith.maxsi %convert_element_type3A_1342, %max3A_1344 : vector<16xi32>
          %add3A_1346 = arith.constant 64 : i32
          %add3A_1347 = arith.addi %mul3A_975, %add3A_1346 : i32
          %swap3A_1348 = arith.index_cast %add3A_1347 : i32 to index
          %swap3A_1349 = tpu.vector_load %arg6[%swap3A_1348] {strides = array<i32>} : memref<960xi32, #tpu.memory_space<vmem>>, vector<16xi32>,
          tpu.vector_store %arg6[%swap3A_1348], %max3A_1345 {strides = array<i32>} : memref<960xi32, #tpu.memory_space<vmem>>, vector<16xi32>,
          %mul3A_1350 = arith.constant 16 : i32
          %mul3A_1351 = arith.muli %mul3A_1350, %select_n3A_910 : i32
          %mul3A_1352 = arith.constant 17 : i32
          %mul3A_1353 = arith.muli %mul3A_1352, %mul3A_1351 : i32
          %add3A_1354 = arith.addi %add3A_957, %mul3A_1353 : i32
          %add3A_1355 = arith.constant 5 : i32
          %add3A_1356 = arith.addi %add3A_1354, %add3A_1355 : i32
          %add3A_1357 = vector.broadcast %add3A_1356 : i32 to vector<16xi32>
          %add3A_1358 = arith.addi %mul3A_3, %add3A_1357 : vector<16xi32>
          %gather3A_1359 = tpu.vector_load_idx %arg5[%add3A_1358] : memref<6800xf32, #tpu.memory_space<vmem>>[vector<16xi32>], vector<16xf32>,
          %convert_element_type3A_1360 = arith.fptosi %gather3A_1359 : vector<16xf32> to vector<16xi32>
          %max3A_1361 = arith.constant 0 : i32
          %max3A_1362 = vector.broadcast %max3A_1361 : i32 to vector<16xi32>
          %max3A_1363 = arith.maxsi %convert_element_type3A_1360, %max3A_1362 : vector<16xi32>
          %add3A_1364 = arith.constant 80 : i32
          %add3A_1365 = arith.addi %mul3A_975, %add3A_1364 : i32
          %swap3A_1366 = arith.index_cast %add3A_1365 : i32 to index
          %swap3A_1367 = tpu.vector_load %arg6[%swap3A_1366] {strides = array<i32>} : memref<960xi32, #tpu.memory_space<vmem>>, vector<16xi32>,
          tpu.vector_store %arg6[%swap3A_1366], %max3A_1363 {strides = array<i32>} : memref<960xi32, #tpu.memory_space<vmem>>, vector<16xi32>,
          %mul3A_1368 = arith.constant 16 : i32
          %mul3A_1369 = arith.muli %mul3A_1368, %select_n3A_910 : i32
          %mul3A_1370 = arith.constant 17 : i32
          %mul3A_1371 = arith.muli %mul3A_1370, %mul3A_1369 : i32
          %add3A_1372 = arith.addi %add3A_957, %mul3A_1371 : i32
          %add3A_1373 = arith.constant 6 : i32
          %add3A_1374 = arith.addi %add3A_1372, %add3A_1373 : i32
          %add3A_1375 = vector.broadcast %add3A_1374 : i32 to vector<16xi32>
          %add3A_1376 = arith.addi %mul3A_3, %add3A_1375 : vector<16xi32>
          %gather3A_1377 = tpu.vector_load_idx %arg5[%add3A_1376] : memref<6800xf32, #tpu.memory_space<vmem>>[vector<16xi32>], vector<16xf32>,
          %convert_element_type3A_1378 = arith.fptosi %gather3A_1377 : vector<16xf32> to vector<16xi32>
          %max3A_1379 = arith.constant 0 : i32
          %max3A_1380 = vector.broadcast %max3A_1379 : i32 to vector<16xi32>
          %max3A_1381 = arith.maxsi %convert_element_type3A_1378, %max3A_1380 : vector<16xi32>
          %add3A_1382 = arith.constant 96 : i32
          %add3A_1383 = arith.addi %mul3A_975, %add3A_1382 : i32
          %swap3A_1384 = arith.index_cast %add3A_1383 : i32 to index
          %swap3A_1385 = tpu.vector_load %arg6[%swap3A_1384] {strides = array<i32>} : memref<960xi32, #tpu.memory_space<vmem>>, vector<16xi32>,
          tpu.vector_store %arg6[%swap3A_1384], %max3A_1381 {strides = array<i32>} : memref<960xi32, #tpu.memory_space<vmem>>, vector<16xi32>,
          %mul3A_1386 = arith.constant 16 : i32
          %mul3A_1387 = arith.muli %mul3A_1386, %select_n3A_910 : i32
          %mul3A_1388 = arith.constant 17 : i32
          %mul3A_1389 = arith.muli %mul3A_1388, %mul3A_1387 : i32
          %add3A_1390 = arith.addi %add3A_957, %mul3A_1389 : i32
          %add3A_1391 = arith.constant 7 : i32
          %add3A_1392 = arith.addi %add3A_1390, %add3A_1391 : i32
          %add3A_1393 = vector.broadcast %add3A_1392 : i32 to vector<16xi32>
          %add3A_1394 = arith.addi %mul3A_3, %add3A_1393 : vector<16xi32>
          %gather3A_1395 = tpu.vector_load_idx %arg5[%add3A_1394] : memref<6800xf32, #tpu.memory_space<vmem>>[vector<16xi32>], vector<16xf32>,
          %convert_element_type3A_1396 = arith.fptosi %gather3A_1395 : vector<16xf32> to vector<16xi32>
          %max3A_1397 = arith.constant 0 : i32
          %max3A_1398 = vector.broadcast %max3A_1397 : i32 to vector<16xi32>
          %max3A_1399 = arith.maxsi %convert_element_type3A_1396, %max3A_1398 : vector<16xi32>
          %add3A_1400 = arith.constant 112 : i32
          %add3A_1401 = arith.addi %mul3A_975, %add3A_1400 : i32
          %swap3A_1402 = arith.index_cast %add3A_1401 : i32 to index
          %swap3A_1403 = tpu.vector_load %arg6[%swap3A_1402] {strides = array<i32>} : memref<960xi32, #tpu.memory_space<vmem>>, vector<16xi32>,
          tpu.vector_store %arg6[%swap3A_1402], %max3A_1399 {strides = array<i32>} : memref<960xi32, #tpu.memory_space<vmem>>, vector<16xi32>,
          %mul3A_1404 = arith.constant 16 : i32
          %mul3A_1405 = arith.muli %mul3A_1404, %select_n3A_910 : i32
          %mul3A_1406 = arith.constant 17 : i32
          %mul3A_1407 = arith.muli %mul3A_1406, %mul3A_1405 : i32
          %add3A_1408 = arith.addi %add3A_957, %mul3A_1407 : i32
          %add3A_1409 = arith.constant 8 : i32
          %add3A_1410 = arith.addi %add3A_1408, %add3A_1409 : i32
          %add3A_1411 = vector.broadcast %add3A_1410 : i32 to vector<16xi32>
          %add3A_1412 = arith.addi %mul3A_3, %add3A_1411 : vector<16xi32>
          %gather3A_1413 = tpu.vector_load_idx %arg5[%add3A_1412] : memref<6800xf32, #tpu.memory_space<vmem>>[vector<16xi32>], vector<16xf32>,
          %convert_element_type3A_1414 = arith.fptosi %gather3A_1413 : vector<16xf32> to vector<16xi32>
          %max3A_1415 = arith.constant 0 : i32
          %max3A_1416 = vector.broadcast %max3A_1415 : i32 to vector<16xi32>
          %max3A_1417 = arith.maxsi %convert_element_type3A_1414, %max3A_1416 : vector<16xi32>
          %add3A_1418 = arith.constant 128 : i32
          %add3A_1419 = arith.addi %mul3A_975, %add3A_1418 : i32
          %swap3A_1420 = arith.index_cast %add3A_1419 : i32 to index
          %swap3A_1421 = tpu.vector_load %arg6[%swap3A_1420] {strides = array<i32>} : memref<960xi32, #tpu.memory_space<vmem>>, vector<16xi32>,
          tpu.vector_store %arg6[%swap3A_1420], %max3A_1417 {strides = array<i32>} : memref<960xi32, #tpu.memory_space<vmem>>, vector<16xi32>,
          %mul3A_1422 = arith.constant 16 : i32
          %mul3A_1423 = arith.muli %mul3A_1422, %select_n3A_910 : i32
          %mul3A_1424 = arith.constant 17 : i32
          %mul3A_1425 = arith.muli %mul3A_1424, %mul3A_1423 : i32
          %add3A_1426 = arith.addi %add3A_957, %mul3A_1425 : i32
          %add3A_1427 = arith.constant 9 : i32
          %add3A_1428 = arith.addi %add3A_1426, %add3A_1427 : i32
          %add3A_1429 = vector.broadcast %add3A_1428 : i32 to vector<16xi32>
          %add3A_1430 = arith.addi %mul3A_3, %add3A_1429 : vector<16xi32>
          %gather3A_1431 = tpu.vector_load_idx %arg5[%add3A_1430] : memref<6800xf32, #tpu.memory_space<vmem>>[vector<16xi32>], vector<16xf32>,
          %convert_element_type3A_1432 = arith.fptosi %gather3A_1431 : vector<16xf32> to vector<16xi32>
          %max3A_1433 = arith.constant 0 : i32
          %max3A_1434 = vector.broadcast %max3A_1433 : i32 to vector<16xi32>
          %max3A_1435 = arith.maxsi %convert_element_type3A_1432, %max3A_1434 : vector<16xi32>
          %add3A_1436 = arith.constant 144 : i32
          %add3A_1437 = arith.addi %mul3A_975, %add3A_1436 : i32
          %swap3A_1438 = arith.index_cast %add3A_1437 : i32 to index
          %swap3A_1439 = tpu.vector_load %arg6[%swap3A_1438] {strides = array<i32>} : memref<960xi32, #tpu.memory_space<vmem>>, vector<16xi32>,
          tpu.vector_store %arg6[%swap3A_1438], %max3A_1435 {strides = array<i32>} : memref<960xi32, #tpu.memory_space<vmem>>, vector<16xi32>,
          %mul3A_1440 = arith.constant 16 : i32
          %mul3A_1441 = arith.muli %mul3A_1440, %select_n3A_910 : i32
          %mul3A_1442 = arith.constant 17 : i32
          %mul3A_1443 = arith.muli %mul3A_1442, %mul3A_1441 : i32
          %add3A_1444 = arith.addi %add3A_957, %mul3A_1443 : i32
          %add3A_1445 = arith.constant 10 : i32
          %add3A_1446 = arith.addi %add3A_1444, %add3A_1445 : i32
          %add3A_1447 = vector.broadcast %add3A_1446 : i32 to vector<16xi32>
          %add3A_1448 = arith.addi %mul3A_3, %add3A_1447 : vector<16xi32>
          %gather3A_1449 = tpu.vector_load_idx %arg5[%add3A_1448] : memref<6800xf32, #tpu.memory_space<vmem>>[vector<16xi32>], vector<16xf32>,
          %convert_element_type3A_1450 = arith.fptosi %gather3A_1449 : vector<16xf32> to vector<16xi32>
          %max3A_1451 = arith.constant 0 : i32
          %max3A_1452 = vector.broadcast %max3A_1451 : i32 to vector<16xi32>
          %max3A_1453 = arith.maxsi %convert_element_type3A_1450, %max3A_1452 : vector<16xi32>
          %add3A_1454 = arith.constant 160 : i32
          %add3A_1455 = arith.addi %mul3A_975, %add3A_1454 : i32
          %swap3A_1456 = arith.index_cast %add3A_1455 : i32 to index
          %swap3A_1457 = tpu.vector_load %arg6[%swap3A_1456] {strides = array<i32>} : memref<960xi32, #tpu.memory_space<vmem>>, vector<16xi32>,
          tpu.vector_store %arg6[%swap3A_1456], %max3A_1453 {strides = array<i32>} : memref<960xi32, #tpu.memory_space<vmem>>, vector<16xi32>,
          %mul3A_1458 = arith.constant 16 : i32
          %mul3A_1459 = arith.muli %mul3A_1458, %select_n3A_910 : i32
          %mul3A_1460 = arith.constant 17 : i32
          %mul3A_1461 = arith.muli %mul3A_1460, %mul3A_1459 : i32
          %add3A_1462 = arith.addi %add3A_957, %mul3A_1461 : i32
          %add3A_1463 = arith.constant 11 : i32
          %add3A_1464 = arith.addi %add3A_1462, %add3A_1463 : i32
          %add3A_1465 = vector.broadcast %add3A_1464 : i32 to vector<16xi32>
          %add3A_1466 = arith.addi %mul3A_3, %add3A_1465 : vector<16xi32>
          %gather3A_1467 = tpu.vector_load_idx %arg5[%add3A_1466] : memref<6800xf32, #tpu.memory_space<vmem>>[vector<16xi32>], vector<16xf32>,
          %convert_element_type3A_1468 = arith.fptosi %gather3A_1467 : vector<16xf32> to vector<16xi32>
          %max3A_1469 = arith.constant 0 : i32
          %max3A_1470 = vector.broadcast %max3A_1469 : i32 to vector<16xi32>
          %max3A_1471 = arith.maxsi %convert_element_type3A_1468, %max3A_1470 : vector<16xi32>
          %add3A_1472 = arith.constant 176 : i32
          %add3A_1473 = arith.addi %mul3A_975, %add3A_1472 : i32
          %swap3A_1474 = arith.index_cast %add3A_1473 : i32 to index
          %swap3A_1475 = tpu.vector_load %arg6[%swap3A_1474] {strides = array<i32>} : memref<960xi32, #tpu.memory_space<vmem>>, vector<16xi32>,
          tpu.vector_store %arg6[%swap3A_1474], %max3A_1471 {strides = array<i32>} : memref<960xi32, #tpu.memory_space<vmem>>, vector<16xi32>,
          %mul3A_1476 = arith.constant 16 : i32
          %mul3A_1477 = arith.muli %mul3A_1476, %select_n3A_910 : i32
          %mul3A_1478 = arith.constant 17 : i32
          %mul3A_1479 = arith.muli %mul3A_1478, %mul3A_1477 : i32
          %add3A_1480 = arith.addi %add3A_957, %mul3A_1479 : i32
          %add3A_1481 = arith.constant 12 : i32
          %add3A_1482 = arith.addi %add3A_1480, %add3A_1481 : i32
          %add3A_1483 = vector.broadcast %add3A_1482 : i32 to vector<16xi32>
          %add3A_1484 = arith.addi %mul3A_3, %add3A_1483 : vector<16xi32>
          %gather3A_1485 = tpu.vector_load_idx %arg5[%add3A_1484] : memref<6800xf32, #tpu.memory_space<vmem>>[vector<16xi32>], vector<16xf32>,
          %convert_element_type3A_1486 = arith.fptosi %gather3A_1485 : vector<16xf32> to vector<16xi32>
          %max3A_1487 = arith.constant 0 : i32
          %max3A_1488 = vector.broadcast %max3A_1487 : i32 to vector<16xi32>
          %max3A_1489 = arith.maxsi %convert_element_type3A_1486, %max3A_1488 : vector<16xi32>
          %add3A_1490 = arith.constant 192 : i32
          %add3A_1491 = arith.addi %mul3A_975, %add3A_1490 : i32
          %swap3A_1492 = arith.index_cast %add3A_1491 : i32 to index
          %swap3A_1493 = tpu.vector_load %arg6[%swap3A_1492] {strides = array<i32>} : memref<960xi32, #tpu.memory_space<vmem>>, vector<16xi32>,
          tpu.vector_store %arg6[%swap3A_1492], %max3A_1489 {strides = array<i32>} : memref<960xi32, #tpu.memory_space<vmem>>, vector<16xi32>,
          %cond3A_1494 = arith.constant 0 : i32
          scf.yield %cond3A_1494 : i32
        }
        %jit3A_983 = arith.constant 3 : i32
        %eq3A_984 = arith.constant 0 : i32
        %eq3A_985 = arith.cmpi eq, %jit3A_983, %eq3A_984 : i32
        %jit3A_986 = arith.constant 1 : i32
        %select_n3A_987 = arith.select %eq3A_985, %jit3A_986, %jit3A_983 : i32
        %rem3A_988 = arith.remsi %add3A_346, %select_n3A_987 : i32
        %ne3A_989 = arith.constant 0 : i32
        %ne3A_990 = arith.cmpi ne, %rem3A_988, %ne3A_989 : i32
        %lt3A_991 = arith.constant 0 : i32
        %lt3A_992 = arith.cmpi slt, %rem3A_988, %lt3A_991 : i32
        %lt3A_993 = arith.constant 0 : i32
        %lt3A_994 = arith.cmpi slt, %select_n3A_987, %lt3A_993 : i32
        %ne3A_995 = arith.xori %lt3A_992, %lt3A_994 : i1
        %and3A_996 = arith.andi %ne3A_995, %ne3A_990 : i1
        %add3A_997 = arith.addi %rem3A_988, %select_n3A_987 : i32
        %select_n3A_998 = arith.select %and3A_996, %add3A_997, %rem3A_988 : i32
        %mul3A_999 = arith.constant 320 : i32
        %mul3A_1000 = arith.muli %select_n3A_998, %mul3A_999 : i32
        %jit3A_1001 = arith.constant 3 : i32
        %eq3A_1002 = arith.constant 0 : i32
        %eq3A_1003 = arith.cmpi eq, %jit3A_1001, %eq3A_1002 : i32
        %jit3A_1004 = arith.constant 1 : i32
        %select_n3A_1005 = arith.select %eq3A_1003, %jit3A_1004, %jit3A_1001 : i32
        %rem3A_1006 = arith.remsi %add3A_346, %select_n3A_1005 : i32
        %ne3A_1007 = arith.constant 0 : i32
        %ne3A_1008 = arith.cmpi ne, %rem3A_1006, %ne3A_1007 : i32
        %lt3A_1009 = arith.constant 0 : i32
        %lt3A_1010 = arith.cmpi slt, %rem3A_1006, %lt3A_1009 : i32
        %lt3A_1011 = arith.constant 0 : i32
        %lt3A_1012 = arith.cmpi slt, %select_n3A_1005, %lt3A_1011 : i32
        %ne3A_1013 = arith.xori %lt3A_1010, %lt3A_1012 : i1
        %and3A_1014 = arith.andi %ne3A_1013, %ne3A_1008 : i1
        %add3A_1015 = arith.addi %rem3A_1006, %select_n3A_1005 : i32
        %select_n3A_1016 = arith.select %and3A_1014, %add3A_1015, %rem3A_1006 : i32
        %mul3A_1017 = arith.constant 240 : i32
        %mul3A_1018 = arith.muli %select_n3A_1016, %mul3A_1017 : i32
        %multiple_of3A_1019 = tpu.assume_multiple %mul3A_1018, 8 : i32
        %jit3A_1020 = arith.constant 3 : i32
        %eq3A_1021 = arith.constant 0 : i32
        %eq3A_1022 = arith.cmpi eq, %jit3A_1020, %eq3A_1021 : i32
        %jit3A_1023 = arith.constant 1 : i32
        %select_n3A_1024 = arith.select %eq3A_1022, %jit3A_1023, %jit3A_1020 : i32
        %rem3A_1025 = arith.remsi %add3A_346, %select_n3A_1024 : i32
        %ne3A_1026 = arith.constant 0 : i32
        %ne3A_1027 = arith.cmpi ne, %rem3A_1025, %ne3A_1026 : i32
        %lt3A_1028 = arith.constant 0 : i32
        %lt3A_1029 = arith.cmpi slt, %rem3A_1025, %lt3A_1028 : i32
        %lt3A_1030 = arith.constant 0 : i32
        %lt3A_1031 = arith.cmpi slt, %select_n3A_1024, %lt3A_1030 : i32
        %ne3A_1032 = arith.xori %lt3A_1029, %lt3A_1031 : i1
        %and3A_1033 = arith.andi %ne3A_1032, %ne3A_1027 : i1
        %add3A_1034 = arith.addi %rem3A_1025, %select_n3A_1024 : i32
        %select_n3A_1035 = arith.select %and3A_1033, %add3A_1034, %rem3A_1025 : i32
        %eq3A_1036 = arith.constant 0 : i32
        %eq3A_1037 = arith.cmpi eq, %select_n3A_1035, %eq3A_1036 : i32
        %jit3A_1038 = arith.constant 3 : i32
        %eq3A_1039 = arith.constant 0 : i32
        %eq3A_1040 = arith.cmpi eq, %jit3A_1038, %eq3A_1039 : i32
        %jit3A_1041 = arith.constant 1 : i32
        %select_n3A_1042 = arith.select %eq3A_1040, %jit3A_1041, %jit3A_1038 : i32
        %rem3A_1043 = arith.remsi %add3A_346, %select_n3A_1042 : i32
        %ne3A_1044 = arith.constant 0 : i32
        %ne3A_1045 = arith.cmpi ne, %rem3A_1043, %ne3A_1044 : i32
        %lt3A_1046 = arith.constant 0 : i32
        %lt3A_1047 = arith.cmpi slt, %rem3A_1043, %lt3A_1046 : i32
        %lt3A_1048 = arith.constant 0 : i32
        %lt3A_1049 = arith.cmpi slt, %select_n3A_1042, %lt3A_1048 : i32
        %ne3A_1050 = arith.xori %lt3A_1047, %lt3A_1049 : i1
        %and3A_1051 = arith.andi %ne3A_1050, %ne3A_1045 : i1
        %add3A_1052 = arith.addi %rem3A_1043, %select_n3A_1042 : i32
        %select_n3A_1053 = arith.select %and3A_1051, %add3A_1052, %rem3A_1043 : i32
        %ne3A_1054 = arith.constant 2 : i32
        %ne3A_1055 = arith.cmpi ne, %select_n3A_1053, %ne3A_1054 : i32
        %and3A_1056 = arith.andi %eq3A_1037, %ne3A_1055 : i1
        %convert_element_type3A_1057 = arith.extui %and3A_1056 : i1 to i32
        %cond3A_1058 = arith.constant 0 : i32
        %cond3A_1059 = arith.cmpi ne, %convert_element_type3A_1057, %cond3A_1058 : i32
        scf.if %cond3A_1059 {
          %dma_start3A_1260 = arith.constant 0 : i32
          %dma_start3A_1261 = tpu.memref_slice %arg7[%multiple_of3A_1019, %dma_start3A_1260] : memref<720x128xf32, #tpu.memory_space<vmem>> -> memref<208x128xf32, #tpu.memory_space<vmem>>
          %dma_start3A_1262 = tpu.memref_slice %arg6[%mul3A_1000] : memref<960xi32, #tpu.memory_space<vmem>> -> memref<208xi32, #tpu.memory_space<vmem>>
          %dma_start3A_1263 = arith.constant 0 : i32
          %dma_start3A_1264 = arith.constant 0 : i32
          %dma_start3A_1265 = tpu.memref_slice %arg3[%dma_start3A_1263, %dma_start3A_1264] : memref<100000x128xf32, #tpu.memory_space<hbm>> -> memref<100000x128xf32, #tpu.memory_space<hbm>>
          tpu.enqueue_indirect_dma source(%dma_start3A_1265 : memref<100000x128xf32, #tpu.memory_space<hbm>>) target(%dma_start3A_1261 : memref<208x128xf32, #tpu.memory_space<vmem>>) offsets(%dma_start3A_1262 : memref<208xi32, #tpu.memory_space<vmem>>) semaphore(%arg11 : memref<!tpu.dma_semaphore, #tpu.memory_space<semaphore_mem>>)
        } else {
        }
        %jit3A_1060 = arith.constant 3 : i32
        %eq3A_1061 = arith.constant 0 : i32
        %eq3A_1062 = arith.cmpi eq, %jit3A_1060, %eq3A_1061 : i32
        %jit3A_1063 = arith.constant 1 : i32
        %select_n3A_1064 = arith.select %eq3A_1062, %jit3A_1063, %jit3A_1060 : i32
        %rem3A_1065 = arith.remsi %add3A_346, %select_n3A_1064 : i32
        %ne3A_1066 = arith.constant 0 : i32
        %ne3A_1067 = arith.cmpi ne, %rem3A_1065, %ne3A_1066 : i32
        %lt3A_1068 = arith.constant 0 : i32
        %lt3A_1069 = arith.cmpi slt, %rem3A_1065, %lt3A_1068 : i32
        %lt3A_1070 = arith.constant 0 : i32
        %lt3A_1071 = arith.cmpi slt, %select_n3A_1064, %lt3A_1070 : i32
        %ne3A_1072 = arith.xori %lt3A_1069, %lt3A_1071 : i1
        %and3A_1073 = arith.andi %ne3A_1072, %ne3A_1067 : i1
        %add3A_1074 = arith.addi %rem3A_1065, %select_n3A_1064 : i32
        %select_n3A_1075 = arith.select %and3A_1073, %add3A_1074, %rem3A_1065 : i32
        %eq3A_1076 = arith.constant 0 : i32
        %eq3A_1077 = arith.cmpi eq, %select_n3A_1075, %eq3A_1076 : i32
        %jit3A_1078 = arith.constant 3 : i32
        %eq3A_1079 = arith.constant 0 : i32
        %eq3A_1080 = arith.cmpi eq, %jit3A_1078, %eq3A_1079 : i32
        %jit3A_1081 = arith.constant 1 : i32
        %select_n3A_1082 = arith.select %eq3A_1080, %jit3A_1081, %jit3A_1078 : i32
        %rem3A_1083 = arith.remsi %add3A_346, %select_n3A_1082 : i32
        %ne3A_1084 = arith.constant 0 : i32
        %ne3A_1085 = arith.cmpi ne, %rem3A_1083, %ne3A_1084 : i32
        %lt3A_1086 = arith.constant 0 : i32
        %lt3A_1087 = arith.cmpi slt, %rem3A_1083, %lt3A_1086 : i32
        %lt3A_1088 = arith.constant 0 : i32
        %lt3A_1089 = arith.cmpi slt, %select_n3A_1082, %lt3A_1088 : i32
        %ne3A_1090 = arith.xori %lt3A_1087, %lt3A_1089 : i1
        %and3A_1091 = arith.andi %ne3A_1090, %ne3A_1085 : i1
        %add3A_1092 = arith.addi %rem3A_1083, %select_n3A_1082 : i32
        %select_n3A_1093 = arith.select %and3A_1091, %add3A_1092, %rem3A_1083 : i32
        %eq3A_1094 = arith.constant 2 : i32
        %eq3A_1095 = arith.cmpi eq, %select_n3A_1093, %eq3A_1094 : i32
        %and3A_1096 = arith.andi %eq3A_1077, %eq3A_1095 : i1
        %convert_element_type3A_1097 = arith.extui %and3A_1096 : i1 to i32
        %cond3A_1098 = arith.constant 0 : i32
        %cond3A_1099 = arith.cmpi ne, %convert_element_type3A_1097, %cond3A_1098 : i32
        scf.if %cond3A_1099 {
          %dma_start3A_1260 = arith.constant 0 : i32
          %dma_start3A_1261 = tpu.memref_slice %arg7[%multiple_of3A_1019, %dma_start3A_1260] : memref<720x128xf32, #tpu.memory_space<vmem>> -> memref<240x128xf32, #tpu.memory_space<vmem>>
          %dma_start3A_1262 = tpu.memref_slice %arg6[%mul3A_1000] : memref<960xi32, #tpu.memory_space<vmem>> -> memref<240xi32, #tpu.memory_space<vmem>>
          %dma_start3A_1263 = arith.constant 0 : i32
          %dma_start3A_1264 = arith.constant 0 : i32
          %dma_start3A_1265 = tpu.memref_slice %arg3[%dma_start3A_1263, %dma_start3A_1264] : memref<100000x128xf32, #tpu.memory_space<hbm>> -> memref<100000x128xf32, #tpu.memory_space<hbm>>
          tpu.enqueue_indirect_dma source(%dma_start3A_1265 : memref<100000x128xf32, #tpu.memory_space<hbm>>) target(%dma_start3A_1261 : memref<240x128xf32, #tpu.memory_space<vmem>>) offsets(%dma_start3A_1262 : memref<240xi32, #tpu.memory_space<vmem>>) semaphore(%arg11 : memref<!tpu.dma_semaphore, #tpu.memory_space<semaphore_mem>>)
        } else {
        }
        %jit3A_1100 = arith.constant 3 : i32
        %eq3A_1101 = arith.constant 0 : i32
        %eq3A_1102 = arith.cmpi eq, %jit3A_1100, %eq3A_1101 : i32
        %jit3A_1103 = arith.constant 1 : i32
        %select_n3A_1104 = arith.select %eq3A_1102, %jit3A_1103, %jit3A_1100 : i32
        %rem3A_1105 = arith.remsi %add3A_346, %select_n3A_1104 : i32
        %ne3A_1106 = arith.constant 0 : i32
        %ne3A_1107 = arith.cmpi ne, %rem3A_1105, %ne3A_1106 : i32
        %lt3A_1108 = arith.constant 0 : i32
        %lt3A_1109 = arith.cmpi slt, %rem3A_1105, %lt3A_1108 : i32
        %lt3A_1110 = arith.constant 0 : i32
        %lt3A_1111 = arith.cmpi slt, %select_n3A_1104, %lt3A_1110 : i32
        %ne3A_1112 = arith.xori %lt3A_1109, %lt3A_1111 : i1
        %and3A_1113 = arith.andi %ne3A_1112, %ne3A_1107 : i1
        %add3A_1114 = arith.addi %rem3A_1105, %select_n3A_1104 : i32
        %select_n3A_1115 = arith.select %and3A_1113, %add3A_1114, %rem3A_1105 : i32
        %eq3A_1116 = arith.constant 1 : i32
        %eq3A_1117 = arith.cmpi eq, %select_n3A_1115, %eq3A_1116 : i32
        %jit3A_1118 = arith.constant 3 : i32
        %eq3A_1119 = arith.constant 0 : i32
        %eq3A_1120 = arith.cmpi eq, %jit3A_1118, %eq3A_1119 : i32
        %jit3A_1121 = arith.constant 1 : i32
        %select_n3A_1122 = arith.select %eq3A_1120, %jit3A_1121, %jit3A_1118 : i32
        %rem3A_1123 = arith.remsi %add3A_346, %select_n3A_1122 : i32
        %ne3A_1124 = arith.constant 0 : i32
        %ne3A_1125 = arith.cmpi ne, %rem3A_1123, %ne3A_1124 : i32
        %lt3A_1126 = arith.constant 0 : i32
        %lt3A_1127 = arith.cmpi slt, %rem3A_1123, %lt3A_1126 : i32
        %lt3A_1128 = arith.constant 0 : i32
        %lt3A_1129 = arith.cmpi slt, %select_n3A_1122, %lt3A_1128 : i32
        %ne3A_1130 = arith.xori %lt3A_1127, %lt3A_1129 : i1
        %and3A_1131 = arith.andi %ne3A_1130, %ne3A_1125 : i1
        %add3A_1132 = arith.addi %rem3A_1123, %select_n3A_1122 : i32
        %select_n3A_1133 = arith.select %and3A_1131, %add3A_1132, %rem3A_1123 : i32
        %ne3A_1134 = arith.constant 2 : i32
        %ne3A_1135 = arith.cmpi ne, %select_n3A_1133, %ne3A_1134 : i32
        %and3A_1136 = arith.andi %eq3A_1117, %ne3A_1135 : i1
        %convert_element_type3A_1137 = arith.extui %and3A_1136 : i1 to i32
        %cond3A_1138 = arith.constant 0 : i32
        %cond3A_1139 = arith.cmpi ne, %convert_element_type3A_1137, %cond3A_1138 : i32
        scf.if %cond3A_1139 {
          %dma_start3A_1260 = arith.constant 0 : i32
          %dma_start3A_1261 = tpu.memref_slice %arg7[%multiple_of3A_1019, %dma_start3A_1260] : memref<720x128xf32, #tpu.memory_space<vmem>> -> memref<208x128xf32, #tpu.memory_space<vmem>>
          %dma_start3A_1262 = tpu.memref_slice %arg6[%mul3A_1000] : memref<960xi32, #tpu.memory_space<vmem>> -> memref<208xi32, #tpu.memory_space<vmem>>
          %dma_start3A_1263 = arith.constant 0 : i32
          %dma_start3A_1264 = arith.constant 0 : i32
          %dma_start3A_1265 = tpu.memref_slice %arg3[%dma_start3A_1263, %dma_start3A_1264] : memref<100000x128xf32, #tpu.memory_space<hbm>> -> memref<100000x128xf32, #tpu.memory_space<hbm>>
          tpu.enqueue_indirect_dma source(%dma_start3A_1265 : memref<100000x128xf32, #tpu.memory_space<hbm>>) target(%dma_start3A_1261 : memref<208x128xf32, #tpu.memory_space<vmem>>) offsets(%dma_start3A_1262 : memref<208xi32, #tpu.memory_space<vmem>>) semaphore(%arg12 : memref<!tpu.dma_semaphore, #tpu.memory_space<semaphore_mem>>)
        } else {
        }
        %jit3A_1140 = arith.constant 3 : i32
        %eq3A_1141 = arith.constant 0 : i32
        %eq3A_1142 = arith.cmpi eq, %jit3A_1140, %eq3A_1141 : i32
        %jit3A_1143 = arith.constant 1 : i32
        %select_n3A_1144 = arith.select %eq3A_1142, %jit3A_1143, %jit3A_1140 : i32
        %rem3A_1145 = arith.remsi %add3A_346, %select_n3A_1144 : i32
        %ne3A_1146 = arith.constant 0 : i32
        %ne3A_1147 = arith.cmpi ne, %rem3A_1145, %ne3A_1146 : i32
        %lt3A_1148 = arith.constant 0 : i32
        %lt3A_1149 = arith.cmpi slt, %rem3A_1145, %lt3A_1148 : i32
        %lt3A_1150 = arith.constant 0 : i32
        %lt3A_1151 = arith.cmpi slt, %select_n3A_1144, %lt3A_1150 : i32
        %ne3A_1152 = arith.xori %lt3A_1149, %lt3A_1151 : i1
        %and3A_1153 = arith.andi %ne3A_1152, %ne3A_1147 : i1
        %add3A_1154 = arith.addi %rem3A_1145, %select_n3A_1144 : i32
        %select_n3A_1155 = arith.select %and3A_1153, %add3A_1154, %rem3A_1145 : i32
        %eq3A_1156 = arith.constant 1 : i32
        %eq3A_1157 = arith.cmpi eq, %select_n3A_1155, %eq3A_1156 : i32
        %jit3A_1158 = arith.constant 3 : i32
        %eq3A_1159 = arith.constant 0 : i32
        %eq3A_1160 = arith.cmpi eq, %jit3A_1158, %eq3A_1159 : i32
        %jit3A_1161 = arith.constant 1 : i32
        %select_n3A_1162 = arith.select %eq3A_1160, %jit3A_1161, %jit3A_1158 : i32
        %rem3A_1163 = arith.remsi %add3A_346, %select_n3A_1162 : i32
        %ne3A_1164 = arith.constant 0 : i32
        %ne3A_1165 = arith.cmpi ne, %rem3A_1163, %ne3A_1164 : i32
        %lt3A_1166 = arith.constant 0 : i32
        %lt3A_1167 = arith.cmpi slt, %rem3A_1163, %lt3A_1166 : i32
        %lt3A_1168 = arith.constant 0 : i32
        %lt3A_1169 = arith.cmpi slt, %select_n3A_1162, %lt3A_1168 : i32
        %ne3A_1170 = arith.xori %lt3A_1167, %lt3A_1169 : i1
        %and3A_1171 = arith.andi %ne3A_1170, %ne3A_1165 : i1
        %add3A_1172 = arith.addi %rem3A_1163, %select_n3A_1162 : i32
        %select_n3A_1173 = arith.select %and3A_1171, %add3A_1172, %rem3A_1163 : i32
        %eq3A_1174 = arith.constant 2 : i32
        %eq3A_1175 = arith.cmpi eq, %select_n3A_1173, %eq3A_1174 : i32
        %and3A_1176 = arith.andi %eq3A_1157, %eq3A_1175 : i1
        %convert_element_type3A_1177 = arith.extui %and3A_1176 : i1 to i32
        %cond3A_1178 = arith.constant 0 : i32
        %cond3A_1179 = arith.cmpi ne, %convert_element_type3A_1177, %cond3A_1178 : i32
        scf.if %cond3A_1179 {
          %dma_start3A_1260 = arith.constant 0 : i32
          %dma_start3A_1261 = tpu.memref_slice %arg7[%multiple_of3A_1019, %dma_start3A_1260] : memref<720x128xf32, #tpu.memory_space<vmem>> -> memref<240x128xf32, #tpu.memory_space<vmem>>
          %dma_start3A_1262 = tpu.memref_slice %arg6[%mul3A_1000] : memref<960xi32, #tpu.memory_space<vmem>> -> memref<240xi32, #tpu.memory_space<vmem>>
          %dma_start3A_1263 = arith.constant 0 : i32
          %dma_start3A_1264 = arith.constant 0 : i32
          %dma_start3A_1265 = tpu.memref_slice %arg3[%dma_start3A_1263, %dma_start3A_1264] : memref<100000x128xf32, #tpu.memory_space<hbm>> -> memref<100000x128xf32, #tpu.memory_space<hbm>>
          tpu.enqueue_indirect_dma source(%dma_start3A_1265 : memref<100000x128xf32, #tpu.memory_space<hbm>>) target(%dma_start3A_1261 : memref<240x128xf32, #tpu.memory_space<vmem>>) offsets(%dma_start3A_1262 : memref<240xi32, #tpu.memory_space<vmem>>) semaphore(%arg12 : memref<!tpu.dma_semaphore, #tpu.memory_space<semaphore_mem>>)
        } else {
        }
        %jit3A_1180 = arith.constant 3 : i32
        %eq3A_1181 = arith.constant 0 : i32
        %eq3A_1182 = arith.cmpi eq, %jit3A_1180, %eq3A_1181 : i32
        %jit3A_1183 = arith.constant 1 : i32
        %select_n3A_1184 = arith.select %eq3A_1182, %jit3A_1183, %jit3A_1180 : i32
        %rem3A_1185 = arith.remsi %add3A_346, %select_n3A_1184 : i32
        %ne3A_1186 = arith.constant 0 : i32
        %ne3A_1187 = arith.cmpi ne, %rem3A_1185, %ne3A_1186 : i32
        %lt3A_1188 = arith.constant 0 : i32
        %lt3A_1189 = arith.cmpi slt, %rem3A_1185, %lt3A_1188 : i32
        %lt3A_1190 = arith.constant 0 : i32
        %lt3A_1191 = arith.cmpi slt, %select_n3A_1184, %lt3A_1190 : i32
        %ne3A_1192 = arith.xori %lt3A_1189, %lt3A_1191 : i1
        %and3A_1193 = arith.andi %ne3A_1192, %ne3A_1187 : i1
        %add3A_1194 = arith.addi %rem3A_1185, %select_n3A_1184 : i32
        %select_n3A_1195 = arith.select %and3A_1193, %add3A_1194, %rem3A_1185 : i32
        %eq3A_1196 = arith.constant 2 : i32
        %eq3A_1197 = arith.cmpi eq, %select_n3A_1195, %eq3A_1196 : i32
        %jit3A_1198 = arith.constant 3 : i32
        %eq3A_1199 = arith.constant 0 : i32
        %eq3A_1200 = arith.cmpi eq, %jit3A_1198, %eq3A_1199 : i32
        %jit3A_1201 = arith.constant 1 : i32
        %select_n3A_1202 = arith.select %eq3A_1200, %jit3A_1201, %jit3A_1198 : i32
        %rem3A_1203 = arith.remsi %add3A_346, %select_n3A_1202 : i32
        %ne3A_1204 = arith.constant 0 : i32
        %ne3A_1205 = arith.cmpi ne, %rem3A_1203, %ne3A_1204 : i32
        %lt3A_1206 = arith.constant 0 : i32
        %lt3A_1207 = arith.cmpi slt, %rem3A_1203, %lt3A_1206 : i32
        %lt3A_1208 = arith.constant 0 : i32
        %lt3A_1209 = arith.cmpi slt, %select_n3A_1202, %lt3A_1208 : i32
        %ne3A_1210 = arith.xori %lt3A_1207, %lt3A_1209 : i1
        %and3A_1211 = arith.andi %ne3A_1210, %ne3A_1205 : i1
        %add3A_1212 = arith.addi %rem3A_1203, %select_n3A_1202 : i32
        %select_n3A_1213 = arith.select %and3A_1211, %add3A_1212, %rem3A_1203 : i32
        %ne3A_1214 = arith.constant 2 : i32
        %ne3A_1215 = arith.cmpi ne, %select_n3A_1213, %ne3A_1214 : i32
        %and3A_1216 = arith.andi %eq3A_1197, %ne3A_1215 : i1
        %convert_element_type3A_1217 = arith.extui %and3A_1216 : i1 to i32
        %cond3A_1218 = arith.constant 0 : i32
        %cond3A_1219 = arith.cmpi ne, %convert_element_type3A_1217, %cond3A_1218 : i32
        scf.if %cond3A_1219 {
          %dma_start3A_1260 = arith.constant 0 : i32
          %dma_start3A_1261 = tpu.memref_slice %arg7[%multiple_of3A_1019, %dma_start3A_1260] : memref<720x128xf32, #tpu.memory_space<vmem>> -> memref<208x128xf32, #tpu.memory_space<vmem>>
          %dma_start3A_1262 = tpu.memref_slice %arg6[%mul3A_1000] : memref<960xi32, #tpu.memory_space<vmem>> -> memref<208xi32, #tpu.memory_space<vmem>>
          %dma_start3A_1263 = arith.constant 0 : i32
          %dma_start3A_1264 = arith.constant 0 : i32
          %dma_start3A_1265 = tpu.memref_slice %arg3[%dma_start3A_1263, %dma_start3A_1264] : memref<100000x128xf32, #tpu.memory_space<hbm>> -> memref<100000x128xf32, #tpu.memory_space<hbm>>
          tpu.enqueue_indirect_dma source(%dma_start3A_1265 : memref<100000x128xf32, #tpu.memory_space<hbm>>) target(%dma_start3A_1261 : memref<208x128xf32, #tpu.memory_space<vmem>>) offsets(%dma_start3A_1262 : memref<208xi32, #tpu.memory_space<vmem>>) semaphore(%arg13 : memref<!tpu.dma_semaphore, #tpu.memory_space<semaphore_mem>>)
        } else {
        }
        %jit3A_1220 = arith.constant 3 : i32
        %eq3A_1221 = arith.constant 0 : i32
        %eq3A_1222 = arith.cmpi eq, %jit3A_1220, %eq3A_1221 : i32
        %jit3A_1223 = arith.constant 1 : i32
        %select_n3A_1224 = arith.select %eq3A_1222, %jit3A_1223, %jit3A_1220 : i32
        %rem3A_1225 = arith.remsi %add3A_346, %select_n3A_1224 : i32
        %ne3A_1226 = arith.constant 0 : i32
        %ne3A_1227 = arith.cmpi ne, %rem3A_1225, %ne3A_1226 : i32
        %lt3A_1228 = arith.constant 0 : i32
        %lt3A_1229 = arith.cmpi slt, %rem3A_1225, %lt3A_1228 : i32
        %lt3A_1230 = arith.constant 0 : i32
        %lt3A_1231 = arith.cmpi slt, %select_n3A_1224, %lt3A_1230 : i32
        %ne3A_1232 = arith.xori %lt3A_1229, %lt3A_1231 : i1
        %and3A_1233 = arith.andi %ne3A_1232, %ne3A_1227 : i1
        %add3A_1234 = arith.addi %rem3A_1225, %select_n3A_1224 : i32
        %select_n3A_1235 = arith.select %and3A_1233, %add3A_1234, %rem3A_1225 : i32
        %eq3A_1236 = arith.constant 2 : i32
        %eq3A_1237 = arith.cmpi eq, %select_n3A_1235, %eq3A_1236 : i32
        %jit3A_1238 = arith.constant 3 : i32
        %eq3A_1239 = arith.constant 0 : i32
        %eq3A_1240 = arith.cmpi eq, %jit3A_1238, %eq3A_1239 : i32
        %jit3A_1241 = arith.constant 1 : i32
        %select_n3A_1242 = arith.select %eq3A_1240, %jit3A_1241, %jit3A_1238 : i32
        %rem3A_1243 = arith.remsi %add3A_346, %select_n3A_1242 : i32
        %ne3A_1244 = arith.constant 0 : i32
        %ne3A_1245 = arith.cmpi ne, %rem3A_1243, %ne3A_1244 : i32
        %lt3A_1246 = arith.constant 0 : i32
        %lt3A_1247 = arith.cmpi slt, %rem3A_1243, %lt3A_1246 : i32
        %lt3A_1248 = arith.constant 0 : i32
        %lt3A_1249 = arith.cmpi slt, %select_n3A_1242, %lt3A_1248 : i32
        %ne3A_1250 = arith.xori %lt3A_1247, %lt3A_1249 : i1
        %and3A_1251 = arith.andi %ne3A_1250, %ne3A_1245 : i1
        %add3A_1252 = arith.addi %rem3A_1243, %select_n3A_1242 : i32
        %select_n3A_1253 = arith.select %and3A_1251, %add3A_1252, %rem3A_1243 : i32
        %eq3A_1254 = arith.constant 2 : i32
        %eq3A_1255 = arith.cmpi eq, %select_n3A_1253, %eq3A_1254 : i32
        %and3A_1256 = arith.andi %eq3A_1237, %eq3A_1255 : i1
        %convert_element_type3A_1257 = arith.extui %and3A_1256 : i1 to i32
        %cond3A_1258 = arith.constant 0 : i32
        %cond3A_1259 = arith.cmpi ne, %convert_element_type3A_1257, %cond3A_1258 : i32
        scf.if %cond3A_1259 {
          %dma_start3A_1260 = arith.constant 0 : i32
          %dma_start3A_1261 = tpu.memref_slice %arg7[%multiple_of3A_1019, %dma_start3A_1260] : memref<720x128xf32, #tpu.memory_space<vmem>> -> memref<240x128xf32, #tpu.memory_space<vmem>>
          %dma_start3A_1262 = tpu.memref_slice %arg6[%mul3A_1000] : memref<960xi32, #tpu.memory_space<vmem>> -> memref<240xi32, #tpu.memory_space<vmem>>
          %dma_start3A_1263 = arith.constant 0 : i32
          %dma_start3A_1264 = arith.constant 0 : i32
          %dma_start3A_1265 = tpu.memref_slice %arg3[%dma_start3A_1263, %dma_start3A_1264] : memref<100000x128xf32, #tpu.memory_space<hbm>> -> memref<100000x128xf32, #tpu.memory_space<hbm>>
          tpu.enqueue_indirect_dma source(%dma_start3A_1265 : memref<100000x128xf32, #tpu.memory_space<hbm>>) target(%dma_start3A_1261 : memref<240x128xf32, #tpu.memory_space<vmem>>) offsets(%dma_start3A_1262 : memref<240xi32, #tpu.memory_space<vmem>>) semaphore(%arg13 : memref<!tpu.dma_semaphore, #tpu.memory_space<semaphore_mem>>)
        } else {
        }
      } else {
      }
      %jit3A_352 = arith.constant 3 : i32
      %eq3A_353 = arith.constant 0 : i32
      %eq3A_354 = arith.cmpi eq, %jit3A_352, %eq3A_353 : i32
      %jit3A_355 = arith.constant 1 : i32
      %select_n3A_356 = arith.select %eq3A_354, %jit3A_355, %jit3A_352 : i32
      %rem3A_357 = arith.remsi %scan3A_303, %select_n3A_356 : i32
      %ne3A_358 = arith.constant 0 : i32
      %ne3A_359 = arith.cmpi ne, %rem3A_357, %ne3A_358 : i32
      %lt3A_360 = arith.constant 0 : i32
      %lt3A_361 = arith.cmpi slt, %rem3A_357, %lt3A_360 : i32
      %lt3A_362 = arith.constant 0 : i32
      %lt3A_363 = arith.cmpi slt, %select_n3A_356, %lt3A_362 : i32
      %ne3A_364 = arith.xori %lt3A_361, %lt3A_363 : i1
      %and3A_365 = arith.andi %ne3A_364, %ne3A_359 : i1
      %add3A_366 = arith.addi %rem3A_357, %select_n3A_356 : i32
      %select_n3A_367 = arith.select %and3A_365, %add3A_366, %rem3A_357 : i32
      %mul3A_368 = arith.constant 320 : i32
      %mul3A_369 = arith.muli %select_n3A_367, %mul3A_368 : i32
      %jit3A_370 = arith.constant 3 : i32
      %eq3A_371 = arith.constant 0 : i32
      %eq3A_372 = arith.cmpi eq, %jit3A_370, %eq3A_371 : i32
      %jit3A_373 = arith.constant 1 : i32
      %select_n3A_374 = arith.select %eq3A_372, %jit3A_373, %jit3A_370 : i32
      %rem3A_375 = arith.remsi %scan3A_303, %select_n3A_374 : i32
      %ne3A_376 = arith.constant 0 : i32
      %ne3A_377 = arith.cmpi ne, %rem3A_375, %ne3A_376 : i32
      %lt3A_378 = arith.constant 0 : i32
      %lt3A_379 = arith.cmpi slt, %rem3A_375, %lt3A_378 : i32
      %lt3A_380 = arith.constant 0 : i32
      %lt3A_381 = arith.cmpi slt, %select_n3A_374, %lt3A_380 : i32
      %ne3A_382 = arith.xori %lt3A_379, %lt3A_381 : i1
      %and3A_383 = arith.andi %ne3A_382, %ne3A_377 : i1
      %add3A_384 = arith.addi %rem3A_375, %select_n3A_374 : i32
      %select_n3A_385 = arith.select %and3A_383, %add3A_384, %rem3A_375 : i32
      %mul3A_386 = arith.constant 240 : i32
      %mul3A_387 = arith.muli %select_n3A_385, %mul3A_386 : i32
      %multiple_of3A_388 = tpu.assume_multiple %mul3A_387, 8 : i32
      %jit3A_389 = arith.constant 3 : i32
      %eq3A_390 = arith.constant 0 : i32
      %eq3A_391 = arith.cmpi eq, %jit3A_389, %eq3A_390 : i32
      %jit3A_392 = arith.constant 1 : i32
      %select_n3A_393 = arith.select %eq3A_391, %jit3A_392, %jit3A_389 : i32
      %rem3A_394 = arith.remsi %scan3A_303, %select_n3A_393 : i32
      %ne3A_395 = arith.constant 0 : i32
      %ne3A_396 = arith.cmpi ne, %rem3A_394, %ne3A_395 : i32
      %lt3A_397 = arith.constant 0 : i32
      %lt3A_398 = arith.cmpi slt, %rem3A_394, %lt3A_397 : i32
      %lt3A_399 = arith.constant 0 : i32
      %lt3A_400 = arith.cmpi slt, %select_n3A_393, %lt3A_399 : i32
      %ne3A_401 = arith.xori %lt3A_398, %lt3A_400 : i1
      %and3A_402 = arith.andi %ne3A_401, %ne3A_396 : i1
      %add3A_403 = arith.addi %rem3A_394, %select_n3A_393 : i32
      %select_n3A_404 = arith.select %and3A_402, %add3A_403, %rem3A_394 : i32
      %eq3A_405 = arith.constant 0 : i32
      %eq3A_406 = arith.cmpi eq, %select_n3A_404, %eq3A_405 : i32
      %jit3A_407 = arith.constant 3 : i32
      %eq3A_408 = arith.constant 0 : i32
      %eq3A_409 = arith.cmpi eq, %jit3A_407, %eq3A_408 : i32
      %jit3A_410 = arith.constant 1 : i32
      %select_n3A_411 = arith.select %eq3A_409, %jit3A_410, %jit3A_407 : i32
      %rem3A_412 = arith.remsi %scan3A_303, %select_n3A_411 : i32
      %ne3A_413 = arith.constant 0 : i32
      %ne3A_414 = arith.cmpi ne, %rem3A_412, %ne3A_413 : i32
      %lt3A_415 = arith.constant 0 : i32
      %lt3A_416 = arith.cmpi slt, %rem3A_412, %lt3A_415 : i32
      %lt3A_417 = arith.constant 0 : i32
      %lt3A_418 = arith.cmpi slt, %select_n3A_411, %lt3A_417 : i32
      %ne3A_419 = arith.xori %lt3A_416, %lt3A_418 : i1
      %and3A_420 = arith.andi %ne3A_419, %ne3A_414 : i1
      %add3A_421 = arith.addi %rem3A_412, %select_n3A_411 : i32
      %select_n3A_422 = arith.select %and3A_420, %add3A_421, %rem3A_412 : i32
      %ne3A_423 = arith.constant 2 : i32
      %ne3A_424 = arith.cmpi ne, %select_n3A_422, %ne3A_423 : i32
      %and3A_425 = arith.andi %eq3A_406, %ne3A_424 : i1
      %convert_element_type3A_426 = arith.extui %and3A_425 : i1 to i32
      %cond3A_427 = arith.constant 0 : i32
      %cond3A_428 = arith.cmpi ne, %convert_element_type3A_426, %cond3A_427 : i32
      scf.if %cond3A_428 {
        %dma_wait3A_834 = arith.constant 0 : i32
        %dma_wait3A_835 = tpu.memref_slice %arg7[%multiple_of3A_388, %dma_wait3A_834] : memref<720x128xf32, #tpu.memory_space<vmem>> -> memref<208x128xf32, #tpu.memory_space<vmem>>
        %dma_wait3A_836 = tpu.memref_slice %arg6[%mul3A_369] : memref<960xi32, #tpu.memory_space<vmem>> -> memref<208xi32, #tpu.memory_space<vmem>>
        %dma_wait3A_837 = arith.constant 0 : i32
        %dma_wait3A_838 = arith.constant 0 : i32
        %dma_wait3A_839 = tpu.memref_slice %arg3[%dma_wait3A_837, %dma_wait3A_838] : memref<100000x128xf32, #tpu.memory_space<hbm>> -> memref<100000x128xf32, #tpu.memory_space<hbm>>
        tpu.wait_indirect_dma semaphore(%arg11 : memref<!tpu.dma_semaphore, #tpu.memory_space<semaphore_mem>>) src(%dma_wait3A_839 : memref<100000x128xf32, #tpu.memory_space<hbm>>) dst(%dma_wait3A_835 : memref<208x128xf32, #tpu.memory_space<vmem>>)
      } else {
      }
      %jit3A_429 = arith.constant 3 : i32
      %eq3A_430 = arith.constant 0 : i32
      %eq3A_431 = arith.cmpi eq, %jit3A_429, %eq3A_430 : i32
      %jit3A_432 = arith.constant 1 : i32
      %select_n3A_433 = arith.select %eq3A_431, %jit3A_432, %jit3A_429 : i32
      %rem3A_434 = arith.remsi %scan3A_303, %select_n3A_433 : i32
      %ne3A_435 = arith.constant 0 : i32
      %ne3A_436 = arith.cmpi ne, %rem3A_434, %ne3A_435 : i32
      %lt3A_437 = arith.constant 0 : i32
      %lt3A_438 = arith.cmpi slt, %rem3A_434, %lt3A_437 : i32
      %lt3A_439 = arith.constant 0 : i32
      %lt3A_440 = arith.cmpi slt, %select_n3A_433, %lt3A_439 : i32
      %ne3A_441 = arith.xori %lt3A_438, %lt3A_440 : i1
      %and3A_442 = arith.andi %ne3A_441, %ne3A_436 : i1
      %add3A_443 = arith.addi %rem3A_434, %select_n3A_433 : i32
      %select_n3A_444 = arith.select %and3A_442, %add3A_443, %rem3A_434 : i32
      %eq3A_445 = arith.constant 0 : i32
      %eq3A_446 = arith.cmpi eq, %select_n3A_444, %eq3A_445 : i32
      %jit3A_447 = arith.constant 3 : i32
      %eq3A_448 = arith.constant 0 : i32
      %eq3A_449 = arith.cmpi eq, %jit3A_447, %eq3A_448 : i32
      %jit3A_450 = arith.constant 1 : i32
      %select_n3A_451 = arith.select %eq3A_449, %jit3A_450, %jit3A_447 : i32
      %rem3A_452 = arith.remsi %scan3A_303, %select_n3A_451 : i32
      %ne3A_453 = arith.constant 0 : i32
      %ne3A_454 = arith.cmpi ne, %rem3A_452, %ne3A_453 : i32
      %lt3A_455 = arith.constant 0 : i32
      %lt3A_456 = arith.cmpi slt, %rem3A_452, %lt3A_455 : i32
      %lt3A_457 = arith.constant 0 : i32
      %lt3A_458 = arith.cmpi slt, %select_n3A_451, %lt3A_457 : i32
      %ne3A_459 = arith.xori %lt3A_456, %lt3A_458 : i1
      %and3A_460 = arith.andi %ne3A_459, %ne3A_454 : i1
      %add3A_461 = arith.addi %rem3A_452, %select_n3A_451 : i32
      %select_n3A_462 = arith.select %and3A_460, %add3A_461, %rem3A_452 : i32
      %eq3A_463 = arith.constant 2 : i32
      %eq3A_464 = arith.cmpi eq, %select_n3A_462, %eq3A_463 : i32
      %and3A_465 = arith.andi %eq3A_446, %eq3A_464 : i1
      %convert_element_type3A_466 = arith.extui %and3A_465 : i1 to i32
      %cond3A_467 = arith.constant 0 : i32
      %cond3A_468 = arith.cmpi ne, %convert_element_type3A_466, %cond3A_467 : i32
      scf.if %cond3A_468 {
        %dma_wait3A_834 = arith.constant 0 : i32
        %dma_wait3A_835 = tpu.memref_slice %arg7[%multiple_of3A_388, %dma_wait3A_834] : memref<720x128xf32, #tpu.memory_space<vmem>> -> memref<240x128xf32, #tpu.memory_space<vmem>>
        %dma_wait3A_836 = tpu.memref_slice %arg6[%mul3A_369] : memref<960xi32, #tpu.memory_space<vmem>> -> memref<240xi32, #tpu.memory_space<vmem>>
        %dma_wait3A_837 = arith.constant 0 : i32
        %dma_wait3A_838 = arith.constant 0 : i32
        %dma_wait3A_839 = tpu.memref_slice %arg3[%dma_wait3A_837, %dma_wait3A_838] : memref<100000x128xf32, #tpu.memory_space<hbm>> -> memref<100000x128xf32, #tpu.memory_space<hbm>>
        tpu.wait_indirect_dma semaphore(%arg11 : memref<!tpu.dma_semaphore, #tpu.memory_space<semaphore_mem>>) src(%dma_wait3A_839 : memref<100000x128xf32, #tpu.memory_space<hbm>>) dst(%dma_wait3A_835 : memref<240x128xf32, #tpu.memory_space<vmem>>)
      } else {
      }
      %jit3A_469 = arith.constant 3 : i32
      %eq3A_470 = arith.constant 0 : i32
      %eq3A_471 = arith.cmpi eq, %jit3A_469, %eq3A_470 : i32
      %jit3A_472 = arith.constant 1 : i32
      %select_n3A_473 = arith.select %eq3A_471, %jit3A_472, %jit3A_469 : i32
      %rem3A_474 = arith.remsi %scan3A_303, %select_n3A_473 : i32
      %ne3A_475 = arith.constant 0 : i32
      %ne3A_476 = arith.cmpi ne, %rem3A_474, %ne3A_475 : i32
      %lt3A_477 = arith.constant 0 : i32
      %lt3A_478 = arith.cmpi slt, %rem3A_474, %lt3A_477 : i32
      %lt3A_479 = arith.constant 0 : i32
      %lt3A_480 = arith.cmpi slt, %select_n3A_473, %lt3A_479 : i32
      %ne3A_481 = arith.xori %lt3A_478, %lt3A_480 : i1
      %and3A_482 = arith.andi %ne3A_481, %ne3A_476 : i1
      %add3A_483 = arith.addi %rem3A_474, %select_n3A_473 : i32
      %select_n3A_484 = arith.select %and3A_482, %add3A_483, %rem3A_474 : i32
      %eq3A_485 = arith.constant 1 : i32
      %eq3A_486 = arith.cmpi eq, %select_n3A_484, %eq3A_485 : i32
      %jit3A_487 = arith.constant 3 : i32
      %eq3A_488 = arith.constant 0 : i32
      %eq3A_489 = arith.cmpi eq, %jit3A_487, %eq3A_488 : i32
      %jit3A_490 = arith.constant 1 : i32
      %select_n3A_491 = arith.select %eq3A_489, %jit3A_490, %jit3A_487 : i32
      %rem3A_492 = arith.remsi %scan3A_303, %select_n3A_491 : i32
      %ne3A_493 = arith.constant 0 : i32
      %ne3A_494 = arith.cmpi ne, %rem3A_492, %ne3A_493 : i32
      %lt3A_495 = arith.constant 0 : i32
      %lt3A_496 = arith.cmpi slt, %rem3A_492, %lt3A_495 : i32
      %lt3A_497 = arith.constant 0 : i32
      %lt3A_498 = arith.cmpi slt, %select_n3A_491, %lt3A_497 : i32
      %ne3A_499 = arith.xori %lt3A_496, %lt3A_498 : i1
      %and3A_500 = arith.andi %ne3A_499, %ne3A_494 : i1
      %add3A_501 = arith.addi %rem3A_492, %select_n3A_491 : i32
      %select_n3A_502 = arith.select %and3A_500, %add3A_501, %rem3A_492 : i32
      %ne3A_503 = arith.constant 2 : i32
      %ne3A_504 = arith.cmpi ne, %select_n3A_502, %ne3A_503 : i32
      %and3A_505 = arith.andi %eq3A_486, %ne3A_504 : i1
      %convert_element_type3A_506 = arith.extui %and3A_505 : i1 to i32
      %cond3A_507 = arith.constant 0 : i32
      %cond3A_508 = arith.cmpi ne, %convert_element_type3A_506, %cond3A_507 : i32
      scf.if %cond3A_508 {
        %dma_wait3A_834 = arith.constant 0 : i32
        %dma_wait3A_835 = tpu.memref_slice %arg7[%multiple_of3A_388, %dma_wait3A_834] : memref<720x128xf32, #tpu.memory_space<vmem>> -> memref<208x128xf32, #tpu.memory_space<vmem>>
        %dma_wait3A_836 = tpu.memref_slice %arg6[%mul3A_369] : memref<960xi32, #tpu.memory_space<vmem>> -> memref<208xi32, #tpu.memory_space<vmem>>
        %dma_wait3A_837 = arith.constant 0 : i32
        %dma_wait3A_838 = arith.constant 0 : i32
        %dma_wait3A_839 = tpu.memref_slice %arg3[%dma_wait3A_837, %dma_wait3A_838] : memref<100000x128xf32, #tpu.memory_space<hbm>> -> memref<100000x128xf32, #tpu.memory_space<hbm>>
        tpu.wait_indirect_dma semaphore(%arg12 : memref<!tpu.dma_semaphore, #tpu.memory_space<semaphore_mem>>) src(%dma_wait3A_839 : memref<100000x128xf32, #tpu.memory_space<hbm>>) dst(%dma_wait3A_835 : memref<208x128xf32, #tpu.memory_space<vmem>>)
      } else {
      }
      %jit3A_509 = arith.constant 3 : i32
      %eq3A_510 = arith.constant 0 : i32
      %eq3A_511 = arith.cmpi eq, %jit3A_509, %eq3A_510 : i32
      %jit3A_512 = arith.constant 1 : i32
      %select_n3A_513 = arith.select %eq3A_511, %jit3A_512, %jit3A_509 : i32
      %rem3A_514 = arith.remsi %scan3A_303, %select_n3A_513 : i32
      %ne3A_515 = arith.constant 0 : i32
      %ne3A_516 = arith.cmpi ne, %rem3A_514, %ne3A_515 : i32
      %lt3A_517 = arith.constant 0 : i32
      %lt3A_518 = arith.cmpi slt, %rem3A_514, %lt3A_517 : i32
      %lt3A_519 = arith.constant 0 : i32
      %lt3A_520 = arith.cmpi slt, %select_n3A_513, %lt3A_519 : i32
      %ne3A_521 = arith.xori %lt3A_518, %lt3A_520 : i1
      %and3A_522 = arith.andi %ne3A_521, %ne3A_516 : i1
      %add3A_523 = arith.addi %rem3A_514, %select_n3A_513 : i32
      %select_n3A_524 = arith.select %and3A_522, %add3A_523, %rem3A_514 : i32
      %eq3A_525 = arith.constant 1 : i32
      %eq3A_526 = arith.cmpi eq, %select_n3A_524, %eq3A_525 : i32
      %jit3A_527 = arith.constant 3 : i32
      %eq3A_528 = arith.constant 0 : i32
      %eq3A_529 = arith.cmpi eq, %jit3A_527, %eq3A_528 : i32
      %jit3A_530 = arith.constant 1 : i32
      %select_n3A_531 = arith.select %eq3A_529, %jit3A_530, %jit3A_527 : i32
      %rem3A_532 = arith.remsi %scan3A_303, %select_n3A_531 : i32
      %ne3A_533 = arith.constant 0 : i32
      %ne3A_534 = arith.cmpi ne, %rem3A_532, %ne3A_533 : i32
      %lt3A_535 = arith.constant 0 : i32
      %lt3A_536 = arith.cmpi slt, %rem3A_532, %lt3A_535 : i32
      %lt3A_537 = arith.constant 0 : i32
      %lt3A_538 = arith.cmpi slt, %select_n3A_531, %lt3A_537 : i32
      %ne3A_539 = arith.xori %lt3A_536, %lt3A_538 : i1
      %and3A_540 = arith.andi %ne3A_539, %ne3A_534 : i1
      %add3A_541 = arith.addi %rem3A_532, %select_n3A_531 : i32
      %select_n3A_542 = arith.select %and3A_540, %add3A_541, %rem3A_532 : i32
      %eq3A_543 = arith.constant 2 : i32
      %eq3A_544 = arith.cmpi eq, %select_n3A_542, %eq3A_543 : i32
      %and3A_545 = arith.andi %eq3A_526, %eq3A_544 : i1
      %convert_element_type3A_546 = arith.extui %and3A_545 : i1 to i32
      %cond3A_547 = arith.constant 0 : i32
      %cond3A_548 = arith.cmpi ne, %convert_element_type3A_546, %cond3A_547 : i32
      scf.if %cond3A_548 {
        %dma_wait3A_834 = arith.constant 0 : i32
        %dma_wait3A_835 = tpu.memref_slice %arg7[%multiple_of3A_388, %dma_wait3A_834] : memref<720x128xf32, #tpu.memory_space<vmem>> -> memref<240x128xf32, #tpu.memory_space<vmem>>
        %dma_wait3A_836 = tpu.memref_slice %arg6[%mul3A_369] : memref<960xi32, #tpu.memory_space<vmem>> -> memref<240xi32, #tpu.memory_space<vmem>>
        %dma_wait3A_837 = arith.constant 0 : i32
        %dma_wait3A_838 = arith.constant 0 : i32
        %dma_wait3A_839 = tpu.memref_slice %arg3[%dma_wait3A_837, %dma_wait3A_838] : memref<100000x128xf32, #tpu.memory_space<hbm>> -> memref<100000x128xf32, #tpu.memory_space<hbm>>
        tpu.wait_indirect_dma semaphore(%arg12 : memref<!tpu.dma_semaphore, #tpu.memory_space<semaphore_mem>>) src(%dma_wait3A_839 : memref<100000x128xf32, #tpu.memory_space<hbm>>) dst(%dma_wait3A_835 : memref<240x128xf32, #tpu.memory_space<vmem>>)
      } else {
      }
      %jit3A_549 = arith.constant 3 : i32
      %eq3A_550 = arith.constant 0 : i32
      %eq3A_551 = arith.cmpi eq, %jit3A_549, %eq3A_550 : i32
      %jit3A_552 = arith.constant 1 : i32
      %select_n3A_553 = arith.select %eq3A_551, %jit3A_552, %jit3A_549 : i32
      %rem3A_554 = arith.remsi %scan3A_303, %select_n3A_553 : i32
      %ne3A_555 = arith.constant 0 : i32
      %ne3A_556 = arith.cmpi ne, %rem3A_554, %ne3A_555 : i32
      %lt3A_557 = arith.constant 0 : i32
      %lt3A_558 = arith.cmpi slt, %rem3A_554, %lt3A_557 : i32
      %lt3A_559 = arith.constant 0 : i32
      %lt3A_560 = arith.cmpi slt, %select_n3A_553, %lt3A_559 : i32
      %ne3A_561 = arith.xori %lt3A_558, %lt3A_560 : i1
      %and3A_562 = arith.andi %ne3A_561, %ne3A_556 : i1
      %add3A_563 = arith.addi %rem3A_554, %select_n3A_553 : i32
      %select_n3A_564 = arith.select %and3A_562, %add3A_563, %rem3A_554 : i32
      %eq3A_565 = arith.constant 2 : i32
      %eq3A_566 = arith.cmpi eq, %select_n3A_564, %eq3A_565 : i32
      %jit3A_567 = arith.constant 3 : i32
      %eq3A_568 = arith.constant 0 : i32
      %eq3A_569 = arith.cmpi eq, %jit3A_567, %eq3A_568 : i32
      %jit3A_570 = arith.constant 1 : i32
      %select_n3A_571 = arith.select %eq3A_569, %jit3A_570, %jit3A_567 : i32
      %rem3A_572 = arith.remsi %scan3A_303, %select_n3A_571 : i32
      %ne3A_573 = arith.constant 0 : i32
      %ne3A_574 = arith.cmpi ne, %rem3A_572, %ne3A_573 : i32
      %lt3A_575 = arith.constant 0 : i32
      %lt3A_576 = arith.cmpi slt, %rem3A_572, %lt3A_575 : i32
      %lt3A_577 = arith.constant 0 : i32
      %lt3A_578 = arith.cmpi slt, %select_n3A_571, %lt3A_577 : i32
      %ne3A_579 = arith.xori %lt3A_576, %lt3A_578 : i1
      %and3A_580 = arith.andi %ne3A_579, %ne3A_574 : i1
      %add3A_581 = arith.addi %rem3A_572, %select_n3A_571 : i32
      %select_n3A_582 = arith.select %and3A_580, %add3A_581, %rem3A_572 : i32
      %ne3A_583 = arith.constant 2 : i32
      %ne3A_584 = arith.cmpi ne, %select_n3A_582, %ne3A_583 : i32
      %and3A_585 = arith.andi %eq3A_566, %ne3A_584 : i1
      %convert_element_type3A_586 = arith.extui %and3A_585 : i1 to i32
      %cond3A_587 = arith.constant 0 : i32
      %cond3A_588 = arith.cmpi ne, %convert_element_type3A_586, %cond3A_587 : i32
      scf.if %cond3A_588 {
        %dma_wait3A_834 = arith.constant 0 : i32
        %dma_wait3A_835 = tpu.memref_slice %arg7[%multiple_of3A_388, %dma_wait3A_834] : memref<720x128xf32, #tpu.memory_space<vmem>> -> memref<208x128xf32, #tpu.memory_space<vmem>>
        %dma_wait3A_836 = tpu.memref_slice %arg6[%mul3A_369] : memref<960xi32, #tpu.memory_space<vmem>> -> memref<208xi32, #tpu.memory_space<vmem>>
        %dma_wait3A_837 = arith.constant 0 : i32
        %dma_wait3A_838 = arith.constant 0 : i32
        %dma_wait3A_839 = tpu.memref_slice %arg3[%dma_wait3A_837, %dma_wait3A_838] : memref<100000x128xf32, #tpu.memory_space<hbm>> -> memref<100000x128xf32, #tpu.memory_space<hbm>>
        tpu.wait_indirect_dma semaphore(%arg13 : memref<!tpu.dma_semaphore, #tpu.memory_space<semaphore_mem>>) src(%dma_wait3A_839 : memref<100000x128xf32, #tpu.memory_space<hbm>>) dst(%dma_wait3A_835 : memref<208x128xf32, #tpu.memory_space<vmem>>)
      } else {
      }
      %jit3A_589 = arith.constant 3 : i32
      %eq3A_590 = arith.constant 0 : i32
      %eq3A_591 = arith.cmpi eq, %jit3A_589, %eq3A_590 : i32
      %jit3A_592 = arith.constant 1 : i32
      %select_n3A_593 = arith.select %eq3A_591, %jit3A_592, %jit3A_589 : i32
      %rem3A_594 = arith.remsi %scan3A_303, %select_n3A_593 : i32
      %ne3A_595 = arith.constant 0 : i32
      %ne3A_596 = arith.cmpi ne, %rem3A_594, %ne3A_595 : i32
      %lt3A_597 = arith.constant 0 : i32
      %lt3A_598 = arith.cmpi slt, %rem3A_594, %lt3A_597 : i32
      %lt3A_599 = arith.constant 0 : i32
      %lt3A_600 = arith.cmpi slt, %select_n3A_593, %lt3A_599 : i32
      %ne3A_601 = arith.xori %lt3A_598, %lt3A_600 : i1
      %and3A_602 = arith.andi %ne3A_601, %ne3A_596 : i1
      %add3A_603 = arith.addi %rem3A_594, %select_n3A_593 : i32
      %select_n3A_604 = arith.select %and3A_602, %add3A_603, %rem3A_594 : i32
      %eq3A_605 = arith.constant 2 : i32
      %eq3A_606 = arith.cmpi eq, %select_n3A_604, %eq3A_605 : i32
      %jit3A_607 = arith.constant 3 : i32
      %eq3A_608 = arith.constant 0 : i32
      %eq3A_609 = arith.cmpi eq, %jit3A_607, %eq3A_608 : i32
      %jit3A_610 = arith.constant 1 : i32
      %select_n3A_611 = arith.select %eq3A_609, %jit3A_610, %jit3A_607 : i32
      %rem3A_612 = arith.remsi %scan3A_303, %select_n3A_611 : i32
      %ne3A_613 = arith.constant 0 : i32
      %ne3A_614 = arith.cmpi ne, %rem3A_612, %ne3A_613 : i32
      %lt3A_615 = arith.constant 0 : i32
      %lt3A_616 = arith.cmpi slt, %rem3A_612, %lt3A_615 : i32
      %lt3A_617 = arith.constant 0 : i32
      %lt3A_618 = arith.cmpi slt, %select_n3A_611, %lt3A_617 : i32
      %ne3A_619 = arith.xori %lt3A_616, %lt3A_618 : i1
      %and3A_620 = arith.andi %ne3A_619, %ne3A_614 : i1
      %add3A_621 = arith.addi %rem3A_612, %select_n3A_611 : i32
      %select_n3A_622 = arith.select %and3A_620, %add3A_621, %rem3A_612 : i32
      %eq3A_623 = arith.constant 2 : i32
      %eq3A_624 = arith.cmpi eq, %select_n3A_622, %eq3A_623 : i32
      %and3A_625 = arith.andi %eq3A_606, %eq3A_624 : i1
      %convert_element_type3A_626 = arith.extui %and3A_625 : i1 to i32
      %cond3A_627 = arith.constant 0 : i32
      %cond3A_628 = arith.cmpi ne, %convert_element_type3A_626, %cond3A_627 : i32
      scf.if %cond3A_628 {
        %dma_wait3A_834 = arith.constant 0 : i32
        %dma_wait3A_835 = tpu.memref_slice %arg7[%multiple_of3A_388, %dma_wait3A_834] : memref<720x128xf32, #tpu.memory_space<vmem>> -> memref<240x128xf32, #tpu.memory_space<vmem>>
        %dma_wait3A_836 = tpu.memref_slice %arg6[%mul3A_369] : memref<960xi32, #tpu.memory_space<vmem>> -> memref<240xi32, #tpu.memory_space<vmem>>
        %dma_wait3A_837 = arith.constant 0 : i32
        %dma_wait3A_838 = arith.constant 0 : i32
        %dma_wait3A_839 = tpu.memref_slice %arg3[%dma_wait3A_837, %dma_wait3A_838] : memref<100000x128xf32, #tpu.memory_space<hbm>> -> memref<100000x128xf32, #tpu.memory_space<hbm>>
        tpu.wait_indirect_dma semaphore(%arg13 : memref<!tpu.dma_semaphore, #tpu.memory_space<semaphore_mem>>) src(%dma_wait3A_839 : memref<100000x128xf32, #tpu.memory_space<hbm>>) dst(%dma_wait3A_835 : memref<240x128xf32, #tpu.memory_space<vmem>>)
      } else {
      }
      %ge3A = arith.constant 1 : i32
      %ge3A_629 = arith.cmpi sge, %scan3A_303, %ge3A : i32
      %convert_element_type3A_630 = arith.extui %ge3A_629 : i1 to i32
      %cond3A_631 = arith.constant 0 : i32
      %cond3A_632 = arith.cmpi ne, %convert_element_type3A_630, %cond3A_631 : i32
      scf.if %cond3A_632 {
        %sub3A_834 = arith.constant 1 : i32
        %sub3A_835 = arith.subi %scan3A_303, %sub3A_834 : i32
        %mul3A_836 = arith.constant 128 : i32
        %mul3A_837 = arith.muli %add3A, %mul3A_836 : i32
        %jit3A_838 = arith.constant 3 : i32
        %div3A_839 = arith.divsi %sub3A_835, %jit3A_838 : i32
        %sign3A_840 = arith.constant 0 : i32
        %sign3A_841 = arith.cmpi sgt, %sub3A_835, %sign3A_840 : i32
        %sign3A_842 = arith.extui %sign3A_841 : i1 to i32
        %sign3A_843 = arith.constant 0 : i32
        %sign3A_844 = arith.cmpi slt, %sub3A_835, %sign3A_843 : i32
        %sign3A_845 = arith.extui %sign3A_844 : i1 to i32
        %sign3A_846 = arith.subi %sign3A_842, %sign3A_845 : i32
        %sign3A_847 = arith.constant 0 : i32
        %sign3A_848 = arith.cmpi sgt, %jit3A_838, %sign3A_847 : i32
        %sign3A_849 = arith.extui %sign3A_848 : i1 to i32
        %sign3A_850 = arith.constant 0 : i32
        %sign3A_851 = arith.cmpi slt, %jit3A_838, %sign3A_850 : i32
        %sign3A_852 = arith.extui %sign3A_851 : i1 to i32
        %sign3A_853 = arith.subi %sign3A_849, %sign3A_852 : i32
        %ne3A_854 = arith.cmpi ne, %sign3A_846, %sign3A_853 : i32
        %rem3A_855 = arith.remsi %sub3A_835, %jit3A_838 : i32
        %ne3A_856 = arith.constant 0 : i32
        %ne3A_857 = arith.cmpi ne, %rem3A_855, %ne3A_856 : i32
        %and3A_858 = arith.andi %ne3A_854, %ne3A_857 : i1
        %sub3A_859 = arith.constant 1 : i32
        %sub3A_860 = arith.subi %div3A_839, %sub3A_859 : i32
        %select_n3A_861 = arith.select %and3A_858, %sub3A_860, %div3A_839 : i32
        %add3A_862 = arith.addi %mul3A_837, %select_n3A_861 : i32
        %jit3A_863 = arith.constant 3 : i32
        %eq3A_864 = arith.constant 0 : i32
        %eq3A_865 = arith.cmpi eq, %jit3A_863, %eq3A_864 : i32
        %jit3A_866 = arith.constant 1 : i32
        %select_n3A_867 = arith.select %eq3A_865, %jit3A_866, %jit3A_863 : i32
        %rem3A_868 = arith.remsi %sub3A_835, %select_n3A_867 : i32
        %ne3A_869 = arith.constant 0 : i32
        %ne3A_870 = arith.cmpi ne, %rem3A_868, %ne3A_869 : i32
        %lt3A_871 = arith.constant 0 : i32
        %lt3A_872 = arith.cmpi slt, %rem3A_868, %lt3A_871 : i32
        %lt3A_873 = arith.constant 0 : i32
        %lt3A_874 = arith.cmpi slt, %select_n3A_867, %lt3A_873 : i32
        %ne3A_875 = arith.xori %lt3A_872, %lt3A_874 : i1
        %and3A_876 = arith.andi %ne3A_875, %ne3A_870 : i1
        %add3A_877 = arith.addi %rem3A_868, %select_n3A_867 : i32
        %select_n3A_878 = arith.select %and3A_876, %add3A_877, %rem3A_868 : i32
        %ne3A_879 = arith.constant 2 : i32
        %ne3A_880 = arith.cmpi ne, %select_n3A_878, %ne3A_879 : i32
        %convert_element_type3A_881 = arith.extui %ne3A_880 : i1 to i32
        %cond3A_882 = arith.constant 0 : i32
        %cond3A_883 = arith.cmpi ne, %convert_element_type3A_881, %cond3A_882 : i32
        scf.if %cond3A_883 {
          %jit3A_905 = arith.constant 3 : i32
          %eq3A_906 = arith.constant 0 : i32
          %eq3A_907 = arith.cmpi eq, %jit3A_905, %eq3A_906 : i32
          %jit3A_908 = arith.constant 1 : i32
          %select_n3A_909 = arith.select %eq3A_907, %jit3A_908, %jit3A_905 : i32
          %rem3A_910 = arith.remsi %sub3A_835, %select_n3A_909 : i32
          %ne3A_911 = arith.constant 0 : i32
          %ne3A_912 = arith.cmpi ne, %rem3A_910, %ne3A_911 : i32
          %lt3A_913 = arith.constant 0 : i32
          %lt3A_914 = arith.cmpi slt, %rem3A_910, %lt3A_913 : i32
          %lt3A_915 = arith.constant 0 : i32
          %lt3A_916 = arith.cmpi slt, %select_n3A_909, %lt3A_915 : i32
          %ne3A_917 = arith.xori %lt3A_914, %lt3A_916 : i1
          %and3A_918 = arith.andi %ne3A_917, %ne3A_912 : i1
          %add3A_919 = arith.addi %rem3A_910, %select_n3A_909 : i32
          %select_n3A_920 = arith.select %and3A_918, %add3A_919, %rem3A_910 : i32
          %mul3A_921 = arith.constant 16 : i32
          %mul3A_922 = arith.muli %mul3A_921, %select_n3A_920 : i32
          %dma_wait3A_923 = arith.constant 0 : i32
          %dma_wait3A_924 = arith.constant 0 : i32
          %dma_wait3A_925 = tpu.memref_slice %arg8[%dma_wait3A_923, %dma_wait3A_924] : memref<18x836xf32, #tpu.memory_space<vmem>> -> memref<16x836xf32, #tpu.memory_space<vmem>>
          %dma_wait3A_926 = arith.constant 0 : i32
          %dma_wait3A_927 = tpu.memref_slice %arg4[%add3A_862, %mul3A_922, %dma_wait3A_926] : memref<4096x50x836xf32, #tpu.memory_space<hbm>> -> memref<1x16x836xf32, #tpu.memory_space<hbm>>
          %dma_wait3A_928 = tpu.memref_squeeze %dma_wait3A_927 : memref<1x16x836xf32, #tpu.memory_space<hbm>> -> memref<16x836xf32, #tpu.memory_space<hbm>>
          %dma_wait3A_929 = arith.constant 0 : i32
          %dma_wait3A_930 = tpu.memref_slice %arg4[%add3A_862, %mul3A_922, %dma_wait3A_929] : memref<4096x50x836xf32, #tpu.memory_space<hbm>> -> memref<1x16x836xf32, #tpu.memory_space<hbm>>
          %dma_wait3A_931 = tpu.memref_squeeze %dma_wait3A_930 : memref<1x16x836xf32, #tpu.memory_space<hbm>> -> memref<16x836xf32, #tpu.memory_space<hbm>>
          %dma_wait3A_932 = arith.constant 0 : i32
          %dma_wait3A_933 = arith.constant 0 : i32
          %dma_wait3A_934 = tpu.memref_slice %arg8[%dma_wait3A_932, %dma_wait3A_933] : memref<18x836xf32, #tpu.memory_space<vmem>> -> memref<16x836xf32, #tpu.memory_space<vmem>>
          tpu.wait_dma2 semaphore(%arg14 : memref<!tpu.dma_semaphore, #tpu.memory_space<semaphore_mem>>) src(%dma_wait3A_934 : memref<16x836xf32, #tpu.memory_space<vmem>>) dst(%dma_wait3A_931 : memref<16x836xf32, #tpu.memory_space<hbm>>)
        } else {
        }
        %jit3A_884 = arith.constant 3 : i32
        %eq3A_885 = arith.constant 0 : i32
        %eq3A_886 = arith.cmpi eq, %jit3A_884, %eq3A_885 : i32
        %jit3A_887 = arith.constant 1 : i32
        %select_n3A_888 = arith.select %eq3A_886, %jit3A_887, %jit3A_884 : i32
        %rem3A_889 = arith.remsi %sub3A_835, %select_n3A_888 : i32
        %ne3A_890 = arith.constant 0 : i32
        %ne3A_891 = arith.cmpi ne, %rem3A_889, %ne3A_890 : i32
        %lt3A_892 = arith.constant 0 : i32
        %lt3A_893 = arith.cmpi slt, %rem3A_889, %lt3A_892 : i32
        %lt3A_894 = arith.constant 0 : i32
        %lt3A_895 = arith.cmpi slt, %select_n3A_888, %lt3A_894 : i32
        %ne3A_896 = arith.xori %lt3A_893, %lt3A_895 : i1
        %and3A_897 = arith.andi %ne3A_896, %ne3A_891 : i1
        %add3A_898 = arith.addi %rem3A_889, %select_n3A_888 : i32
        %select_n3A_899 = arith.select %and3A_897, %add3A_898, %rem3A_889 : i32
        %eq3A_900 = arith.constant 2 : i32
        %eq3A_901 = arith.cmpi eq, %select_n3A_899, %eq3A_900 : i32
        %convert_element_type3A_902 = arith.extui %eq3A_901 : i1 to i32
        %cond3A_903 = arith.constant 0 : i32
        %cond3A_904 = arith.cmpi ne, %convert_element_type3A_902, %cond3A_903 : i32
        scf.if %cond3A_904 {
          %dma_wait3A_905 = arith.constant 32 : i32
          %dma_wait3A_906 = arith.constant 0 : i32
          %dma_wait3A_907 = tpu.memref_slice %arg4[%add3A_862, %dma_wait3A_905, %dma_wait3A_906] : memref<4096x50x836xf32, #tpu.memory_space<hbm>> -> memref<1x18x836xf32, #tpu.memory_space<hbm>>
          %dma_wait3A_908 = tpu.memref_squeeze %dma_wait3A_907 : memref<1x18x836xf32, #tpu.memory_space<hbm>> -> memref<18x836xf32, #tpu.memory_space<hbm>>
          %dma_wait3A_909 = arith.constant 32 : i32
          %dma_wait3A_910 = arith.constant 0 : i32
          %dma_wait3A_911 = tpu.memref_slice %arg4[%add3A_862, %dma_wait3A_909, %dma_wait3A_910] : memref<4096x50x836xf32, #tpu.memory_space<hbm>> -> memref<1x18x836xf32, #tpu.memory_space<hbm>>
          %dma_wait3A_912 = tpu.memref_squeeze %dma_wait3A_911 : memref<1x18x836xf32, #tpu.memory_space<hbm>> -> memref<18x836xf32, #tpu.memory_space<hbm>>
          tpu.wait_dma2 semaphore(%arg14 : memref<!tpu.dma_semaphore, #tpu.memory_space<semaphore_mem>>) src(%arg8 : memref<18x836xf32, #tpu.memory_space<vmem>>) dst(%dma_wait3A_912 : memref<18x836xf32, #tpu.memory_space<hbm>>)
        } else {
        }
      } else {
      }
      %jit3A_633 = arith.constant 3 : i32
      %eq3A_634 = arith.constant 0 : i32
      %eq3A_635 = arith.cmpi eq, %jit3A_633, %eq3A_634 : i32
      %jit3A_636 = arith.constant 1 : i32
      %select_n3A_637 = arith.select %eq3A_635, %jit3A_636, %jit3A_633 : i32
      %rem3A_638 = arith.remsi %scan3A_303, %select_n3A_637 : i32
      %ne3A_639 = arith.constant 0 : i32
      %ne3A_640 = arith.cmpi ne, %rem3A_638, %ne3A_639 : i32
      %lt3A_641 = arith.constant 0 : i32
      %lt3A_642 = arith.cmpi slt, %rem3A_638, %lt3A_641 : i32
      %lt3A_643 = arith.constant 0 : i32
      %lt3A_644 = arith.cmpi slt, %select_n3A_637, %lt3A_643 : i32
      %ne3A_645 = arith.xori %lt3A_642, %lt3A_644 : i1
      %and3A_646 = arith.andi %ne3A_645, %ne3A_640 : i1
      %add3A_647 = arith.addi %rem3A_638, %select_n3A_637 : i32
      %select_n3A_648 = arith.select %and3A_646, %add3A_647, %rem3A_638 : i32
      %mul3A_649 = arith.constant 16 : i32
      %mul3A_650 = arith.muli %mul3A_649, %select_n3A_648 : i32
      %jit3A_651 = arith.constant 3 : i32
      %div3A_652 = arith.divsi %scan3A_303, %jit3A_651 : i32
      %sign3A_653 = arith.constant 0 : i32
      %sign3A_654 = arith.cmpi sgt, %scan3A_303, %sign3A_653 : i32
      %sign3A_655 = arith.extui %sign3A_654 : i1 to i32
      %sign3A_656 = arith.constant 0 : i32
      %sign3A_657 = arith.cmpi slt, %scan3A_303, %sign3A_656 : i32
      %sign3A_658 = arith.extui %sign3A_657 : i1 to i32
      %sign3A_659 = arith.subi %sign3A_655, %sign3A_658 : i32
      %sign3A_660 = arith.constant 0 : i32
      %sign3A_661 = arith.cmpi sgt, %jit3A_651, %sign3A_660 : i32
      %sign3A_662 = arith.extui %sign3A_661 : i1 to i32
      %sign3A_663 = arith.constant 0 : i32
      %sign3A_664 = arith.cmpi slt, %jit3A_651, %sign3A_663 : i32
      %sign3A_665 = arith.extui %sign3A_664 : i1 to i32
      %sign3A_666 = arith.subi %sign3A_662, %sign3A_665 : i32
      %ne3A_667 = arith.cmpi ne, %sign3A_659, %sign3A_666 : i32
      %rem3A_668 = arith.remsi %scan3A_303, %jit3A_651 : i32
      %ne3A_669 = arith.constant 0 : i32
      %ne3A_670 = arith.cmpi ne, %rem3A_668, %ne3A_669 : i32
      %and3A_671 = arith.andi %ne3A_667, %ne3A_670 : i1
      %sub3A_672 = arith.constant 1 : i32
      %sub3A_673 = arith.subi %div3A_652, %sub3A_672 : i32
      %select_n3A_674 = arith.select %and3A_671, %sub3A_673, %div3A_652 : i32
      %jit3A_675 = arith.constant 4 : i32
      %eq3A_676 = arith.constant 0 : i32
      %eq3A_677 = arith.cmpi eq, %jit3A_675, %eq3A_676 : i32
      %jit3A_678 = arith.constant 1 : i32
      %select_n3A_679 = arith.select %eq3A_677, %jit3A_678, %jit3A_675 : i32
      %rem3A_680 = arith.remsi %select_n3A_674, %select_n3A_679 : i32
      %ne3A_681 = arith.constant 0 : i32
      %ne3A_682 = arith.cmpi ne, %rem3A_680, %ne3A_681 : i32
      %lt3A_683 = arith.constant 0 : i32
      %lt3A_684 = arith.cmpi slt, %rem3A_680, %lt3A_683 : i32
      %lt3A_685 = arith.constant 0 : i32
      %lt3A_686 = arith.cmpi slt, %select_n3A_679, %lt3A_685 : i32
      %ne3A_687 = arith.xori %lt3A_684, %lt3A_686 : i1
      %and3A_688 = arith.andi %ne3A_687, %ne3A_682 : i1
      %add3A_689 = arith.addi %rem3A_680, %select_n3A_679 : i32
      %select_n3A_690 = arith.select %and3A_688, %add3A_689, %rem3A_680 : i32
      %jit3A_691 = arith.constant 12 : i32
      %div3A_692 = arith.divsi %scan3A_303, %jit3A_691 : i32
      %sign3A_693 = arith.constant 0 : i32
      %sign3A_694 = arith.cmpi sgt, %scan3A_303, %sign3A_693 : i32
      %sign3A_695 = arith.extui %sign3A_694 : i1 to i32
      %sign3A_696 = arith.constant 0 : i32
      %sign3A_697 = arith.cmpi slt, %scan3A_303, %sign3A_696 : i32
      %sign3A_698 = arith.extui %sign3A_697 : i1 to i32
      %sign3A_699 = arith.subi %sign3A_695, %sign3A_698 : i32
      %sign3A_700 = arith.constant 0 : i32
      %sign3A_701 = arith.cmpi sgt, %jit3A_691, %sign3A_700 : i32
      %sign3A_702 = arith.extui %sign3A_701 : i1 to i32
      %sign3A_703 = arith.constant 0 : i32
      %sign3A_704 = arith.cmpi slt, %jit3A_691, %sign3A_703 : i32
      %sign3A_705 = arith.extui %sign3A_704 : i1 to i32
      %sign3A_706 = arith.subi %sign3A_702, %sign3A_705 : i32
      %ne3A_707 = arith.cmpi ne, %sign3A_699, %sign3A_706 : i32
      %rem3A_708 = arith.remsi %scan3A_303, %jit3A_691 : i32
      %ne3A_709 = arith.constant 0 : i32
      %ne3A_710 = arith.cmpi ne, %rem3A_708, %ne3A_709 : i32
      %and3A_711 = arith.andi %ne3A_707, %ne3A_710 : i1
      %sub3A_712 = arith.constant 1 : i32
      %sub3A_713 = arith.subi %div3A_692, %sub3A_712 : i32
      %select_n3A_714 = arith.select %and3A_711, %sub3A_713, %div3A_692 : i32
      %jit3A_715 = arith.constant 2 : i32
      %eq3A_716 = arith.constant 0 : i32
      %eq3A_717 = arith.cmpi eq, %jit3A_715, %eq3A_716 : i32
      %jit3A_718 = arith.constant 1 : i32
      %select_n3A_719 = arith.select %eq3A_717, %jit3A_718, %jit3A_715 : i32
      %rem3A_720 = arith.remsi %select_n3A_714, %select_n3A_719 : i32
      %ne3A_721 = arith.constant 0 : i32
      %ne3A_722 = arith.cmpi ne, %rem3A_720, %ne3A_721 : i32
      %lt3A_723 = arith.constant 0 : i32
      %lt3A_724 = arith.cmpi slt, %rem3A_720, %lt3A_723 : i32
      %lt3A_725 = arith.constant 0 : i32
      %lt3A_726 = arith.cmpi slt, %select_n3A_719, %lt3A_725 : i32
      %ne3A_727 = arith.xori %lt3A_724, %lt3A_726 : i1
      %and3A_728 = arith.andi %ne3A_727, %ne3A_722 : i1
      %add3A_729 = arith.addi %rem3A_720, %select_n3A_719 : i32
      %select_n3A_730 = arith.select %and3A_728, %add3A_729, %rem3A_720 : i32
      %mul3A_731 = arith.constant 3400 : i32
      %mul3A_732 = arith.muli %select_n3A_730, %mul3A_731 : i32
      %mul3A_733 = arith.constant 850 : i32
      %mul3A_734 = arith.muli %mul3A_733, %select_n3A_690 : i32
      %add3A_735 = arith.addi %mul3A_732, %mul3A_734 : i32
      %jit3A_736 = arith.constant 3 : i32
      %eq3A_737 = arith.constant 0 : i32
      %eq3A_738 = arith.cmpi eq, %jit3A_736, %eq3A_737 : i32
      %jit3A_739 = arith.constant 1 : i32
      %select_n3A_740 = arith.select %eq3A_738, %jit3A_739, %jit3A_736 : i32
      %rem3A_741 = arith.remsi %scan3A_303, %select_n3A_740 : i32
      %ne3A_742 = arith.constant 0 : i32
      %ne3A_743 = arith.cmpi ne, %rem3A_741, %ne3A_742 : i32
      %lt3A_744 = arith.constant 0 : i32
      %lt3A_745 = arith.cmpi slt, %rem3A_741, %lt3A_744 : i32
      %lt3A_746 = arith.constant 0 : i32
      %lt3A_747 = arith.cmpi slt, %select_n3A_740, %lt3A_746 : i32
      %ne3A_748 = arith.xori %lt3A_745, %lt3A_747 : i1
      %and3A_749 = arith.andi %ne3A_748, %ne3A_743 : i1
      %add3A_750 = arith.addi %rem3A_741, %select_n3A_740 : i32
      %select_n3A_751 = arith.select %and3A_749, %add3A_750, %rem3A_741 : i32
      %mul3A_752 = arith.constant 240 : i32
      %mul3A_753 = arith.muli %select_n3A_751, %mul3A_752 : i32
      %multiple_of3A_754 = tpu.assume_multiple %mul3A_753, 8 : i32
      %add3A_755 = arith.constant 832 : i32
      %add3A_756 = vector.broadcast %add3A_755 : i32 to vector<16xi32>
      %add3A_757 = arith.addi %iota3A, %add3A_756 : vector<16xi32>
      %eq3A_758 = arith.constant 2 : i32
      %eq3A_759 = arith.cmpi eq, %select_n3A_648, %eq3A_758 : i32
      %convert_element_type3A_760 = arith.extui %eq3A_759 : i1 to i32
      %cond3A_761 = arith.constant 0 : i32
      %cond3A_762 = arith.constant 0 : i32
      %cond3A_763 = arith.cmpi ne, %convert_element_type3A_760, %cond3A_762 : i32
      %cond3A_764 = scf.if %cond3A_763 -> (i32) {
        %scan3A_834 = arith.constant 0 : i32
        %scan3A_835 = arith.constant 0 : i32
        %scan3A_836 = arith.constant 18 : i32
        %scan3A_837 = arith.addi %scan3A_835, %scan3A_836 : i32
        %scan3A_838 = arith.constant 1 : i32
        scf.for %scan3A_841 = %scan3A_835 to %scan3A_837 step %scan3A_838  : i32 {
          %add3A_842 = arith.addi %mul3A_650, %scan3A_841 : i32
          %mul3A_843 = arith.constant 17 : i32
          %mul3A_844 = arith.muli %mul3A_843, %add3A_842 : i32
          %add3A_845 = arith.addi %add3A_735, %mul3A_844 : i32
          %add3A_846 = vector.broadcast %add3A_845 : i32 to vector<16xi32>
          %add3A_847 = arith.addi %iota3A, %add3A_846 : vector<16xi32>
          %gather3A_848 = tpu.vector_load_idx %arg5[%add3A_847] : memref<6800xf32, #tpu.memory_space<vmem>>[vector<16xi32>], vector<16xf32>,
          %broadcast_in_dim3A_849 = vector.broadcast %scan3A_841 : i32 to vector<16xi32>
          %add3A_850 = arith.addi %multiple_of3A_754, %scan3A_841 : i32
          %add3A_851 = arith.constant 0 : i32
          %add3A_852 = arith.addi %add3A_850, %add3A_851 : i32
          %get3A = arith.index_cast %add3A_852 : i32 to index
          %get3A_853 = arith.constant 0 : index
          %get3A_854 = tpu.vector_load %arg7[%get3A, %get3A_853] {strides = array<i32>} : memref<720x128xf32, #tpu.memory_space<vmem>>, vector<16xf32>,
          %select_n3A_855 = arith.select %lt3A_5, %gather3A_848, %get3A_854 : vector<16xi1>, vector<16xf32>
          %swap3A_856 = arith.index_cast %scan3A_841 : i32 to index
          %swap3A_857 = arith.constant 0 : index
          %swap3A_858 = tpu.vector_load %arg8[%swap3A_856, %swap3A_857] {strides = array<i32>} : memref<18x836xf32, #tpu.memory_space<vmem>>, vector<16xf32>,
          tpu.vector_store %arg8[%swap3A_856, %swap3A_857], %select_n3A_855 {strides = array<i32>} : memref<18x836xf32, #tpu.memory_space<vmem>>, vector<16xf32>,
          %add3A_859 = arith.addi %multiple_of3A_754, %scan3A_841 : i32
          %add3A_860 = arith.constant 0 : i32
          %add3A_861 = arith.addi %add3A_859, %add3A_860 : i32
          %get3A_862 = arith.index_cast %add3A_861 : i32 to index
          %get3A_863 = arith.constant 16 : index
          %get3A_864 = tpu.vector_load %arg7[%get3A_862, %get3A_863] {strides = array<i32>} : memref<720x128xf32, #tpu.memory_space<vmem>>, vector<16xf32>,
          %select_n3A_865 = arith.select %lt3A_5, %get3A_854, %get3A_864 : vector<16xi1>, vector<16xf32>
          %swap3A_866 = arith.index_cast %scan3A_841 : i32 to index
          %swap3A_867 = arith.constant 16 : index
          %swap3A_868 = tpu.vector_load %arg8[%swap3A_866, %swap3A_867] {strides = array<i32>} : memref<18x836xf32, #tpu.memory_space<vmem>>, vector<16xf32>,
          tpu.vector_store %arg8[%swap3A_866, %swap3A_867], %select_n3A_865 {strides = array<i32>} : memref<18x836xf32, #tpu.memory_space<vmem>>, vector<16xf32>,
          %add3A_869 = arith.addi %multiple_of3A_754, %scan3A_841 : i32
          %add3A_870 = arith.constant 0 : i32
          %add3A_871 = arith.addi %add3A_869, %add3A_870 : i32
          %get3A_872 = arith.index_cast %add3A_871 : i32 to index
          %get3A_873 = arith.constant 32 : index
          %get3A_874 = tpu.vector_load %arg7[%get3A_872, %get3A_873] {strides = array<i32>} : memref<720x128xf32, #tpu.memory_space<vmem>>, vector<16xf32>,
          %select_n3A_875 = arith.select %lt3A_5, %get3A_864, %get3A_874 : vector<16xi1>, vector<16xf32>
          %swap3A_876 = arith.index_cast %scan3A_841 : i32 to index
          %swap3A_877 = arith.constant 32 : index
          %swap3A_878 = tpu.vector_load %arg8[%swap3A_876, %swap3A_877] {strides = array<i32>} : memref<18x836xf32, #tpu.memory_space<vmem>>, vector<16xf32>,
          tpu.vector_store %arg8[%swap3A_876, %swap3A_877], %select_n3A_875 {strides = array<i32>} : memref<18x836xf32, #tpu.memory_space<vmem>>, vector<16xf32>,
          %add3A_879 = arith.addi %multiple_of3A_754, %scan3A_841 : i32
          %add3A_880 = arith.constant 0 : i32
          %add3A_881 = arith.addi %add3A_879, %add3A_880 : i32
          %get3A_882 = arith.index_cast %add3A_881 : i32 to index
          %get3A_883 = arith.constant 48 : index
          %get3A_884 = tpu.vector_load %arg7[%get3A_882, %get3A_883] {strides = array<i32>} : memref<720x128xf32, #tpu.memory_space<vmem>>, vector<16xf32>,
          %select_n3A_885 = arith.select %lt3A_5, %get3A_874, %get3A_884 : vector<16xi1>, vector<16xf32>
          %swap3A_886 = arith.index_cast %scan3A_841 : i32 to index
          %swap3A_887 = arith.constant 48 : index
          %swap3A_888 = tpu.vector_load %arg8[%swap3A_886, %swap3A_887] {strides = array<i32>} : memref<18x836xf32, #tpu.memory_space<vmem>>, vector<16xf32>,
          tpu.vector_store %arg8[%swap3A_886, %swap3A_887], %select_n3A_885 {strides = array<i32>} : memref<18x836xf32, #tpu.memory_space<vmem>>, vector<16xf32>,
          %add3A_889 = arith.addi %multiple_of3A_754, %scan3A_841 : i32
          %add3A_890 = arith.constant 18 : i32
          %add3A_891 = arith.addi %add3A_889, %add3A_890 : i32
          %get3A_892 = arith.index_cast %add3A_891 : i32 to index
          %get3A_893 = arith.constant 0 : index
          %get3A_894 = tpu.vector_load %arg7[%get3A_892, %get3A_893] {strides = array<i32>} : memref<720x128xf32, #tpu.memory_space<vmem>>, vector<16xf32>,
          %select_n3A_895 = arith.select %lt3A_5, %get3A_884, %get3A_894 : vector<16xi1>, vector<16xf32>
          %swap3A_896 = arith.index_cast %scan3A_841 : i32 to index
          %swap3A_897 = arith.constant 64 : index
          %swap3A_898 = tpu.vector_load %arg8[%swap3A_896, %swap3A_897] {strides = array<i32>} : memref<18x836xf32, #tpu.memory_space<vmem>>, vector<16xf32>,
          tpu.vector_store %arg8[%swap3A_896, %swap3A_897], %select_n3A_895 {strides = array<i32>} : memref<18x836xf32, #tpu.memory_space<vmem>>, vector<16xf32>,
          %add3A_899 = arith.addi %multiple_of3A_754, %scan3A_841 : i32
          %add3A_900 = arith.constant 18 : i32
          %add3A_901 = arith.addi %add3A_899, %add3A_900 : i32
          %get3A_902 = arith.index_cast %add3A_901 : i32 to index
          %get3A_903 = arith.constant 16 : index
          %get3A_904 = tpu.vector_load %arg7[%get3A_902, %get3A_903] {strides = array<i32>} : memref<720x128xf32, #tpu.memory_space<vmem>>, vector<16xf32>,
          %select_n3A_905 = arith.select %lt3A_5, %get3A_894, %get3A_904 : vector<16xi1>, vector<16xf32>
          %swap3A_906 = arith.index_cast %scan3A_841 : i32 to index
          %swap3A_907 = arith.constant 80 : index
          %swap3A_908 = tpu.vector_load %arg8[%swap3A_906, %swap3A_907] {strides = array<i32>} : memref<18x836xf32, #tpu.memory_space<vmem>>, vector<16xf32>,
          tpu.vector_store %arg8[%swap3A_906, %swap3A_907], %select_n3A_905 {strides = array<i32>} : memref<18x836xf32, #tpu.memory_space<vmem>>, vector<16xf32>,
          %add3A_909 = arith.addi %multiple_of3A_754, %scan3A_841 : i32
          %add3A_910 = arith.constant 18 : i32
          %add3A_911 = arith.addi %add3A_909, %add3A_910 : i32
          %get3A_912 = arith.index_cast %add3A_911 : i32 to index
          %get3A_913 = arith.constant 32 : index
          %get3A_914 = tpu.vector_load %arg7[%get3A_912, %get3A_913] {strides = array<i32>} : memref<720x128xf32, #tpu.memory_space<vmem>>, vector<16xf32>,
          %select_n3A_915 = arith.select %lt3A_5, %get3A_904, %get3A_914 : vector<16xi1>, vector<16xf32>
          %swap3A_916 = arith.index_cast %scan3A_841 : i32 to index
          %swap3A_917 = arith.constant 96 : index
          %swap3A_918 = tpu.vector_load %arg8[%swap3A_916, %swap3A_917] {strides = array<i32>} : memref<18x836xf32, #tpu.memory_space<vmem>>, vector<16xf32>,
          tpu.vector_store %arg8[%swap3A_916, %swap3A_917], %select_n3A_915 {strides = array<i32>} : memref<18x836xf32, #tpu.memory_space<vmem>>, vector<16xf32>,
          %add3A_919 = arith.addi %multiple_of3A_754, %scan3A_841 : i32
          %add3A_920 = arith.constant 18 : i32
          %add3A_921 = arith.addi %add3A_919, %add3A_920 : i32
          %get3A_922 = arith.index_cast %add3A_921 : i32 to index
          %get3A_923 = arith.constant 48 : index
          %get3A_924 = tpu.vector_load %arg7[%get3A_922, %get3A_923] {strides = array<i32>} : memref<720x128xf32, #tpu.memory_space<vmem>>, vector<16xf32>,
          %select_n3A_925 = arith.select %lt3A_5, %get3A_914, %get3A_924 : vector<16xi1>, vector<16xf32>
          %swap3A_926 = arith.index_cast %scan3A_841 : i32 to index
          %swap3A_927 = arith.constant 112 : index
          %swap3A_928 = tpu.vector_load %arg8[%swap3A_926, %swap3A_927] {strides = array<i32>} : memref<18x836xf32, #tpu.memory_space<vmem>>, vector<16xf32>,
          tpu.vector_store %arg8[%swap3A_926, %swap3A_927], %select_n3A_925 {strides = array<i32>} : memref<18x836xf32, #tpu.memory_space<vmem>>, vector<16xf32>,
          %add3A_929 = arith.addi %multiple_of3A_754, %scan3A_841 : i32
          %add3A_930 = arith.constant 36 : i32
          %add3A_931 = arith.addi %add3A_929, %add3A_930 : i32
          %get3A_932 = arith.index_cast %add3A_931 : i32 to index
          %get3A_933 = arith.constant 0 : index
          %get3A_934 = tpu.vector_load %arg7[%get3A_932, %get3A_933] {strides = array<i32>} : memref<720x128xf32, #tpu.memory_space<vmem>>, vector<16xf32>,
          %select_n3A_935 = arith.select %lt3A_5, %get3A_924, %get3A_934 : vector<16xi1>, vector<16xf32>
          %swap3A_936 = arith.index_cast %scan3A_841 : i32 to index
          %swap3A_937 = arith.constant 128 : index
          %swap3A_938 = tpu.vector_load %arg8[%swap3A_936, %swap3A_937] {strides = array<i32>} : memref<18x836xf32, #tpu.memory_space<vmem>>, vector<16xf32>,
          tpu.vector_store %arg8[%swap3A_936, %swap3A_937], %select_n3A_935 {strides = array<i32>} : memref<18x836xf32, #tpu.memory_space<vmem>>, vector<16xf32>,
          %add3A_939 = arith.addi %multiple_of3A_754, %scan3A_841 : i32
          %add3A_940 = arith.constant 36 : i32
          %add3A_941 = arith.addi %add3A_939, %add3A_940 : i32
          %get3A_942 = arith.index_cast %add3A_941 : i32 to index
          %get3A_943 = arith.constant 16 : index
          %get3A_944 = tpu.vector_load %arg7[%get3A_942, %get3A_943] {strides = array<i32>} : memref<720x128xf32, #tpu.memory_space<vmem>>, vector<16xf32>,
          %select_n3A_945 = arith.select %lt3A_5, %get3A_934, %get3A_944 : vector<16xi1>, vector<16xf32>
          %swap3A_946 = arith.index_cast %scan3A_841 : i32 to index
          %swap3A_947 = arith.constant 144 : index
          %swap3A_948 = tpu.vector_load %arg8[%swap3A_946, %swap3A_947] {strides = array<i32>} : memref<18x836xf32, #tpu.memory_space<vmem>>, vector<16xf32>,
          tpu.vector_store %arg8[%swap3A_946, %swap3A_947], %select_n3A_945 {strides = array<i32>} : memref<18x836xf32, #tpu.memory_space<vmem>>, vector<16xf32>,
          %add3A_949 = arith.addi %multiple_of3A_754, %scan3A_841 : i32
          %add3A_950 = arith.constant 36 : i32
          %add3A_951 = arith.addi %add3A_949, %add3A_950 : i32
          %get3A_952 = arith.index_cast %add3A_951 : i32 to index
          %get3A_953 = arith.constant 32 : index
          %get3A_954 = tpu.vector_load %arg7[%get3A_952, %get3A_953] {strides = array<i32>} : memref<720x128xf32, #tpu.memory_space<vmem>>, vector<16xf32>,
          %select_n3A_955 = arith.select %lt3A_5, %get3A_944, %get3A_954 : vector<16xi1>, vector<16xf32>
          %swap3A_956 = arith.index_cast %scan3A_841 : i32 to index
          %swap3A_957 = arith.constant 160 : index
          %swap3A_958 = tpu.vector_load %arg8[%swap3A_956, %swap3A_957] {strides = array<i32>} : memref<18x836xf32, #tpu.memory_space<vmem>>, vector<16xf32>,
          tpu.vector_store %arg8[%swap3A_956, %swap3A_957], %select_n3A_955 {strides = array<i32>} : memref<18x836xf32, #tpu.memory_space<vmem>>, vector<16xf32>,
          %add3A_959 = arith.addi %multiple_of3A_754, %scan3A_841 : i32
          %add3A_960 = arith.constant 36 : i32
          %add3A_961 = arith.addi %add3A_959, %add3A_960 : i32
          %get3A_962 = arith.index_cast %add3A_961 : i32 to index
          %get3A_963 = arith.constant 48 : index
          %get3A_964 = tpu.vector_load %arg7[%get3A_962, %get3A_963] {strides = array<i32>} : memref<720x128xf32, #tpu.memory_space<vmem>>, vector<16xf32>,
          %select_n3A_965 = arith.select %lt3A_5, %get3A_954, %get3A_964 : vector<16xi1>, vector<16xf32>
          %swap3A_966 = arith.index_cast %scan3A_841 : i32 to index
          %swap3A_967 = arith.constant 176 : index
          %swap3A_968 = tpu.vector_load %arg8[%swap3A_966, %swap3A_967] {strides = array<i32>} : memref<18x836xf32, #tpu.memory_space<vmem>>, vector<16xf32>,
          tpu.vector_store %arg8[%swap3A_966, %swap3A_967], %select_n3A_965 {strides = array<i32>} : memref<18x836xf32, #tpu.memory_space<vmem>>, vector<16xf32>,
          %add3A_969 = arith.addi %multiple_of3A_754, %scan3A_841 : i32
          %add3A_970 = arith.constant 54 : i32
          %add3A_971 = arith.addi %add3A_969, %add3A_970 : i32
          %get3A_972 = arith.index_cast %add3A_971 : i32 to index
          %get3A_973 = arith.constant 0 : index
          %get3A_974 = tpu.vector_load %arg7[%get3A_972, %get3A_973] {strides = array<i32>} : memref<720x128xf32, #tpu.memory_space<vmem>>, vector<16xf32>,
          %select_n3A_975 = arith.select %lt3A_5, %get3A_964, %get3A_974 : vector<16xi1>, vector<16xf32>
          %swap3A_976 = arith.index_cast %scan3A_841 : i32 to index
          %swap3A_977 = arith.constant 192 : index
          %swap3A_978 = tpu.vector_load %arg8[%swap3A_976, %swap3A_977] {strides = array<i32>} : memref<18x836xf32, #tpu.memory_space<vmem>>, vector<16xf32>,
          tpu.vector_store %arg8[%swap3A_976, %swap3A_977], %select_n3A_975 {strides = array<i32>} : memref<18x836xf32, #tpu.memory_space<vmem>>, vector<16xf32>,
          %add3A_979 = arith.addi %multiple_of3A_754, %scan3A_841 : i32
          %add3A_980 = arith.constant 54 : i32
          %add3A_981 = arith.addi %add3A_979, %add3A_980 : i32
          %get3A_982 = arith.index_cast %add3A_981 : i32 to index
          %get3A_983 = arith.constant 16 : index
          %get3A_984 = tpu.vector_load %arg7[%get3A_982, %get3A_983] {strides = array<i32>} : memref<720x128xf32, #tpu.memory_space<vmem>>, vector<16xf32>,
          %select_n3A_985 = arith.select %lt3A_5, %get3A_974, %get3A_984 : vector<16xi1>, vector<16xf32>
          %swap3A_986 = arith.index_cast %scan3A_841 : i32 to index
          %swap3A_987 = arith.constant 208 : index
          %swap3A_988 = tpu.vector_load %arg8[%swap3A_986, %swap3A_987] {strides = array<i32>} : memref<18x836xf32, #tpu.memory_space<vmem>>, vector<16xf32>,
          tpu.vector_store %arg8[%swap3A_986, %swap3A_987], %select_n3A_985 {strides = array<i32>} : memref<18x836xf32, #tpu.memory_space<vmem>>, vector<16xf32>,
          %add3A_989 = arith.addi %multiple_of3A_754, %scan3A_841 : i32
          %add3A_990 = arith.constant 54 : i32
          %add3A_991 = arith.addi %add3A_989, %add3A_990 : i32
          %get3A_992 = arith.index_cast %add3A_991 : i32 to index
          %get3A_993 = arith.constant 32 : index
          %get3A_994 = tpu.vector_load %arg7[%get3A_992, %get3A_993] {strides = array<i32>} : memref<720x128xf32, #tpu.memory_space<vmem>>, vector<16xf32>,
          %select_n3A_995 = arith.select %lt3A_5, %get3A_984, %get3A_994 : vector<16xi1>, vector<16xf32>
          %swap3A_996 = arith.index_cast %scan3A_841 : i32 to index
          %swap3A_997 = arith.constant 224 : index
          %swap3A_998 = tpu.vector_load %arg8[%swap3A_996, %swap3A_997] {strides = array<i32>} : memref<18x836xf32, #tpu.memory_space<vmem>>, vector<16xf32>,
          tpu.vector_store %arg8[%swap3A_996, %swap3A_997], %select_n3A_995 {strides = array<i32>} : memref<18x836xf32, #tpu.memory_space<vmem>>, vector<16xf32>,
          %add3A_999 = arith.addi %multiple_of3A_754, %scan3A_841 : i32
          %add3A_1000 = arith.constant 54 : i32
          %add3A_1001 = arith.addi %add3A_999, %add3A_1000 : i32
          %get3A_1002 = arith.index_cast %add3A_1001 : i32 to index
          %get3A_1003 = arith.constant 48 : index
          %get3A_1004 = tpu.vector_load %arg7[%get3A_1002, %get3A_1003] {strides = array<i32>} : memref<720x128xf32, #tpu.memory_space<vmem>>, vector<16xf32>,
          %select_n3A_1005 = arith.select %lt3A_5, %get3A_994, %get3A_1004 : vector<16xi1>, vector<16xf32>
          %swap3A_1006 = arith.index_cast %scan3A_841 : i32 to index
          %swap3A_1007 = arith.constant 240 : index
          %swap3A_1008 = tpu.vector_load %arg8[%swap3A_1006, %swap3A_1007] {strides = array<i32>} : memref<18x836xf32, #tpu.memory_space<vmem>>, vector<16xf32>,
          tpu.vector_store %arg8[%swap3A_1006, %swap3A_1007], %select_n3A_1005 {strides = array<i32>} : memref<18x836xf32, #tpu.memory_space<vmem>>, vector<16xf32>,
          %add3A_1009 = arith.addi %multiple_of3A_754, %scan3A_841 : i32
          %add3A_1010 = arith.constant 72 : i32
          %add3A_1011 = arith.addi %add3A_1009, %add3A_1010 : i32
          %get3A_1012 = arith.index_cast %add3A_1011 : i32 to index
          %get3A_1013 = arith.constant 0 : index
          %get3A_1014 = tpu.vector_load %arg7[%get3A_1012, %get3A_1013] {strides = array<i32>} : memref<720x128xf32, #tpu.memory_space<vmem>>, vector<16xf32>,
          %select_n3A_1015 = arith.select %lt3A_5, %get3A_1004, %get3A_1014 : vector<16xi1>, vector<16xf32>
          %swap3A_1016 = arith.index_cast %scan3A_841 : i32 to index
          %swap3A_1017 = arith.constant 256 : index
          %swap3A_1018 = tpu.vector_load %arg8[%swap3A_1016, %swap3A_1017] {strides = array<i32>} : memref<18x836xf32, #tpu.memory_space<vmem>>, vector<16xf32>,
          tpu.vector_store %arg8[%swap3A_1016, %swap3A_1017], %select_n3A_1015 {strides = array<i32>} : memref<18x836xf32, #tpu.memory_space<vmem>>, vector<16xf32>,
          %add3A_1019 = arith.addi %multiple_of3A_754, %scan3A_841 : i32
          %add3A_1020 = arith.constant 72 : i32
          %add3A_1021 = arith.addi %add3A_1019, %add3A_1020 : i32
          %get3A_1022 = arith.index_cast %add3A_1021 : i32 to index
          %get3A_1023 = arith.constant 16 : index
          %get3A_1024 = tpu.vector_load %arg7[%get3A_1022, %get3A_1023] {strides = array<i32>} : memref<720x128xf32, #tpu.memory_space<vmem>>, vector<16xf32>,
          %select_n3A_1025 = arith.select %lt3A_5, %get3A_1014, %get3A_1024 : vector<16xi1>, vector<16xf32>
          %swap3A_1026 = arith.index_cast %scan3A_841 : i32 to index
          %swap3A_1027 = arith.constant 272 : index
          %swap3A_1028 = tpu.vector_load %arg8[%swap3A_1026, %swap3A_1027] {strides = array<i32>} : memref<18x836xf32, #tpu.memory_space<vmem>>, vector<16xf32>,
          tpu.vector_store %arg8[%swap3A_1026, %swap3A_1027], %select_n3A_1025 {strides = array<i32>} : memref<18x836xf32, #tpu.memory_space<vmem>>, vector<16xf32>,
          %add3A_1029 = arith.addi %multiple_of3A_754, %scan3A_841 : i32
          %add3A_1030 = arith.constant 72 : i32
          %add3A_1031 = arith.addi %add3A_1029, %add3A_1030 : i32
          %get3A_1032 = arith.index_cast %add3A_1031 : i32 to index
          %get3A_1033 = arith.constant 32 : index
          %get3A_1034 = tpu.vector_load %arg7[%get3A_1032, %get3A_1033] {strides = array<i32>} : memref<720x128xf32, #tpu.memory_space<vmem>>, vector<16xf32>,
          %select_n3A_1035 = arith.select %lt3A_5, %get3A_1024, %get3A_1034 : vector<16xi1>, vector<16xf32>
          %swap3A_1036 = arith.index_cast %scan3A_841 : i32 to index
          %swap3A_1037 = arith.constant 288 : index
          %swap3A_1038 = tpu.vector_load %arg8[%swap3A_1036, %swap3A_1037] {strides = array<i32>} : memref<18x836xf32, #tpu.memory_space<vmem>>, vector<16xf32>,
          tpu.vector_store %arg8[%swap3A_1036, %swap3A_1037], %select_n3A_1035 {strides = array<i32>} : memref<18x836xf32, #tpu.memory_space<vmem>>, vector<16xf32>,
          %add3A_1039 = arith.addi %multiple_of3A_754, %scan3A_841 : i32
          %add3A_1040 = arith.constant 72 : i32
          %add3A_1041 = arith.addi %add3A_1039, %add3A_1040 : i32
          %get3A_1042 = arith.index_cast %add3A_1041 : i32 to index
          %get3A_1043 = arith.constant 48 : index
          %get3A_1044 = tpu.vector_load %arg7[%get3A_1042, %get3A_1043] {strides = array<i32>} : memref<720x128xf32, #tpu.memory_space<vmem>>, vector<16xf32>,
          %select_n3A_1045 = arith.select %lt3A_5, %get3A_1034, %get3A_1044 : vector<16xi1>, vector<16xf32>
          %swap3A_1046 = arith.index_cast %scan3A_841 : i32 to index
          %swap3A_1047 = arith.constant 304 : index
          %swap3A_1048 = tpu.vector_load %arg8[%swap3A_1046, %swap3A_1047] {strides = array<i32>} : memref<18x836xf32, #tpu.memory_space<vmem>>, vector<16xf32>,
          tpu.vector_store %arg8[%swap3A_1046, %swap3A_1047], %select_n3A_1045 {strides = array<i32>} : memref<18x836xf32, #tpu.memory_space<vmem>>, vector<16xf32>,
          %add3A_1049 = arith.addi %multiple_of3A_754, %scan3A_841 : i32
          %add3A_1050 = arith.constant 90 : i32
          %add3A_1051 = arith.addi %add3A_1049, %add3A_1050 : i32
          %get3A_1052 = arith.index_cast %add3A_1051 : i32 to index
          %get3A_1053 = arith.constant 0 : index
          %get3A_1054 = tpu.vector_load %arg7[%get3A_1052, %get3A_1053] {strides = array<i32>} : memref<720x128xf32, #tpu.memory_space<vmem>>, vector<16xf32>,
          %select_n3A_1055 = arith.select %lt3A_5, %get3A_1044, %get3A_1054 : vector<16xi1>, vector<16xf32>
          %swap3A_1056 = arith.index_cast %scan3A_841 : i32 to index
          %swap3A_1057 = arith.constant 320 : index
          %swap3A_1058 = tpu.vector_load %arg8[%swap3A_1056, %swap3A_1057] {strides = array<i32>} : memref<18x836xf32, #tpu.memory_space<vmem>>, vector<16xf32>,
          tpu.vector_store %arg8[%swap3A_1056, %swap3A_1057], %select_n3A_1055 {strides = array<i32>} : memref<18x836xf32, #tpu.memory_space<vmem>>, vector<16xf32>,
          %add3A_1059 = arith.addi %multiple_of3A_754, %scan3A_841 : i32
          %add3A_1060 = arith.constant 90 : i32
          %add3A_1061 = arith.addi %add3A_1059, %add3A_1060 : i32
          %get3A_1062 = arith.index_cast %add3A_1061 : i32 to index
          %get3A_1063 = arith.constant 16 : index
          %get3A_1064 = tpu.vector_load %arg7[%get3A_1062, %get3A_1063] {strides = array<i32>} : memref<720x128xf32, #tpu.memory_space<vmem>>, vector<16xf32>,
          %select_n3A_1065 = arith.select %lt3A_5, %get3A_1054, %get3A_1064 : vector<16xi1>, vector<16xf32>
          %swap3A_1066 = arith.index_cast %scan3A_841 : i32 to index
          %swap3A_1067 = arith.constant 336 : index
          %swap3A_1068 = tpu.vector_load %arg8[%swap3A_1066, %swap3A_1067] {strides = array<i32>} : memref<18x836xf32, #tpu.memory_space<vmem>>, vector<16xf32>,
          tpu.vector_store %arg8[%swap3A_1066, %swap3A_1067], %select_n3A_1065 {strides = array<i32>} : memref<18x836xf32, #tpu.memory_space<vmem>>, vector<16xf32>,
          %add3A_1069 = arith.addi %multiple_of3A_754, %scan3A_841 : i32
          %add3A_1070 = arith.constant 90 : i32
          %add3A_1071 = arith.addi %add3A_1069, %add3A_1070 : i32
          %get3A_1072 = arith.index_cast %add3A_1071 : i32 to index
          %get3A_1073 = arith.constant 32 : index
          %get3A_1074 = tpu.vector_load %arg7[%get3A_1072, %get3A_1073] {strides = array<i32>} : memref<720x128xf32, #tpu.memory_space<vmem>>, vector<16xf32>,
          %select_n3A_1075 = arith.select %lt3A_5, %get3A_1064, %get3A_1074 : vector<16xi1>, vector<16xf32>
          %swap3A_1076 = arith.index_cast %scan3A_841 : i32 to index
          %swap3A_1077 = arith.constant 352 : index
          %swap3A_1078 = tpu.vector_load %arg8[%swap3A_1076, %swap3A_1077] {strides = array<i32>} : memref<18x836xf32, #tpu.memory_space<vmem>>, vector<16xf32>,
          tpu.vector_store %arg8[%swap3A_1076, %swap3A_1077], %select_n3A_1075 {strides = array<i32>} : memref<18x836xf32, #tpu.memory_space<vmem>>, vector<16xf32>,
          %add3A_1079 = arith.addi %multiple_of3A_754, %scan3A_841 : i32
          %add3A_1080 = arith.constant 90 : i32
          %add3A_1081 = arith.addi %add3A_1079, %add3A_1080 : i32
          %get3A_1082 = arith.index_cast %add3A_1081 : i32 to index
          %get3A_1083 = arith.constant 48 : index
          %get3A_1084 = tpu.vector_load %arg7[%get3A_1082, %get3A_1083] {strides = array<i32>} : memref<720x128xf32, #tpu.memory_space<vmem>>, vector<16xf32>,
          %select_n3A_1085 = arith.select %lt3A_5, %get3A_1074, %get3A_1084 : vector<16xi1>, vector<16xf32>
          %swap3A_1086 = arith.index_cast %scan3A_841 : i32 to index
          %swap3A_1087 = arith.constant 368 : index
          %swap3A_1088 = tpu.vector_load %arg8[%swap3A_1086, %swap3A_1087] {strides = array<i32>} : memref<18x836xf32, #tpu.memory_space<vmem>>, vector<16xf32>,
          tpu.vector_store %arg8[%swap3A_1086, %swap3A_1087], %select_n3A_1085 {strides = array<i32>} : memref<18x836xf32, #tpu.memory_space<vmem>>, vector<16xf32>,
          %add3A_1089 = arith.addi %multiple_of3A_754, %scan3A_841 : i32
          %add3A_1090 = arith.constant 108 : i32
          %add3A_1091 = arith.addi %add3A_1089, %add3A_1090 : i32
          %get3A_1092 = arith.index_cast %add3A_1091 : i32 to index
          %get3A_1093 = arith.constant 0 : index
          %get3A_1094 = tpu.vector_load %arg7[%get3A_1092, %get3A_1093] {strides = array<i32>} : memref<720x128xf32, #tpu.memory_space<vmem>>, vector<16xf32>,
          %select_n3A_1095 = arith.select %lt3A_5, %get3A_1084, %get3A_1094 : vector<16xi1>, vector<16xf32>
          %swap3A_1096 = arith.index_cast %scan3A_841 : i32 to index
          %swap3A_1097 = arith.constant 384 : index
          %swap3A_1098 = tpu.vector_load %arg8[%swap3A_1096, %swap3A_1097] {strides = array<i32>} : memref<18x836xf32, #tpu.memory_space<vmem>>, vector<16xf32>,
          tpu.vector_store %arg8[%swap3A_1096, %swap3A_1097], %select_n3A_1095 {strides = array<i32>} : memref<18x836xf32, #tpu.memory_space<vmem>>, vector<16xf32>,
          %add3A_1099 = arith.addi %multiple_of3A_754, %scan3A_841 : i32
          %add3A_1100 = arith.constant 108 : i32
          %add3A_1101 = arith.addi %add3A_1099, %add3A_1100 : i32
          %get3A_1102 = arith.index_cast %add3A_1101 : i32 to index
          %get3A_1103 = arith.constant 16 : index
          %get3A_1104 = tpu.vector_load %arg7[%get3A_1102, %get3A_1103] {strides = array<i32>} : memref<720x128xf32, #tpu.memory_space<vmem>>, vector<16xf32>,
          %select_n3A_1105 = arith.select %lt3A_5, %get3A_1094, %get3A_1104 : vector<16xi1>, vector<16xf32>
          %swap3A_1106 = arith.index_cast %scan3A_841 : i32 to index
          %swap3A_1107 = arith.constant 400 : index
          %swap3A_1108 = tpu.vector_load %arg8[%swap3A_1106, %swap3A_1107] {strides = array<i32>} : memref<18x836xf32, #tpu.memory_space<vmem>>, vector<16xf32>,
          tpu.vector_store %arg8[%swap3A_1106, %swap3A_1107], %select_n3A_1105 {strides = array<i32>} : memref<18x836xf32, #tpu.memory_space<vmem>>, vector<16xf32>,
          %add3A_1109 = arith.addi %multiple_of3A_754, %scan3A_841 : i32
          %add3A_1110 = arith.constant 108 : i32
          %add3A_1111 = arith.addi %add3A_1109, %add3A_1110 : i32
          %get3A_1112 = arith.index_cast %add3A_1111 : i32 to index
          %get3A_1113 = arith.constant 32 : index
          %get3A_1114 = tpu.vector_load %arg7[%get3A_1112, %get3A_1113] {strides = array<i32>} : memref<720x128xf32, #tpu.memory_space<vmem>>, vector<16xf32>,
          %select_n3A_1115 = arith.select %lt3A_5, %get3A_1104, %get3A_1114 : vector<16xi1>, vector<16xf32>
          %swap3A_1116 = arith.index_cast %scan3A_841 : i32 to index
          %swap3A_1117 = arith.constant 416 : index
          %swap3A_1118 = tpu.vector_load %arg8[%swap3A_1116, %swap3A_1117] {strides = array<i32>} : memref<18x836xf32, #tpu.memory_space<vmem>>, vector<16xf32>,
          tpu.vector_store %arg8[%swap3A_1116, %swap3A_1117], %select_n3A_1115 {strides = array<i32>} : memref<18x836xf32, #tpu.memory_space<vmem>>, vector<16xf32>,
          %add3A_1119 = arith.addi %multiple_of3A_754, %scan3A_841 : i32
          %add3A_1120 = arith.constant 108 : i32
          %add3A_1121 = arith.addi %add3A_1119, %add3A_1120 : i32
          %get3A_1122 = arith.index_cast %add3A_1121 : i32 to index
          %get3A_1123 = arith.constant 48 : index
          %get3A_1124 = tpu.vector_load %arg7[%get3A_1122, %get3A_1123] {strides = array<i32>} : memref<720x128xf32, #tpu.memory_space<vmem>>, vector<16xf32>,
          %select_n3A_1125 = arith.select %lt3A_5, %get3A_1114, %get3A_1124 : vector<16xi1>, vector<16xf32>
          %swap3A_1126 = arith.index_cast %scan3A_841 : i32 to index
          %swap3A_1127 = arith.constant 432 : index
          %swap3A_1128 = tpu.vector_load %arg8[%swap3A_1126, %swap3A_1127] {strides = array<i32>} : memref<18x836xf32, #tpu.memory_space<vmem>>, vector<16xf32>,
          tpu.vector_store %arg8[%swap3A_1126, %swap3A_1127], %select_n3A_1125 {strides = array<i32>} : memref<18x836xf32, #tpu.memory_space<vmem>>, vector<16xf32>,
          %add3A_1129 = arith.addi %multiple_of3A_754, %scan3A_841 : i32
          %add3A_1130 = arith.constant 126 : i32
          %add3A_1131 = arith.addi %add3A_1129, %add3A_1130 : i32
          %get3A_1132 = arith.index_cast %add3A_1131 : i32 to index
          %get3A_1133 = arith.constant 0 : index
          %get3A_1134 = tpu.vector_load %arg7[%get3A_1132, %get3A_1133] {strides = array<i32>} : memref<720x128xf32, #tpu.memory_space<vmem>>, vector<16xf32>,
          %select_n3A_1135 = arith.select %lt3A_5, %get3A_1124, %get3A_1134 : vector<16xi1>, vector<16xf32>
          %swap3A_1136 = arith.index_cast %scan3A_841 : i32 to index
          %swap3A_1137 = arith.constant 448 : index
          %swap3A_1138 = tpu.vector_load %arg8[%swap3A_1136, %swap3A_1137] {strides = array<i32>} : memref<18x836xf32, #tpu.memory_space<vmem>>, vector<16xf32>,
          tpu.vector_store %arg8[%swap3A_1136, %swap3A_1137], %select_n3A_1135 {strides = array<i32>} : memref<18x836xf32, #tpu.memory_space<vmem>>, vector<16xf32>,
          %add3A_1139 = arith.addi %multiple_of3A_754, %scan3A_841 : i32
          %add3A_1140 = arith.constant 126 : i32
          %add3A_1141 = arith.addi %add3A_1139, %add3A_1140 : i32
          %get3A_1142 = arith.index_cast %add3A_1141 : i32 to index
          %get3A_1143 = arith.constant 16 : index
          %get3A_1144 = tpu.vector_load %arg7[%get3A_1142, %get3A_1143] {strides = array<i32>} : memref<720x128xf32, #tpu.memory_space<vmem>>, vector<16xf32>,
          %select_n3A_1145 = arith.select %lt3A_5, %get3A_1134, %get3A_1144 : vector<16xi1>, vector<16xf32>
          %swap3A_1146 = arith.index_cast %scan3A_841 : i32 to index
          %swap3A_1147 = arith.constant 464 : index
          %swap3A_1148 = tpu.vector_load %arg8[%swap3A_1146, %swap3A_1147] {strides = array<i32>} : memref<18x836xf32, #tpu.memory_space<vmem>>, vector<16xf32>,
          tpu.vector_store %arg8[%swap3A_1146, %swap3A_1147], %select_n3A_1145 {strides = array<i32>} : memref<18x836xf32, #tpu.memory_space<vmem>>, vector<16xf32>,
          %add3A_1149 = arith.addi %multiple_of3A_754, %scan3A_841 : i32
          %add3A_1150 = arith.constant 126 : i32
          %add3A_1151 = arith.addi %add3A_1149, %add3A_1150 : i32
          %get3A_1152 = arith.index_cast %add3A_1151 : i32 to index
          %get3A_1153 = arith.constant 32 : index
          %get3A_1154 = tpu.vector_load %arg7[%get3A_1152, %get3A_1153] {strides = array<i32>} : memref<720x128xf32, #tpu.memory_space<vmem>>, vector<16xf32>,
          %select_n3A_1155 = arith.select %lt3A_5, %get3A_1144, %get3A_1154 : vector<16xi1>, vector<16xf32>
          %swap3A_1156 = arith.index_cast %scan3A_841 : i32 to index
          %swap3A_1157 = arith.constant 480 : index
          %swap3A_1158 = tpu.vector_load %arg8[%swap3A_1156, %swap3A_1157] {strides = array<i32>} : memref<18x836xf32, #tpu.memory_space<vmem>>, vector<16xf32>,
          tpu.vector_store %arg8[%swap3A_1156, %swap3A_1157], %select_n3A_1155 {strides = array<i32>} : memref<18x836xf32, #tpu.memory_space<vmem>>, vector<16xf32>,
          %add3A_1159 = arith.addi %multiple_of3A_754, %scan3A_841 : i32
          %add3A_1160 = arith.constant 126 : i32
          %add3A_1161 = arith.addi %add3A_1159, %add3A_1160 : i32
          %get3A_1162 = arith.index_cast %add3A_1161 : i32 to index
          %get3A_1163 = arith.constant 48 : index
          %get3A_1164 = tpu.vector_load %arg7[%get3A_1162, %get3A_1163] {strides = array<i32>} : memref<720x128xf32, #tpu.memory_space<vmem>>, vector<16xf32>,
          %select_n3A_1165 = arith.select %lt3A_5, %get3A_1154, %get3A_1164 : vector<16xi1>, vector<16xf32>
          %swap3A_1166 = arith.index_cast %scan3A_841 : i32 to index
          %swap3A_1167 = arith.constant 496 : index
          %swap3A_1168 = tpu.vector_load %arg8[%swap3A_1166, %swap3A_1167] {strides = array<i32>} : memref<18x836xf32, #tpu.memory_space<vmem>>, vector<16xf32>,
          tpu.vector_store %arg8[%swap3A_1166, %swap3A_1167], %select_n3A_1165 {strides = array<i32>} : memref<18x836xf32, #tpu.memory_space<vmem>>, vector<16xf32>,
          %add3A_1169 = arith.addi %multiple_of3A_754, %scan3A_841 : i32
          %add3A_1170 = arith.constant 144 : i32
          %add3A_1171 = arith.addi %add3A_1169, %add3A_1170 : i32
          %get3A_1172 = arith.index_cast %add3A_1171 : i32 to index
          %get3A_1173 = arith.constant 0 : index
          %get3A_1174 = tpu.vector_load %arg7[%get3A_1172, %get3A_1173] {strides = array<i32>} : memref<720x128xf32, #tpu.memory_space<vmem>>, vector<16xf32>,
          %select_n3A_1175 = arith.select %lt3A_5, %get3A_1164, %get3A_1174 : vector<16xi1>, vector<16xf32>
          %swap3A_1176 = arith.index_cast %scan3A_841 : i32 to index
          %swap3A_1177 = arith.constant 512 : index
          %swap3A_1178 = tpu.vector_load %arg8[%swap3A_1176, %swap3A_1177] {strides = array<i32>} : memref<18x836xf32, #tpu.memory_space<vmem>>, vector<16xf32>,
          tpu.vector_store %arg8[%swap3A_1176, %swap3A_1177], %select_n3A_1175 {strides = array<i32>} : memref<18x836xf32, #tpu.memory_space<vmem>>, vector<16xf32>,
          %add3A_1179 = arith.addi %multiple_of3A_754, %scan3A_841 : i32
          %add3A_1180 = arith.constant 144 : i32
          %add3A_1181 = arith.addi %add3A_1179, %add3A_1180 : i32
          %get3A_1182 = arith.index_cast %add3A_1181 : i32 to index
          %get3A_1183 = arith.constant 16 : index
          %get3A_1184 = tpu.vector_load %arg7[%get3A_1182, %get3A_1183] {strides = array<i32>} : memref<720x128xf32, #tpu.memory_space<vmem>>, vector<16xf32>,
          %select_n3A_1185 = arith.select %lt3A_5, %get3A_1174, %get3A_1184 : vector<16xi1>, vector<16xf32>
          %swap3A_1186 = arith.index_cast %scan3A_841 : i32 to index
          %swap3A_1187 = arith.constant 528 : index
          %swap3A_1188 = tpu.vector_load %arg8[%swap3A_1186, %swap3A_1187] {strides = array<i32>} : memref<18x836xf32, #tpu.memory_space<vmem>>, vector<16xf32>,
          tpu.vector_store %arg8[%swap3A_1186, %swap3A_1187], %select_n3A_1185 {strides = array<i32>} : memref<18x836xf32, #tpu.memory_space<vmem>>, vector<16xf32>,
          %add3A_1189 = arith.addi %multiple_of3A_754, %scan3A_841 : i32
          %add3A_1190 = arith.constant 144 : i32
          %add3A_1191 = arith.addi %add3A_1189, %add3A_1190 : i32
          %get3A_1192 = arith.index_cast %add3A_1191 : i32 to index
          %get3A_1193 = arith.constant 32 : index
          %get3A_1194 = tpu.vector_load %arg7[%get3A_1192, %get3A_1193] {strides = array<i32>} : memref<720x128xf32, #tpu.memory_space<vmem>>, vector<16xf32>,
          %select_n3A_1195 = arith.select %lt3A_5, %get3A_1184, %get3A_1194 : vector<16xi1>, vector<16xf32>
          %swap3A_1196 = arith.index_cast %scan3A_841 : i32 to index
          %swap3A_1197 = arith.constant 544 : index
          %swap3A_1198 = tpu.vector_load %arg8[%swap3A_1196, %swap3A_1197] {strides = array<i32>} : memref<18x836xf32, #tpu.memory_space<vmem>>, vector<16xf32>,
          tpu.vector_store %arg8[%swap3A_1196, %swap3A_1197], %select_n3A_1195 {strides = array<i32>} : memref<18x836xf32, #tpu.memory_space<vmem>>, vector<16xf32>,
          %add3A_1199 = arith.addi %multiple_of3A_754, %scan3A_841 : i32
          %add3A_1200 = arith.constant 144 : i32
          %add3A_1201 = arith.addi %add3A_1199, %add3A_1200 : i32
          %get3A_1202 = arith.index_cast %add3A_1201 : i32 to index
          %get3A_1203 = arith.constant 48 : index
          %get3A_1204 = tpu.vector_load %arg7[%get3A_1202, %get3A_1203] {strides = array<i32>} : memref<720x128xf32, #tpu.memory_space<vmem>>, vector<16xf32>,
          %select_n3A_1205 = arith.select %lt3A_5, %get3A_1194, %get3A_1204 : vector<16xi1>, vector<16xf32>
          %swap3A_1206 = arith.index_cast %scan3A_841 : i32 to index
          %swap3A_1207 = arith.constant 560 : index
          %swap3A_1208 = tpu.vector_load %arg8[%swap3A_1206, %swap3A_1207] {strides = array<i32>} : memref<18x836xf32, #tpu.memory_space<vmem>>, vector<16xf32>,
          tpu.vector_store %arg8[%swap3A_1206, %swap3A_1207], %select_n3A_1205 {strides = array<i32>} : memref<18x836xf32, #tpu.memory_space<vmem>>, vector<16xf32>,
          %add3A_1209 = arith.addi %multiple_of3A_754, %scan3A_841 : i32
          %add3A_1210 = arith.constant 162 : i32
          %add3A_1211 = arith.addi %add3A_1209, %add3A_1210 : i32
          %get3A_1212 = arith.index_cast %add3A_1211 : i32 to index
          %get3A_1213 = arith.constant 0 : index
          %get3A_1214 = tpu.vector_load %arg7[%get3A_1212, %get3A_1213] {strides = array<i32>} : memref<720x128xf32, #tpu.memory_space<vmem>>, vector<16xf32>,
          %select_n3A_1215 = arith.select %lt3A_5, %get3A_1204, %get3A_1214 : vector<16xi1>, vector<16xf32>
          %swap3A_1216 = arith.index_cast %scan3A_841 : i32 to index
          %swap3A_1217 = arith.constant 576 : index
          %swap3A_1218 = tpu.vector_load %arg8[%swap3A_1216, %swap3A_1217] {strides = array<i32>} : memref<18x836xf32, #tpu.memory_space<vmem>>, vector<16xf32>,
          tpu.vector_store %arg8[%swap3A_1216, %swap3A_1217], %select_n3A_1215 {strides = array<i32>} : memref<18x836xf32, #tpu.memory_space<vmem>>, vector<16xf32>,
          %add3A_1219 = arith.addi %multiple_of3A_754, %scan3A_841 : i32
          %add3A_1220 = arith.constant 162 : i32
          %add3A_1221 = arith.addi %add3A_1219, %add3A_1220 : i32
          %get3A_1222 = arith.index_cast %add3A_1221 : i32 to index
          %get3A_1223 = arith.constant 16 : index
          %get3A_1224 = tpu.vector_load %arg7[%get3A_1222, %get3A_1223] {strides = array<i32>} : memref<720x128xf32, #tpu.memory_space<vmem>>, vector<16xf32>,
          %select_n3A_1225 = arith.select %lt3A_5, %get3A_1214, %get3A_1224 : vector<16xi1>, vector<16xf32>
          %swap3A_1226 = arith.index_cast %scan3A_841 : i32 to index
          %swap3A_1227 = arith.constant 592 : index
          %swap3A_1228 = tpu.vector_load %arg8[%swap3A_1226, %swap3A_1227] {strides = array<i32>} : memref<18x836xf32, #tpu.memory_space<vmem>>, vector<16xf32>,
          tpu.vector_store %arg8[%swap3A_1226, %swap3A_1227], %select_n3A_1225 {strides = array<i32>} : memref<18x836xf32, #tpu.memory_space<vmem>>, vector<16xf32>,
          %add3A_1229 = arith.addi %multiple_of3A_754, %scan3A_841 : i32
          %add3A_1230 = arith.constant 162 : i32
          %add3A_1231 = arith.addi %add3A_1229, %add3A_1230 : i32
          %get3A_1232 = arith.index_cast %add3A_1231 : i32 to index
          %get3A_1233 = arith.constant 32 : index
          %get3A_1234 = tpu.vector_load %arg7[%get3A_1232, %get3A_1233] {strides = array<i32>} : memref<720x128xf32, #tpu.memory_space<vmem>>, vector<16xf32>,
          %select_n3A_1235 = arith.select %lt3A_5, %get3A_1224, %get3A_1234 : vector<16xi1>, vector<16xf32>
          %swap3A_1236 = arith.index_cast %scan3A_841 : i32 to index
          %swap3A_1237 = arith.constant 608 : index
          %swap3A_1238 = tpu.vector_load %arg8[%swap3A_1236, %swap3A_1237] {strides = array<i32>} : memref<18x836xf32, #tpu.memory_space<vmem>>, vector<16xf32>,
          tpu.vector_store %arg8[%swap3A_1236, %swap3A_1237], %select_n3A_1235 {strides = array<i32>} : memref<18x836xf32, #tpu.memory_space<vmem>>, vector<16xf32>,
          %add3A_1239 = arith.addi %multiple_of3A_754, %scan3A_841 : i32
          %add3A_1240 = arith.constant 162 : i32
          %add3A_1241 = arith.addi %add3A_1239, %add3A_1240 : i32
          %get3A_1242 = arith.index_cast %add3A_1241 : i32 to index
          %get3A_1243 = arith.constant 48 : index
          %get3A_1244 = tpu.vector_load %arg7[%get3A_1242, %get3A_1243] {strides = array<i32>} : memref<720x128xf32, #tpu.memory_space<vmem>>, vector<16xf32>,
          %select_n3A_1245 = arith.select %lt3A_5, %get3A_1234, %get3A_1244 : vector<16xi1>, vector<16xf32>
          %swap3A_1246 = arith.index_cast %scan3A_841 : i32 to index
          %swap3A_1247 = arith.constant 624 : index
          %swap3A_1248 = tpu.vector_load %arg8[%swap3A_1246, %swap3A_1247] {strides = array<i32>} : memref<18x836xf32, #tpu.memory_space<vmem>>, vector<16xf32>,
          tpu.vector_store %arg8[%swap3A_1246, %swap3A_1247], %select_n3A_1245 {strides = array<i32>} : memref<18x836xf32, #tpu.memory_space<vmem>>, vector<16xf32>,
          %add3A_1249 = arith.addi %multiple_of3A_754, %scan3A_841 : i32
          %add3A_1250 = arith.constant 180 : i32
          %add3A_1251 = arith.addi %add3A_1249, %add3A_1250 : i32
          %get3A_1252 = arith.index_cast %add3A_1251 : i32 to index
          %get3A_1253 = arith.constant 0 : index
          %get3A_1254 = tpu.vector_load %arg7[%get3A_1252, %get3A_1253] {strides = array<i32>} : memref<720x128xf32, #tpu.memory_space<vmem>>, vector<16xf32>,
          %select_n3A_1255 = arith.select %lt3A_5, %get3A_1244, %get3A_1254 : vector<16xi1>, vector<16xf32>
          %swap3A_1256 = arith.index_cast %scan3A_841 : i32 to index
          %swap3A_1257 = arith.constant 640 : index
          %swap3A_1258 = tpu.vector_load %arg8[%swap3A_1256, %swap3A_1257] {strides = array<i32>} : memref<18x836xf32, #tpu.memory_space<vmem>>, vector<16xf32>,
          tpu.vector_store %arg8[%swap3A_1256, %swap3A_1257], %select_n3A_1255 {strides = array<i32>} : memref<18x836xf32, #tpu.memory_space<vmem>>, vector<16xf32>,
          %add3A_1259 = arith.addi %multiple_of3A_754, %scan3A_841 : i32
          %add3A_1260 = arith.constant 180 : i32
          %add3A_1261 = arith.addi %add3A_1259, %add3A_1260 : i32
          %get3A_1262 = arith.index_cast %add3A_1261 : i32 to index
          %get3A_1263 = arith.constant 16 : index
          %get3A_1264 = tpu.vector_load %arg7[%get3A_1262, %get3A_1263] {strides = array<i32>} : memref<720x128xf32, #tpu.memory_space<vmem>>, vector<16xf32>,
          %select_n3A_1265 = arith.select %lt3A_5, %get3A_1254, %get3A_1264 : vector<16xi1>, vector<16xf32>
          %swap3A_1266 = arith.index_cast %scan3A_841 : i32 to index
          %swap3A_1267 = arith.constant 656 : index
          %swap3A_1268 = tpu.vector_load %arg8[%swap3A_1266, %swap3A_1267] {strides = array<i32>} : memref<18x836xf32, #tpu.memory_space<vmem>>, vector<16xf32>,
          tpu.vector_store %arg8[%swap3A_1266, %swap3A_1267], %select_n3A_1265 {strides = array<i32>} : memref<18x836xf32, #tpu.memory_space<vmem>>, vector<16xf32>,
          %add3A_1269 = arith.addi %multiple_of3A_754, %scan3A_841 : i32
          %add3A_1270 = arith.constant 180 : i32
          %add3A_1271 = arith.addi %add3A_1269, %add3A_1270 : i32
          %get3A_1272 = arith.index_cast %add3A_1271 : i32 to index
          %get3A_1273 = arith.constant 32 : index
          %get3A_1274 = tpu.vector_load %arg7[%get3A_1272, %get3A_1273] {strides = array<i32>} : memref<720x128xf32, #tpu.memory_space<vmem>>, vector<16xf32>,
          %select_n3A_1275 = arith.select %lt3A_5, %get3A_1264, %get3A_1274 : vector<16xi1>, vector<16xf32>
          %swap3A_1276 = arith.index_cast %scan3A_841 : i32 to index
          %swap3A_1277 = arith.constant 672 : index
          %swap3A_1278 = tpu.vector_load %arg8[%swap3A_1276, %swap3A_1277] {strides = array<i32>} : memref<18x836xf32, #tpu.memory_space<vmem>>, vector<16xf32>,
          tpu.vector_store %arg8[%swap3A_1276, %swap3A_1277], %select_n3A_1275 {strides = array<i32>} : memref<18x836xf32, #tpu.memory_space<vmem>>, vector<16xf32>,
          %add3A_1279 = arith.addi %multiple_of3A_754, %scan3A_841 : i32
          %add3A_1280 = arith.constant 180 : i32
          %add3A_1281 = arith.addi %add3A_1279, %add3A_1280 : i32
          %get3A_1282 = arith.index_cast %add3A_1281 : i32 to index
          %get3A_1283 = arith.constant 48 : index
          %get3A_1284 = tpu.vector_load %arg7[%get3A_1282, %get3A_1283] {strides = array<i32>} : memref<720x128xf32, #tpu.memory_space<vmem>>, vector<16xf32>,
          %select_n3A_1285 = arith.select %lt3A_5, %get3A_1274, %get3A_1284 : vector<16xi1>, vector<16xf32>
          %swap3A_1286 = arith.index_cast %scan3A_841 : i32 to index
          %swap3A_1287 = arith.constant 688 : index
          %swap3A_1288 = tpu.vector_load %arg8[%swap3A_1286, %swap3A_1287] {strides = array<i32>} : memref<18x836xf32, #tpu.memory_space<vmem>>, vector<16xf32>,
          tpu.vector_store %arg8[%swap3A_1286, %swap3A_1287], %select_n3A_1285 {strides = array<i32>} : memref<18x836xf32, #tpu.memory_space<vmem>>, vector<16xf32>,
          %add3A_1289 = arith.addi %multiple_of3A_754, %scan3A_841 : i32
          %add3A_1290 = arith.constant 198 : i32
          %add3A_1291 = arith.addi %add3A_1289, %add3A_1290 : i32
          %get3A_1292 = arith.index_cast %add3A_1291 : i32 to index
          %get3A_1293 = arith.constant 0 : index
          %get3A_1294 = tpu.vector_load %arg7[%get3A_1292, %get3A_1293] {strides = array<i32>} : memref<720x128xf32, #tpu.memory_space<vmem>>, vector<16xf32>,
          %select_n3A_1295 = arith.select %lt3A_5, %get3A_1284, %get3A_1294 : vector<16xi1>, vector<16xf32>
          %swap3A_1296 = arith.index_cast %scan3A_841 : i32 to index
          %swap3A_1297 = arith.constant 704 : index
          %swap3A_1298 = tpu.vector_load %arg8[%swap3A_1296, %swap3A_1297] {strides = array<i32>} : memref<18x836xf32, #tpu.memory_space<vmem>>, vector<16xf32>,
          tpu.vector_store %arg8[%swap3A_1296, %swap3A_1297], %select_n3A_1295 {strides = array<i32>} : memref<18x836xf32, #tpu.memory_space<vmem>>, vector<16xf32>,
          %add3A_1299 = arith.addi %multiple_of3A_754, %scan3A_841 : i32
          %add3A_1300 = arith.constant 198 : i32
          %add3A_1301 = arith.addi %add3A_1299, %add3A_1300 : i32
          %get3A_1302 = arith.index_cast %add3A_1301 : i32 to index
          %get3A_1303 = arith.constant 16 : index
          %get3A_1304 = tpu.vector_load %arg7[%get3A_1302, %get3A_1303] {strides = array<i32>} : memref<720x128xf32, #tpu.memory_space<vmem>>, vector<16xf32>,
          %select_n3A_1305 = arith.select %lt3A_5, %get3A_1294, %get3A_1304 : vector<16xi1>, vector<16xf32>
          %swap3A_1306 = arith.index_cast %scan3A_841 : i32 to index
          %swap3A_1307 = arith.constant 720 : index
          %swap3A_1308 = tpu.vector_load %arg8[%swap3A_1306, %swap3A_1307] {strides = array<i32>} : memref<18x836xf32, #tpu.memory_space<vmem>>, vector<16xf32>,
          tpu.vector_store %arg8[%swap3A_1306, %swap3A_1307], %select_n3A_1305 {strides = array<i32>} : memref<18x836xf32, #tpu.memory_space<vmem>>, vector<16xf32>,
          %add3A_1309 = arith.addi %multiple_of3A_754, %scan3A_841 : i32
          %add3A_1310 = arith.constant 198 : i32
          %add3A_1311 = arith.addi %add3A_1309, %add3A_1310 : i32
          %get3A_1312 = arith.index_cast %add3A_1311 : i32 to index
          %get3A_1313 = arith.constant 32 : index
          %get3A_1314 = tpu.vector_load %arg7[%get3A_1312, %get3A_1313] {strides = array<i32>} : memref<720x128xf32, #tpu.memory_space<vmem>>, vector<16xf32>,
          %select_n3A_1315 = arith.select %lt3A_5, %get3A_1304, %get3A_1314 : vector<16xi1>, vector<16xf32>
          %swap3A_1316 = arith.index_cast %scan3A_841 : i32 to index
          %swap3A_1317 = arith.constant 736 : index
          %swap3A_1318 = tpu.vector_load %arg8[%swap3A_1316, %swap3A_1317] {strides = array<i32>} : memref<18x836xf32, #tpu.memory_space<vmem>>, vector<16xf32>,
          tpu.vector_store %arg8[%swap3A_1316, %swap3A_1317], %select_n3A_1315 {strides = array<i32>} : memref<18x836xf32, #tpu.memory_space<vmem>>, vector<16xf32>,
          %add3A_1319 = arith.addi %multiple_of3A_754, %scan3A_841 : i32
          %add3A_1320 = arith.constant 198 : i32
          %add3A_1321 = arith.addi %add3A_1319, %add3A_1320 : i32
          %get3A_1322 = arith.index_cast %add3A_1321 : i32 to index
          %get3A_1323 = arith.constant 48 : index
          %get3A_1324 = tpu.vector_load %arg7[%get3A_1322, %get3A_1323] {strides = array<i32>} : memref<720x128xf32, #tpu.memory_space<vmem>>, vector<16xf32>,
          %select_n3A_1325 = arith.select %lt3A_5, %get3A_1314, %get3A_1324 : vector<16xi1>, vector<16xf32>
          %swap3A_1326 = arith.index_cast %scan3A_841 : i32 to index
          %swap3A_1327 = arith.constant 752 : index
          %swap3A_1328 = tpu.vector_load %arg8[%swap3A_1326, %swap3A_1327] {strides = array<i32>} : memref<18x836xf32, #tpu.memory_space<vmem>>, vector<16xf32>,
          tpu.vector_store %arg8[%swap3A_1326, %swap3A_1327], %select_n3A_1325 {strides = array<i32>} : memref<18x836xf32, #tpu.memory_space<vmem>>, vector<16xf32>,
          %add3A_1329 = arith.addi %multiple_of3A_754, %scan3A_841 : i32
          %add3A_1330 = arith.constant 216 : i32
          %add3A_1331 = arith.addi %add3A_1329, %add3A_1330 : i32
          %get3A_1332 = arith.index_cast %add3A_1331 : i32 to index
          %get3A_1333 = arith.constant 0 : index
          %get3A_1334 = tpu.vector_load %arg7[%get3A_1332, %get3A_1333] {strides = array<i32>} : memref<720x128xf32, #tpu.memory_space<vmem>>, vector<16xf32>,
          %select_n3A_1335 = arith.select %lt3A_5, %get3A_1324, %get3A_1334 : vector<16xi1>, vector<16xf32>
          %swap3A_1336 = arith.index_cast %scan3A_841 : i32 to index
          %swap3A_1337 = arith.constant 768 : index
          %swap3A_1338 = tpu.vector_load %arg8[%swap3A_1336, %swap3A_1337] {strides = array<i32>} : memref<18x836xf32, #tpu.memory_space<vmem>>, vector<16xf32>,
          tpu.vector_store %arg8[%swap3A_1336, %swap3A_1337], %select_n3A_1335 {strides = array<i32>} : memref<18x836xf32, #tpu.memory_space<vmem>>, vector<16xf32>,
          %add3A_1339 = arith.addi %multiple_of3A_754, %scan3A_841 : i32
          %add3A_1340 = arith.constant 216 : i32
          %add3A_1341 = arith.addi %add3A_1339, %add3A_1340 : i32
          %get3A_1342 = arith.index_cast %add3A_1341 : i32 to index
          %get3A_1343 = arith.constant 16 : index
          %get3A_1344 = tpu.vector_load %arg7[%get3A_1342, %get3A_1343] {strides = array<i32>} : memref<720x128xf32, #tpu.memory_space<vmem>>, vector<16xf32>,
          %select_n3A_1345 = arith.select %lt3A_5, %get3A_1334, %get3A_1344 : vector<16xi1>, vector<16xf32>
          %swap3A_1346 = arith.index_cast %scan3A_841 : i32 to index
          %swap3A_1347 = arith.constant 784 : index
          %swap3A_1348 = tpu.vector_load %arg8[%swap3A_1346, %swap3A_1347] {strides = array<i32>} : memref<18x836xf32, #tpu.memory_space<vmem>>, vector<16xf32>,
          tpu.vector_store %arg8[%swap3A_1346, %swap3A_1347], %select_n3A_1345 {strides = array<i32>} : memref<18x836xf32, #tpu.memory_space<vmem>>, vector<16xf32>,
          %add3A_1349 = arith.addi %multiple_of3A_754, %scan3A_841 : i32
          %add3A_1350 = arith.constant 216 : i32
          %add3A_1351 = arith.addi %add3A_1349, %add3A_1350 : i32
          %get3A_1352 = arith.index_cast %add3A_1351 : i32 to index
          %get3A_1353 = arith.constant 32 : index
          %get3A_1354 = tpu.vector_load %arg7[%get3A_1352, %get3A_1353] {strides = array<i32>} : memref<720x128xf32, #tpu.memory_space<vmem>>, vector<16xf32>,
          %select_n3A_1355 = arith.select %lt3A_5, %get3A_1344, %get3A_1354 : vector<16xi1>, vector<16xf32>
          %swap3A_1356 = arith.index_cast %scan3A_841 : i32 to index
          %swap3A_1357 = arith.constant 800 : index
          %swap3A_1358 = tpu.vector_load %arg8[%swap3A_1356, %swap3A_1357] {strides = array<i32>} : memref<18x836xf32, #tpu.memory_space<vmem>>, vector<16xf32>,
          tpu.vector_store %arg8[%swap3A_1356, %swap3A_1357], %select_n3A_1355 {strides = array<i32>} : memref<18x836xf32, #tpu.memory_space<vmem>>, vector<16xf32>,
          %add3A_1359 = arith.addi %multiple_of3A_754, %scan3A_841 : i32
          %add3A_1360 = arith.constant 216 : i32
          %add3A_1361 = arith.addi %add3A_1359, %add3A_1360 : i32
          %get3A_1362 = arith.index_cast %add3A_1361 : i32 to index
          %get3A_1363 = arith.constant 48 : index
          %get3A_1364 = tpu.vector_load %arg7[%get3A_1362, %get3A_1363] {strides = array<i32>} : memref<720x128xf32, #tpu.memory_space<vmem>>, vector<16xf32>,
          %select_n3A_1365 = arith.select %lt3A_5, %get3A_1354, %get3A_1364 : vector<16xi1>, vector<16xf32>
          %swap3A_1366 = arith.index_cast %scan3A_841 : i32 to index
          %swap3A_1367 = arith.constant 816 : index
          %swap3A_1368 = tpu.vector_load %arg8[%swap3A_1366, %swap3A_1367] {strides = array<i32>} : memref<18x836xf32, #tpu.memory_space<vmem>>, vector<16xf32>,
          tpu.vector_store %arg8[%swap3A_1366, %swap3A_1367], %select_n3A_1365 {strides = array<i32>} : memref<18x836xf32, #tpu.memory_space<vmem>>, vector<16xf32>,
          tpu.vector_store_idx %arg8[%broadcast_in_dim3A_849, %add3A_757], %get3A_1364 masked %lt3A_5 : memref<18x836xf32, #tpu.memory_space<vmem>>[vector<16xi32>, vector<16xi32>], vector<16xf32>, vector<16xi1>
        }
        %scan3A_839 = arith.constant 18 : i32
        %cond3A_840 = arith.constant 0 : i32
        scf.yield %cond3A_840 : i32
      } else {
        %scan3A_834 = arith.constant 0 : i32
        %scan3A_835 = arith.constant 0 : i32
        %scan3A_836 = arith.constant 16 : i32
        %scan3A_837 = arith.addi %scan3A_835, %scan3A_836 : i32
        %scan3A_838 = arith.constant 1 : i32
        scf.for %scan3A_841 = %scan3A_835 to %scan3A_837 step %scan3A_838  : i32 {
          %add3A_842 = arith.addi %mul3A_650, %scan3A_841 : i32
          %mul3A_843 = arith.constant 17 : i32
          %mul3A_844 = arith.muli %mul3A_843, %add3A_842 : i32
          %add3A_845 = arith.addi %add3A_735, %mul3A_844 : i32
          %add3A_846 = vector.broadcast %add3A_845 : i32 to vector<16xi32>
          %add3A_847 = arith.addi %iota3A, %add3A_846 : vector<16xi32>
          %gather3A_848 = tpu.vector_load_idx %arg5[%add3A_847] : memref<6800xf32, #tpu.memory_space<vmem>>[vector<16xi32>], vector<16xf32>,
          %broadcast_in_dim3A_849 = vector.broadcast %scan3A_841 : i32 to vector<16xi32>
          %add3A_850 = arith.addi %multiple_of3A_754, %scan3A_841 : i32
          %add3A_851 = arith.constant 0 : i32
          %add3A_852 = arith.addi %add3A_850, %add3A_851 : i32
          %get3A = arith.index_cast %add3A_852 : i32 to index
          %get3A_853 = arith.constant 0 : index
          %get3A_854 = tpu.vector_load %arg7[%get3A, %get3A_853] {strides = array<i32>} : memref<720x128xf32, #tpu.memory_space<vmem>>, vector<16xf32>,
          %select_n3A_855 = arith.select %lt3A_5, %gather3A_848, %get3A_854 : vector<16xi1>, vector<16xf32>
          %swap3A_856 = arith.index_cast %scan3A_841 : i32 to index
          %swap3A_857 = arith.constant 0 : index
          %swap3A_858 = tpu.vector_load %arg8[%swap3A_856, %swap3A_857] {strides = array<i32>} : memref<18x836xf32, #tpu.memory_space<vmem>>, vector<16xf32>,
          tpu.vector_store %arg8[%swap3A_856, %swap3A_857], %select_n3A_855 {strides = array<i32>} : memref<18x836xf32, #tpu.memory_space<vmem>>, vector<16xf32>,
          %add3A_859 = arith.addi %multiple_of3A_754, %scan3A_841 : i32
          %add3A_860 = arith.constant 0 : i32
          %add3A_861 = arith.addi %add3A_859, %add3A_860 : i32
          %get3A_862 = arith.index_cast %add3A_861 : i32 to index
          %get3A_863 = arith.constant 16 : index
          %get3A_864 = tpu.vector_load %arg7[%get3A_862, %get3A_863] {strides = array<i32>} : memref<720x128xf32, #tpu.memory_space<vmem>>, vector<16xf32>,
          %select_n3A_865 = arith.select %lt3A_5, %get3A_854, %get3A_864 : vector<16xi1>, vector<16xf32>
          %swap3A_866 = arith.index_cast %scan3A_841 : i32 to index
          %swap3A_867 = arith.constant 16 : index
          %swap3A_868 = tpu.vector_load %arg8[%swap3A_866, %swap3A_867] {strides = array<i32>} : memref<18x836xf32, #tpu.memory_space<vmem>>, vector<16xf32>,
          tpu.vector_store %arg8[%swap3A_866, %swap3A_867], %select_n3A_865 {strides = array<i32>} : memref<18x836xf32, #tpu.memory_space<vmem>>, vector<16xf32>,
          %add3A_869 = arith.addi %multiple_of3A_754, %scan3A_841 : i32
          %add3A_870 = arith.constant 0 : i32
          %add3A_871 = arith.addi %add3A_869, %add3A_870 : i32
          %get3A_872 = arith.index_cast %add3A_871 : i32 to index
          %get3A_873 = arith.constant 32 : index
          %get3A_874 = tpu.vector_load %arg7[%get3A_872, %get3A_873] {strides = array<i32>} : memref<720x128xf32, #tpu.memory_space<vmem>>, vector<16xf32>,
          %select_n3A_875 = arith.select %lt3A_5, %get3A_864, %get3A_874 : vector<16xi1>, vector<16xf32>
          %swap3A_876 = arith.index_cast %scan3A_841 : i32 to index
          %swap3A_877 = arith.constant 32 : index
          %swap3A_878 = tpu.vector_load %arg8[%swap3A_876, %swap3A_877] {strides = array<i32>} : memref<18x836xf32, #tpu.memory_space<vmem>>, vector<16xf32>,
          tpu.vector_store %arg8[%swap3A_876, %swap3A_877], %select_n3A_875 {strides = array<i32>} : memref<18x836xf32, #tpu.memory_space<vmem>>, vector<16xf32>,
          %add3A_879 = arith.addi %multiple_of3A_754, %scan3A_841 : i32
          %add3A_880 = arith.constant 0 : i32
          %add3A_881 = arith.addi %add3A_879, %add3A_880 : i32
          %get3A_882 = arith.index_cast %add3A_881 : i32 to index
          %get3A_883 = arith.constant 48 : index
          %get3A_884 = tpu.vector_load %arg7[%get3A_882, %get3A_883] {strides = array<i32>} : memref<720x128xf32, #tpu.memory_space<vmem>>, vector<16xf32>,
          %select_n3A_885 = arith.select %lt3A_5, %get3A_874, %get3A_884 : vector<16xi1>, vector<16xf32>
          %swap3A_886 = arith.index_cast %scan3A_841 : i32 to index
          %swap3A_887 = arith.constant 48 : index
          %swap3A_888 = tpu.vector_load %arg8[%swap3A_886, %swap3A_887] {strides = array<i32>} : memref<18x836xf32, #tpu.memory_space<vmem>>, vector<16xf32>,
          tpu.vector_store %arg8[%swap3A_886, %swap3A_887], %select_n3A_885 {strides = array<i32>} : memref<18x836xf32, #tpu.memory_space<vmem>>, vector<16xf32>,
          %add3A_889 = arith.addi %multiple_of3A_754, %scan3A_841 : i32
          %add3A_890 = arith.constant 16 : i32
          %add3A_891 = arith.addi %add3A_889, %add3A_890 : i32
          %get3A_892 = arith.index_cast %add3A_891 : i32 to index
          %get3A_893 = arith.constant 0 : index
          %get3A_894 = tpu.vector_load %arg7[%get3A_892, %get3A_893] {strides = array<i32>} : memref<720x128xf32, #tpu.memory_space<vmem>>, vector<16xf32>,
          %select_n3A_895 = arith.select %lt3A_5, %get3A_884, %get3A_894 : vector<16xi1>, vector<16xf32>
          %swap3A_896 = arith.index_cast %scan3A_841 : i32 to index
          %swap3A_897 = arith.constant 64 : index
          %swap3A_898 = tpu.vector_load %arg8[%swap3A_896, %swap3A_897] {strides = array<i32>} : memref<18x836xf32, #tpu.memory_space<vmem>>, vector<16xf32>,
          tpu.vector_store %arg8[%swap3A_896, %swap3A_897], %select_n3A_895 {strides = array<i32>} : memref<18x836xf32, #tpu.memory_space<vmem>>, vector<16xf32>,
          %add3A_899 = arith.addi %multiple_of3A_754, %scan3A_841 : i32
          %add3A_900 = arith.constant 16 : i32
          %add3A_901 = arith.addi %add3A_899, %add3A_900 : i32
          %get3A_902 = arith.index_cast %add3A_901 : i32 to index
          %get3A_903 = arith.constant 16 : index
          %get3A_904 = tpu.vector_load %arg7[%get3A_902, %get3A_903] {strides = array<i32>} : memref<720x128xf32, #tpu.memory_space<vmem>>, vector<16xf32>,
          %select_n3A_905 = arith.select %lt3A_5, %get3A_894, %get3A_904 : vector<16xi1>, vector<16xf32>
          %swap3A_906 = arith.index_cast %scan3A_841 : i32 to index
          %swap3A_907 = arith.constant 80 : index
          %swap3A_908 = tpu.vector_load %arg8[%swap3A_906, %swap3A_907] {strides = array<i32>} : memref<18x836xf32, #tpu.memory_space<vmem>>, vector<16xf32>,
          tpu.vector_store %arg8[%swap3A_906, %swap3A_907], %select_n3A_905 {strides = array<i32>} : memref<18x836xf32, #tpu.memory_space<vmem>>, vector<16xf32>,
          %add3A_909 = arith.addi %multiple_of3A_754, %scan3A_841 : i32
          %add3A_910 = arith.constant 16 : i32
          %add3A_911 = arith.addi %add3A_909, %add3A_910 : i32
          %get3A_912 = arith.index_cast %add3A_911 : i32 to index
          %get3A_913 = arith.constant 32 : index
          %get3A_914 = tpu.vector_load %arg7[%get3A_912, %get3A_913] {strides = array<i32>} : memref<720x128xf32, #tpu.memory_space<vmem>>, vector<16xf32>,
          %select_n3A_915 = arith.select %lt3A_5, %get3A_904, %get3A_914 : vector<16xi1>, vector<16xf32>
          %swap3A_916 = arith.index_cast %scan3A_841 : i32 to index
          %swap3A_917 = arith.constant 96 : index
          %swap3A_918 = tpu.vector_load %arg8[%swap3A_916, %swap3A_917] {strides = array<i32>} : memref<18x836xf32, #tpu.memory_space<vmem>>, vector<16xf32>,
          tpu.vector_store %arg8[%swap3A_916, %swap3A_917], %select_n3A_915 {strides = array<i32>} : memref<18x836xf32, #tpu.memory_space<vmem>>, vector<16xf32>,
          %add3A_919 = arith.addi %multiple_of3A_754, %scan3A_841 : i32
          %add3A_920 = arith.constant 16 : i32
          %add3A_921 = arith.addi %add3A_919, %add3A_920 : i32
          %get3A_922 = arith.index_cast %add3A_921 : i32 to index
          %get3A_923 = arith.constant 48 : index
          %get3A_924 = tpu.vector_load %arg7[%get3A_922, %get3A_923] {strides = array<i32>} : memref<720x128xf32, #tpu.memory_space<vmem>>, vector<16xf32>,
          %select_n3A_925 = arith.select %lt3A_5, %get3A_914, %get3A_924 : vector<16xi1>, vector<16xf32>
          %swap3A_926 = arith.index_cast %scan3A_841 : i32 to index
          %swap3A_927 = arith.constant 112 : index
          %swap3A_928 = tpu.vector_load %arg8[%swap3A_926, %swap3A_927] {strides = array<i32>} : memref<18x836xf32, #tpu.memory_space<vmem>>, vector<16xf32>,
          tpu.vector_store %arg8[%swap3A_926, %swap3A_927], %select_n3A_925 {strides = array<i32>} : memref<18x836xf32, #tpu.memory_space<vmem>>, vector<16xf32>,
          %add3A_929 = arith.addi %multiple_of3A_754, %scan3A_841 : i32
          %add3A_930 = arith.constant 32 : i32
          %add3A_931 = arith.addi %add3A_929, %add3A_930 : i32
          %get3A_932 = arith.index_cast %add3A_931 : i32 to index
          %get3A_933 = arith.constant 0 : index
          %get3A_934 = tpu.vector_load %arg7[%get3A_932, %get3A_933] {strides = array<i32>} : memref<720x128xf32, #tpu.memory_space<vmem>>, vector<16xf32>,
          %select_n3A_935 = arith.select %lt3A_5, %get3A_924, %get3A_934 : vector<16xi1>, vector<16xf32>
          %swap3A_936 = arith.index_cast %scan3A_841 : i32 to index
          %swap3A_937 = arith.constant 128 : index
          %swap3A_938 = tpu.vector_load %arg8[%swap3A_936, %swap3A_937] {strides = array<i32>} : memref<18x836xf32, #tpu.memory_space<vmem>>, vector<16xf32>,
          tpu.vector_store %arg8[%swap3A_936, %swap3A_937], %select_n3A_935 {strides = array<i32>} : memref<18x836xf32, #tpu.memory_space<vmem>>, vector<16xf32>,
          %add3A_939 = arith.addi %multiple_of3A_754, %scan3A_841 : i32
          %add3A_940 = arith.constant 32 : i32
          %add3A_941 = arith.addi %add3A_939, %add3A_940 : i32
          %get3A_942 = arith.index_cast %add3A_941 : i32 to index
          %get3A_943 = arith.constant 16 : index
          %get3A_944 = tpu.vector_load %arg7[%get3A_942, %get3A_943] {strides = array<i32>} : memref<720x128xf32, #tpu.memory_space<vmem>>, vector<16xf32>,
          %select_n3A_945 = arith.select %lt3A_5, %get3A_934, %get3A_944 : vector<16xi1>, vector<16xf32>
          %swap3A_946 = arith.index_cast %scan3A_841 : i32 to index
          %swap3A_947 = arith.constant 144 : index
          %swap3A_948 = tpu.vector_load %arg8[%swap3A_946, %swap3A_947] {strides = array<i32>} : memref<18x836xf32, #tpu.memory_space<vmem>>, vector<16xf32>,
          tpu.vector_store %arg8[%swap3A_946, %swap3A_947], %select_n3A_945 {strides = array<i32>} : memref<18x836xf32, #tpu.memory_space<vmem>>, vector<16xf32>,
          %add3A_949 = arith.addi %multiple_of3A_754, %scan3A_841 : i32
          %add3A_950 = arith.constant 32 : i32
          %add3A_951 = arith.addi %add3A_949, %add3A_950 : i32
          %get3A_952 = arith.index_cast %add3A_951 : i32 to index
          %get3A_953 = arith.constant 32 : index
          %get3A_954 = tpu.vector_load %arg7[%get3A_952, %get3A_953] {strides = array<i32>} : memref<720x128xf32, #tpu.memory_space<vmem>>, vector<16xf32>,
          %select_n3A_955 = arith.select %lt3A_5, %get3A_944, %get3A_954 : vector<16xi1>, vector<16xf32>
          %swap3A_956 = arith.index_cast %scan3A_841 : i32 to index
          %swap3A_957 = arith.constant 160 : index
          %swap3A_958 = tpu.vector_load %arg8[%swap3A_956, %swap3A_957] {strides = array<i32>} : memref<18x836xf32, #tpu.memory_space<vmem>>, vector<16xf32>,
          tpu.vector_store %arg8[%swap3A_956, %swap3A_957], %select_n3A_955 {strides = array<i32>} : memref<18x836xf32, #tpu.memory_space<vmem>>, vector<16xf32>,
          %add3A_959 = arith.addi %multiple_of3A_754, %scan3A_841 : i32
          %add3A_960 = arith.constant 32 : i32
          %add3A_961 = arith.addi %add3A_959, %add3A_960 : i32
          %get3A_962 = arith.index_cast %add3A_961 : i32 to index
          %get3A_963 = arith.constant 48 : index
          %get3A_964 = tpu.vector_load %arg7[%get3A_962, %get3A_963] {strides = array<i32>} : memref<720x128xf32, #tpu.memory_space<vmem>>, vector<16xf32>,
          %select_n3A_965 = arith.select %lt3A_5, %get3A_954, %get3A_964 : vector<16xi1>, vector<16xf32>
          %swap3A_966 = arith.index_cast %scan3A_841 : i32 to index
          %swap3A_967 = arith.constant 176 : index
          %swap3A_968 = tpu.vector_load %arg8[%swap3A_966, %swap3A_967] {strides = array<i32>} : memref<18x836xf32, #tpu.memory_space<vmem>>, vector<16xf32>,
          tpu.vector_store %arg8[%swap3A_966, %swap3A_967], %select_n3A_965 {strides = array<i32>} : memref<18x836xf32, #tpu.memory_space<vmem>>, vector<16xf32>,
          %add3A_969 = arith.addi %multiple_of3A_754, %scan3A_841 : i32
          %add3A_970 = arith.constant 48 : i32
          %add3A_971 = arith.addi %add3A_969, %add3A_970 : i32
          %get3A_972 = arith.index_cast %add3A_971 : i32 to index
          %get3A_973 = arith.constant 0 : index
          %get3A_974 = tpu.vector_load %arg7[%get3A_972, %get3A_973] {strides = array<i32>} : memref<720x128xf32, #tpu.memory_space<vmem>>, vector<16xf32>,
          %select_n3A_975 = arith.select %lt3A_5, %get3A_964, %get3A_974 : vector<16xi1>, vector<16xf32>
          %swap3A_976 = arith.index_cast %scan3A_841 : i32 to index
          %swap3A_977 = arith.constant 192 : index
          %swap3A_978 = tpu.vector_load %arg8[%swap3A_976, %swap3A_977] {strides = array<i32>} : memref<18x836xf32, #tpu.memory_space<vmem>>, vector<16xf32>,
          tpu.vector_store %arg8[%swap3A_976, %swap3A_977], %select_n3A_975 {strides = array<i32>} : memref<18x836xf32, #tpu.memory_space<vmem>>, vector<16xf32>,
          %add3A_979 = arith.addi %multiple_of3A_754, %scan3A_841 : i32
          %add3A_980 = arith.constant 48 : i32
          %add3A_981 = arith.addi %add3A_979, %add3A_980 : i32
          %get3A_982 = arith.index_cast %add3A_981 : i32 to index
          %get3A_983 = arith.constant 16 : index
          %get3A_984 = tpu.vector_load %arg7[%get3A_982, %get3A_983] {strides = array<i32>} : memref<720x128xf32, #tpu.memory_space<vmem>>, vector<16xf32>,
          %select_n3A_985 = arith.select %lt3A_5, %get3A_974, %get3A_984 : vector<16xi1>, vector<16xf32>
          %swap3A_986 = arith.index_cast %scan3A_841 : i32 to index
          %swap3A_987 = arith.constant 208 : index
          %swap3A_988 = tpu.vector_load %arg8[%swap3A_986, %swap3A_987] {strides = array<i32>} : memref<18x836xf32, #tpu.memory_space<vmem>>, vector<16xf32>,
          tpu.vector_store %arg8[%swap3A_986, %swap3A_987], %select_n3A_985 {strides = array<i32>} : memref<18x836xf32, #tpu.memory_space<vmem>>, vector<16xf32>,
          %add3A_989 = arith.addi %multiple_of3A_754, %scan3A_841 : i32
          %add3A_990 = arith.constant 48 : i32
          %add3A_991 = arith.addi %add3A_989, %add3A_990 : i32
          %get3A_992 = arith.index_cast %add3A_991 : i32 to index
          %get3A_993 = arith.constant 32 : index
          %get3A_994 = tpu.vector_load %arg7[%get3A_992, %get3A_993] {strides = array<i32>} : memref<720x128xf32, #tpu.memory_space<vmem>>, vector<16xf32>,
          %select_n3A_995 = arith.select %lt3A_5, %get3A_984, %get3A_994 : vector<16xi1>, vector<16xf32>
          %swap3A_996 = arith.index_cast %scan3A_841 : i32 to index
          %swap3A_997 = arith.constant 224 : index
          %swap3A_998 = tpu.vector_load %arg8[%swap3A_996, %swap3A_997] {strides = array<i32>} : memref<18x836xf32, #tpu.memory_space<vmem>>, vector<16xf32>,
          tpu.vector_store %arg8[%swap3A_996, %swap3A_997], %select_n3A_995 {strides = array<i32>} : memref<18x836xf32, #tpu.memory_space<vmem>>, vector<16xf32>,
          %add3A_999 = arith.addi %multiple_of3A_754, %scan3A_841 : i32
          %add3A_1000 = arith.constant 48 : i32
          %add3A_1001 = arith.addi %add3A_999, %add3A_1000 : i32
          %get3A_1002 = arith.index_cast %add3A_1001 : i32 to index
          %get3A_1003 = arith.constant 48 : index
          %get3A_1004 = tpu.vector_load %arg7[%get3A_1002, %get3A_1003] {strides = array<i32>} : memref<720x128xf32, #tpu.memory_space<vmem>>, vector<16xf32>,
          %select_n3A_1005 = arith.select %lt3A_5, %get3A_994, %get3A_1004 : vector<16xi1>, vector<16xf32>
          %swap3A_1006 = arith.index_cast %scan3A_841 : i32 to index
          %swap3A_1007 = arith.constant 240 : index
          %swap3A_1008 = tpu.vector_load %arg8[%swap3A_1006, %swap3A_1007] {strides = array<i32>} : memref<18x836xf32, #tpu.memory_space<vmem>>, vector<16xf32>,
          tpu.vector_store %arg8[%swap3A_1006, %swap3A_1007], %select_n3A_1005 {strides = array<i32>} : memref<18x836xf32, #tpu.memory_space<vmem>>, vector<16xf32>,
          %add3A_1009 = arith.addi %multiple_of3A_754, %scan3A_841 : i32
          %add3A_1010 = arith.constant 64 : i32
          %add3A_1011 = arith.addi %add3A_1009, %add3A_1010 : i32
          %get3A_1012 = arith.index_cast %add3A_1011 : i32 to index
          %get3A_1013 = arith.constant 0 : index
          %get3A_1014 = tpu.vector_load %arg7[%get3A_1012, %get3A_1013] {strides = array<i32>} : memref<720x128xf32, #tpu.memory_space<vmem>>, vector<16xf32>,
          %select_n3A_1015 = arith.select %lt3A_5, %get3A_1004, %get3A_1014 : vector<16xi1>, vector<16xf32>
          %swap3A_1016 = arith.index_cast %scan3A_841 : i32 to index
          %swap3A_1017 = arith.constant 256 : index
          %swap3A_1018 = tpu.vector_load %arg8[%swap3A_1016, %swap3A_1017] {strides = array<i32>} : memref<18x836xf32, #tpu.memory_space<vmem>>, vector<16xf32>,
          tpu.vector_store %arg8[%swap3A_1016, %swap3A_1017], %select_n3A_1015 {strides = array<i32>} : memref<18x836xf32, #tpu.memory_space<vmem>>, vector<16xf32>,
          %add3A_1019 = arith.addi %multiple_of3A_754, %scan3A_841 : i32
          %add3A_1020 = arith.constant 64 : i32
          %add3A_1021 = arith.addi %add3A_1019, %add3A_1020 : i32
          %get3A_1022 = arith.index_cast %add3A_1021 : i32 to index
          %get3A_1023 = arith.constant 16 : index
          %get3A_1024 = tpu.vector_load %arg7[%get3A_1022, %get3A_1023] {strides = array<i32>} : memref<720x128xf32, #tpu.memory_space<vmem>>, vector<16xf32>,
          %select_n3A_1025 = arith.select %lt3A_5, %get3A_1014, %get3A_1024 : vector<16xi1>, vector<16xf32>
          %swap3A_1026 = arith.index_cast %scan3A_841 : i32 to index
          %swap3A_1027 = arith.constant 272 : index
          %swap3A_1028 = tpu.vector_load %arg8[%swap3A_1026, %swap3A_1027] {strides = array<i32>} : memref<18x836xf32, #tpu.memory_space<vmem>>, vector<16xf32>,
          tpu.vector_store %arg8[%swap3A_1026, %swap3A_1027], %select_n3A_1025 {strides = array<i32>} : memref<18x836xf32, #tpu.memory_space<vmem>>, vector<16xf32>,
          %add3A_1029 = arith.addi %multiple_of3A_754, %scan3A_841 : i32
          %add3A_1030 = arith.constant 64 : i32
          %add3A_1031 = arith.addi %add3A_1029, %add3A_1030 : i32
          %get3A_1032 = arith.index_cast %add3A_1031 : i32 to index
          %get3A_1033 = arith.constant 32 : index
          %get3A_1034 = tpu.vector_load %arg7[%get3A_1032, %get3A_1033] {strides = array<i32>} : memref<720x128xf32, #tpu.memory_space<vmem>>, vector<16xf32>,
          %select_n3A_1035 = arith.select %lt3A_5, %get3A_1024, %get3A_1034 : vector<16xi1>, vector<16xf32>
          %swap3A_1036 = arith.index_cast %scan3A_841 : i32 to index
          %swap3A_1037 = arith.constant 288 : index
          %swap3A_1038 = tpu.vector_load %arg8[%swap3A_1036, %swap3A_1037] {strides = array<i32>} : memref<18x836xf32, #tpu.memory_space<vmem>>, vector<16xf32>,
          tpu.vector_store %arg8[%swap3A_1036, %swap3A_1037], %select_n3A_1035 {strides = array<i32>} : memref<18x836xf32, #tpu.memory_space<vmem>>, vector<16xf32>,
          %add3A_1039 = arith.addi %multiple_of3A_754, %scan3A_841 : i32
          %add3A_1040 = arith.constant 64 : i32
          %add3A_1041 = arith.addi %add3A_1039, %add3A_1040 : i32
          %get3A_1042 = arith.index_cast %add3A_1041 : i32 to index
          %get3A_1043 = arith.constant 48 : index
          %get3A_1044 = tpu.vector_load %arg7[%get3A_1042, %get3A_1043] {strides = array<i32>} : memref<720x128xf32, #tpu.memory_space<vmem>>, vector<16xf32>,
          %select_n3A_1045 = arith.select %lt3A_5, %get3A_1034, %get3A_1044 : vector<16xi1>, vector<16xf32>
          %swap3A_1046 = arith.index_cast %scan3A_841 : i32 to index
          %swap3A_1047 = arith.constant 304 : index
          %swap3A_1048 = tpu.vector_load %arg8[%swap3A_1046, %swap3A_1047] {strides = array<i32>} : memref<18x836xf32, #tpu.memory_space<vmem>>, vector<16xf32>,
          tpu.vector_store %arg8[%swap3A_1046, %swap3A_1047], %select_n3A_1045 {strides = array<i32>} : memref<18x836xf32, #tpu.memory_space<vmem>>, vector<16xf32>,
          %add3A_1049 = arith.addi %multiple_of3A_754, %scan3A_841 : i32
          %add3A_1050 = arith.constant 80 : i32
          %add3A_1051 = arith.addi %add3A_1049, %add3A_1050 : i32
          %get3A_1052 = arith.index_cast %add3A_1051 : i32 to index
          %get3A_1053 = arith.constant 0 : index
          %get3A_1054 = tpu.vector_load %arg7[%get3A_1052, %get3A_1053] {strides = array<i32>} : memref<720x128xf32, #tpu.memory_space<vmem>>, vector<16xf32>,
          %select_n3A_1055 = arith.select %lt3A_5, %get3A_1044, %get3A_1054 : vector<16xi1>, vector<16xf32>
          %swap3A_1056 = arith.index_cast %scan3A_841 : i32 to index
          %swap3A_1057 = arith.constant 320 : index
          %swap3A_1058 = tpu.vector_load %arg8[%swap3A_1056, %swap3A_1057] {strides = array<i32>} : memref<18x836xf32, #tpu.memory_space<vmem>>, vector<16xf32>,
          tpu.vector_store %arg8[%swap3A_1056, %swap3A_1057], %select_n3A_1055 {strides = array<i32>} : memref<18x836xf32, #tpu.memory_space<vmem>>, vector<16xf32>,
          %add3A_1059 = arith.addi %multiple_of3A_754, %scan3A_841 : i32
          %add3A_1060 = arith.constant 80 : i32
          %add3A_1061 = arith.addi %add3A_1059, %add3A_1060 : i32
          %get3A_1062 = arith.index_cast %add3A_1061 : i32 to index
          %get3A_1063 = arith.constant 16 : index
          %get3A_1064 = tpu.vector_load %arg7[%get3A_1062, %get3A_1063] {strides = array<i32>} : memref<720x128xf32, #tpu.memory_space<vmem>>, vector<16xf32>,
          %select_n3A_1065 = arith.select %lt3A_5, %get3A_1054, %get3A_1064 : vector<16xi1>, vector<16xf32>
          %swap3A_1066 = arith.index_cast %scan3A_841 : i32 to index
          %swap3A_1067 = arith.constant 336 : index
          %swap3A_1068 = tpu.vector_load %arg8[%swap3A_1066, %swap3A_1067] {strides = array<i32>} : memref<18x836xf32, #tpu.memory_space<vmem>>, vector<16xf32>,
          tpu.vector_store %arg8[%swap3A_1066, %swap3A_1067], %select_n3A_1065 {strides = array<i32>} : memref<18x836xf32, #tpu.memory_space<vmem>>, vector<16xf32>,
          %add3A_1069 = arith.addi %multiple_of3A_754, %scan3A_841 : i32
          %add3A_1070 = arith.constant 80 : i32
          %add3A_1071 = arith.addi %add3A_1069, %add3A_1070 : i32
          %get3A_1072 = arith.index_cast %add3A_1071 : i32 to index
          %get3A_1073 = arith.constant 32 : index
          %get3A_1074 = tpu.vector_load %arg7[%get3A_1072, %get3A_1073] {strides = array<i32>} : memref<720x128xf32, #tpu.memory_space<vmem>>, vector<16xf32>,
          %select_n3A_1075 = arith.select %lt3A_5, %get3A_1064, %get3A_1074 : vector<16xi1>, vector<16xf32>
          %swap3A_1076 = arith.index_cast %scan3A_841 : i32 to index
          %swap3A_1077 = arith.constant 352 : index
          %swap3A_1078 = tpu.vector_load %arg8[%swap3A_1076, %swap3A_1077] {strides = array<i32>} : memref<18x836xf32, #tpu.memory_space<vmem>>, vector<16xf32>,
          tpu.vector_store %arg8[%swap3A_1076, %swap3A_1077], %select_n3A_1075 {strides = array<i32>} : memref<18x836xf32, #tpu.memory_space<vmem>>, vector<16xf32>,
          %add3A_1079 = arith.addi %multiple_of3A_754, %scan3A_841 : i32
          %add3A_1080 = arith.constant 80 : i32
          %add3A_1081 = arith.addi %add3A_1079, %add3A_1080 : i32
          %get3A_1082 = arith.index_cast %add3A_1081 : i32 to index
          %get3A_1083 = arith.constant 48 : index
          %get3A_1084 = tpu.vector_load %arg7[%get3A_1082, %get3A_1083] {strides = array<i32>} : memref<720x128xf32, #tpu.memory_space<vmem>>, vector<16xf32>,
          %select_n3A_1085 = arith.select %lt3A_5, %get3A_1074, %get3A_1084 : vector<16xi1>, vector<16xf32>
          %swap3A_1086 = arith.index_cast %scan3A_841 : i32 to index
          %swap3A_1087 = arith.constant 368 : index
          %swap3A_1088 = tpu.vector_load %arg8[%swap3A_1086, %swap3A_1087] {strides = array<i32>} : memref<18x836xf32, #tpu.memory_space<vmem>>, vector<16xf32>,
          tpu.vector_store %arg8[%swap3A_1086, %swap3A_1087], %select_n3A_1085 {strides = array<i32>} : memref<18x836xf32, #tpu.memory_space<vmem>>, vector<16xf32>,
          %add3A_1089 = arith.addi %multiple_of3A_754, %scan3A_841 : i32
          %add3A_1090 = arith.constant 96 : i32
          %add3A_1091 = arith.addi %add3A_1089, %add3A_1090 : i32
          %get3A_1092 = arith.index_cast %add3A_1091 : i32 to index
          %get3A_1093 = arith.constant 0 : index
          %get3A_1094 = tpu.vector_load %arg7[%get3A_1092, %get3A_1093] {strides = array<i32>} : memref<720x128xf32, #tpu.memory_space<vmem>>, vector<16xf32>,
          %select_n3A_1095 = arith.select %lt3A_5, %get3A_1084, %get3A_1094 : vector<16xi1>, vector<16xf32>
          %swap3A_1096 = arith.index_cast %scan3A_841 : i32 to index
          %swap3A_1097 = arith.constant 384 : index
          %swap3A_1098 = tpu.vector_load %arg8[%swap3A_1096, %swap3A_1097] {strides = array<i32>} : memref<18x836xf32, #tpu.memory_space<vmem>>, vector<16xf32>,
          tpu.vector_store %arg8[%swap3A_1096, %swap3A_1097], %select_n3A_1095 {strides = array<i32>} : memref<18x836xf32, #tpu.memory_space<vmem>>, vector<16xf32>,
          %add3A_1099 = arith.addi %multiple_of3A_754, %scan3A_841 : i32
          %add3A_1100 = arith.constant 96 : i32
          %add3A_1101 = arith.addi %add3A_1099, %add3A_1100 : i32
          %get3A_1102 = arith.index_cast %add3A_1101 : i32 to index
          %get3A_1103 = arith.constant 16 : index
          %get3A_1104 = tpu.vector_load %arg7[%get3A_1102, %get3A_1103] {strides = array<i32>} : memref<720x128xf32, #tpu.memory_space<vmem>>, vector<16xf32>,
          %select_n3A_1105 = arith.select %lt3A_5, %get3A_1094, %get3A_1104 : vector<16xi1>, vector<16xf32>
          %swap3A_1106 = arith.index_cast %scan3A_841 : i32 to index
          %swap3A_1107 = arith.constant 400 : index
          %swap3A_1108 = tpu.vector_load %arg8[%swap3A_1106, %swap3A_1107] {strides = array<i32>} : memref<18x836xf32, #tpu.memory_space<vmem>>, vector<16xf32>,
          tpu.vector_store %arg8[%swap3A_1106, %swap3A_1107], %select_n3A_1105 {strides = array<i32>} : memref<18x836xf32, #tpu.memory_space<vmem>>, vector<16xf32>,
          %add3A_1109 = arith.addi %multiple_of3A_754, %scan3A_841 : i32
          %add3A_1110 = arith.constant 96 : i32
          %add3A_1111 = arith.addi %add3A_1109, %add3A_1110 : i32
          %get3A_1112 = arith.index_cast %add3A_1111 : i32 to index
          %get3A_1113 = arith.constant 32 : index
          %get3A_1114 = tpu.vector_load %arg7[%get3A_1112, %get3A_1113] {strides = array<i32>} : memref<720x128xf32, #tpu.memory_space<vmem>>, vector<16xf32>,
          %select_n3A_1115 = arith.select %lt3A_5, %get3A_1104, %get3A_1114 : vector<16xi1>, vector<16xf32>
          %swap3A_1116 = arith.index_cast %scan3A_841 : i32 to index
          %swap3A_1117 = arith.constant 416 : index
          %swap3A_1118 = tpu.vector_load %arg8[%swap3A_1116, %swap3A_1117] {strides = array<i32>} : memref<18x836xf32, #tpu.memory_space<vmem>>, vector<16xf32>,
          tpu.vector_store %arg8[%swap3A_1116, %swap3A_1117], %select_n3A_1115 {strides = array<i32>} : memref<18x836xf32, #tpu.memory_space<vmem>>, vector<16xf32>,
          %add3A_1119 = arith.addi %multiple_of3A_754, %scan3A_841 : i32
          %add3A_1120 = arith.constant 96 : i32
          %add3A_1121 = arith.addi %add3A_1119, %add3A_1120 : i32
          %get3A_1122 = arith.index_cast %add3A_1121 : i32 to index
          %get3A_1123 = arith.constant 48 : index
          %get3A_1124 = tpu.vector_load %arg7[%get3A_1122, %get3A_1123] {strides = array<i32>} : memref<720x128xf32, #tpu.memory_space<vmem>>, vector<16xf32>,
          %select_n3A_1125 = arith.select %lt3A_5, %get3A_1114, %get3A_1124 : vector<16xi1>, vector<16xf32>
          %swap3A_1126 = arith.index_cast %scan3A_841 : i32 to index
          %swap3A_1127 = arith.constant 432 : index
          %swap3A_1128 = tpu.vector_load %arg8[%swap3A_1126, %swap3A_1127] {strides = array<i32>} : memref<18x836xf32, #tpu.memory_space<vmem>>, vector<16xf32>,
          tpu.vector_store %arg8[%swap3A_1126, %swap3A_1127], %select_n3A_1125 {strides = array<i32>} : memref<18x836xf32, #tpu.memory_space<vmem>>, vector<16xf32>,
          %add3A_1129 = arith.addi %multiple_of3A_754, %scan3A_841 : i32
          %add3A_1130 = arith.constant 112 : i32
          %add3A_1131 = arith.addi %add3A_1129, %add3A_1130 : i32
          %get3A_1132 = arith.index_cast %add3A_1131 : i32 to index
          %get3A_1133 = arith.constant 0 : index
          %get3A_1134 = tpu.vector_load %arg7[%get3A_1132, %get3A_1133] {strides = array<i32>} : memref<720x128xf32, #tpu.memory_space<vmem>>, vector<16xf32>,
          %select_n3A_1135 = arith.select %lt3A_5, %get3A_1124, %get3A_1134 : vector<16xi1>, vector<16xf32>
          %swap3A_1136 = arith.index_cast %scan3A_841 : i32 to index
          %swap3A_1137 = arith.constant 448 : index
          %swap3A_1138 = tpu.vector_load %arg8[%swap3A_1136, %swap3A_1137] {strides = array<i32>} : memref<18x836xf32, #tpu.memory_space<vmem>>, vector<16xf32>,
          tpu.vector_store %arg8[%swap3A_1136, %swap3A_1137], %select_n3A_1135 {strides = array<i32>} : memref<18x836xf32, #tpu.memory_space<vmem>>, vector<16xf32>,
          %add3A_1139 = arith.addi %multiple_of3A_754, %scan3A_841 : i32
          %add3A_1140 = arith.constant 112 : i32
          %add3A_1141 = arith.addi %add3A_1139, %add3A_1140 : i32
          %get3A_1142 = arith.index_cast %add3A_1141 : i32 to index
          %get3A_1143 = arith.constant 16 : index
          %get3A_1144 = tpu.vector_load %arg7[%get3A_1142, %get3A_1143] {strides = array<i32>} : memref<720x128xf32, #tpu.memory_space<vmem>>, vector<16xf32>,
          %select_n3A_1145 = arith.select %lt3A_5, %get3A_1134, %get3A_1144 : vector<16xi1>, vector<16xf32>
          %swap3A_1146 = arith.index_cast %scan3A_841 : i32 to index
          %swap3A_1147 = arith.constant 464 : index
          %swap3A_1148 = tpu.vector_load %arg8[%swap3A_1146, %swap3A_1147] {strides = array<i32>} : memref<18x836xf32, #tpu.memory_space<vmem>>, vector<16xf32>,
          tpu.vector_store %arg8[%swap3A_1146, %swap3A_1147], %select_n3A_1145 {strides = array<i32>} : memref<18x836xf32, #tpu.memory_space<vmem>>, vector<16xf32>,
          %add3A_1149 = arith.addi %multiple_of3A_754, %scan3A_841 : i32
          %add3A_1150 = arith.constant 112 : i32
          %add3A_1151 = arith.addi %add3A_1149, %add3A_1150 : i32
          %get3A_1152 = arith.index_cast %add3A_1151 : i32 to index
          %get3A_1153 = arith.constant 32 : index
          %get3A_1154 = tpu.vector_load %arg7[%get3A_1152, %get3A_1153] {strides = array<i32>} : memref<720x128xf32, #tpu.memory_space<vmem>>, vector<16xf32>,
          %select_n3A_1155 = arith.select %lt3A_5, %get3A_1144, %get3A_1154 : vector<16xi1>, vector<16xf32>
          %swap3A_1156 = arith.index_cast %scan3A_841 : i32 to index
          %swap3A_1157 = arith.constant 480 : index
          %swap3A_1158 = tpu.vector_load %arg8[%swap3A_1156, %swap3A_1157] {strides = array<i32>} : memref<18x836xf32, #tpu.memory_space<vmem>>, vector<16xf32>,
          tpu.vector_store %arg8[%swap3A_1156, %swap3A_1157], %select_n3A_1155 {strides = array<i32>} : memref<18x836xf32, #tpu.memory_space<vmem>>, vector<16xf32>,
          %add3A_1159 = arith.addi %multiple_of3A_754, %scan3A_841 : i32
          %add3A_1160 = arith.constant 112 : i32
          %add3A_1161 = arith.addi %add3A_1159, %add3A_1160 : i32
          %get3A_1162 = arith.index_cast %add3A_1161 : i32 to index
          %get3A_1163 = arith.constant 48 : index
          %get3A_1164 = tpu.vector_load %arg7[%get3A_1162, %get3A_1163] {strides = array<i32>} : memref<720x128xf32, #tpu.memory_space<vmem>>, vector<16xf32>,
          %select_n3A_1165 = arith.select %lt3A_5, %get3A_1154, %get3A_1164 : vector<16xi1>, vector<16xf32>
          %swap3A_1166 = arith.index_cast %scan3A_841 : i32 to index
          %swap3A_1167 = arith.constant 496 : index
          %swap3A_1168 = tpu.vector_load %arg8[%swap3A_1166, %swap3A_1167] {strides = array<i32>} : memref<18x836xf32, #tpu.memory_space<vmem>>, vector<16xf32>,
          tpu.vector_store %arg8[%swap3A_1166, %swap3A_1167], %select_n3A_1165 {strides = array<i32>} : memref<18x836xf32, #tpu.memory_space<vmem>>, vector<16xf32>,
          %add3A_1169 = arith.addi %multiple_of3A_754, %scan3A_841 : i32
          %add3A_1170 = arith.constant 128 : i32
          %add3A_1171 = arith.addi %add3A_1169, %add3A_1170 : i32
          %get3A_1172 = arith.index_cast %add3A_1171 : i32 to index
          %get3A_1173 = arith.constant 0 : index
          %get3A_1174 = tpu.vector_load %arg7[%get3A_1172, %get3A_1173] {strides = array<i32>} : memref<720x128xf32, #tpu.memory_space<vmem>>, vector<16xf32>,
          %select_n3A_1175 = arith.select %lt3A_5, %get3A_1164, %get3A_1174 : vector<16xi1>, vector<16xf32>
          %swap3A_1176 = arith.index_cast %scan3A_841 : i32 to index
          %swap3A_1177 = arith.constant 512 : index
          %swap3A_1178 = tpu.vector_load %arg8[%swap3A_1176, %swap3A_1177] {strides = array<i32>} : memref<18x836xf32, #tpu.memory_space<vmem>>, vector<16xf32>,
          tpu.vector_store %arg8[%swap3A_1176, %swap3A_1177], %select_n3A_1175 {strides = array<i32>} : memref<18x836xf32, #tpu.memory_space<vmem>>, vector<16xf32>,
          %add3A_1179 = arith.addi %multiple_of3A_754, %scan3A_841 : i32
          %add3A_1180 = arith.constant 128 : i32
          %add3A_1181 = arith.addi %add3A_1179, %add3A_1180 : i32
          %get3A_1182 = arith.index_cast %add3A_1181 : i32 to index
          %get3A_1183 = arith.constant 16 : index
          %get3A_1184 = tpu.vector_load %arg7[%get3A_1182, %get3A_1183] {strides = array<i32>} : memref<720x128xf32, #tpu.memory_space<vmem>>, vector<16xf32>,
          %select_n3A_1185 = arith.select %lt3A_5, %get3A_1174, %get3A_1184 : vector<16xi1>, vector<16xf32>
          %swap3A_1186 = arith.index_cast %scan3A_841 : i32 to index
          %swap3A_1187 = arith.constant 528 : index
          %swap3A_1188 = tpu.vector_load %arg8[%swap3A_1186, %swap3A_1187] {strides = array<i32>} : memref<18x836xf32, #tpu.memory_space<vmem>>, vector<16xf32>,
          tpu.vector_store %arg8[%swap3A_1186, %swap3A_1187], %select_n3A_1185 {strides = array<i32>} : memref<18x836xf32, #tpu.memory_space<vmem>>, vector<16xf32>,
          %add3A_1189 = arith.addi %multiple_of3A_754, %scan3A_841 : i32
          %add3A_1190 = arith.constant 128 : i32
          %add3A_1191 = arith.addi %add3A_1189, %add3A_1190 : i32
          %get3A_1192 = arith.index_cast %add3A_1191 : i32 to index
          %get3A_1193 = arith.constant 32 : index
          %get3A_1194 = tpu.vector_load %arg7[%get3A_1192, %get3A_1193] {strides = array<i32>} : memref<720x128xf32, #tpu.memory_space<vmem>>, vector<16xf32>,
          %select_n3A_1195 = arith.select %lt3A_5, %get3A_1184, %get3A_1194 : vector<16xi1>, vector<16xf32>
          %swap3A_1196 = arith.index_cast %scan3A_841 : i32 to index
          %swap3A_1197 = arith.constant 544 : index
          %swap3A_1198 = tpu.vector_load %arg8[%swap3A_1196, %swap3A_1197] {strides = array<i32>} : memref<18x836xf32, #tpu.memory_space<vmem>>, vector<16xf32>,
          tpu.vector_store %arg8[%swap3A_1196, %swap3A_1197], %select_n3A_1195 {strides = array<i32>} : memref<18x836xf32, #tpu.memory_space<vmem>>, vector<16xf32>,
          %add3A_1199 = arith.addi %multiple_of3A_754, %scan3A_841 : i32
          %add3A_1200 = arith.constant 128 : i32
          %add3A_1201 = arith.addi %add3A_1199, %add3A_1200 : i32
          %get3A_1202 = arith.index_cast %add3A_1201 : i32 to index
          %get3A_1203 = arith.constant 48 : index
          %get3A_1204 = tpu.vector_load %arg7[%get3A_1202, %get3A_1203] {strides = array<i32>} : memref<720x128xf32, #tpu.memory_space<vmem>>, vector<16xf32>,
          %select_n3A_1205 = arith.select %lt3A_5, %get3A_1194, %get3A_1204 : vector<16xi1>, vector<16xf32>
          %swap3A_1206 = arith.index_cast %scan3A_841 : i32 to index
          %swap3A_1207 = arith.constant 560 : index
          %swap3A_1208 = tpu.vector_load %arg8[%swap3A_1206, %swap3A_1207] {strides = array<i32>} : memref<18x836xf32, #tpu.memory_space<vmem>>, vector<16xf32>,
          tpu.vector_store %arg8[%swap3A_1206, %swap3A_1207], %select_n3A_1205 {strides = array<i32>} : memref<18x836xf32, #tpu.memory_space<vmem>>, vector<16xf32>,
          %add3A_1209 = arith.addi %multiple_of3A_754, %scan3A_841 : i32
          %add3A_1210 = arith.constant 144 : i32
          %add3A_1211 = arith.addi %add3A_1209, %add3A_1210 : i32
          %get3A_1212 = arith.index_cast %add3A_1211 : i32 to index
          %get3A_1213 = arith.constant 0 : index
          %get3A_1214 = tpu.vector_load %arg7[%get3A_1212, %get3A_1213] {strides = array<i32>} : memref<720x128xf32, #tpu.memory_space<vmem>>, vector<16xf32>,
          %select_n3A_1215 = arith.select %lt3A_5, %get3A_1204, %get3A_1214 : vector<16xi1>, vector<16xf32>
          %swap3A_1216 = arith.index_cast %scan3A_841 : i32 to index
          %swap3A_1217 = arith.constant 576 : index
          %swap3A_1218 = tpu.vector_load %arg8[%swap3A_1216, %swap3A_1217] {strides = array<i32>} : memref<18x836xf32, #tpu.memory_space<vmem>>, vector<16xf32>,
          tpu.vector_store %arg8[%swap3A_1216, %swap3A_1217], %select_n3A_1215 {strides = array<i32>} : memref<18x836xf32, #tpu.memory_space<vmem>>, vector<16xf32>,
          %add3A_1219 = arith.addi %multiple_of3A_754, %scan3A_841 : i32
          %add3A_1220 = arith.constant 144 : i32
          %add3A_1221 = arith.addi %add3A_1219, %add3A_1220 : i32
          %get3A_1222 = arith.index_cast %add3A_1221 : i32 to index
          %get3A_1223 = arith.constant 16 : index
          %get3A_1224 = tpu.vector_load %arg7[%get3A_1222, %get3A_1223] {strides = array<i32>} : memref<720x128xf32, #tpu.memory_space<vmem>>, vector<16xf32>,
          %select_n3A_1225 = arith.select %lt3A_5, %get3A_1214, %get3A_1224 : vector<16xi1>, vector<16xf32>
          %swap3A_1226 = arith.index_cast %scan3A_841 : i32 to index
          %swap3A_1227 = arith.constant 592 : index
          %swap3A_1228 = tpu.vector_load %arg8[%swap3A_1226, %swap3A_1227] {strides = array<i32>} : memref<18x836xf32, #tpu.memory_space<vmem>>, vector<16xf32>,
          tpu.vector_store %arg8[%swap3A_1226, %swap3A_1227], %select_n3A_1225 {strides = array<i32>} : memref<18x836xf32, #tpu.memory_space<vmem>>, vector<16xf32>,
          %add3A_1229 = arith.addi %multiple_of3A_754, %scan3A_841 : i32
          %add3A_1230 = arith.constant 144 : i32
          %add3A_1231 = arith.addi %add3A_1229, %add3A_1230 : i32
          %get3A_1232 = arith.index_cast %add3A_1231 : i32 to index
          %get3A_1233 = arith.constant 32 : index
          %get3A_1234 = tpu.vector_load %arg7[%get3A_1232, %get3A_1233] {strides = array<i32>} : memref<720x128xf32, #tpu.memory_space<vmem>>, vector<16xf32>,
          %select_n3A_1235 = arith.select %lt3A_5, %get3A_1224, %get3A_1234 : vector<16xi1>, vector<16xf32>
          %swap3A_1236 = arith.index_cast %scan3A_841 : i32 to index
          %swap3A_1237 = arith.constant 608 : index
          %swap3A_1238 = tpu.vector_load %arg8[%swap3A_1236, %swap3A_1237] {strides = array<i32>} : memref<18x836xf32, #tpu.memory_space<vmem>>, vector<16xf32>,
          tpu.vector_store %arg8[%swap3A_1236, %swap3A_1237], %select_n3A_1235 {strides = array<i32>} : memref<18x836xf32, #tpu.memory_space<vmem>>, vector<16xf32>,
          %add3A_1239 = arith.addi %multiple_of3A_754, %scan3A_841 : i32
          %add3A_1240 = arith.constant 144 : i32
          %add3A_1241 = arith.addi %add3A_1239, %add3A_1240 : i32
          %get3A_1242 = arith.index_cast %add3A_1241 : i32 to index
          %get3A_1243 = arith.constant 48 : index
          %get3A_1244 = tpu.vector_load %arg7[%get3A_1242, %get3A_1243] {strides = array<i32>} : memref<720x128xf32, #tpu.memory_space<vmem>>, vector<16xf32>,
          %select_n3A_1245 = arith.select %lt3A_5, %get3A_1234, %get3A_1244 : vector<16xi1>, vector<16xf32>
          %swap3A_1246 = arith.index_cast %scan3A_841 : i32 to index
          %swap3A_1247 = arith.constant 624 : index
          %swap3A_1248 = tpu.vector_load %arg8[%swap3A_1246, %swap3A_1247] {strides = array<i32>} : memref<18x836xf32, #tpu.memory_space<vmem>>, vector<16xf32>,
          tpu.vector_store %arg8[%swap3A_1246, %swap3A_1247], %select_n3A_1245 {strides = array<i32>} : memref<18x836xf32, #tpu.memory_space<vmem>>, vector<16xf32>,
          %add3A_1249 = arith.addi %multiple_of3A_754, %scan3A_841 : i32
          %add3A_1250 = arith.constant 160 : i32
          %add3A_1251 = arith.addi %add3A_1249, %add3A_1250 : i32
          %get3A_1252 = arith.index_cast %add3A_1251 : i32 to index
          %get3A_1253 = arith.constant 0 : index
          %get3A_1254 = tpu.vector_load %arg7[%get3A_1252, %get3A_1253] {strides = array<i32>} : memref<720x128xf32, #tpu.memory_space<vmem>>, vector<16xf32>,
          %select_n3A_1255 = arith.select %lt3A_5, %get3A_1244, %get3A_1254 : vector<16xi1>, vector<16xf32>
          %swap3A_1256 = arith.index_cast %scan3A_841 : i32 to index
          %swap3A_1257 = arith.constant 640 : index
          %swap3A_1258 = tpu.vector_load %arg8[%swap3A_1256, %swap3A_1257] {strides = array<i32>} : memref<18x836xf32, #tpu.memory_space<vmem>>, vector<16xf32>,
          tpu.vector_store %arg8[%swap3A_1256, %swap3A_1257], %select_n3A_1255 {strides = array<i32>} : memref<18x836xf32, #tpu.memory_space<vmem>>, vector<16xf32>,
          %add3A_1259 = arith.addi %multiple_of3A_754, %scan3A_841 : i32
          %add3A_1260 = arith.constant 160 : i32
          %add3A_1261 = arith.addi %add3A_1259, %add3A_1260 : i32
          %get3A_1262 = arith.index_cast %add3A_1261 : i32 to index
          %get3A_1263 = arith.constant 16 : index
          %get3A_1264 = tpu.vector_load %arg7[%get3A_1262, %get3A_1263] {strides = array<i32>} : memref<720x128xf32, #tpu.memory_space<vmem>>, vector<16xf32>,
          %select_n3A_1265 = arith.select %lt3A_5, %get3A_1254, %get3A_1264 : vector<16xi1>, vector<16xf32>
          %swap3A_1266 = arith.index_cast %scan3A_841 : i32 to index
          %swap3A_1267 = arith.constant 656 : index
          %swap3A_1268 = tpu.vector_load %arg8[%swap3A_1266, %swap3A_1267] {strides = array<i32>} : memref<18x836xf32, #tpu.memory_space<vmem>>, vector<16xf32>,
          tpu.vector_store %arg8[%swap3A_1266, %swap3A_1267], %select_n3A_1265 {strides = array<i32>} : memref<18x836xf32, #tpu.memory_space<vmem>>, vector<16xf32>,
          %add3A_1269 = arith.addi %multiple_of3A_754, %scan3A_841 : i32
          %add3A_1270 = arith.constant 160 : i32
          %add3A_1271 = arith.addi %add3A_1269, %add3A_1270 : i32
          %get3A_1272 = arith.index_cast %add3A_1271 : i32 to index
          %get3A_1273 = arith.constant 32 : index
          %get3A_1274 = tpu.vector_load %arg7[%get3A_1272, %get3A_1273] {strides = array<i32>} : memref<720x128xf32, #tpu.memory_space<vmem>>, vector<16xf32>,
          %select_n3A_1275 = arith.select %lt3A_5, %get3A_1264, %get3A_1274 : vector<16xi1>, vector<16xf32>
          %swap3A_1276 = arith.index_cast %scan3A_841 : i32 to index
          %swap3A_1277 = arith.constant 672 : index
          %swap3A_1278 = tpu.vector_load %arg8[%swap3A_1276, %swap3A_1277] {strides = array<i32>} : memref<18x836xf32, #tpu.memory_space<vmem>>, vector<16xf32>,
          tpu.vector_store %arg8[%swap3A_1276, %swap3A_1277], %select_n3A_1275 {strides = array<i32>} : memref<18x836xf32, #tpu.memory_space<vmem>>, vector<16xf32>,
          %add3A_1279 = arith.addi %multiple_of3A_754, %scan3A_841 : i32
          %add3A_1280 = arith.constant 160 : i32
          %add3A_1281 = arith.addi %add3A_1279, %add3A_1280 : i32
          %get3A_1282 = arith.index_cast %add3A_1281 : i32 to index
          %get3A_1283 = arith.constant 48 : index
          %get3A_1284 = tpu.vector_load %arg7[%get3A_1282, %get3A_1283] {strides = array<i32>} : memref<720x128xf32, #tpu.memory_space<vmem>>, vector<16xf32>,
          %select_n3A_1285 = arith.select %lt3A_5, %get3A_1274, %get3A_1284 : vector<16xi1>, vector<16xf32>
          %swap3A_1286 = arith.index_cast %scan3A_841 : i32 to index
          %swap3A_1287 = arith.constant 688 : index
          %swap3A_1288 = tpu.vector_load %arg8[%swap3A_1286, %swap3A_1287] {strides = array<i32>} : memref<18x836xf32, #tpu.memory_space<vmem>>, vector<16xf32>,
          tpu.vector_store %arg8[%swap3A_1286, %swap3A_1287], %select_n3A_1285 {strides = array<i32>} : memref<18x836xf32, #tpu.memory_space<vmem>>, vector<16xf32>,
          %add3A_1289 = arith.addi %multiple_of3A_754, %scan3A_841 : i32
          %add3A_1290 = arith.constant 176 : i32
          %add3A_1291 = arith.addi %add3A_1289, %add3A_1290 : i32
          %get3A_1292 = arith.index_cast %add3A_1291 : i32 to index
          %get3A_1293 = arith.constant 0 : index
          %get3A_1294 = tpu.vector_load %arg7[%get3A_1292, %get3A_1293] {strides = array<i32>} : memref<720x128xf32, #tpu.memory_space<vmem>>, vector<16xf32>,
          %select_n3A_1295 = arith.select %lt3A_5, %get3A_1284, %get3A_1294 : vector<16xi1>, vector<16xf32>
          %swap3A_1296 = arith.index_cast %scan3A_841 : i32 to index
          %swap3A_1297 = arith.constant 704 : index
          %swap3A_1298 = tpu.vector_load %arg8[%swap3A_1296, %swap3A_1297] {strides = array<i32>} : memref<18x836xf32, #tpu.memory_space<vmem>>, vector<16xf32>,
          tpu.vector_store %arg8[%swap3A_1296, %swap3A_1297], %select_n3A_1295 {strides = array<i32>} : memref<18x836xf32, #tpu.memory_space<vmem>>, vector<16xf32>,
          %add3A_1299 = arith.addi %multiple_of3A_754, %scan3A_841 : i32
          %add3A_1300 = arith.constant 176 : i32
          %add3A_1301 = arith.addi %add3A_1299, %add3A_1300 : i32
          %get3A_1302 = arith.index_cast %add3A_1301 : i32 to index
          %get3A_1303 = arith.constant 16 : index
          %get3A_1304 = tpu.vector_load %arg7[%get3A_1302, %get3A_1303] {strides = array<i32>} : memref<720x128xf32, #tpu.memory_space<vmem>>, vector<16xf32>,
          %select_n3A_1305 = arith.select %lt3A_5, %get3A_1294, %get3A_1304 : vector<16xi1>, vector<16xf32>
          %swap3A_1306 = arith.index_cast %scan3A_841 : i32 to index
          %swap3A_1307 = arith.constant 720 : index
          %swap3A_1308 = tpu.vector_load %arg8[%swap3A_1306, %swap3A_1307] {strides = array<i32>} : memref<18x836xf32, #tpu.memory_space<vmem>>, vector<16xf32>,
          tpu.vector_store %arg8[%swap3A_1306, %swap3A_1307], %select_n3A_1305 {strides = array<i32>} : memref<18x836xf32, #tpu.memory_space<vmem>>, vector<16xf32>,
          %add3A_1309 = arith.addi %multiple_of3A_754, %scan3A_841 : i32
          %add3A_1310 = arith.constant 176 : i32
          %add3A_1311 = arith.addi %add3A_1309, %add3A_1310 : i32
          %get3A_1312 = arith.index_cast %add3A_1311 : i32 to index
          %get3A_1313 = arith.constant 32 : index
          %get3A_1314 = tpu.vector_load %arg7[%get3A_1312, %get3A_1313] {strides = array<i32>} : memref<720x128xf32, #tpu.memory_space<vmem>>, vector<16xf32>,
          %select_n3A_1315 = arith.select %lt3A_5, %get3A_1304, %get3A_1314 : vector<16xi1>, vector<16xf32>
          %swap3A_1316 = arith.index_cast %scan3A_841 : i32 to index
          %swap3A_1317 = arith.constant 736 : index
          %swap3A_1318 = tpu.vector_load %arg8[%swap3A_1316, %swap3A_1317] {strides = array<i32>} : memref<18x836xf32, #tpu.memory_space<vmem>>, vector<16xf32>,
          tpu.vector_store %arg8[%swap3A_1316, %swap3A_1317], %select_n3A_1315 {strides = array<i32>} : memref<18x836xf32, #tpu.memory_space<vmem>>, vector<16xf32>,
          %add3A_1319 = arith.addi %multiple_of3A_754, %scan3A_841 : i32
          %add3A_1320 = arith.constant 176 : i32
          %add3A_1321 = arith.addi %add3A_1319, %add3A_1320 : i32
          %get3A_1322 = arith.index_cast %add3A_1321 : i32 to index
          %get3A_1323 = arith.constant 48 : index
          %get3A_1324 = tpu.vector_load %arg7[%get3A_1322, %get3A_1323] {strides = array<i32>} : memref<720x128xf32, #tpu.memory_space<vmem>>, vector<16xf32>,
          %select_n3A_1325 = arith.select %lt3A_5, %get3A_1314, %get3A_1324 : vector<16xi1>, vector<16xf32>
          %swap3A_1326 = arith.index_cast %scan3A_841 : i32 to index
          %swap3A_1327 = arith.constant 752 : index
          %swap3A_1328 = tpu.vector_load %arg8[%swap3A_1326, %swap3A_1327] {strides = array<i32>} : memref<18x836xf32, #tpu.memory_space<vmem>>, vector<16xf32>,
          tpu.vector_store %arg8[%swap3A_1326, %swap3A_1327], %select_n3A_1325 {strides = array<i32>} : memref<18x836xf32, #tpu.memory_space<vmem>>, vector<16xf32>,
          %add3A_1329 = arith.addi %multiple_of3A_754, %scan3A_841 : i32
          %add3A_1330 = arith.constant 192 : i32
          %add3A_1331 = arith.addi %add3A_1329, %add3A_1330 : i32
          %get3A_1332 = arith.index_cast %add3A_1331 : i32 to index
          %get3A_1333 = arith.constant 0 : index
          %get3A_1334 = tpu.vector_load %arg7[%get3A_1332, %get3A_1333] {strides = array<i32>} : memref<720x128xf32, #tpu.memory_space<vmem>>, vector<16xf32>,
          %select_n3A_1335 = arith.select %lt3A_5, %get3A_1324, %get3A_1334 : vector<16xi1>, vector<16xf32>
          %swap3A_1336 = arith.index_cast %scan3A_841 : i32 to index
          %swap3A_1337 = arith.constant 768 : index
          %swap3A_1338 = tpu.vector_load %arg8[%swap3A_1336, %swap3A_1337] {strides = array<i32>} : memref<18x836xf32, #tpu.memory_space<vmem>>, vector<16xf32>,
          tpu.vector_store %arg8[%swap3A_1336, %swap3A_1337], %select_n3A_1335 {strides = array<i32>} : memref<18x836xf32, #tpu.memory_space<vmem>>, vector<16xf32>,
          %add3A_1339 = arith.addi %multiple_of3A_754, %scan3A_841 : i32
          %add3A_1340 = arith.constant 192 : i32
          %add3A_1341 = arith.addi %add3A_1339, %add3A_1340 : i32
          %get3A_1342 = arith.index_cast %add3A_1341 : i32 to index
          %get3A_1343 = arith.constant 16 : index
          %get3A_1344 = tpu.vector_load %arg7[%get3A_1342, %get3A_1343] {strides = array<i32>} : memref<720x128xf32, #tpu.memory_space<vmem>>, vector<16xf32>,
          %select_n3A_1345 = arith.select %lt3A_5, %get3A_1334, %get3A_1344 : vector<16xi1>, vector<16xf32>
          %swap3A_1346 = arith.index_cast %scan3A_841 : i32 to index
          %swap3A_1347 = arith.constant 784 : index
          %swap3A_1348 = tpu.vector_load %arg8[%swap3A_1346, %swap3A_1347] {strides = array<i32>} : memref<18x836xf32, #tpu.memory_space<vmem>>, vector<16xf32>,
          tpu.vector_store %arg8[%swap3A_1346, %swap3A_1347], %select_n3A_1345 {strides = array<i32>} : memref<18x836xf32, #tpu.memory_space<vmem>>, vector<16xf32>,
          %add3A_1349 = arith.addi %multiple_of3A_754, %scan3A_841 : i32
          %add3A_1350 = arith.constant 192 : i32
          %add3A_1351 = arith.addi %add3A_1349, %add3A_1350 : i32
          %get3A_1352 = arith.index_cast %add3A_1351 : i32 to index
          %get3A_1353 = arith.constant 32 : index
          %get3A_1354 = tpu.vector_load %arg7[%get3A_1352, %get3A_1353] {strides = array<i32>} : memref<720x128xf32, #tpu.memory_space<vmem>>, vector<16xf32>,
          %select_n3A_1355 = arith.select %lt3A_5, %get3A_1344, %get3A_1354 : vector<16xi1>, vector<16xf32>
          %swap3A_1356 = arith.index_cast %scan3A_841 : i32 to index
          %swap3A_1357 = arith.constant 800 : index
          %swap3A_1358 = tpu.vector_load %arg8[%swap3A_1356, %swap3A_1357] {strides = array<i32>} : memref<18x836xf32, #tpu.memory_space<vmem>>, vector<16xf32>,
          tpu.vector_store %arg8[%swap3A_1356, %swap3A_1357], %select_n3A_1355 {strides = array<i32>} : memref<18x836xf32, #tpu.memory_space<vmem>>, vector<16xf32>,
          %add3A_1359 = arith.addi %multiple_of3A_754, %scan3A_841 : i32
          %add3A_1360 = arith.constant 192 : i32
          %add3A_1361 = arith.addi %add3A_1359, %add3A_1360 : i32
          %get3A_1362 = arith.index_cast %add3A_1361 : i32 to index
          %get3A_1363 = arith.constant 48 : index
          %get3A_1364 = tpu.vector_load %arg7[%get3A_1362, %get3A_1363] {strides = array<i32>} : memref<720x128xf32, #tpu.memory_space<vmem>>, vector<16xf32>,
          %select_n3A_1365 = arith.select %lt3A_5, %get3A_1354, %get3A_1364 : vector<16xi1>, vector<16xf32>
          %swap3A_1366 = arith.index_cast %scan3A_841 : i32 to index
          %swap3A_1367 = arith.constant 816 : index
          %swap3A_1368 = tpu.vector_load %arg8[%swap3A_1366, %swap3A_1367] {strides = array<i32>} : memref<18x836xf32, #tpu.memory_space<vmem>>, vector<16xf32>,
          tpu.vector_store %arg8[%swap3A_1366, %swap3A_1367], %select_n3A_1365 {strides = array<i32>} : memref<18x836xf32, #tpu.memory_space<vmem>>, vector<16xf32>,
          tpu.vector_store_idx %arg8[%broadcast_in_dim3A_849, %add3A_757], %get3A_1364 masked %lt3A_5 : memref<18x836xf32, #tpu.memory_space<vmem>>[vector<16xi32>, vector<16xi32>], vector<16xf32>, vector<16xi1>
        }
        %scan3A_839 = arith.constant 16 : i32
        %cond3A_840 = arith.constant 0 : i32
        scf.yield %cond3A_840 : i32
      }
      %mul3A_765 = arith.constant 128 : i32
      %mul3A_766 = arith.muli %add3A, %mul3A_765 : i32
      %jit3A_767 = arith.constant 3 : i32
      %div3A_768 = arith.divsi %scan3A_303, %jit3A_767 : i32
      %sign3A_769 = arith.constant 0 : i32
      %sign3A_770 = arith.cmpi sgt, %scan3A_303, %sign3A_769 : i32
      %sign3A_771 = arith.extui %sign3A_770 : i1 to i32
      %sign3A_772 = arith.constant 0 : i32
      %sign3A_773 = arith.cmpi slt, %scan3A_303, %sign3A_772 : i32
      %sign3A_774 = arith.extui %sign3A_773 : i1 to i32
      %sign3A_775 = arith.subi %sign3A_771, %sign3A_774 : i32
      %sign3A_776 = arith.constant 0 : i32
      %sign3A_777 = arith.cmpi sgt, %jit3A_767, %sign3A_776 : i32
      %sign3A_778 = arith.extui %sign3A_777 : i1 to i32
      %sign3A_779 = arith.constant 0 : i32
      %sign3A_780 = arith.cmpi slt, %jit3A_767, %sign3A_779 : i32
      %sign3A_781 = arith.extui %sign3A_780 : i1 to i32
      %sign3A_782 = arith.subi %sign3A_778, %sign3A_781 : i32
      %ne3A_783 = arith.cmpi ne, %sign3A_775, %sign3A_782 : i32
      %rem3A_784 = arith.remsi %scan3A_303, %jit3A_767 : i32
      %ne3A_785 = arith.constant 0 : i32
      %ne3A_786 = arith.cmpi ne, %rem3A_784, %ne3A_785 : i32
      %and3A_787 = arith.andi %ne3A_783, %ne3A_786 : i1
      %sub3A_788 = arith.constant 1 : i32
      %sub3A_789 = arith.subi %div3A_768, %sub3A_788 : i32
      %select_n3A_790 = arith.select %and3A_787, %sub3A_789, %div3A_768 : i32
      %add3A_791 = arith.addi %mul3A_766, %select_n3A_790 : i32
      %jit3A_792 = arith.constant 3 : i32
      %eq3A_793 = arith.constant 0 : i32
      %eq3A_794 = arith.cmpi eq, %jit3A_792, %eq3A_793 : i32
      %jit3A_795 = arith.constant 1 : i32
      %select_n3A_796 = arith.select %eq3A_794, %jit3A_795, %jit3A_792 : i32
      %rem3A_797 = arith.remsi %scan3A_303, %select_n3A_796 : i32
      %ne3A_798 = arith.constant 0 : i32
      %ne3A_799 = arith.cmpi ne, %rem3A_797, %ne3A_798 : i32
      %lt3A_800 = arith.constant 0 : i32
      %lt3A_801 = arith.cmpi slt, %rem3A_797, %lt3A_800 : i32
      %lt3A_802 = arith.constant 0 : i32
      %lt3A_803 = arith.cmpi slt, %select_n3A_796, %lt3A_802 : i32
      %ne3A_804 = arith.xori %lt3A_801, %lt3A_803 : i1
      %and3A_805 = arith.andi %ne3A_804, %ne3A_799 : i1
      %add3A_806 = arith.addi %rem3A_797, %select_n3A_796 : i32
      %select_n3A_807 = arith.select %and3A_805, %add3A_806, %rem3A_797 : i32
      %ne3A_808 = arith.constant 2 : i32
      %ne3A_809 = arith.cmpi ne, %select_n3A_807, %ne3A_808 : i32
      %convert_element_type3A_810 = arith.extui %ne3A_809 : i1 to i32
      %cond3A_811 = arith.constant 0 : i32
      %cond3A_812 = arith.cmpi ne, %convert_element_type3A_810, %cond3A_811 : i32
      scf.if %cond3A_812 {
        %jit3A_834 = arith.constant 3 : i32
        %eq3A_835 = arith.constant 0 : i32
        %eq3A_836 = arith.cmpi eq, %jit3A_834, %eq3A_835 : i32
        %jit3A_837 = arith.constant 1 : i32
        %select_n3A_838 = arith.select %eq3A_836, %jit3A_837, %jit3A_834 : i32
        %rem3A_839 = arith.remsi %scan3A_303, %select_n3A_838 : i32
        %ne3A_840 = arith.constant 0 : i32
        %ne3A_841 = arith.cmpi ne, %rem3A_839, %ne3A_840 : i32
        %lt3A_842 = arith.constant 0 : i32
        %lt3A_843 = arith.cmpi slt, %rem3A_839, %lt3A_842 : i32
        %lt3A_844 = arith.constant 0 : i32
        %lt3A_845 = arith.cmpi slt, %select_n3A_838, %lt3A_844 : i32
        %ne3A_846 = arith.xori %lt3A_843, %lt3A_845 : i1
        %and3A_847 = arith.andi %ne3A_846, %ne3A_841 : i1
        %add3A_848 = arith.addi %rem3A_839, %select_n3A_838 : i32
        %select_n3A_849 = arith.select %and3A_847, %add3A_848, %rem3A_839 : i32
        %mul3A_850 = arith.constant 16 : i32
        %mul3A_851 = arith.muli %mul3A_850, %select_n3A_849 : i32
        %dma_start3A_852 = arith.constant 0 : i32
        %dma_start3A_853 = arith.constant 0 : i32
        %dma_start3A_854 = tpu.memref_slice %arg8[%dma_start3A_852, %dma_start3A_853] : memref<18x836xf32, #tpu.memory_space<vmem>> -> memref<16x836xf32, #tpu.memory_space<vmem>>
        %dma_start3A_855 = arith.constant 0 : i32
        %dma_start3A_856 = tpu.memref_slice %arg4[%add3A_791, %mul3A_851, %dma_start3A_855] : memref<4096x50x836xf32, #tpu.memory_space<hbm>> -> memref<1x16x836xf32, #tpu.memory_space<hbm>>
        %dma_start3A_857 = tpu.memref_squeeze %dma_start3A_856 : memref<1x16x836xf32, #tpu.memory_space<hbm>> -> memref<16x836xf32, #tpu.memory_space<hbm>>
        %dma_start3A_858 = arith.constant 0 : i32
        %dma_start3A_859 = tpu.memref_slice %arg4[%add3A_791, %mul3A_851, %dma_start3A_858] : memref<4096x50x836xf32, #tpu.memory_space<hbm>> -> memref<1x16x836xf32, #tpu.memory_space<hbm>>
        %dma_start3A_860 = tpu.memref_squeeze %dma_start3A_859 : memref<1x16x836xf32, #tpu.memory_space<hbm>> -> memref<16x836xf32, #tpu.memory_space<hbm>>
        %dma_start3A_861 = arith.constant 0 : i32
        %dma_start3A_862 = arith.constant 0 : i32
        %dma_start3A_863 = tpu.memref_slice %arg8[%dma_start3A_861, %dma_start3A_862] : memref<18x836xf32, #tpu.memory_space<vmem>> -> memref<16x836xf32, #tpu.memory_space<vmem>>
        tpu.enqueue_dma source(%dma_start3A_863 : memref<16x836xf32, #tpu.memory_space<vmem>>) target(%dma_start3A_860 : memref<16x836xf32, #tpu.memory_space<hbm>>) target_semaphore(%arg14 : memref<!tpu.dma_semaphore, #tpu.memory_space<semaphore_mem>>)
      } else {
      }
      %jit3A_813 = arith.constant 3 : i32
      %eq3A_814 = arith.constant 0 : i32
      %eq3A_815 = arith.cmpi eq, %jit3A_813, %eq3A_814 : i32
      %jit3A_816 = arith.constant 1 : i32
      %select_n3A_817 = arith.select %eq3A_815, %jit3A_816, %jit3A_813 : i32
      %rem3A_818 = arith.remsi %scan3A_303, %select_n3A_817 : i32
      %ne3A_819 = arith.constant 0 : i32
      %ne3A_820 = arith.cmpi ne, %rem3A_818, %ne3A_819 : i32
      %lt3A_821 = arith.constant 0 : i32
      %lt3A_822 = arith.cmpi slt, %rem3A_818, %lt3A_821 : i32
      %lt3A_823 = arith.constant 0 : i32
      %lt3A_824 = arith.cmpi slt, %select_n3A_817, %lt3A_823 : i32
      %ne3A_825 = arith.xori %lt3A_822, %lt3A_824 : i1
      %and3A_826 = arith.andi %ne3A_825, %ne3A_820 : i1
      %add3A_827 = arith.addi %rem3A_818, %select_n3A_817 : i32
      %select_n3A_828 = arith.select %and3A_826, %add3A_827, %rem3A_818 : i32
      %eq3A_829 = arith.constant 2 : i32
      %eq3A_830 = arith.cmpi eq, %select_n3A_828, %eq3A_829 : i32
      %convert_element_type3A_831 = arith.extui %eq3A_830 : i1 to i32
      %cond3A_832 = arith.constant 0 : i32
      %cond3A_833 = arith.cmpi ne, %convert_element_type3A_831, %cond3A_832 : i32
      scf.if %cond3A_833 {
        %dma_start3A_834 = arith.constant 32 : i32
        %dma_start3A_835 = arith.constant 0 : i32
        %dma_start3A_836 = tpu.memref_slice %arg4[%add3A_791, %dma_start3A_834, %dma_start3A_835] : memref<4096x50x836xf32, #tpu.memory_space<hbm>> -> memref<1x18x836xf32, #tpu.memory_space<hbm>>
        %dma_start3A_837 = tpu.memref_squeeze %dma_start3A_836 : memref<1x18x836xf32, #tpu.memory_space<hbm>> -> memref<18x836xf32, #tpu.memory_space<hbm>>
        %dma_start3A_838 = arith.constant 32 : i32
        %dma_start3A_839 = arith.constant 0 : i32
        %dma_start3A_840 = tpu.memref_slice %arg4[%add3A_791, %dma_start3A_838, %dma_start3A_839] : memref<4096x50x836xf32, #tpu.memory_space<hbm>> -> memref<1x18x836xf32, #tpu.memory_space<hbm>>
        %dma_start3A_841 = tpu.memref_squeeze %dma_start3A_840 : memref<1x18x836xf32, #tpu.memory_space<hbm>> -> memref<18x836xf32, #tpu.memory_space<hbm>>
        tpu.enqueue_dma source(%arg8 : memref<18x836xf32, #tpu.memory_space<vmem>>) target(%dma_start3A_841 : memref<18x836xf32, #tpu.memory_space<hbm>>) target_semaphore(%arg14 : memref<!tpu.dma_semaphore, #tpu.memory_space<semaphore_mem>>)
      } else {
      }
    }
    %scan3A_291 = arith.constant 384 : i32
    %mul3A_292 = arith.constant 128 : i32
    %mul3A_293 = arith.muli %add3A, %mul3A_292 : i32
    %add3A_294 = arith.constant 127 : i32
    %add3A_295 = arith.addi %mul3A_293, %add3A_294 : i32
    %dma_wait3A = arith.constant 32 : i32
    %dma_wait3A_296 = arith.constant 0 : i32
    %dma_wait3A_297 = tpu.memref_slice %arg4[%add3A_295, %dma_wait3A, %dma_wait3A_296] : memref<4096x50x836xf32, #tpu.memory_space<hbm>> -> memref<1x18x836xf32, #tpu.memory_space<hbm>>
    %dma_wait3A_298 = tpu.memref_squeeze %dma_wait3A_297 : memref<1x18x836xf32, #tpu.memory_space<hbm>> -> memref<18x836xf32, #tpu.memory_space<hbm>>
    %dma_wait3A_299 = arith.constant 32 : i32
    %dma_wait3A_300 = arith.constant 0 : i32
    %dma_wait3A_301 = tpu.memref_slice %arg4[%add3A_295, %dma_wait3A_299, %dma_wait3A_300] : memref<4096x50x836xf32, #tpu.memory_space<hbm>> -> memref<1x18x836xf32, #tpu.memory_space<hbm>>
    %dma_wait3A_302 = tpu.memref_squeeze %dma_wait3A_301 : memref<1x18x836xf32, #tpu.memory_space<hbm>> -> memref<18x836xf32, #tpu.memory_space<hbm>>
    tpu.wait_dma2 semaphore(%arg14 : memref<!tpu.dma_semaphore, #tpu.memory_space<semaphore_mem>>) src(%arg8 : memref<18x836xf32, #tpu.memory_space<vmem>>) dst(%dma_wait3A_302 : memref<18x836xf32, #tpu.memory_space<hbm>>)
    return
  }
}

</mosaic_0001>

<sc_bundles>
// kernel: kernel.3.cloned.1.call-start
scs
__scs_entry_jumppad:
0x0: {  	(pc) =	sbr.rel $0x88, $3  }
0x1: {  	(tag) =	ssettag $0x0;
	lr =	simm.s32 $0x1  }
0x2: {  	[smem:$0x3F9F] =	sst lr;
	_ =	strace $0xD0000000  }
0x3: {  	_ = 	snop  }
0x4: {  	_ = 	snop  }
0x5: {  	_ = 	snop  }
0x6: {  	_ = 	snop  }
0x7: {  	_ = 	snop  }
__scs_overlays_trampoline_lowered:
0x8: {  	[smem:$0x3FAE] =	sst s0  }
0x9: {  	[smem:$0x3FAF] =	sst s1  }
0xa: {  	[smem:$0x3FB0] =	sst s2  }
0xb: {  	[smem:$0x3FB1] =	sst s3  }
0xc: {  	[smem:$0x3FB2] =	sst s4  }
0xd: {  	[smem:$0x3FB3] =	sst s5  }
0xe: {  	[smem:$0x3FB4] =	sst s6  }
0xf: {  	[smem:$0x3FB5] =	sst s7  }
0x10: {  	[smem:$0x3FB6] =	sst s8  }
0x11: {  	[smem:$0x3FB7] =	sst s9;
	s0 =	simm.s32 @!p0 $0x0  }
0x12: {  	s1 =	sld [smem:$0x3F9D];
	s0 =	simm.s32 @p0 $0x1  }
0x13: {  	[smem:$0x3FB8] =	sst s0;
	s0 =	simm.s32 @!p1 $0x0  }
0x14: {  	s2 =	sld [smem:$0x3F9C];
	s0 =	simm.s32 @p1 $0x1  }
0x15: {  	[smem:$0x3FB9] =	sst s0;
	s0 =	simm.s32 @!p2 $0x0  }
0x16: {  	s3 =	sld [smem:$0x3FDB];
	s0 =	simm.s32 @p2 $0x1  }
0x17: {  	s4 =	simm.s32 $0x1BF5;
	[smem:$0x3FBB] =	sst s0  }
0x18: {  	s0 =	sld [smem:$0x3F9E];
	_ =	swait.ge [sflag:s4], $0x0  }
0x19: {  	s7 =	sld [smem:$0x3F9F]  }
0x1a: {  	s8 =	sadd.s32 $0xFFFFE003, lr  }
0x1b: {  	s9 =	sadd.s32 $0xFFFFFEF7, lr;
	s5 =	simm.s32 $0xFFFFFFFF;
	p2 =	slt.u32 s8, $0xFFFFF086  }
0x1c: {  	p1 =	slt.u32 s9, $0xF7A;
	s5 =	simm.s32 @!p2 $0x0  }
0x1d: {  	s5 =	simm.s32 @p1 $0x1;
	p0 =	seq.s32 s7, s2  }
0x1e: {  	s7 =	smul.u32 @!p0 $0xF7A, s2;
	p2 =	seq.s32 @!p0 s5, $0x0  }
0x1f: {  	s9 =	smul.u32 $0xF7A, s1;
	s8 =	simm.s32 @!p0 $0x1BF5;
	p2 =	por !p2, p0  }
0x20: {  	[sflag:s8] =	ssyncset.s32 @!p0 $0xFFFFF086;
	s6 =	sadd.s32 @!p0 s3, s7;
	s7 =	simm.s32 @!p0 $0x108  }
0x21: {  	s3 =	sadd.s32 s3, s9;
	s6 =	sadd.s32 @!p0 $0x88, s6;
	s7 =	simm.s32 @p2 $0x1082  }
0x22: {  	[simem:s7], [sflag:s8] =	dma.local @!p0 [hbm:s6], $0xF7A  }
0x23: {  	s9 =	sor.u32 $0xD0000000, s2;
	s6 =	simm.s32 $0x108;
	_ =	swait.ge @!p0 [sflag:s8], $0x0  }
0x24: {  	s3 =	sadd.s32 $0x88, s3;
	s6 =	simm.s32 @!p1 $0x1082;
	[sflag:s4] =	ssyncset.s32 $0xFFFFF086  }
0x25: {  	[simem:s6], [sflag:s4] =	dma.local [hbm:s3], $0xF7A  }
0x26: {  	[smem:$0x3F9F] =	sst s1;
	(tag) =	ssettag s2;
	_ =	strace s9  }
0x27: {  	s1 =	sld [smem:$0x3FAF]  }
0x28: {  	s2 =	sld [smem:$0x3FB0]  }
0x29: {  	s4 =	sld [smem:$0x3FB2]  }
0x2a: {  	p0 =	seq.s32 s5, $0x0;
	s5 =	sld [smem:$0x3FB3]  }
0x2b: {  	s6 =	sld [smem:$0x3FB4]  }
0x2c: {  	s7 =	sld [smem:$0x3FB5]  }
0x2d: {  	s3 =	simm.s32 $0x108;
	s8 =	sld [smem:$0x3FB6]  }
0x2e: {  	s3 =	simm.s32 @!p0 $0x1082;
	s9 =	sld [smem:$0x3FB7]  }
0x2f: {  	lr =	sadd.s32 s0, s3;
	s0 =	sld [smem:$0x3FAE]  }
0x30: {  	s3 =	sld [smem:$0x3FB1]  }
0x31: {  	[smem:$0x3FBA] =	sst s10  }
0x32: {  	s10 =	sld [smem:$0x3FB8];
	_ =	sdelay $0x3  }
0x33: {  	p0 =	seq.s32 s10, $0x1;
	s10 =	sld [smem:$0x3FBA];
	_ =	sdelay $0x3  }
0x34: {  	[smem:$0x3FBA] =	sst s10  }
0x35: {  	s10 =	sld [smem:$0x3FB9];
	_ =	sdelay $0x3  }
0x36: {  	p1 =	seq.s32 s10, $0x1;
	s10 =	sld [smem:$0x3FBA];
	_ =	sdelay $0x3  }
0x37: {  	[smem:$0x3FBA] =	sst s10  }
0x38: {  	s10 =	sld [smem:$0x3FBB]  }
0x39: {  	_ = 	snop;
	(pc) =	sbr.ind lr, $3  }
0x3a: {  	_ = 	snop  }
0x3b: {  	_ = 	snop  }
0x3c: {  	p2 =	seq.s32 s10, $0x1;
	s10 =	sld [smem:$0x3FBA]  }
0x3d: {  	_ =	shalt  }
0x3e: {  	_ =	shalt  }
0x3f: {  	_ =	shalt  }
0x40: {  	_ =	shalt  }
0x41: {  	_ =	shalt  }
0x42: {  	_ =	shalt  }
0x43: {  	_ =	shalt  }
0x44: {  	_ =	shalt  }
0x45: {  	_ =	shalt  }
0x46: {  	_ =	shalt  }
0x47: {  	_ =	shalt  }
0x48: {  	_ =	shalt  }
0x49: {  	_ =	shalt  }
0x4a: {  	_ =	shalt  }
0x4b: {  	_ =	shalt  }
0x4c: {  	_ =	shalt  }
0x4d: {  	_ =	shalt  }
0x4e: {  	_ =	shalt  }
0x4f: {  	_ =	shalt  }
0x50: {  	_ =	shalt  }
0x51: {  	_ =	shalt  }
0x52: {  	_ =	shalt  }
0x53: {  	_ =	shalt  }
0x54: {  	_ =	shalt  }
0x55: {  	_ =	shalt  }
0x56: {  	_ =	shalt  }
0x57: {  	_ =	shalt  }
0x58: {  	_ =	shalt  }
0x59: {  	_ =	shalt  }
0x5a: {  	_ =	shalt  }
0x5b: {  	_ =	shalt  }
0x5c: {  	_ =	shalt  }
0x5d: {  	_ =	shalt  }
0x5e: {  	_ =	shalt  }
0x5f: {  	_ =	shalt  }
0x60: {  	_ =	shalt  }
0x61: {  	_ =	shalt  }
0x62: {  	_ =	shalt  }
0x63: {  	_ =	shalt  }
0x64: {  	_ =	shalt  }
0x65: {  	_ =	shalt  }
0x66: {  	_ =	shalt  }
0x67: {  	_ =	shalt  }
0x68: {  	_ =	shalt  }
0x69: {  	_ =	shalt  }
0x6a: {  	_ =	shalt  }
0x6b: {  	_ =	shalt  }
0x6c: {  	_ =	shalt  }
0x6d: {  	_ =	shalt  }
0x6e: {  	_ =	shalt  }
0x6f: {  	_ =	shalt  }
0x70: {  	_ =	shalt  }
0x71: {  	_ =	shalt  }
0x72: {  	_ =	shalt  }
0x73: {  	_ =	shalt  }
0x74: {  	_ =	shalt  }
0x75: {  	_ =	shalt  }
0x76: {  	_ =	shalt  }
0x77: {  	_ =	shalt  }
0x78: {  	_ =	shalt  }
0x79: {  	_ =	shalt  }
0x7a: {  	_ =	shalt  }
0x7b: {  	_ =	shalt  }
0x7c: {  	_ =	shalt  }
0x7d: {  	_ =	shalt  }
0x7e: {  	_ =	shalt  }
0x7f: {  	_ =	shalt  }
0x80: {  	_ =	shalt  }
0x81: {  	_ =	shalt  }
0x82: {  	_ =	shalt  }
0x83: {  	_ =	shalt  }
0x84: {  	_ =	shalt  }
0x85: {  	_ =	shalt  }
0x86: {  	_ =	shalt  }
0x87: {  	_ =	shalt  }
.Lfunc_end0:
.L_simem_size_0:
called_computation_lowered:
.L_overlay_start_0:
0x88: {  	s2 =	sld [smem:$0x3FD9]  }
0x89: {  	s3 =	sld [smem:$0x3FFE];
	_ =	sdelay $0x1  }
0x8a: {  	s1 =	srdreg.scid  }
0x8b: {  	s0 =	sand.u32 $0x1, s1  }
0x8c: {  	s17 =	sshll.u32 s0, $0xA;
	s2 =	sadd.s32 s3, s2  }
0x8d: {  	s2 =	sadd.s32 s2, s17  }
0x8e: {  	[smem:$0x3FC6] =	sst s2  }
0x8f: {  	_ = 	snop  }
0x90: {  	s2 =	sld [smem:$0x3FD0];
	(tm) =	ssettm $0x1  }
0x91: {  	s18 =	sld [smem:$0x3FFB];
	_ =	sdelay $0x3  }
0x92: {  	_ =	strace s18  }
0x93: {  	s3 =	sld [smem:$0x3FFC];
	_ =	sdelay $0x3  }
0x94: {  	_ =	strace s3  }
0x95: {  	s3 =	sld [smem:$0x3FFD];
	_ =	sdelay $0x3  }
0x96: {  	_ =	strace s3  }
0x97: {  	_ =	strace $0x8FFFFFFF  }
0x98: {  	s19 =	sld [smem:$0x3FDB];
	_ =	sdelay $0x1  }
0x99: {  	s4 =	simm.s32 $_scs_section_size  }
0x9a: {  	s5 =	simm.s32 $_size__tile_overlayer_lowered;
	s6 =	simm.s32 $_tile_overlayer_lowered  }
0x9b: {  	s22 =	simm.s32 $0x1BFF;
	s21 =	sshll.u32 s6, $0x1;
	s3 =	sadd.s32 s4, s19  }
0x9c: {  	s7 =	simm.s32 $0x0;
	s20 =	sshll.u32 s5, $0x1;
	s5 =	sadd.s32 s21, s3  }
0x9d: {  	[timem:s7], [sflag:s22] =	dma.local [hbm:s5], s20  }
0x9e: {  	_ =	swait.ge [sflag:s22], s20  }
0x9f: {  	s4 =	ssub.s32 $0x0, s20;
	[sflag:s22] =	ssyncset.done $0x0  }
0xa0: {  	[sflag:s22] =	ssyncadd.s32 s4;
	_ =	sdelay $0x1  }
0xa1: {  	s23 =	simm.s32 $0x1B8B  }
0xa2: {  	_ =	swait.ge [sflag:s23], $0x1  }
0xa3: {  	[sflag:s23] =	ssyncset.done $0x0  }
0xa4: {  	s25 =	simm.s32 $0x1B8E;
	s24 =	sld [smem:$0x3FFE];
	[sflag:s23] =	ssyncadd.s32 $0xFFFFFFFF  }
0xa5: {  	s26 =	simm.s32 $execute0_lowered;
	[smem:$0x3FD2] =	sst s25  }
0xa6: {  	s5 =	sshll.u32 s26, $0x1;
	_ =	strace $0x80000046;
	[dreg:$0x1] =	wrdreg $0xFFFFFFFF  }
0xa7: {  	s28 =	simm.s32 $_size_execute0_lowered;
	s3 =	sadd.s32 s3, s5;
	[dreg:$0x0] =	wrdreg $0x0  }
0xa8: {  	s5 =	sshll.u32 s28, $0x1;
	[dreg:$0x2] =	wrdreg s3  }
0xa9: {  	[dreg:$0x3] =	wrdreg s5  }
0xaa: {  	[dreg:$0x4] =	wrdreg $0xC0  }
0xab: {  	_ =	task [dreg:s7], $0x5FFFF  }
0xac: {  	[dreg:$0x1] =	wrdreg $0xFFFFFFFF  }
0xad: {  	[dreg:$0x0] =	wrdreg $0x60  }
0xae: {  	[dreg:$0x2] =	wrdreg s24  }
0xaf: {  	[dreg:$0x3] =	wrdreg s2  }
0xb0: {  	[dreg:$0x4] =	wrdreg $0x9  }
0xb1: {  	_ =	task.clear_ibuf [dreg:s7], $0x5FFFF;
	_ =	strace $0x90000046  }
0xb2: {  	s29 =	simm.s32 $0x9;
	_ =	strace $0x80000048  }
0xb3: {  	_ =	swait.ge [sflag:s29], $0x1  }
0xb4: {  	[sflag:s29] =	ssyncadd.s32 $0xFFFFFFFF  }
0xb5: {  	_ =	strace $0x90000048  }
0xb6: {  	_ =	sfence  }
0xb7: {  	s30 =	sld [smem:$0x0];
	_ =	sdelay $0x2  }
0xb8: {  	s31 =	sshll.u32 s1, $0xD;
	s1 =	sshrl.u32 s1, $0x2  }
0xb9: {  	s3 =	sand.u32 $0x4000, s31;
	s1 =	sadd.s32 s1, s30  }
0xba: {  	s0 =	sor.u32 s3, s0;
	s1 =	sshll.u32 s1, $0x11  }
0xbb: {  	s0 =	sor.u32 s1, s0  }
0xbc: {  	s0 =	sadd.s32 $0x8F2B, s0  }
0xbd: {  	[sflag:s0] =	ssyncadd.remote.s32 $0x1  }
0xbe: {  	_ =	sfence.sel $0xFFFF  }
0xbf: {  	[dreg:$0x0] =	wrdreg $0xFFFFFFFF;
	(pc) =	sbr.abs _section_cstart, $3  }
0xc0: {  	[dreg:$0x1] =	wrdreg $0xFFFFFFFF  }
0xc1: {  	_ =	task.clear_ibuf [dreg:s7], $0x2FFFF;
	_ =	strace $0x9FFFFFFF  }
0xc2: {  	(tm) =	ssettm $0x7FFFFFFF  }
0xc3: {  	_ =	shalt  }
tec
execute0_lowered:
.L_overlay_start_1:
0x0: {  	(tag) =	ssettag $0x1  }
0x1: {  	v0 =	vlaneseq.u32;
	v28 =	vimm.s32 $0x0;
	vm0 =	vmmov $0xf  }
0x2: {  	v1 =	vmul.u32 $0x11, v0;
	v29 =	vor.u32 $0x280, v0;
	v30 =	vor.u32 $0x290, v0  }
0x3: {  	v31 =	vadd.s32 $0x292, v0;
	v32 =	vadd.s32 $0x2A2, v0;
	v33 =	vadd.s32 $0x2A4, v0  }
0x4: {  	v34 =	vadd.s32 $0x2B4, v0;
	v35 =	vadd.s32 $0x2B6, v0;
	v36 =	vadd.s32 $0x2C6, v0  }
0x5: {  	v37 =	vadd.s32 $0x2C8, v0;
	v38 =	vadd.s32 $0x2D8, v0;
	v39 =	vadd.s32 $0x2DA, v0  }
0x6: {  	v40 =	vadd.s32 $0x2EA, v0;
	v41 =	vadd.s32 $0x2EC, v0;
	v42 =	vadd.s32 $0x2FC, v0  }
0x7: {  	v43 =	vadd.s32 $0x2FE, v0;
	v44 =	vadd.s32 $0x30E, v0;
	v45 =	vor.u32 $0x310, v0  }
0x8: {  	s0 =	rddreg [dreg:$0x0];
	v46 =	vor.u32 $0x320, v0;
	v47 =	vadd.s32 $0x322, v0;
	v48 =	vadd.s32 $0x332, v0  }
0x9: {  	s1 =	rddreg [dreg:$0x1];
	s4 =	srdreg.scid;
	v49 =	vadd.s32 $0x334, v0;
	v50 =	vadd.s32 $0x344, v0;
	v51 =	vadd.s32 $0x346, v0  }
0xa: {  	s2 =	stileid.u32;
	s3 =	simm.s32 $0x0;
	s10 =	simm.s32 $0x7;
	v52 =	vadd.s32 $0x356, v0;
	v53 =	vadd.s32 $0x358, v0;
	v54 =	vadd.s32 $0x368, v0  }
0xb: {  	s11 =	simm.s32 $0xD0;
	s12 =	simm.s32 $0x1B00;
	s13 =	simm.s32 $0x1F00;
	v55 =	vadd.s32 $0x36A, v0;
	v2 =	vadd.s32 $0x4, v1;
	v3 =	vadd.s32 $0x5, v1  }
0xc: {  	s14 =	simm.s32 $0x1C40;
	s15 =	simm.s32 $0x9700;
	s16 =	simm.s32 $0xF0;
	v4 =	vadd.s32 $0x6, v1;
	v5 =	vadd.s32 $0x7, v1;
	v6 =	vadd.s32 $0x8, v1  }
0xd: {  	s17 =	simm.s32 $0x10F00;
	s18 =	simm.s32 $0x3;
	s19 =	simm.s32 $0x18700;
	v7 =	vadd.s32 $0x9, v1;
	v8 =	vadd.s32 $0xA, v1;
	v9 =	vadd.s32 $0xB, v1  }
0xe: {  	s20 =	simm.s32 $0x6;
	s4 =	sand.u32 $0x1, s4;
	s5 =	sshll.u32 s2, $0x1;
	v10 =	vadd.s32 $0xC, v1;
	v11 =	vadd.s32 $0xD, v1;
	v12 =	vadd.s32 $0xE, v1  }
.Ltmp0:
0xf: {  	[smem:$0x7FF] =	sst s3;
	s8 =	sor.u32 s4, s5;
	v13 =	vadd.s32 $0xF, v1;
	v14 =	vadd.s32 $0x10, v1;
	v15 =	vadd.s32 $0x114, v1;
	(pc) =	sbr.rel .LBB2_1-.Ltmp0, $4  }
0x10: {  	_ =	strace $0x80000047;
	s6 =	ssub.s32 $0x2, s4;
	v16 =	vadd.s32 $0x115, v1;
	v17 =	vadd.s32 $0x116, v1;
	v18 =	vadd.s32 $0x117, v1;
	s7 =	smul.u32 $0x3520, s8  }
0x11: {  	s21 =	simm.s32 $0x0;
	s4 =	sadd.s32 $0x189200, s0;
	v19 =	vadd.s32 $0x118, v1;
	v20 =	vadd.s32 $0x119, v1;
	v21 =	vadd.s32 $0x11A, v1;
	s9 =	sshrl.u32 s6, $0x1  }
0x12: {  	s5 =	sadd.s32 $0x1F3600, s0;
	v22 =	vadd.s32 $0x11B, v1;
	v23 =	vadd.s32 $0x11C, v1;
	v24 =	vadd.s32 $0x11D, v1;
	s31 =	ssub.s32 s6, s9;
	s6 =	sadd.s32 s4, s7  }
0x13: {  	v25 =	vadd.s32 $0x11E, v1;
	v26 =	vadd.s32 $0x11F, v1;
	v27 =	vadd.s32 $0x120, v1;
	s7 =	sshll.u32 s8, $0x5;
	s8 =	sshll.u32 s8, $0x7;
	s9 =	smax.u32 s31, $0x1  }
.LBB2_22:
0x14: {  	s21 =	sadd.s32 $0x1, s21  }
0x15: {  	p0 =	sne.s32 s21, s9  }
.Ltmp1:
0x16: {  	_ = 	snop;
	(pc) =	sbr.rel @!p0 .LBB2_23-.Ltmp1, $4  }
0x17: {  	_ = 	snop  }
0x18: {  	_ =	swait.ge [sflag:s20], $0x5400  }
0x19: {  	[sflag:s20] =	ssyncset.done $0x0  }
0x1a: {  	[sflag:s20] =	ssyncadd.s32 $0xFFFFAC00  }
.LBB2_1:
0x1b: {  	[tilespmem:s3], [sflag:$0x7] =	stream.linear.gather [hbm4b:s6+s3], $0xD48, $0x38;
	[tilespmem:$0x1DB00] =	vst v63  }
0x1c: {  	_ =	swait.ge [sflag:s10], $0xD48  }
0x1d: {  	[sflag:s10] =	ssyncset.done $0x0  }
0x1e: {  	[sflag:s10] =	ssyncadd.s32 $0xFFFFF2B8  }
0x1f: {  	v56 =	vld.idx.msk [tilespmem:v2+s3+$0x0], $0xffff;
	_ =	sdelay $0x4  }
0x20: {  	v56 =	vtrunc.f32 v56  }
0x21: {  	v56 =	vcvt.f32.s32 v56;
	_ =	sdelay $0x1  }
0x22: {  	vm1 =	vgt.s32 v56, $0x0  }
0x23: {  	v56 =	vnsel vm1, $0x0, v56  }
0x24: {  	[tilespmem:$0x1B00] =	vst v56  }
0x25: {  	v56 =	vld.idx.msk [tilespmem:v3+s3+$0x0], $0xffff;
	_ =	sdelay $0x4  }
0x26: {  	v56 =	vtrunc.f32 v56  }
0x27: {  	v56 =	vcvt.f32.s32 v56;
	_ =	sdelay $0x1  }
0x28: {  	vm1 =	vgt.s32 v56, $0x0  }
0x29: {  	v56 =	vnsel vm1, $0x0, v56  }
0x2a: {  	[tilespmem:$0x1B10] =	vst v56  }
0x2b: {  	v56 =	vld.idx.msk [tilespmem:v4+s3+$0x0], $0xffff;
	_ =	sdelay $0x4  }
0x2c: {  	v56 =	vtrunc.f32 v56  }
0x2d: {  	v56 =	vcvt.f32.s32 v56;
	_ =	sdelay $0x1  }
0x2e: {  	vm1 =	vgt.s32 v56, $0x0  }
0x2f: {  	v56 =	vnsel vm1, $0x0, v56  }
0x30: {  	[tilespmem:$0x1B20] =	vst v56  }
0x31: {  	v56 =	vld.idx.msk [tilespmem:v5+s3+$0x0], $0xffff;
	_ =	sdelay $0x4  }
0x32: {  	v56 =	vtrunc.f32 v56  }
0x33: {  	v56 =	vcvt.f32.s32 v56;
	_ =	sdelay $0x1  }
0x34: {  	vm1 =	vgt.s32 v56, $0x0  }
0x35: {  	v56 =	vnsel vm1, $0x0, v56  }
0x36: {  	[tilespmem:$0x1B30] =	vst v56  }
0x37: {  	v56 =	vld.idx.msk [tilespmem:v6+s3+$0x0], $0xffff;
	_ =	sdelay $0x4  }
0x38: {  	v56 =	vtrunc.f32 v56  }
0x39: {  	v56 =	vcvt.f32.s32 v56;
	_ =	sdelay $0x1  }
0x3a: {  	vm1 =	vgt.s32 v56, $0x0  }
0x3b: {  	v56 =	vnsel vm1, $0x0, v56  }
0x3c: {  	[tilespmem:$0x1B40] =	vst v56  }
0x3d: {  	v56 =	vld.idx.msk [tilespmem:v7+s3+$0x0], $0xffff;
	_ =	sdelay $0x4  }
0x3e: {  	v56 =	vtrunc.f32 v56  }
0x3f: {  	v56 =	vcvt.f32.s32 v56;
	_ =	sdelay $0x1  }
0x40: {  	vm1 =	vgt.s32 v56, $0x0  }
0x41: {  	v56 =	vnsel vm1, $0x0, v56  }
0x42: {  	[tilespmem:$0x1B50] =	vst v56  }
0x43: {  	v56 =	vld.idx.msk [tilespmem:v8+s3+$0x0], $0xffff;
	_ =	sdelay $0x4  }
0x44: {  	v56 =	vtrunc.f32 v56  }
0x45: {  	v56 =	vcvt.f32.s32 v56;
	_ =	sdelay $0x1  }
0x46: {  	vm1 =	vgt.s32 v56, $0x0  }
0x47: {  	v56 =	vnsel vm1, $0x0, v56  }
0x48: {  	[tilespmem:$0x1B60] =	vst v56  }
0x49: {  	v56 =	vld.idx.msk [tilespmem:v9+s3+$0x0], $0xffff;
	_ =	sdelay $0x4  }
0x4a: {  	v56 =	vtrunc.f32 v56  }
0x4b: {  	v56 =	vcvt.f32.s32 v56;
	_ =	sdelay $0x1  }
0x4c: {  	vm1 =	vgt.s32 v56, $0x0  }
0x4d: {  	v56 =	vnsel vm1, $0x0, v56  }
0x4e: {  	[tilespmem:$0x1B70] =	vst v56  }
0x4f: {  	v56 =	vld.idx.msk [tilespmem:v10+s3+$0x0], $0xffff;
	_ =	sdelay $0x4  }
0x50: {  	v56 =	vtrunc.f32 v56  }
0x51: {  	v56 =	vcvt.f32.s32 v56;
	_ =	sdelay $0x1  }
0x52: {  	vm1 =	vgt.s32 v56, $0x0  }
0x53: {  	v56 =	vnsel vm1, $0x0, v56  }
0x54: {  	[tilespmem:$0x1B80] =	vst v56  }
0x55: {  	v56 =	vld.idx.msk [tilespmem:v11+s3+$0x0], $0xffff;
	_ =	sdelay $0x4  }
0x56: {  	v56 =	vtrunc.f32 v56  }
0x57: {  	v56 =	vcvt.f32.s32 v56;
	_ =	sdelay $0x1  }
0x58: {  	vm1 =	vgt.s32 v56, $0x0  }
0x59: {  	v56 =	vnsel vm1, $0x0, v56  }
0x5a: {  	[tilespmem:$0x1B90] =	vst v56  }
0x5b: {  	v56 =	vld.idx.msk [tilespmem:v12+s3+$0x0], $0xffff;
	_ =	sdelay $0x4  }
0x5c: {  	v56 =	vtrunc.f32 v56  }
0x5d: {  	v56 =	vcvt.f32.s32 v56;
	_ =	sdelay $0x1  }
0x5e: {  	vm1 =	vgt.s32 v56, $0x0  }
0x5f: {  	v56 =	vnsel vm1, $0x0, v56  }
0x60: {  	[tilespmem:$0x1BA0] =	vst v56  }
0x61: {  	v56 =	vld.idx.msk [tilespmem:v13+s3+$0x0], $0xffff;
	_ =	sdelay $0x4  }
0x62: {  	v56 =	vtrunc.f32 v56  }
0x63: {  	v56 =	vcvt.f32.s32 v56;
	_ =	sdelay $0x1  }
0x64: {  	vm1 =	vgt.s32 v56, $0x0  }
0x65: {  	v56 =	vnsel vm1, $0x0, v56  }
0x66: {  	[tilespmem:$0x1BB0] =	vst v56  }
0x67: {  	v56 =	vld.idx.msk [tilespmem:v14+s3+$0x0], $0xffff;
	_ =	sdelay $0x4  }
0x68: {  	v56 =	vtrunc.f32 v56  }
0x69: {  	v56 =	vcvt.f32.s32 v56;
	_ =	sdelay $0x1  }
0x6a: {  	vm1 =	vgt.s32 v56, $0x0  }
0x6b: {  	v56 =	vnsel vm1, $0x0, v56  }
0x6c: {  	[tilespmem:$0x1BC0] =	vst v56  }
0x6d: {  	[tilespmem:s13], [sflag:$0x3] =	stream.indirect.gather [hbm4b:s1+s11], $0x80, s12, s11, $0xb8;
	[tilespmem:$0x1DB00] =	vst v63  }
0x6e: {  	v56 =	vld.idx.msk [tilespmem:v15+s3+$0x0], $0xffff;
	_ =	sdelay $0x4  }
0x6f: {  	v56 =	vtrunc.f32 v56  }
0x70: {  	v56 =	vcvt.f32.s32 v56;
	_ =	sdelay $0x1  }
0x71: {  	vm1 =	vgt.s32 v56, $0x0  }
0x72: {  	v56 =	vnsel vm1, $0x0, v56  }
0x73: {  	[tilespmem:$0x1C40] =	vst v56  }
0x74: {  	v56 =	vld.idx.msk [tilespmem:v16+s3+$0x0], $0xffff;
	_ =	sdelay $0x4  }
0x75: {  	v56 =	vtrunc.f32 v56  }
0x76: {  	v56 =	vcvt.f32.s32 v56;
	_ =	sdelay $0x1  }
0x77: {  	vm1 =	vgt.s32 v56, $0x0  }
0x78: {  	v56 =	vnsel vm1, $0x0, v56  }
0x79: {  	[tilespmem:$0x1C50] =	vst v56  }
0x7a: {  	v56 =	vld.idx.msk [tilespmem:v17+s3+$0x0], $0xffff;
	_ =	sdelay $0x4  }
0x7b: {  	v56 =	vtrunc.f32 v56  }
0x7c: {  	v56 =	vcvt.f32.s32 v56;
	_ =	sdelay $0x1  }
0x7d: {  	vm1 =	vgt.s32 v56, $0x0  }
0x7e: {  	v56 =	vnsel vm1, $0x0, v56  }
0x7f: {  	[tilespmem:$0x1C60] =	vst v56  }
0x80: {  	v56 =	vld.idx.msk [tilespmem:v18+s3+$0x0], $0xffff;
	_ =	sdelay $0x4  }
0x81: {  	v56 =	vtrunc.f32 v56  }
0x82: {  	v56 =	vcvt.f32.s32 v56;
	_ =	sdelay $0x1  }
0x83: {  	vm1 =	vgt.s32 v56, $0x0  }
0x84: {  	v56 =	vnsel vm1, $0x0, v56  }
0x85: {  	[tilespmem:$0x1C70] =	vst v56  }
0x86: {  	v56 =	vld.idx.msk [tilespmem:v19+s3+$0x0], $0xffff;
	_ =	sdelay $0x4  }
0x87: {  	v56 =	vtrunc.f32 v56  }
0x88: {  	v56 =	vcvt.f32.s32 v56;
	_ =	sdelay $0x1  }
0x89: {  	vm1 =	vgt.s32 v56, $0x0  }
0x8a: {  	v56 =	vnsel vm1, $0x0, v56  }
0x8b: {  	[tilespmem:$0x1C80] =	vst v56  }
0x8c: {  	v56 =	vld.idx.msk [tilespmem:v20+s3+$0x0], $0xffff;
	_ =	sdelay $0x4  }
0x8d: {  	v56 =	vtrunc.f32 v56  }
0x8e: {  	v56 =	vcvt.f32.s32 v56;
	_ =	sdelay $0x1  }
0x8f: {  	vm1 =	vgt.s32 v56, $0x0  }
0x90: {  	v56 =	vnsel vm1, $0x0, v56  }
0x91: {  	[tilespmem:$0x1C90] =	vst v56  }
0x92: {  	v56 =	vld.idx.msk [tilespmem:v21+s3+$0x0], $0xffff;
	_ =	sdelay $0x4  }
0x93: {  	v56 =	vtrunc.f32 v56  }
0x94: {  	v56 =	vcvt.f32.s32 v56;
	_ =	sdelay $0x1  }
0x95: {  	vm1 =	vgt.s32 v56, $0x0  }
0x96: {  	v56 =	vnsel vm1, $0x0, v56  }
0x97: {  	[tilespmem:$0x1CA0] =	vst v56  }
0x98: {  	v56 =	vld.idx.msk [tilespmem:v22+s3+$0x0], $0xffff;
	_ =	sdelay $0x4  }
0x99: {  	v56 =	vtrunc.f32 v56  }
0x9a: {  	v56 =	vcvt.f32.s32 v56;
	_ =	sdelay $0x1  }
0x9b: {  	vm1 =	vgt.s32 v56, $0x0  }
0x9c: {  	v56 =	vnsel vm1, $0x0, v56  }
0x9d: {  	[tilespmem:$0x1CB0] =	vst v56  }
0x9e: {  	v56 =	vld.idx.msk [tilespmem:v23+s3+$0x0], $0xffff;
	_ =	sdelay $0x4  }
0x9f: {  	v56 =	vtrunc.f32 v56  }
0xa0: {  	v56 =	vcvt.f32.s32 v56;
	_ =	sdelay $0x1  }
0xa1: {  	vm1 =	vgt.s32 v56, $0x0  }
0xa2: {  	v56 =	vnsel vm1, $0x0, v56  }
0xa3: {  	[tilespmem:$0x1CC0] =	vst v56  }
0xa4: {  	v56 =	vld.idx.msk [tilespmem:v24+s3+$0x0], $0xffff;
	_ =	sdelay $0x4  }
0xa5: {  	v56 =	vtrunc.f32 v56  }
0xa6: {  	v56 =	vcvt.f32.s32 v56;
	_ =	sdelay $0x1  }
0xa7: {  	vm1 =	vgt.s32 v56, $0x0  }
0xa8: {  	v56 =	vnsel vm1, $0x0, v56  }
0xa9: {  	[tilespmem:$0x1CD0] =	vst v56  }
0xaa: {  	v56 =	vld.idx.msk [tilespmem:v25+s3+$0x0], $0xffff;
	_ =	sdelay $0x4  }
0xab: {  	v56 =	vtrunc.f32 v56  }
0xac: {  	v56 =	vcvt.f32.s32 v56;
	_ =	sdelay $0x1  }
0xad: {  	vm1 =	vgt.s32 v56, $0x0  }
0xae: {  	v56 =	vnsel vm1, $0x0, v56  }
0xaf: {  	[tilespmem:$0x1CE0] =	vst v56  }
0xb0: {  	v56 =	vld.idx.msk [tilespmem:v26+s3+$0x0], $0xffff;
	_ =	sdelay $0x4  }
0xb1: {  	v56 =	vtrunc.f32 v56  }
0xb2: {  	v56 =	vcvt.f32.s32 v56;
	_ =	sdelay $0x1  }
0xb3: {  	vm1 =	vgt.s32 v56, $0x0  }
0xb4: {  	v56 =	vnsel vm1, $0x0, v56  }
0xb5: {  	[tilespmem:$0x1CF0] =	vst v56  }
0xb6: {  	v56 =	vld.idx.msk [tilespmem:v27+s3+$0x0], $0xffff;
	_ =	sdelay $0x4  }
0xb7: {  	v56 =	vtrunc.f32 v56  }
0xb8: {  	v56 =	vcvt.f32.s32 v56  }
.Ltmp2:
0xb9: {  	_ = 	snop;
	(pc) =	sbr.rel .LBB2_2-.Ltmp2, $4  }
0xba: {  	vm1 =	vgt.s32 v56, $0x0  }
0xbb: {  	v56 =	vnsel vm1, $0x0, v56  }
0xbc: {  	s22 =	simm.s32 $0x4F00;
	s23 =	simm.s32 $0x0;
	s24 =	simm.s32 $0x0;
	[tilespmem:$0x1D00] =	vst v56  }
0xbd: {  	[tilespmem:s15], [sflag:$0x4] =	stream.indirect.gather [hbm4b:s1+s11], $0x80, s14, s11, $0xb8;
	[tilespmem:$0x1DB00] =	vst v63  }
.LBB2_17:
0xbe: {  	s0 =	sadd.s32 s26, s8;
	s2 =	smul.u32 $0x3800, s28  }
0xbf: {  	s0 =	smul.u32 $0xC400, s0;
	_ =	sdelay $0x1  }
0xc0: {  	s0 =	sadd.s32 s2, s0  }
0xc1: {  	s0 =	sshrl.u32 s0, $0x3  }
0xc2: {  	s0 =	sadd.s32 s5, s0  }
0xc3: {  	[hbm4b:s0+s3] =	stream.linear.scatter [tilespmem:s19], [sflag:$0x6], $0x3800, $0x38;
	[tilespmem:$0x1DB00] =	vst v63  }
.LBB2_21:
0xc4: {  	s24 =	sadd.s32 $0x1, s24  }
0xc5: {  	p0 =	sne.s32 s24, $0x180  }
.Ltmp3:
0xc6: {  	_ = 	snop;
	(pc) =	sbr.rel @!p0 .LBB2_22-.Ltmp3, $2  }
0xc7: {  	_ =	sdelay $0x2  }
0xc8: {  	s23 =	sadd.s32 $0x110, s23;
	s22 =	sadd.s32 $0x7800, s22  }
.LBB2_2:
0xc9: {  	s26 =	smul.u32 $0xAAAB, s24;
	_ =	sdelay $0x1  }
0xca: {  	s25 =	sshrl.u32 s26, $0x13  }
0xcb: {  	s0 =	smul.u32 $0xC, s25;
	_ =	sdelay $0x1  }
0xcc: {  	p0 =	sgt.u32 s24, $0x173;
	s0 =	ssub.s32 s24, s0  }
0xcd: {  	s0 =	sand.u32 @!p0 $0xFFFF, s0  }
0xce: {  	p1 =	sne.s32 @!p0 s0, $0x0  }
0xcf: {  	p0 =	por p0, p1  }
.Ltmp4:
0xd0: {  	_ = 	snop;
	(pc) =	sbr.rel @p0 .LBB2_6-.Ltmp4, $1  }
0xd1: {  	_ =	sdelay $0x3  }
0xd2: {  	s0 =	sadd.s32 $0x1, s25  }
0xd3: {  	s28 =	sadd.s32 s0, s7;
	s0 =	sand.u32 $0x1, s0  }
0xd4: {  	p0 =	seq.s32 s0, $0x0  }
.Ltmp5:
0xd5: {  	_ = 	snop;
	(pc) =	sbr.rel @!p0 .LBB2_5-.Ltmp5, $3  }
0xd6: {  	s28 =	smul.u32 $0xD48, s28;
	_ =	sdelay $0x1  }
0xd7: {  	s28 =	sshrl.u32 s28, $0x3  }
0xd8: {  	s0 =	smul.u32 $0xD48, s0;
	s28 =	sadd.s32 s4, s28  }
.Ltmp6:
0xd9: {  	(pc) =	sbr.rel @p0 .LBB2_7-.Ltmp6, $2  }
0xda: {  	_ =	sdelay $0x2  }
0xdb: {  	[tilespmem:s0], [sflag:$0x1] =	stream.linear.gather [hbm4b:s28+s3], $0xD48, $0x38;
	[tilespmem:$0x1DB00] =	vst v63  }
.LBB2_5:
.Ltmp7:
0xdc: {  	(pc) =	sbr.rel .LBB2_7-.Ltmp7, $2  }
0xdd: {  	_ =	sdelay $0x2  }
0xde: {  	[tilespmem:s0], [sflag:$0x2] =	stream.linear.gather [hbm4b:s28+s3], $0xD48, $0x38;
	[tilespmem:$0x1DB00] =	vst v63  }
.LBB2_6:
0xdf: {  	p0 =	sgt.u32 s24, $0x17D  }
.Ltmp8:
0xe0: {  	_ = 	snop;
	(pc) =	sbr.rel @p0 .LBB2_10-.Ltmp8, $1  }
0xe1: {  	_ =	sdelay $0x3  }
.LBB2_7:
0xe2: {  	s0 =	sadd.s32 $0x2, s24  }
0xe3: {  	s28 =	sand.u32 $0xFFFF, s0  }
0xe4: {  	s28 =	smul.u32 $0xAAAB, s28;
	_ =	sdelay $0x1  }
0xe5: {  	s29 =	sshrl.u32 s28, $0x13  }
0xe6: {  	s30 =	smul.u32 $0xC, s29;
	_ =	sdelay $0x1  }
0xe7: {  	s30 =	ssub.s32 s0, s30  }
0xe8: {  	s29 =	sand.u32 $0x1, s29;
	s30 =	sand.u32 $0xFFFF, s30  }
0xe9: {  	p2 =	seq.s32 s29, $0x1;
	p0 =	seq.s32 s30, $0x0  }
0xea: {  	s28 =	sshrl.u32 s28, $0x11;
	p3 =	por !p2, !p0  }
0xeb: {  	s30 =	smul.u32 $0x3, s28;
	s29 =	simm.s32 @!p3 $0x2  }
0xec: {  	p1 =	por p2, !p0;
	_ =	swait.ge @!p3 [sflag:s29], $0xD48  }
0xed: {  	p2 =	por !p2, p0;
	s0 =	ssub.s32 s0, s30;
	[sflag:s29] =	ssyncset.done @!p3 $0x0  }
0xee: {  	s30 =	simm.s32 @!p0 $0xD48;
	[sflag:s29] =	ssyncadd.s32 @!p3 $0xFFFFF2B8;
	s29 =	simm.s32 @!p3 $0xD48  }
0xef: {  	s30 =	simm.s32 @p2 $0x0;
	s0 =	sand.u32 $0xFFFF, s0;
	s29 =	simm.s32 @p3 $0x0  }
0xf0: {  	s30 =	smov.u32 @p0 s29;
	p0 =	seq.s32 s0, $0x2  }
.Ltmp9:
0xf1: {  	_ = 	snop;
	(pc) =	sbr.rel @!p0 .LBB2_8-.Ltmp9, $4  }
0xf2: {  	s28 =	sand.u32 $0x3, s28;
	s31 =	simm.s32 @!p1 $0x1  }
0xf3: {  	s28 =	smul.u32 $0x352, s28;
	_ =	swait.ge @!p1 [sflag:s31], $0xD48  }
0xf4: {  	[sflag:s31] =	ssyncset.done @!p1 $0x0  }
0xf5: {  	[sflag:s31] =	ssyncadd.s32 @!p1 $0xFFFFF2B8;
	s29 =	sadd.s32 s28, s30;
	s28 =	smul.u32 $0x140, s0  }
0xf6: {  	s0 =	sadd.s32 $0x224, s29  }
0xf7: {  	v56 =	vadd.s32 s0, v1;
	_ =	sdelay $0x4  }
0xf8: {  	v56 =	vld.idx.msk [tilespmem:v56+s3+$0x0], $0xffff;
	_ =	sdelay $0x3  }
0xf9: {  	s31 =	sadd.s32 $0x334, s29  }
0xfa: {  	s30 =	sadd.s32 $0xD47, s30;
	v57 =	vadd.s32 s31, v1;
	v56 =	vtrunc.f32 v56  }
0xfb: {  	v57 =	vmin.u32 v57, s30;
	v56 =	vcvt.f32.s32 v56;
	_ =	sdelay $0x1  }
0xfc: {  	vm1 =	vgt.s32 v56, $0x0  }
0xfd: {  	v56 =	vnsel vm1, $0x0, v56  }
0xfe: {  	[tilespmem:v29+s12+$0x0] =	vst.idx.msk $0xffff, v56  }
0xff: {  	v56 =	vld.idx.msk [tilespmem:v57+s3+$0x0], $0xffff;
	_ =	sdelay $0x4  }
0x100: {  	s2 =	sadd.s32 $0x225, s29;
	v56 =	vtrunc.f32 v56  }
0x101: {  	v60 =	vadd.s32 s2, v1;
	v56 =	vcvt.f32.s32 v56;
	_ =	sdelay $0x1  }
0x102: {  	vm1 =	vgt.s32 v56, $0x0  }
0x103: {  	v56 =	vnsel vm1, $0x0, v56  }
0x104: {  	[tilespmem:v30+s12+$0x0] =	vst.idx.msk $0x3, v56  }
0x105: {  	v56 =	vld.idx.msk [tilespmem:v60+s3+$0x0], $0xffff;
	_ =	sdelay $0x3  }
0x106: {  	s31 =	sadd.s32 $0x335, s29  }
0x107: {  	v61 =	vadd.s32 s31, v1;
	v56 =	vtrunc.f32 v56  }
0x108: {  	v57 =	vmin.u32 v61, s30;
	v56 =	vcvt.f32.s32 v56;
	_ =	sdelay $0x1  }
0x109: {  	vm1 =	vgt.s32 v56, $0x0  }
0x10a: {  	v56 =	vnsel vm1, $0x0, v56  }
0x10b: {  	[tilespmem:v31+s12+$0x0] =	vst.idx.msk $0xffff, v56  }
0x10c: {  	v56 =	vld.idx.msk [tilespmem:v57+s3+$0x0], $0xffff;
	_ =	sdelay $0x4  }
0x10d: {  	s2 =	sadd.s32 $0x226, s29;
	v56 =	vtrunc.f32 v56  }
0x10e: {  	v62 =	vadd.s32 s2, v1;
	v56 =	vcvt.f32.s32 v56;
	_ =	sdelay $0x1  }
0x10f: {  	vm1 =	vgt.s32 v56, $0x0  }
0x110: {  	v56 =	vnsel vm1, $0x0, v56  }
0x111: {  	[tilespmem:v32+s12+$0x0] =	vst.idx.msk $0x3, v56  }
0x112: {  	v56 =	vld.idx.msk [tilespmem:v62+s3+$0x0], $0xffff;
	_ =	sdelay $0x3  }
0x113: {  	s31 =	sadd.s32 $0x336, s29  }
0x114: {  	v63 =	vadd.s32 s31, v1;
	v56 =	vtrunc.f32 v56  }
0x115: {  	v57 =	vmin.u32 v63, s30;
	v56 =	vcvt.f32.s32 v56;
	_ =	sdelay $0x1  }
0x116: {  	vm1 =	vgt.s32 v56, $0x0  }
0x117: {  	v56 =	vnsel vm1, $0x0, v56  }
0x118: {  	[tilespmem:v33+s12+$0x0] =	vst.idx.msk $0xffff, v56  }
0x119: {  	v56 =	vld.idx.msk [tilespmem:v57+s3+$0x0], $0xffff;
	_ =	sdelay $0x4  }
0x11a: {  	s2 =	sadd.s32 $0x227, s29;
	v56 =	vtrunc.f32 v56  }
0x11b: {  	v60 =	vadd.s32 s2, v1;
	v56 =	vcvt.f32.s32 v56;
	_ =	sdelay $0x1  }
0x11c: {  	vm1 =	vgt.s32 v56, $0x0  }
0x11d: {  	v56 =	vnsel vm1, $0x0, v56  }
0x11e: {  	[tilespmem:v34+s12+$0x0] =	vst.idx.msk $0x3, v56  }
0x11f: {  	v56 =	vld.idx.msk [tilespmem:v60+s3+$0x0], $0xffff;
	_ =	sdelay $0x3  }
0x120: {  	s31 =	sadd.s32 $0x337, s29  }
0x121: {  	v61 =	vadd.s32 s31, v1;
	v56 =	vtrunc.f32 v56  }
0x122: {  	v57 =	vmin.u32 v61, s30;
	v56 =	vcvt.f32.s32 v56;
	_ =	sdelay $0x1  }
0x123: {  	vm1 =	vgt.s32 v56, $0x0  }
0x124: {  	v56 =	vnsel vm1, $0x0, v56  }
0x125: {  	[tilespmem:v35+s12+$0x0] =	vst.idx.msk $0xffff, v56  }
0x126: {  	v56 =	vld.idx.msk [tilespmem:v57+s3+$0x0], $0xffff;
	_ =	sdelay $0x4  }
0x127: {  	s2 =	sadd.s32 $0x228, s29;
	v56 =	vtrunc.f32 v56  }
0x128: {  	v62 =	vadd.s32 s2, v1;
	v56 =	vcvt.f32.s32 v56;
	_ =	sdelay $0x1  }
0x129: {  	vm1 =	vgt.s32 v56, $0x0  }
0x12a: {  	v56 =	vnsel vm1, $0x0, v56  }
0x12b: {  	[tilespmem:v36+s12+$0x0] =	vst.idx.msk $0x3, v56  }
0x12c: {  	v56 =	vld.idx.msk [tilespmem:v62+s3+$0x0], $0xffff;
	_ =	sdelay $0x3  }
0x12d: {  	s31 =	sadd.s32 $0x338, s29  }
0x12e: {  	v63 =	vadd.s32 s31, v1;
	v56 =	vtrunc.f32 v56  }
0x12f: {  	v57 =	vmin.u32 v63, s30;
	v56 =	vcvt.f32.s32 v56;
	_ =	sdelay $0x1  }
0x130: {  	vm1 =	vgt.s32 v56, $0x0  }
0x131: {  	v56 =	vnsel vm1, $0x0, v56  }
0x132: {  	[tilespmem:v37+s12+$0x0] =	vst.idx.msk $0xffff, v56  }
0x133: {  	v56 =	vld.idx.msk [tilespmem:v57+s3+$0x0], $0xffff;
	_ =	sdelay $0x4  }
0x134: {  	s2 =	sadd.s32 $0x229, s29;
	v56 =	vtrunc.f32 v56  }
0x135: {  	v60 =	vadd.s32 s2, v1;
	v56 =	vcvt.f32.s32 v56;
	_ =	sdelay $0x1  }
0x136: {  	vm1 =	vgt.s32 v56, $0x0  }
0x137: {  	v56 =	vnsel vm1, $0x0, v56  }
0x138: {  	[tilespmem:v38+s12+$0x0] =	vst.idx.msk $0x3, v56  }
0x139: {  	v56 =	vld.idx.msk [tilespmem:v60+s3+$0x0], $0xffff;
	_ =	sdelay $0x3  }
0x13a: {  	s31 =	sadd.s32 $0x339, s29  }
0x13b: {  	v61 =	vadd.s32 s31, v1;
	v56 =	vtrunc.f32 v56  }
0x13c: {  	v57 =	vmin.u32 v61, s30;
	v56 =	vcvt.f32.s32 v56;
	_ =	sdelay $0x1  }
0x13d: {  	vm1 =	vgt.s32 v56, $0x0  }
0x13e: {  	v56 =	vnsel vm1, $0x0, v56  }
0x13f: {  	[tilespmem:v39+s12+$0x0] =	vst.idx.msk $0xffff, v56  }
0x140: {  	v56 =	vld.idx.msk [tilespmem:v57+s3+$0x0], $0xffff;
	_ =	sdelay $0x4  }
0x141: {  	s2 =	sadd.s32 $0x22A, s29;
	v56 =	vtrunc.f32 v56  }
0x142: {  	v62 =	vadd.s32 s2, v1;
	v56 =	vcvt.f32.s32 v56;
	_ =	sdelay $0x1  }
0x143: {  	vm1 =	vgt.s32 v56, $0x0  }
0x144: {  	v56 =	vnsel vm1, $0x0, v56  }
0x145: {  	[tilespmem:v40+s12+$0x0] =	vst.idx.msk $0x3, v56  }
0x146: {  	v56 =	vld.idx.msk [tilespmem:v62+s3+$0x0], $0xffff;
	_ =	sdelay $0x3  }
0x147: {  	s31 =	sadd.s32 $0x33A, s29  }
0x148: {  	v63 =	vadd.s32 s31, v1;
	v56 =	vtrunc.f32 v56  }
0x149: {  	v57 =	vmin.u32 v63, s30;
	v56 =	vcvt.f32.s32 v56;
	_ =	sdelay $0x1  }
0x14a: {  	vm1 =	vgt.s32 v56, $0x0  }
0x14b: {  	v56 =	vnsel vm1, $0x0, v56  }
0x14c: {  	[tilespmem:v41+s12+$0x0] =	vst.idx.msk $0xffff, v56  }
0x14d: {  	v56 =	vld.idx.msk [tilespmem:v57+s3+$0x0], $0xffff;
	_ =	sdelay $0x4  }
0x14e: {  	s2 =	sadd.s32 $0x22B, s29;
	v56 =	vtrunc.f32 v56  }
0x14f: {  	v60 =	vadd.s32 s2, v1;
	v56 =	vcvt.f32.s32 v56;
	_ =	sdelay $0x1  }
0x150: {  	vm1 =	vgt.s32 v56, $0x0  }
0x151: {  	v56 =	vnsel vm1, $0x0, v56  }
0x152: {  	[tilespmem:v42+s12+$0x0] =	vst.idx.msk $0x3, v56  }
0x153: {  	v56 =	vld.idx.msk [tilespmem:v60+s3+$0x0], $0xffff;
	_ =	sdelay $0x3  }
0x154: {  	s31 =	sadd.s32 $0x33B, s29  }
0x155: {  	v61 =	vadd.s32 s31, v1;
	v56 =	vtrunc.f32 v56  }
0x156: {  	v57 =	vmin.u32 v61, s30;
	v56 =	vcvt.f32.s32 v56;
	_ =	sdelay $0x1  }
0x157: {  	vm1 =	vgt.s32 v56, $0x0  }
0x158: {  	v56 =	vnsel vm1, $0x0, v56  }
0x159: {  	[tilespmem:v43+s12+$0x0] =	vst.idx.msk $0xffff, v56  }
0x15a: {  	v56 =	vld.idx.msk [tilespmem:v57+s3+$0x0], $0xffff;
	_ =	sdelay $0x4  }
0x15b: {  	s2 =	sadd.s32 $0x22C, s29;
	v56 =	vtrunc.f32 v56  }
0x15c: {  	v62 =	vadd.s32 s2, v1;
	v56 =	vcvt.f32.s32 v56;
	_ =	sdelay $0x1  }
0x15d: {  	vm1 =	vgt.s32 v56, $0x0  }
0x15e: {  	v56 =	vnsel vm1, $0x0, v56  }
0x15f: {  	[tilespmem:v44+s12+$0x0] =	vst.idx.msk $0x3, v56  }
0x160: {  	v56 =	vld.idx.msk [tilespmem:v62+s3+$0x0], $0xffff;
	_ =	sdelay $0x3  }
0x161: {  	s31 =	sadd.s32 $0x33C, s29  }
0x162: {  	v63 =	vadd.s32 s31, v1;
	v56 =	vtrunc.f32 v56  }
0x163: {  	v57 =	vmin.u32 v63, s30;
	v56 =	vcvt.f32.s32 v56;
	_ =	sdelay $0x1  }
0x164: {  	vm1 =	vgt.s32 v56, $0x0  }
0x165: {  	v56 =	vnsel vm1, $0x0, v56  }
0x166: {  	[tilespmem:v45+s12+$0x0] =	vst.idx.msk $0xffff, v56  }
0x167: {  	v56 =	vld.idx.msk [tilespmem:v57+s3+$0x0], $0xffff;
	_ =	sdelay $0x4  }
0x168: {  	s2 =	sadd.s32 $0x22D, s29;
	v56 =	vtrunc.f32 v56  }
0x169: {  	v60 =	vadd.s32 s2, v1;
	v56 =	vcvt.f32.s32 v56;
	_ =	sdelay $0x1  }
0x16a: {  	vm1 =	vgt.s32 v56, $0x0  }
0x16b: {  	v56 =	vnsel vm1, $0x0, v56  }
0x16c: {  	[tilespmem:v46+s12+$0x0] =	vst.idx.msk $0x3, v56  }
0x16d: {  	v56 =	vld.idx.msk [tilespmem:v60+s3+$0x0], $0xffff;
	_ =	sdelay $0x3  }
0x16e: {  	s31 =	sadd.s32 $0x33D, s29  }
0x16f: {  	v61 =	vadd.s32 s31, v1;
	v56 =	vtrunc.f32 v56  }
0x170: {  	v57 =	vmin.u32 v61, s30;
	v56 =	vcvt.f32.s32 v56;
	_ =	sdelay $0x1  }
0x171: {  	vm1 =	vgt.s32 v56, $0x0  }
0x172: {  	v56 =	vnsel vm1, $0x0, v56  }
0x173: {  	[tilespmem:v47+s12+$0x0] =	vst.idx.msk $0xffff, v56  }
0x174: {  	v56 =	vld.idx.msk [tilespmem:v57+s3+$0x0], $0xffff;
	_ =	sdelay $0x4  }
0x175: {  	s2 =	sadd.s32 $0x22E, s29;
	v56 =	vtrunc.f32 v56  }
0x176: {  	v62 =	vadd.s32 s2, v1;
	v56 =	vcvt.f32.s32 v56;
	_ =	sdelay $0x1  }
0x177: {  	vm1 =	vgt.s32 v56, $0x0  }
0x178: {  	v56 =	vnsel vm1, $0x0, v56  }
0x179: {  	[tilespmem:v48+s12+$0x0] =	vst.idx.msk $0x3, v56  }
0x17a: {  	v56 =	vld.idx.msk [tilespmem:v62+s3+$0x0], $0xffff;
	_ =	sdelay $0x3  }
0x17b: {  	s31 =	sadd.s32 $0x33E, s29  }
0x17c: {  	v63 =	vadd.s32 s31, v1;
	v56 =	vtrunc.f32 v56  }
0x17d: {  	v57 =	vmin.u32 v63, s30;
	v56 =	vcvt.f32.s32 v56;
	_ =	sdelay $0x1  }
0x17e: {  	vm1 =	vgt.s32 v56, $0x0  }
0x17f: {  	v56 =	vnsel vm1, $0x0, v56  }
0x180: {  	[tilespmem:v49+s12+$0x0] =	vst.idx.msk $0xffff, v56  }
0x181: {  	v56 =	vld.idx.msk [tilespmem:v57+s3+$0x0], $0xffff;
	_ =	sdelay $0x4  }
0x182: {  	s2 =	sadd.s32 $0x22F, s29;
	v56 =	vtrunc.f32 v56  }
0x183: {  	v60 =	vadd.s32 s2, v1;
	v56 =	vcvt.f32.s32 v56;
	_ =	sdelay $0x1  }
0x184: {  	vm1 =	vgt.s32 v56, $0x0  }
0x185: {  	v56 =	vnsel vm1, $0x0, v56  }
0x186: {  	[tilespmem:v50+s12+$0x0] =	vst.idx.msk $0x3, v56  }
0x187: {  	v56 =	vld.idx.msk [tilespmem:v60+s3+$0x0], $0xffff;
	_ =	sdelay $0x3  }
0x188: {  	s31 =	sadd.s32 $0x33F, s29  }
0x189: {  	v61 =	vadd.s32 s31, v1;
	v56 =	vtrunc.f32 v56  }
0x18a: {  	v57 =	vmin.u32 v61, s30;
	v56 =	vcvt.f32.s32 v56;
	_ =	sdelay $0x1  }
0x18b: {  	vm1 =	vgt.s32 v56, $0x0  }
0x18c: {  	v56 =	vnsel vm1, $0x0, v56  }
0x18d: {  	[tilespmem:v51+s12+$0x0] =	vst.idx.msk $0xffff, v56  }
0x18e: {  	v56 =	vld.idx.msk [tilespmem:v57+s3+$0x0], $0xffff;
	_ =	sdelay $0x4  }
0x18f: {  	s2 =	sadd.s32 $0x230, s29;
	v56 =	vtrunc.f32 v56  }
0x190: {  	v62 =	vadd.s32 s2, v1;
	v56 =	vcvt.f32.s32 v56;
	_ =	sdelay $0x1  }
0x191: {  	vm1 =	vgt.s32 v56, $0x0  }
0x192: {  	v56 =	vnsel vm1, $0x0, v56  }
0x193: {  	[tilespmem:v52+s12+$0x0] =	vst.idx.msk $0x3, v56  }
0x194: {  	v56 =	vld.idx.msk [tilespmem:v62+s3+$0x0], $0xffff;
	_ =	sdelay $0x3  }
0x195: {  	s29 =	sadd.s32 $0x340, s29  }
0x196: {  	v63 =	vadd.s32 s29, v1;
	v56 =	vtrunc.f32 v56  }
0x197: {  	v57 =	vmin.u32 v63, s30;
	v56 =	vcvt.f32.s32 v56;
	_ =	sdelay $0x1  }
0x198: {  	vm1 =	vgt.s32 v56, $0x0  }
0x199: {  	v56 =	vnsel vm1, $0x0, v56  }
0x19a: {  	[tilespmem:v53+s12+$0x0] =	vst.idx.msk $0xffff, v56  }
0x19b: {  	v56 =	vld.idx.msk [tilespmem:v57+s3+$0x0], $0xffff;
	_ =	sdelay $0x4  }
0x19c: {  	v56 =	vtrunc.f32 v56  }
0x19d: {  	v56 =	vcvt.f32.s32 v56;
	_ =	sdelay $0x1  }
.Ltmp10:
0x19e: {  	vm1 =	vgt.s32 v56, $0x0;
	(pc) =	sbr.rel .LBB2_10-.Ltmp10, $4  }
0x19f: {  	v56 =	vnsel vm1, $0x0, v56  }
0x1a0: {  	[tilespmem:v54+s12+$0x0] =	vst.idx.msk $0x3, v56  }
0x1a1: {  	s31 =	sadd.s32 $0x1B00, s28;
	[tilespmem:v55+s12+$0x0] =	vst.idx.msk $0x3f, v28  }
0x1a2: {  	[tilespmem:s17], [sflag:$0x5] =	stream.indirect.gather [hbm4b:s1+s16], $0x80, s31, s16, $0xb8;
	[tilespmem:$0x1DB00] =	vst v63  }
.LBB2_8:
0x1a3: {  	s30 =	smul.u32 $0x110, s0;
	_ =	sdelay $0x1  }
0x1a4: {  	s29 =	sadd.s32 s30, s29  }
0x1a5: {  	s30 =	sadd.s32 $0x4, s29  }
0x1a6: {  	v56 =	vadd.s32 s30, v1;
	_ =	sdelay $0x4  }
0x1a7: {  	v56 =	vld.idx.msk [tilespmem:v56+s3+$0x0], $0xffff;
	_ =	sdelay $0x4  }
0x1a8: {  	s2 =	sadd.s32 $0x5, s29;
	v56 =	vtrunc.f32 v56  }
0x1a9: {  	v57 =	vadd.s32 s2, v1;
	v56 =	vcvt.f32.s32 v56;
	_ =	sdelay $0x1  }
0x1aa: {  	vm1 =	vgt.s32 v56, $0x0  }
0x1ab: {  	v56 =	vnsel vm1, $0x0, v56  }
0x1ac: {  	[tilespmem:s28+$0x1B00] =	vst v56  }
0x1ad: {  	v56 =	vld.idx.msk [tilespmem:v57+s3+$0x0], $0xffff;
	_ =	sdelay $0x4  }
0x1ae: {  	s31 =	sadd.s32 $0x6, s29;
	v56 =	vtrunc.f32 v56  }
0x1af: {  	v61 =	vadd.s32 s31, v1;
	v56 =	vcvt.f32.s32 v56;
	_ =	sdelay $0x1  }
0x1b0: {  	vm1 =	vgt.s32 v56, $0x0  }
0x1b1: {  	v56 =	vnsel vm1, $0x0, v56  }
0x1b2: {  	[tilespmem:s28+$0x1B10] =	vst v56  }
0x1b3: {  	v56 =	vld.idx.msk [tilespmem:v61+s3+$0x0], $0xffff;
	_ =	sdelay $0x4  }
0x1b4: {  	s2 =	sadd.s32 $0x7, s29;
	v56 =	vtrunc.f32 v56  }
0x1b5: {  	v62 =	vadd.s32 s2, v1;
	v56 =	vcvt.f32.s32 v56;
	_ =	sdelay $0x1  }
0x1b6: {  	vm1 =	vgt.s32 v56, $0x0  }
0x1b7: {  	v56 =	vnsel vm1, $0x0, v56  }
0x1b8: {  	[tilespmem:s28+$0x1B20] =	vst v56  }
0x1b9: {  	v56 =	vld.idx.msk [tilespmem:v62+s3+$0x0], $0xffff;
	_ =	sdelay $0x4  }
0x1ba: {  	s31 =	sadd.s32 $0x8, s29;
	v56 =	vtrunc.f32 v56  }
0x1bb: {  	v63 =	vadd.s32 s31, v1;
	v56 =	vcvt.f32.s32 v56;
	_ =	sdelay $0x1  }
0x1bc: {  	vm1 =	vgt.s32 v56, $0x0  }
0x1bd: {  	v56 =	vnsel vm1, $0x0, v56  }
0x1be: {  	[tilespmem:s28+$0x1B30] =	vst v56  }
0x1bf: {  	v56 =	vld.idx.msk [tilespmem:v63+s3+$0x0], $0xffff;
	_ =	sdelay $0x4  }
0x1c0: {  	s2 =	sadd.s32 $0x9, s29;
	v56 =	vtrunc.f32 v56  }
0x1c1: {  	v60 =	vadd.s32 s2, v1;
	v56 =	vcvt.f32.s32 v56;
	_ =	sdelay $0x1  }
0x1c2: {  	vm1 =	vgt.s32 v56, $0x0  }
0x1c3: {  	v56 =	vnsel vm1, $0x0, v56  }
0x1c4: {  	[tilespmem:s28+$0x1B40] =	vst v56  }
0x1c5: {  	v56 =	vld.idx.msk [tilespmem:v60+s3+$0x0], $0xffff;
	_ =	sdelay $0x4  }
0x1c6: {  	s31 =	sadd.s32 $0xA, s29;
	v56 =	vtrunc.f32 v56  }
0x1c7: {  	v61 =	vadd.s32 s31, v1;
	v56 =	vcvt.f32.s32 v56;
	_ =	sdelay $0x1  }
0x1c8: {  	vm1 =	vgt.s32 v56, $0x0  }
0x1c9: {  	v56 =	vnsel vm1, $0x0, v56  }
0x1ca: {  	[tilespmem:s28+$0x1B50] =	vst v56  }
0x1cb: {  	v56 =	vld.idx.msk [tilespmem:v61+s3+$0x0], $0xffff;
	_ =	sdelay $0x4  }
0x1cc: {  	s2 =	sadd.s32 $0xB, s29;
	v56 =	vtrunc.f32 v56  }
0x1cd: {  	v62 =	vadd.s32 s2, v1;
	v56 =	vcvt.f32.s32 v56;
	_ =	sdelay $0x1  }
0x1ce: {  	vm1 =	vgt.s32 v56, $0x0  }
0x1cf: {  	v56 =	vnsel vm1, $0x0, v56  }
0x1d0: {  	[tilespmem:s28+$0x1B60] =	vst v56  }
0x1d1: {  	v56 =	vld.idx.msk [tilespmem:v62+s3+$0x0], $0xffff;
	_ =	sdelay $0x4  }
0x1d2: {  	s31 =	sadd.s32 $0xC, s29;
	v56 =	vtrunc.f32 v56  }
0x1d3: {  	v63 =	vadd.s32 s31, v1;
	v56 =	vcvt.f32.s32 v56;
	_ =	sdelay $0x1  }
0x1d4: {  	vm1 =	vgt.s32 v56, $0x0  }
0x1d5: {  	v56 =	vnsel vm1, $0x0, v56  }
0x1d6: {  	[tilespmem:s28+$0x1B70] =	vst v56  }
0x1d7: {  	v56 =	vld.idx.msk [tilespmem:v63+s3+$0x0], $0xffff;
	_ =	sdelay $0x4  }
0x1d8: {  	s2 =	sadd.s32 $0xD, s29;
	v56 =	vtrunc.f32 v56  }
0x1d9: {  	v60 =	vadd.s32 s2, v1;
	v56 =	vcvt.f32.s32 v56;
	_ =	sdelay $0x1  }
0x1da: {  	vm1 =	vgt.s32 v56, $0x0  }
0x1db: {  	s31 =	sand.u32 $0x3C0, s28;
	v56 =	vnsel vm1, $0x0, v56  }
0x1dc: {  	[tilespmem:s31+$0x1B80] =	vst v56  }
0x1dd: {  	v56 =	vld.idx.msk [tilespmem:v60+s3+$0x0], $0xffff;
	_ =	sdelay $0x4  }
0x1de: {  	s2 =	sadd.s32 $0xE, s29;
	v56 =	vtrunc.f32 v56  }
0x1df: {  	v61 =	vadd.s32 s2, v1;
	v56 =	vcvt.f32.s32 v56;
	_ =	sdelay $0x1  }
0x1e0: {  	vm1 =	vgt.s32 v56, $0x0  }
0x1e1: {  	v56 =	vnsel vm1, $0x0, v56  }
0x1e2: {  	[tilespmem:s28+$0x1B90] =	vst v56  }
0x1e3: {  	v56 =	vld.idx.msk [tilespmem:v61+s3+$0x0], $0xffff;
	_ =	sdelay $0x4  }
0x1e4: {  	s31 =	sadd.s32 $0xF, s29;
	v56 =	vtrunc.f32 v56  }
0x1e5: {  	v62 =	vadd.s32 s31, v1;
	v56 =	vcvt.f32.s32 v56;
	_ =	sdelay $0x1  }
0x1e6: {  	vm1 =	vgt.s32 v56, $0x0  }
0x1e7: {  	v56 =	vnsel vm1, $0x0, v56  }
0x1e8: {  	[tilespmem:s28+$0x1BA0] =	vst v56  }
0x1e9: {  	v56 =	vld.idx.msk [tilespmem:v62+s3+$0x0], $0xffff;
	_ =	sdelay $0x4  }
0x1ea: {  	s29 =	sadd.s32 $0x10, s29;
	v56 =	vtrunc.f32 v56  }
0x1eb: {  	v63 =	vadd.s32 s29, v1;
	v56 =	vcvt.f32.s32 v56;
	_ =	sdelay $0x1  }
0x1ec: {  	vm1 =	vgt.s32 v56, $0x0  }
0x1ed: {  	v56 =	vnsel vm1, $0x0, v56  }
0x1ee: {  	[tilespmem:s28+$0x1BB0] =	vst v56  }
0x1ef: {  	v56 =	vld.idx.msk [tilespmem:v63+s3+$0x0], $0xffff;
	_ =	sdelay $0x4  }
0x1f0: {  	v56 =	vtrunc.f32 v56  }
0x1f1: {  	v56 =	vcvt.f32.s32 v56;
	_ =	sdelay $0x1  }
0x1f2: {  	vm1 =	vgt.s32 v56, $0x0  }
0x1f3: {  	p0 =	sne.s32 s0, $0x0;
	v56 =	vnsel vm1, $0x0, v56  }
0x1f4: {  	s0 =	sadd.s32 $0x1B00, s28;
	s29 =	simm.s32 @p0 $0x9700;
	[tilespmem:s28+$0x1BC0] =	vst v56;
	s28 =	simm.s32 @p0 $0xD0  }
0x1f5: {  	[tilespmem:s29], [sflag:$0x4] =	stream.indirect.gather @p0 [hbm4b:s1+s28], $0x80, s0, s28, $0xb8;
	[tilespmem:$0x1DB00] =	vst v63  }
0x1f6: {  	s28 =	simm.s32 @!p0 $0xD0;
	s29 =	simm.s32 @!p0 $0x1F00  }
0x1f7: {  	[tilespmem:s29], [sflag:$0x3] =	stream.indirect.gather @!p0 [hbm4b:s1+s28], $0x80, s0, s28, $0xb8;
	[tilespmem:$0x1DB00] =	vst v63  }
.LBB2_10:
0x1f8: {  	s26 =	sshrl.u32 s26, $0x11  }
0x1f9: {  	s0 =	smul.u32 $0x3, s26;
	_ =	sdelay $0x1  }
0x1fa: {  	s0 =	ssub.s32 s24, s0  }
0x1fb: {  	s28 =	sand.u32 $0xFFFF, s0  }
0x1fc: {  	p0 =	seq.s32 s28, $0x0  }
.Ltmp11:
0x1fd: {  	_ = 	snop;
	(pc) =	sbr.rel @p0 .LBB2_12-.Ltmp11, $1  }
0x1fe: {  	_ =	sdelay $0x3  }
0x1ff: {  	p0 =	sne.s32 s28, $0x1  }
0x200: {  	s0 =	simm.s32 @p0 $0x5  }
0x201: {  	_ =	swait.ge @p0 [sflag:s0], $0x7800  }
.Ltmp12:
0x202: {  	[sflag:s0] =	ssyncset.done @p0 $0x0;
	(pc) =	sbr.rel .LBB2_13-.Ltmp12, $4  }
0x203: {  	[sflag:s0] =	ssyncadd.s32 @p0 $0xFFFF8800;
	s0 =	simm.s32 @!p0 $0x4  }
0x204: {  	_ =	swait.ge @!p0 [sflag:s0], $0x6800  }
0x205: {  	[sflag:s0] =	ssyncset.done @!p0 $0x0  }
0x206: {  	[sflag:s0] =	ssyncadd.s32 @!p0 $0xFFFF9800  }
.LBB2_12:
0x207: {  	p0 =	seq.s32 s24, $0x0  }
.Ltmp13:
0x208: {  	_ = 	snop;
	(pc) =	sbr.rel @p0 .LBB2_14-.Ltmp13, $4  }
0x209: {  	_ = 	snop  }
0x20a: {  	_ =	swait.ge [sflag:s18], $0x6800  }
0x20b: {  	[sflag:s18] =	ssyncset.done $0x0  }
0x20c: {  	[sflag:s18] =	ssyncadd.s32 $0xFFFF9800  }
.LBB2_13:
0x20d: {  	s0 =	smul.u32 $0xFFFFAAAB, s24;
	_ =	sdelay $0x1  }
0x20e: {  	s0 =	sadd.s32 $0xFFFFFFFF, s0  }
0x20f: {  	s0 =	sand.u32 $0xFFFF, s0  }
0x210: {  	p0 =	slt.u32 s0, $0x5555  }
0x211: {  	s0 =	simm.s32 @p0 $0x6  }
0x212: {  	_ =	swait.ge @p0 [sflag:s0], $0x5400  }
0x213: {  	[sflag:s0] =	ssyncset.done @p0 $0x0  }
0x214: {  	[sflag:s0] =	ssyncadd.s32 @p0 $0xFFFFAC00;
	s0 =	simm.s32 @!p0 $0x6  }
0x215: {  	_ =	swait.ge @!p0 [sflag:s0], $0x3800  }
0x216: {  	[sflag:s0] =	ssyncset.done @!p0 $0x0  }
0x217: {  	[sflag:s0] =	ssyncadd.s32 @!p0 $0xFFFFC800  }
.LBB2_14:
0x218: {  	s0 =	smulhi.u32 $0xAAAAAAAB, s24;
	p0 =	seq.s32 s28, $0x2  }
.Ltmp14:
0x219: {  	_ = 	snop;
	(pc) =	sbr.rel @!p0 .LBB2_15-.Ltmp14, $4  }
0x21a: {  	_ = 	snop  }
0x21b: {  	s25 =	sand.u32 $0x1, s25;
	s0 =	sshrl.u32 s0, $0x1  }
0x21c: {  	p1 =	seq.s32 s25, $0x1;
	s25 =	simm.s32 $0xD48;
	s29 =	sand.u32 $0x3, s0  }
0x21d: {  	s25 =	simm.s32 @!p1 $0x0;
	s29 =	smul.u32 $0x352, s29  }
0x21e: {  	_ = 	snop  }
0x21f: {  	s28 =	simm.s32 $0x0;
	s0 =	sadd.s32 s29, s25  }
0x220: {  	s30 =	simm.s32 $0x0;
	s29 =	simm.s32 $0x0;
	s25 =	sadd.s32 $0x220, s0  }
.LBB2_19:
0x221: {  	v56 =	vadd.s32 s25, v0;
	_ =	sdelay $0x2  }
0x222: {  	s31 =	sshra.s32 s29, $0x2  }
0x223: {  	v57 =	vld [tilespmem:s31+$0x10F00]  }
0x224: {  	v56 =	vld.idx.msk [tilespmem:v56+s3+$0x0], $0xffff  }
0x225: {  	s0 =	sshrl.u32 s30, $0x3  }
0x226: {  	s0 =	smul.u32 $0x7000, s0;
	_ =	sdelay $0x1  }
0x227: {  	s2 =	sand.u32 $0x380, s28;
	s0 =	sshra.s32 s0, $0x2  }
0x228: {  	s0 =	sor.u32 s2, s0;
	v56 =	vsel vm0, v56, v57  }
0x229: {  	[tilespmem:s0+$0x18700] =	vst v56  }
0x22a: {  	v56 =	vld [tilespmem:s31+$0x10F10];
	_ =	sdelay $0x4  }
0x22b: {  	s2 =	sadd.s32 $0x18700, s0;
	v57 =	vsel vm0, v57, v56  }
0x22c: {  	[tilespmem:s2+$0x10] =	vst v57  }
0x22d: {  	v57 =	vld [tilespmem:s31+$0x10F20];
	_ =	sdelay $0x4  }
0x22e: {  	v56 =	vsel vm0, v56, v57  }
0x22f: {  	[tilespmem:s2+$0x20] =	vst v56  }
0x230: {  	v56 =	vld [tilespmem:s31+$0x10F30];
	_ =	sdelay $0x4  }
0x231: {  	v57 =	vsel vm0, v57, v56  }
0x232: {  	[tilespmem:s2+$0x30] =	vst v57  }
0x233: {  	v57 =	vld [tilespmem:s31+$0x11800];
	_ =	sdelay $0x4  }
0x234: {  	v56 =	vsel vm0, v56, v57  }
0x235: {  	[tilespmem:s2+$0x40] =	vst v56  }
0x236: {  	v56 =	vld [tilespmem:s31+$0x11810];
	_ =	sdelay $0x4  }
0x237: {  	v57 =	vsel vm0, v57, v56  }
0x238: {  	[tilespmem:s2+$0x50] =	vst v57  }
0x239: {  	v57 =	vld [tilespmem:s31+$0x11820];
	_ =	sdelay $0x4  }
0x23a: {  	v56 =	vsel vm0, v56, v57  }
0x23b: {  	[tilespmem:s2+$0x60] =	vst v56  }
0x23c: {  	v56 =	vld [tilespmem:s31+$0x11830];
	_ =	sdelay $0x4  }
0x23d: {  	v57 =	vsel vm0, v57, v56  }
0x23e: {  	[tilespmem:s2+$0x70] =	vst v57  }
0x23f: {  	v57 =	vld [tilespmem:s31+$0x12100];
	_ =	sdelay $0x4  }
0x240: {  	v56 =	vsel vm0, v56, v57  }
0x241: {  	[tilespmem:s0+$0x18B00] =	vst v56  }
0x242: {  	v56 =	vld [tilespmem:s31+$0x12110];
	_ =	sdelay $0x4  }
0x243: {  	s2 =	sadd.s32 $0x18B00, s0;
	v57 =	vsel vm0, v57, v56  }
0x244: {  	[tilespmem:s2+$0x10] =	vst v57  }
0x245: {  	v57 =	vld [tilespmem:s31+$0x12120];
	_ =	sdelay $0x4  }
0x246: {  	v56 =	vsel vm0, v56, v57  }
0x247: {  	[tilespmem:s2+$0x20] =	vst v56  }
0x248: {  	v56 =	vld [tilespmem:s31+$0x12130];
	_ =	sdelay $0x4  }
0x249: {  	v57 =	vsel vm0, v57, v56  }
0x24a: {  	[tilespmem:s2+$0x30] =	vst v57  }
0x24b: {  	v57 =	vld [tilespmem:s31+$0x12A00];
	_ =	sdelay $0x4  }
0x24c: {  	v56 =	vsel vm0, v56, v57  }
0x24d: {  	[tilespmem:s2+$0x40] =	vst v56  }
0x24e: {  	v56 =	vld [tilespmem:s31+$0x12A10];
	_ =	sdelay $0x4  }
0x24f: {  	v57 =	vsel vm0, v57, v56  }
0x250: {  	[tilespmem:s2+$0x50] =	vst v57  }
0x251: {  	v57 =	vld [tilespmem:s31+$0x12A20];
	_ =	sdelay $0x4  }
0x252: {  	v56 =	vsel vm0, v56, v57  }
0x253: {  	[tilespmem:s2+$0x60] =	vst v56  }
0x254: {  	v56 =	vld [tilespmem:s31+$0x12A30];
	_ =	sdelay $0x4  }
0x255: {  	v57 =	vsel vm0, v57, v56  }
0x256: {  	[tilespmem:s2+$0x70] =	vst v57  }
0x257: {  	v57 =	vld [tilespmem:s31+$0x13300];
	_ =	sdelay $0x4  }
0x258: {  	v56 =	vsel vm0, v56, v57  }
0x259: {  	[tilespmem:s0+$0x18F00] =	vst v56  }
0x25a: {  	v56 =	vld [tilespmem:s31+$0x13310];
	_ =	sdelay $0x4  }
0x25b: {  	s2 =	sadd.s32 $0x18F00, s0;
	v57 =	vsel vm0, v57, v56  }
0x25c: {  	[tilespmem:s2+$0x10] =	vst v57  }
0x25d: {  	v57 =	vld [tilespmem:s31+$0x13320];
	_ =	sdelay $0x4  }
0x25e: {  	v56 =	vsel vm0, v56, v57  }
0x25f: {  	[tilespmem:s2+$0x20] =	vst v56  }
0x260: {  	v56 =	vld [tilespmem:s31+$0x13330];
	_ =	sdelay $0x4  }
0x261: {  	v57 =	vsel vm0, v57, v56  }
0x262: {  	[tilespmem:s2+$0x30] =	vst v57  }
0x263: {  	v57 =	vld [tilespmem:s31+$0x13C00];
	_ =	sdelay $0x4  }
0x264: {  	v56 =	vsel vm0, v56, v57  }
0x265: {  	[tilespmem:s2+$0x40] =	vst v56  }
0x266: {  	v56 =	vld [tilespmem:s31+$0x13C10];
	_ =	sdelay $0x4  }
0x267: {  	v57 =	vsel vm0, v57, v56  }
0x268: {  	[tilespmem:s2+$0x50] =	vst v57  }
0x269: {  	v57 =	vld [tilespmem:s31+$0x13C20];
	_ =	sdelay $0x4  }
0x26a: {  	v56 =	vsel vm0, v56, v57  }
0x26b: {  	[tilespmem:s2+$0x60] =	vst v56  }
0x26c: {  	v56 =	vld [tilespmem:s31+$0x13C30];
	_ =	sdelay $0x4  }
0x26d: {  	v57 =	vsel vm0, v57, v56  }
0x26e: {  	[tilespmem:s2+$0x70] =	vst v57  }
0x26f: {  	v57 =	vld [tilespmem:s31+$0x14500];
	_ =	sdelay $0x4  }
0x270: {  	v56 =	vsel vm0, v56, v57  }
0x271: {  	[tilespmem:s0+$0x19300] =	vst v56  }
0x272: {  	v56 =	vld [tilespmem:s31+$0x14510];
	_ =	sdelay $0x4  }
0x273: {  	s2 =	sadd.s32 $0x19300, s0;
	v57 =	vsel vm0, v57, v56  }
0x274: {  	[tilespmem:s2+$0x10] =	vst v57  }
0x275: {  	v57 =	vld [tilespmem:s31+$0x14520];
	_ =	sdelay $0x4  }
0x276: {  	v56 =	vsel vm0, v56, v57  }
0x277: {  	[tilespmem:s2+$0x20] =	vst v56  }
0x278: {  	v56 =	vld [tilespmem:s31+$0x14530];
	_ =	sdelay $0x4  }
0x279: {  	v57 =	vsel vm0, v57, v56  }
0x27a: {  	[tilespmem:s2+$0x30] =	vst v57  }
0x27b: {  	v57 =	vld [tilespmem:s31+$0x14E00];
	_ =	sdelay $0x4  }
0x27c: {  	v56 =	vsel vm0, v56, v57  }
0x27d: {  	[tilespmem:s2+$0x40] =	vst v56  }
0x27e: {  	v56 =	vld [tilespmem:s31+$0x14E10];
	_ =	sdelay $0x4  }
0x27f: {  	v57 =	vsel vm0, v57, v56  }
0x280: {  	[tilespmem:s2+$0x50] =	vst v57  }
0x281: {  	v57 =	vld [tilespmem:s31+$0x14E20];
	_ =	sdelay $0x4  }
0x282: {  	v56 =	vsel vm0, v56, v57  }
0x283: {  	[tilespmem:s2+$0x60] =	vst v56  }
0x284: {  	v56 =	vld [tilespmem:s31+$0x14E30];
	_ =	sdelay $0x4  }
0x285: {  	v57 =	vsel vm0, v57, v56  }
0x286: {  	[tilespmem:s2+$0x70] =	vst v57  }
0x287: {  	v57 =	vld [tilespmem:s31+$0x15700];
	_ =	sdelay $0x4  }
0x288: {  	v56 =	vsel vm0, v56, v57  }
0x289: {  	[tilespmem:s0+$0x19700] =	vst v56  }
0x28a: {  	v56 =	vld [tilespmem:s31+$0x15710];
	_ =	sdelay $0x4  }
0x28b: {  	s2 =	sadd.s32 $0x19700, s0;
	v57 =	vsel vm0, v57, v56  }
0x28c: {  	[tilespmem:s2+$0x10] =	vst v57  }
0x28d: {  	v57 =	vld [tilespmem:s31+$0x15720];
	_ =	sdelay $0x4  }
0x28e: {  	v56 =	vsel vm0, v56, v57  }
0x28f: {  	[tilespmem:s2+$0x20] =	vst v56  }
0x290: {  	v56 =	vld [tilespmem:s31+$0x15730];
	_ =	sdelay $0x4  }
0x291: {  	v57 =	vsel vm0, v57, v56  }
0x292: {  	[tilespmem:s2+$0x30] =	vst v57  }
0x293: {  	v57 =	vld [tilespmem:s31+$0x16000];
	_ =	sdelay $0x4  }
0x294: {  	v56 =	vsel vm0, v56, v57  }
0x295: {  	[tilespmem:s2+$0x40] =	vst v56  }
0x296: {  	v56 =	vld [tilespmem:s31+$0x16010];
	_ =	sdelay $0x4  }
0x297: {  	v57 =	vsel vm0, v57, v56  }
0x298: {  	[tilespmem:s2+$0x50] =	vst v57  }
0x299: {  	v57 =	vld [tilespmem:s31+$0x16020];
	_ =	sdelay $0x4  }
0x29a: {  	v56 =	vsel vm0, v56, v57  }
0x29b: {  	[tilespmem:s2+$0x60] =	vst v56  }
0x29c: {  	v56 =	vld [tilespmem:s31+$0x16030];
	_ =	sdelay $0x4  }
0x29d: {  	v57 =	vsel vm0, v57, v56  }
0x29e: {  	[tilespmem:s2+$0x70] =	vst v57  }
0x29f: {  	v57 =	vld [tilespmem:s31+$0x16900];
	_ =	sdelay $0x4  }
0x2a0: {  	v56 =	vsel vm0, v56, v57  }
0x2a1: {  	[tilespmem:s0+$0x19B00] =	vst v56  }
0x2a2: {  	v56 =	vld [tilespmem:s31+$0x16910];
	_ =	sdelay $0x4  }
0x2a3: {  	s2 =	sadd.s32 $0x19B00, s0;
	v57 =	vsel vm0, v57, v56  }
0x2a4: {  	[tilespmem:s2+$0x10] =	vst v57  }
0x2a5: {  	v57 =	vld [tilespmem:s31+$0x16920];
	_ =	sdelay $0x4  }
0x2a6: {  	v56 =	vsel vm0, v56, v57  }
0x2a7: {  	[tilespmem:s2+$0x20] =	vst v56  }
0x2a8: {  	v56 =	vld [tilespmem:s31+$0x16930];
	_ =	sdelay $0x4  }
0x2a9: {  	v57 =	vsel vm0, v57, v56  }
0x2aa: {  	[tilespmem:s2+$0x30] =	vst v57  }
0x2ab: {  	v57 =	vld [tilespmem:s31+$0x17200];
	_ =	sdelay $0x4  }
0x2ac: {  	v56 =	vsel vm0, v56, v57  }
0x2ad: {  	[tilespmem:s2+$0x40] =	vst v56  }
0x2ae: {  	v56 =	vld [tilespmem:s31+$0x17210];
	_ =	sdelay $0x4  }
0x2af: {  	v57 =	vsel vm0, v57, v56  }
0x2b0: {  	[tilespmem:s2+$0x50] =	vst v57  }
0x2b1: {  	v57 =	vld [tilespmem:s31+$0x17220];
	_ =	sdelay $0x4  }
0x2b2: {  	v56 =	vsel vm0, v56, v57  }
0x2b3: {  	[tilespmem:s2+$0x60] =	vst v56  }
0x2b4: {  	v56 =	vld [tilespmem:s31+$0x17230];
	_ =	sdelay $0x4  }
0x2b5: {  	v57 =	vsel vm0, v57, v56  }
0x2b6: {  	[tilespmem:s2+$0x70] =	vst v57  }
0x2b7: {  	v57 =	vld [tilespmem:s31+$0x17B00];
	_ =	sdelay $0x4  }
0x2b8: {  	v56 =	vsel vm0, v56, v57  }
0x2b9: {  	[tilespmem:s0+$0x19F00] =	vst v56  }
0x2ba: {  	v56 =	vld [tilespmem:s31+$0x17B10];
	_ =	sdelay $0x4  }
0x2bb: {  	s0 =	sadd.s32 $0x19F00, s0;
	v57 =	vsel vm0, v57, v56  }
0x2bc: {  	[tilespmem:s0+$0x10] =	vst v57  }
0x2bd: {  	v57 =	vld [tilespmem:s31+$0x17B20];
	_ =	sdelay $0x2  }
0x2be: {  	v58 =	vmov s30  }
0x2bf: {  	v59 =	vshrl.u32 v58, $0x3  }
0x2c0: {  	v58 =	vshll.u32 v58, $0x7;
	v59 =	vmul.u32 $0x1C00, v59;
	v56 =	vsel vm0, v56, v57  }
0x2c1: {  	v61 =	vand.u32 $0x380, v58;
	[tilespmem:s0+$0x20] =	vst v56  }
0x2c2: {  	v63 =	vor.u32 $0x40, v0;
	v56 =	vor.u32 v61, v59;
	v62 =	vld [tilespmem:s31+$0x17B30]  }
0x2c3: {  	v56 =	vor.u32 v63, v56  }
0x2c4: {  	p0 =	seq.s32 s29, $0x2200;
	v56 =	vadd.s32 $0x1800, v56  }
.Ltmp15:
0x2c5: {  	_ = 	snop;
	(pc) =	sbr.rel @!p0 .LBB2_19-.Ltmp15, $4  }
0x2c6: {  	_ = 	snop  }
0x2c7: {  	v57 =	vsel vm0, v57, v62  }
0x2c8: {  	s30 =	sadd.s32 $0x1, s30;
	[tilespmem:s0+$0x30] =	vst v57  }
0x2c9: {  	s28 =	sadd.s32 $0x80, s28;
	s25 =	sadd.s32 $0x11, s25;
	s29 =	sadd.s32 $0x200, s29;
	[tilespmem:v56+s19+$0x0] =	vst.idx.msk $0xf, v62  }
0x2ca: {  	s0 =	sadd.s32 s26, s8  }
0x2cb: {  	s0 =	smul.u32 $0xC400, s0  }
.Ltmp16:
0x2cc: {  	_ = 	snop;
	(pc) =	sbr.rel .LBB2_21-.Ltmp16, $4  }
0x2cd: {  	s0 =	sshrl.u32 s0, $0x3  }
0x2ce: {  	s0 =	sadd.s32 s5, s0  }
0x2cf: {  	s0 =	sadd.s32 $0xE00, s0  }
0x2d0: {  	[hbm4b:s0+s3] =	stream.linear.scatter [tilespmem:s19], [sflag:$0x6], $0x5400, $0x38;
	[tilespmem:$0x1DB00] =	vst v63  }
.LBB2_15:
0x2d1: {  	s30 =	smul.u32 $0xFFFA6000, s0  }
0x2d2: {  	s2 =	smul.u32 $0x330, s0;
	s31 =	sadd.s32 s23, s25  }
0x2d3: {  	s29 =	sadd.s32 s29, s31;
	s31 =	simm.s32 $0x0;
	s30 =	sshra.s32 s30, $0x2  }
0x2d4: {  	s29 =	ssub.s32 s29, s2;
	s25 =	sadd.s32 s30, s22;
	s30 =	simm.s32 $0x0  }
.LBB2_16:
0x2d5: {  	v56 =	vadd.s32 s29, v0;
	_ =	sdelay $0x3  }
0x2d6: {  	v57 =	vld [tilespmem:s25+$0xFFFFD000]  }
0x2d7: {  	v56 =	vld.idx.msk [tilespmem:v56+s3+$0x0], $0xffff  }
0x2d8: {  	s0 =	sshrl.u32 s31, $0x3  }
0x2d9: {  	s0 =	smul.u32 $0x7000, s0;
	_ =	sdelay $0x1  }
0x2da: {  	s2 =	sand.u32 $0x380, s30;
	s0 =	sshra.s32 s0, $0x2  }
0x2db: {  	s0 =	sor.u32 s2, s0;
	v56 =	vsel vm0, v56, v57  }
0x2dc: {  	[tilespmem:s0+$0x18700] =	vst v56  }
0x2dd: {  	v56 =	vld [tilespmem:s25+$0xFFFFD010];
	_ =	sdelay $0x4  }
0x2de: {  	s2 =	sadd.s32 $0x18700, s0;
	v57 =	vsel vm0, v57, v56  }
0x2df: {  	[tilespmem:s2+$0x10] =	vst v57  }
0x2e0: {  	v57 =	vld [tilespmem:s25+$0xFFFFD020];
	_ =	sdelay $0x4  }
0x2e1: {  	v56 =	vsel vm0, v56, v57  }
0x2e2: {  	[tilespmem:s2+$0x20] =	vst v56  }
0x2e3: {  	v56 =	vld [tilespmem:s25+$0xFFFFD030];
	_ =	sdelay $0x4  }
0x2e4: {  	v57 =	vsel vm0, v57, v56  }
0x2e5: {  	[tilespmem:s2+$0x30] =	vst v57  }
0x2e6: {  	v57 =	vld [tilespmem:s25+$0xFFFFD800];
	_ =	sdelay $0x4  }
0x2e7: {  	v56 =	vsel vm0, v56, v57  }
0x2e8: {  	[tilespmem:s2+$0x40] =	vst v56  }
0x2e9: {  	v56 =	vld [tilespmem:s25+$0xFFFFD810];
	_ =	sdelay $0x4  }
0x2ea: {  	v57 =	vsel vm0, v57, v56  }
0x2eb: {  	[tilespmem:s2+$0x50] =	vst v57  }
0x2ec: {  	v57 =	vld [tilespmem:s25+$0xFFFFD820];
	_ =	sdelay $0x4  }
0x2ed: {  	v56 =	vsel vm0, v56, v57  }
0x2ee: {  	[tilespmem:s2+$0x60] =	vst v56  }
0x2ef: {  	v56 =	vld [tilespmem:s25+$0xFFFFD830];
	_ =	sdelay $0x4  }
0x2f0: {  	v57 =	vsel vm0, v57, v56  }
0x2f1: {  	[tilespmem:s2+$0x70] =	vst v57  }
0x2f2: {  	v57 =	vld [tilespmem:s25+$0xFFFFE000];
	_ =	sdelay $0x4  }
0x2f3: {  	v56 =	vsel vm0, v56, v57  }
0x2f4: {  	[tilespmem:s0+$0x18B00] =	vst v56  }
0x2f5: {  	v56 =	vld [tilespmem:s25+$0xFFFFE010];
	_ =	sdelay $0x4  }
0x2f6: {  	s2 =	sadd.s32 $0x18B00, s0;
	v57 =	vsel vm0, v57, v56  }
0x2f7: {  	[tilespmem:s2+$0x10] =	vst v57  }
0x2f8: {  	v57 =	vld [tilespmem:s25+$0xFFFFE020];
	_ =	sdelay $0x4  }
0x2f9: {  	v56 =	vsel vm0, v56, v57  }
0x2fa: {  	[tilespmem:s2+$0x20] =	vst v56  }
0x2fb: {  	v56 =	vld [tilespmem:s25+$0xFFFFE030];
	_ =	sdelay $0x4  }
0x2fc: {  	v57 =	vsel vm0, v57, v56  }
0x2fd: {  	[tilespmem:s2+$0x30] =	vst v57  }
0x2fe: {  	v57 =	vld [tilespmem:s25+$0xFFFFE800];
	_ =	sdelay $0x4  }
0x2ff: {  	v56 =	vsel vm0, v56, v57  }
0x300: {  	[tilespmem:s2+$0x40] =	vst v56  }
0x301: {  	v56 =	vld [tilespmem:s25+$0xFFFFE810];
	_ =	sdelay $0x4  }
0x302: {  	v57 =	vsel vm0, v57, v56  }
0x303: {  	[tilespmem:s2+$0x50] =	vst v57  }
0x304: {  	v57 =	vld [tilespmem:s25+$0xFFFFE820];
	_ =	sdelay $0x4  }
0x305: {  	v56 =	vsel vm0, v56, v57  }
0x306: {  	[tilespmem:s2+$0x60] =	vst v56  }
0x307: {  	v56 =	vld [tilespmem:s25+$0xFFFFE830];
	_ =	sdelay $0x4  }
0x308: {  	v57 =	vsel vm0, v57, v56  }
0x309: {  	[tilespmem:s2+$0x70] =	vst v57  }
0x30a: {  	v57 =	vld [tilespmem:s25+$0xFFFFF000];
	_ =	sdelay $0x4  }
0x30b: {  	v56 =	vsel vm0, v56, v57  }
0x30c: {  	[tilespmem:s0+$0x18F00] =	vst v56  }
0x30d: {  	v56 =	vld [tilespmem:s25+$0xFFFFF010];
	_ =	sdelay $0x4  }
0x30e: {  	s2 =	sadd.s32 $0x18F00, s0;
	v57 =	vsel vm0, v57, v56  }
0x30f: {  	[tilespmem:s2+$0x10] =	vst v57  }
0x310: {  	v57 =	vld [tilespmem:s25+$0xFFFFF020];
	_ =	sdelay $0x4  }
0x311: {  	v56 =	vsel vm0, v56, v57  }
0x312: {  	[tilespmem:s2+$0x20] =	vst v56  }
0x313: {  	v56 =	vld [tilespmem:s25+$0xFFFFF030];
	_ =	sdelay $0x4  }
0x314: {  	v57 =	vsel vm0, v57, v56  }
0x315: {  	[tilespmem:s2+$0x30] =	vst v57  }
0x316: {  	v57 =	vld [tilespmem:s25+$0xFFFFF800];
	_ =	sdelay $0x4  }
0x317: {  	v56 =	vsel vm0, v56, v57  }
0x318: {  	[tilespmem:s2+$0x40] =	vst v56  }
0x319: {  	v56 =	vld [tilespmem:s25+$0xFFFFF810];
	_ =	sdelay $0x4  }
0x31a: {  	v57 =	vsel vm0, v57, v56  }
0x31b: {  	[tilespmem:s2+$0x50] =	vst v57  }
0x31c: {  	v57 =	vld [tilespmem:s25+$0xFFFFF820];
	_ =	sdelay $0x4  }
0x31d: {  	v56 =	vsel vm0, v56, v57  }
0x31e: {  	[tilespmem:s2+$0x60] =	vst v56  }
0x31f: {  	v56 =	vld [tilespmem:s25+$0xFFFFF830];
	_ =	sdelay $0x4  }
0x320: {  	v57 =	vsel vm0, v57, v56  }
0x321: {  	[tilespmem:s2+$0x70] =	vst v57  }
0x322: {  	v57 =	vld [tilespmem:s25+$0x0];
	_ =	sdelay $0x4  }
0x323: {  	v56 =	vsel vm0, v56, v57  }
0x324: {  	[tilespmem:s0+$0x19300] =	vst v56  }
0x325: {  	v56 =	vld [tilespmem:s25+$0x10];
	_ =	sdelay $0x4  }
0x326: {  	s2 =	sadd.s32 $0x19300, s0;
	v57 =	vsel vm0, v57, v56  }
0x327: {  	[tilespmem:s2+$0x10] =	vst v57  }
0x328: {  	v57 =	vld [tilespmem:s25+$0x20];
	_ =	sdelay $0x4  }
0x329: {  	v56 =	vsel vm0, v56, v57  }
0x32a: {  	[tilespmem:s2+$0x20] =	vst v56  }
0x32b: {  	v56 =	vld [tilespmem:s25+$0x30];
	_ =	sdelay $0x4  }
0x32c: {  	v57 =	vsel vm0, v57, v56  }
0x32d: {  	[tilespmem:s2+$0x30] =	vst v57  }
0x32e: {  	v57 =	vld [tilespmem:s25+$0x800];
	_ =	sdelay $0x4  }
0x32f: {  	v56 =	vsel vm0, v56, v57  }
0x330: {  	[tilespmem:s2+$0x40] =	vst v56  }
0x331: {  	v56 =	vld [tilespmem:s25+$0x810];
	_ =	sdelay $0x4  }
0x332: {  	v57 =	vsel vm0, v57, v56  }
0x333: {  	[tilespmem:s2+$0x50] =	vst v57  }
0x334: {  	v57 =	vld [tilespmem:s25+$0x820];
	_ =	sdelay $0x4  }
0x335: {  	v56 =	vsel vm0, v56, v57  }
0x336: {  	[tilespmem:s2+$0x60] =	vst v56  }
0x337: {  	v56 =	vld [tilespmem:s25+$0x830];
	_ =	sdelay $0x4  }
0x338: {  	v57 =	vsel vm0, v57, v56  }
0x339: {  	[tilespmem:s2+$0x70] =	vst v57  }
0x33a: {  	v57 =	vld [tilespmem:s25+$0x1000];
	_ =	sdelay $0x4  }
0x33b: {  	v56 =	vsel vm0, v56, v57  }
0x33c: {  	[tilespmem:s0+$0x19700] =	vst v56  }
0x33d: {  	v56 =	vld [tilespmem:s25+$0x1010];
	_ =	sdelay $0x4  }
0x33e: {  	s2 =	sadd.s32 $0x19700, s0;
	v57 =	vsel vm0, v57, v56  }
0x33f: {  	[tilespmem:s2+$0x10] =	vst v57  }
0x340: {  	v57 =	vld [tilespmem:s25+$0x1020];
	_ =	sdelay $0x4  }
0x341: {  	v56 =	vsel vm0, v56, v57  }
0x342: {  	[tilespmem:s2+$0x20] =	vst v56  }
0x343: {  	v56 =	vld [tilespmem:s25+$0x1030];
	_ =	sdelay $0x4  }
0x344: {  	v57 =	vsel vm0, v57, v56  }
0x345: {  	[tilespmem:s2+$0x30] =	vst v57  }
0x346: {  	v57 =	vld [tilespmem:s25+$0x1800];
	_ =	sdelay $0x4  }
0x347: {  	v56 =	vsel vm0, v56, v57  }
0x348: {  	[tilespmem:s2+$0x40] =	vst v56  }
0x349: {  	v56 =	vld [tilespmem:s25+$0x1810];
	_ =	sdelay $0x4  }
0x34a: {  	v57 =	vsel vm0, v57, v56  }
0x34b: {  	[tilespmem:s2+$0x50] =	vst v57  }
0x34c: {  	v57 =	vld [tilespmem:s25+$0x1820];
	_ =	sdelay $0x4  }
0x34d: {  	v56 =	vsel vm0, v56, v57  }
0x34e: {  	[tilespmem:s2+$0x60] =	vst v56  }
0x34f: {  	v56 =	vld [tilespmem:s25+$0x1830];
	_ =	sdelay $0x4  }
0x350: {  	v57 =	vsel vm0, v57, v56  }
0x351: {  	[tilespmem:s2+$0x70] =	vst v57  }
0x352: {  	v57 =	vld [tilespmem:s25+$0x2000];
	_ =	sdelay $0x4  }
0x353: {  	v56 =	vsel vm0, v56, v57  }
0x354: {  	[tilespmem:s0+$0x19B00] =	vst v56  }
0x355: {  	v56 =	vld [tilespmem:s25+$0x2010];
	_ =	sdelay $0x4  }
0x356: {  	s2 =	sadd.s32 $0x19B00, s0;
	v57 =	vsel vm0, v57, v56  }
0x357: {  	[tilespmem:s2+$0x10] =	vst v57  }
0x358: {  	v57 =	vld [tilespmem:s25+$0x2020];
	_ =	sdelay $0x4  }
0x359: {  	v56 =	vsel vm0, v56, v57  }
0x35a: {  	[tilespmem:s2+$0x20] =	vst v56  }
0x35b: {  	v56 =	vld [tilespmem:s25+$0x2030];
	_ =	sdelay $0x4  }
0x35c: {  	v57 =	vsel vm0, v57, v56  }
0x35d: {  	[tilespmem:s2+$0x30] =	vst v57  }
0x35e: {  	v57 =	vld [tilespmem:s25+$0x2800];
	_ =	sdelay $0x4  }
0x35f: {  	v56 =	vsel vm0, v56, v57  }
0x360: {  	[tilespmem:s2+$0x40] =	vst v56  }
0x361: {  	v56 =	vld [tilespmem:s25+$0x2810];
	_ =	sdelay $0x4  }
0x362: {  	v57 =	vsel vm0, v57, v56  }
0x363: {  	[tilespmem:s2+$0x50] =	vst v57  }
0x364: {  	v57 =	vld [tilespmem:s25+$0x2820];
	_ =	sdelay $0x4  }
0x365: {  	v56 =	vsel vm0, v56, v57  }
0x366: {  	[tilespmem:s2+$0x60] =	vst v56  }
0x367: {  	v56 =	vld [tilespmem:s25+$0x2830];
	_ =	sdelay $0x4  }
0x368: {  	v57 =	vsel vm0, v57, v56  }
0x369: {  	[tilespmem:s2+$0x70] =	vst v57  }
0x36a: {  	v57 =	vld [tilespmem:s25+$0x3000];
	_ =	sdelay $0x4  }
0x36b: {  	v56 =	vsel vm0, v56, v57  }
0x36c: {  	[tilespmem:s0+$0x19F00] =	vst v56  }
0x36d: {  	v56 =	vld [tilespmem:s25+$0x3010];
	_ =	sdelay $0x4  }
0x36e: {  	s0 =	sadd.s32 $0x19F00, s0;
	v57 =	vsel vm0, v57, v56  }
0x36f: {  	[tilespmem:s0+$0x10] =	vst v57  }
0x370: {  	v57 =	vld [tilespmem:s25+$0x3020];
	_ =	sdelay $0x2  }
0x371: {  	v58 =	vmov s31  }
0x372: {  	v59 =	vshrl.u32 v58, $0x3  }
0x373: {  	v58 =	vshll.u32 v58, $0x7;
	v59 =	vmul.u32 $0x1C00, v59;
	v56 =	vsel vm0, v56, v57  }
0x374: {  	v61 =	vand.u32 $0x380, v58;
	[tilespmem:s0+$0x20] =	vst v56  }
0x375: {  	v63 =	vor.u32 $0x40, v0;
	v56 =	vor.u32 v61, v59;
	v62 =	vld [tilespmem:s25+$0x3030]  }
0x376: {  	v56 =	vor.u32 v63, v56  }
0x377: {  	p0 =	sne.s32 s31, $0xF;
	v56 =	vadd.s32 $0x1800, v56  }
.Ltmp17:
0x378: {  	_ = 	snop;
	(pc) =	sbr.rel @p0 .LBB2_16-.Ltmp17, $4  }
0x379: {  	_ = 	snop  }
0x37a: {  	v57 =	vsel vm0, v57, v62  }
0x37b: {  	s30 =	sadd.s32 $0x80, s30;
	[tilespmem:s0+$0x30] =	vst v57  }
0x37c: {  	s29 =	sadd.s32 $0x11, s29;
	s31 =	sadd.s32 $0x1, s31;
	s25 =	sadd.s32 $0x80, s25;
	[tilespmem:v56+s19+$0x0] =	vst.idx.msk $0xf, v62  }
.Ltmp18:
0x37d: {  	_ = 	snop;
	(pc) =	sbr.rel .LBB2_17-.Ltmp18, $1  }
0x37e: {  	_ =	sdelay $0x3  }
.LBB2_23:
0x37f: {  	_ =	sfence.sel $0x180000  }
0x380: {  	[bflag:$0x0] =	sbarrier.arrive $0xFFFF  }
0x381: {  	_ =	strace $0x90000047  }
0x382: {  	s0 =	stileid.u32;
	[bflag:$0x2] =	sbarrier.arrive $0xFFFF  }
0x383: {  	p0 =	sne.s32 s0, $0x0;
	s0 =	rddreg [dreg:$0x2]  }
0x384: {  	s0 =	sadd.s32 @!p0 $0x100000, s0  }
0x385: {  	[sflag:s0] =	ssyncadd.tile.s32 @!p0 $0x1;
	_ =	shalt  }
.Lfunc_end2:
_tile_overlayer_lowered:
.L_overlay_start_2:
0x386: {  	(tag) =	ssettag $0x2  }
0x387: {  	s0 =	rddreg [dreg:$0x0];
	s2 =	stileid.u32  }
0x388: {  	s1 =	rddreg [dreg:$0x1];
	p0 =	sne.s32 s2, $0x0  }
0x389: {  	s3 =	rddreg [dreg:$0x2];
	[bflag:$0x3] =	sbarrier.arrive $0xFFFF;
	s2 =	simm.s32 @!p0 $0x1C07  }
0x38a: {  	[timem:s3], [sflag:s2] =	dma.local @!p0 [hbm:s0], s1  }
0x38b: {  	s0 =	simm.s32 @!p0 $0x7  }
0x38c: {  	_ =	swait.ge @!p0 [sflag:s0], s1  }
0x38d: {  	s1 =	ssub.s32 @!p0 $0x0, s1;
	[sflag:s0] =	ssyncset.done @!p0 $0x0  }
0x38e: {  	[sflag:s0] =	ssyncadd.s32 @!p0 s1  }
0x38f: {  	[bflag:$0x3] =	sbarrier.arrive $0xFFFF  }
0x390: {  	_ =	shalt  }

</sc_bundles>
